<compile_context>
chip_gen: v7x
topology: tpu7x:2x2x1
jax: 0.10.2.dev20260603
libtpu: 0.0.44.dev20260713+nightly
codegen_flags: <defaults>
</compile_context>

<pallas_src>
import jax
import jax.numpy as jnp
from jax import lax
from jax.experimental import pallas as pl
from jax.experimental.pallas import tpu as pltpu
from jax.experimental.pallas import tpu_sc as plsc

_NC = 2
_NS = 16
_SR = 400

_NB = 4
_SG = 8
_NI = 4


def _split(total, parts, s):
    base, rem = divmod(total, parts)
    start = base * s + jnp.minimum(s, rem)
    cnt = jnp.where(s < rem, base + 1, base)
    return start, cnt


def _pipeline(gs_slice, ibs, rows, isem, gsem, ssem, tbl_hbm, acc_sh, NBODY):

    def iload(sg, p):
        pltpu.make_async_copy(gs_slice(sg * _SG), ibs[p], isem[p]).start()

    def iwait(p):
        pltpu.make_async_copy(gs_slice(0), ibs[p], isem[p]).wait()

    def gath(p, r, b):
        pltpu.make_async_copy(tbl_hbm.at[ibs[p].at[r, 0]], rows[b],
                              gsem[b]).start()

    def gwait(b):
        pltpu.make_async_copy(tbl_hbm.at[ibs[0].at[0, 0]], rows[b],
                              gsem[b]).wait()

    def scat(p, r, b):
        pltpu.make_async_copy(rows[b], acc_sh.at[ibs[p].at[r, 1]],
                              ssem[b]).start(add=True)

    def swait(b):
        pltpu.make_async_copy(rows[0], acc_sh.at[ibs[0].at[0, 1]],
                              ssem[b]).wait()

    iload(0, 0)
    iwait(0)
    for b in range(_NB):
        gath(0, b, b)

    def run_sg(g, u):
        p = u
        pn = (u + 1) % _NI
        sg = g * _NI + u
        last = (u == _NI - 1)

        def guarded(fn):
            if last:
                @pl.when(g < NBODY - 1)
                def _():
                    fn()
            else:
                fn()

        guarded(lambda: iload(sg + 1, pn))
        for k in range(_SG):
            b = k % _NB
            gwait(b)
            scat(p, k, b)
            if k == _NB:
                guarded(lambda: iwait(pn))
            if k < _SG - _NB:
                swait(b)
                gath(p, k + _NB, b)
            else:
                kk = k - (_SG - _NB)
                guarded(lambda bb=b, kk=kk: (swait(bb), gath(pn, kk, bb)))

    def group(g, carry):
        for u in range(_NI):
            run_sg(g, u)
        return carry

    lax.fori_loop(0, NBODY, group, 0)
    for b in range(_NB):
        swait(b)


def _make_sc_hop1(T, A, CH, D):
    CNT = CH // _NS
    NBODY = CNT // (_SG * _NI)
    mesh = plsc.VectorSubcoreMesh(core_axis_name="c", subcore_axis_name="s")

    def body(gs_hbm, tbl_hbm, z_hbm, out_hbm, acc_sh, ibs, rows,
             isem, gsem, ssem):
        c = lax.axis_index("c")
        s = lax.axis_index("s")

        za_start, za_cnt = _split(A // _SR, _NS, s)

        def zero_acc(k, carry):
            pltpu.sync_copy(z_hbm, acc_sh.at[pl.ds(k * _SR, _SR)])
            return carry

        lax.fori_loop(za_start, za_start + za_cnt, zero_acc, 0)
        plsc.subcore_barrier()

        def gs_slice(off):
            return gs_hbm.at[c, pl.ds(s * CNT + off, _SG)]

        _pipeline(gs_slice, ibs, rows, isem, gsem, ssem, tbl_hbm, acc_sh,
                  NBODY)
        plsc.subcore_barrier()

        def out_copy(k, carry):
            pltpu.sync_copy(acc_sh.at[pl.ds(k * _SR, _SR)],
                            out_hbm.at[c, pl.ds(k * _SR, _SR)])
            return carry

        lax.fori_loop(za_start, za_start + za_cnt, out_copy, 0)

    return pl.kernel(
        body,
        out_type=jax.ShapeDtypeStruct((_NC, A, D), jnp.float32),
        mesh=mesh,
        compiler_params=pltpu.CompilerParams(use_tc_tiling_on_sc=False),
        scratch_types=[
            pltpu.VMEM_SHARED((A + 8, D), jnp.float32),
            [pltpu.VMEM((_SG, 2, 64), jnp.int32)] * _NI,
            [pltpu.VMEM((64, D), jnp.float32)] * _NB,
            [pltpu.SemaphoreType.DMA] * _NI,
            [pltpu.SemaphoreType.DMA] * _NB,
            [pltpu.SemaphoreType.DMA] * _NB,
        ],
    )


def _make_sc_hop2(T, A, CH, D):
    CHC = CH // _NC
    CNT = CHC // _NS
    NBODY = CNT // (_SG * _NI)
    mesh = plsc.VectorSubcoreMesh(core_axis_name="c", subcore_axis_name="s")

    def body(gs_hbm, tbl_hbm, z_hbm, out_hbm, acc_sh, ibs, rows,
             isem, gsem, ssem):
        c = lax.axis_index("c")
        s = lax.axis_index("s")

        za_start, za_cnt = _split(A // _SR, _NS, s)

        def zero_acc(k, carry):
            pltpu.sync_copy(z_hbm, acc_sh.at[pl.ds(k * _SR, _SR)])
            return carry

        lax.fori_loop(za_start, za_start + za_cnt, zero_acc, 0)
        plsc.subcore_barrier()

        def gs_slice(off):
            return gs_hbm.at[pl.ds(c * CHC + s * CNT + off, _SG)]

        _pipeline(gs_slice, ibs, rows, isem, gsem, ssem, tbl_hbm, acc_sh,
                  NBODY)
        plsc.subcore_barrier()

        def out_copy(k, carry):
            pltpu.sync_copy(acc_sh.at[pl.ds(k * _SR, _SR)],
                            out_hbm.at[c, pl.ds(k * _SR, _SR)])
            return carry

        lax.fori_loop(za_start, za_start + za_cnt, out_copy, 0)

    return pl.kernel(
        body,
        out_type=jax.ShapeDtypeStruct((_NC, A, D), jnp.float32),
        mesh=mesh,
        compiler_params=pltpu.CompilerParams(use_tc_tiling_on_sc=False),
        scratch_types=[
            pltpu.VMEM_SHARED((A + 8, D), jnp.float32),
            [pltpu.VMEM((_SG, 2, 64), jnp.int32)] * _NI,
            [pltpu.VMEM((64, D), jnp.float32)] * _NB,
            [pltpu.SemaphoreType.DMA] * _NI,
            [pltpu.SemaphoreType.DMA] * _NB,
            [pltpu.SemaphoreType.DMA] * _NB,
        ],
    )


def _make_tc_scale(M, D, BN):
    MB = (M // 2) // BN

    def body(x, deg, out):
        out[...] = x[0] * deg[...]

    return pl.pallas_call(
        body,
        grid=(2, MB),
        in_specs=[
            pl.BlockSpec((1, BN, D), lambda c, i: (c, i, 0)),
            pl.BlockSpec((BN, 1), lambda c, i: (c * MB + i, 0)),
        ],
        out_specs=pl.BlockSpec((BN, D), lambda c, i: (c * MB + i, 0)),
        out_shape=jax.ShapeDtypeStruct((M, D), jnp.float32),
    )


def _make_tc_final(N, D, BN):

    def body(xv2, x0, wt, degv, ab, out):
        a = ab[0, 0]
        b = ab[0, 1]
        xv = xv2[0] + xv2[1]
        xi = (1.0 - a) * (xv * degv[...]) + a * x0[...]
        mm = jnp.dot(xi, wt[...], preferred_element_type=jnp.float32)
        out[...] = (1.0 - b) * xi + b * mm

    return pl.pallas_call(
        body,
        grid=(N // BN,),
        in_specs=[
            pl.BlockSpec((_NC, BN, D), lambda i: (0, i, 0)),
            pl.BlockSpec((BN, D), lambda i: (i, 0)),
            pl.BlockSpec((D, D), lambda i: (0, 0)),
            pl.BlockSpec((BN, 1), lambda i: (i, 0)),
            pl.BlockSpec(memory_space=pltpu.SMEM),
        ],
        out_specs=pl.BlockSpec((BN, D), lambda i: (i, 0)),
        out_shape=jax.ShapeDtypeStruct((N, D), jnp.float32),
    )


def kernel(X, vertex, edges, X0, alpha, beta, W, degE, degV):
    N, D = X.shape
    E = vertex.shape[0]
    M = degE.shape[0]
    MH = M // 2

    zeros_d = jnp.zeros((_SR, D), jnp.float32)

    CH = -(-E // (64 * _NS * _SG * _NI)) * _NS * _SG * _NI
    EP = CH * 64

    def pad(a, val):
        return jnp.concatenate([a, jnp.full((EP - E,), val, jnp.int32)])

    valid = jnp.arange(EP) < E
    spread = jnp.arange(EP, dtype=jnp.int32) % 8
    vp = pad(vertex, 0)
    ep = pad(edges, M)

    g1, s1 = [], []
    for c in range(_NC):
        ins = valid & (ep >= c * MH) & (ep < (c + 1) * MH)
        g1.append(jnp.where(ins, vp, spread * 512).reshape(CH, 64))
        s1.append(jnp.where(ins, ep - c * MH, MH + spread).reshape(CH, 64))
    gs1 = jnp.stack([jnp.stack(g1), jnp.stack(s1)], axis=2)
    xe2 = _make_sc_hop1(N, MH, CH, D)(gs1, X, zeros_d)

    xe = _make_tc_scale(M, D, 1000)(xe2, degE)

    g2 = jnp.where(valid, ep, spread * 512)
    s2 = jnp.where(valid, vp, N + spread)
    gs2 = jnp.stack([g2.reshape(CH, 64), s2.reshape(CH, 64)], axis=1)
    xv2 = _make_sc_hop2(M, N, CH, D)(gs2, xe, zeros_d)

    ab = jnp.stack([jnp.float32(alpha), jnp.float32(beta)]).reshape(1, 2)
    return _make_tc_final(N, D, 1000)(xv2, X0, W.T, degV, ab)

# --- scband reference (transcript-rebuilt; emitter-appended) ---
"""Pipeline reference for scband-py-ghyper-gcniiconv-27831388078178 (READ-ONLY COPY).

The authoritative reference and input builder live on the scoring server;
editing this copy changes nothing except your own understanding.
"""

import jax, jax.numpy as jnp
import numpy as np

N = 10000
M = 20000
E = 320000
D = 128


def setup_inputs(seed: int = 0) -> dict:
    key = jax.random.key(seed)
    k1, k2, k3, k4, k5, k6, k7 = jax.random.split(key, 7)
    X = jax.random.normal(k1, (N, D), dtype=jnp.float32)
    X0 = jax.random.normal(k2, (N, D), dtype=jnp.float32)
    vertex = jax.random.randint(k3, (E,), 0, N)
    edges = jax.random.randint(k4, (E,), 0, M)
    # hypergraph normalization buffers (degE per hyperedge, degV per vertex)
    edge_deg = jnp.bincount(edges, length=M).astype(jnp.float32)
    degE = (1.0 / jnp.clip(edge_deg, 1.0, None)).reshape(M, 1)
    vert_deg = jnp.bincount(vertex, length=N).astype(jnp.float32)
    degV = (1.0 / jnp.clip(vert_deg, 1.0, None)).reshape(N, 1)
    # linear layer weight (no bias), kaiming-uniform-ish init
    bound = 1.0 / np.sqrt(D)
    W = jax.random.uniform(k5, (D, D), dtype=jnp.float32, minval=-bound, maxval=bound)
    alpha = 0.1
    beta = 0.5
    return {"X": X, "vertex": vertex, "edges": edges, "X0": X0,
            "alpha": alpha, "beta": beta, "W": W, "degE": degE, "degV": degV}


def reference(X, vertex, edges, X0, alpha, beta, W, degE, degV):
    # gather vertex features to incidence entries
    Xve = X[vertex]                                          # [E, D]
    # scatter-sum into hyperedges
    Xe = jax.ops.segment_sum(Xve, edges, num_segments=M)     # [M, D]
    Xe = Xe * degE
    # gather hyperedge features back to incidences
    Xev = Xe[edges]                                          # [E, D]
    # scatter-sum into vertices
    Xv = jax.ops.segment_sum(Xev, vertex, num_segments=N)    # [N, D]
    Xv = Xv * degV
    Xi = (1.0 - alpha) * Xv + alpha * X0
    out = (1.0 - beta) * Xi + beta * (Xi @ W.T)
    return out

if __name__ == "__main__":
    import jax
    _d = setup_inputs()
    print(jax.jit(kernel)(*tuple(_d.values())))

</pallas_src>

<mosaic_0001>
#map = affine_map<(d0, d1) -> (0, 0, 0, 0)>
#map1 = affine_map<(d0, d1) -> (0, 0)>
#map2 = affine_map<(d0, d1) -> (0, 0, 0)>
module attributes {stable_mosaic.version = 14 : i64} {
  func.func @body(%arg0: i32, %arg1: i32, %arg2: memref<2x5120x2x64xi32, #tpu.memory_space<hbm>>, %arg3: memref<10000x128xf32, #tpu.memory_space<hbm>>, %arg4: memref<400x128xf32, #tpu.memory_space<hbm>>, %arg5: memref<2x10000x128xf32, #tpu.memory_space<hbm>>, %arg6: memref<10008x128xf32, #tpu.memory_space<vmem_shared>>, %arg7: memref<8x2x64xi32, #tpu.memory_space<vmem>>, %arg8: memref<8x2x64xi32, #tpu.memory_space<vmem>>, %arg9: memref<8x2x64xi32, #tpu.memory_space<vmem>>, %arg10: memref<8x2x64xi32, #tpu.memory_space<vmem>>, %arg11: memref<64x128xf32, #tpu.memory_space<vmem>>, %arg12: memref<64x128xf32, #tpu.memory_space<vmem>>, %arg13: memref<64x128xf32, #tpu.memory_space<vmem>>, %arg14: memref<64x128xf32, #tpu.memory_space<vmem>>, %arg15: memref<!tpu.dma_semaphore, #tpu.memory_space<semaphore_mem>>, %arg16: memref<!tpu.dma_semaphore, #tpu.memory_space<semaphore_mem>>, %arg17: memref<!tpu.dma_semaphore, #tpu.memory_space<semaphore_mem>>, %arg18: memref<!tpu.dma_semaphore, #tpu.memory_space<semaphore_mem>>, %arg19: memref<!tpu.dma_semaphore, #tpu.memory_space<semaphore_mem>>, %arg20: memref<!tpu.dma_semaphore, #tpu.memory_space<semaphore_mem>>, %arg21: memref<!tpu.dma_semaphore, #tpu.memory_space<semaphore_mem>>, %arg22: memref<!tpu.dma_semaphore, #tpu.memory_space<semaphore_mem>>, %arg23: memref<!tpu.dma_semaphore, #tpu.memory_space<semaphore_mem>>, %arg24: memref<!tpu.dma_semaphore, #tpu.memory_space<semaphore_mem>>, %arg25: memref<!tpu.dma_semaphore, #tpu.memory_space<semaphore_mem>>, %arg26: memref<!tpu.dma_semaphore, #tpu.memory_space<semaphore_mem>>) attributes {dimension_semantics = [#tpu.dimension_semantics<core_parallel>, #tpu.dimension_semantics<subcore_parallel>], iteration_bounds = array<i64: 2, 16>, scalar_prefetch = 0 : i64, scratch_operands = 21 : i64, tpu.core_type = #tpu.core_type<sc_vector_subcore>, window_params = [{transform_indices = #map}, {transform_indices = #map1}, {transform_indices = #map1}, {transform_indices = #map2}]} {
    %mul3A = arith.constant 1 : i32
    %mul3A_0 = arith.muli %mul3A, %arg1 : i32
    %min3A = arith.constant 9 : i32
    %min3A_1 = arith.minsi %arg1, %min3A : i32
    %add3A = arith.addi %mul3A_0, %min3A_1 : i32
    %lt3A = arith.constant 9 : i32
    %lt3A_2 = arith.cmpi slt, %arg1, %lt3A : i32
    %jit3A = arith.constant 2 : i32
    %jit3A_3 = arith.constant 1 : i32
    %select_n3A = arith.select %lt3A_2, %jit3A, %jit3A_3 : i32
    %add3A_4 = arith.addi %add3A, %select_n3A : i32
    %while3A = arith.constant 0 : i32
    %while3A_5 = arith.subi %add3A_4, %add3A : i32
    %while3A_6 = arith.addi %add3A, %while3A_5 : i32
    %while3A_7 = arith.constant 1 : i32
    %while3A_8 = arith.divsi %while3A_5, %while3A_7 : i32
    %while3A_9 = arith.muli %while3A_8, %while3A_7 : i32
    %while3A_10 = arith.addi %add3A, %while3A_9 : i32
    %while3A_11 = arith.constant 1 : i32
    scf.for %while3A_115 = %add3A to %while3A_10 step %while3A_11  : i32 {
      %mul3A_116 = arith.constant 400 : i32
      %mul3A_117 = arith.muli %while3A_115, %mul3A_116 : i32
      "tpu.region"() ({
        %run_scoped3A = tpu.sem_alloc : memref<!tpu.dma_semaphore, #tpu.memory_space<semaphore_mem>>
        %dma_start3A_118 = arith.constant 0 : i32
        %dma_start3A_119 = tpu.memref_slice %arg6[%mul3A_117, %dma_start3A_118] : memref<10008x128xf32, #tpu.memory_space<vmem_shared>> -> memref<400x128xf32, #tpu.memory_space<vmem_shared>>
        tpu.enqueue_dma source(%arg4 : memref<400x128xf32, #tpu.memory_space<hbm>>) target(%dma_start3A_119 : memref<400x128xf32, #tpu.memory_space<vmem_shared>>) target_semaphore(%run_scoped3A : memref<!tpu.dma_semaphore, #tpu.memory_space<semaphore_mem>>)
        %dma_wait3A_120 = arith.constant 0 : i32
        %dma_wait3A_121 = tpu.memref_slice %arg6[%mul3A_117, %dma_wait3A_120] : memref<10008x128xf32, #tpu.memory_space<vmem_shared>> -> memref<400x128xf32, #tpu.memory_space<vmem_shared>>
        tpu.wait_dma2 semaphore(%run_scoped3A : memref<!tpu.dma_semaphore, #tpu.memory_space<semaphore_mem>>) src(%arg4 : memref<400x128xf32, #tpu.memory_space<hbm>>) dst(%dma_wait3A_121 : memref<400x128xf32, #tpu.memory_space<vmem_shared>>)
        tpu.yield
      }) : () -> ()
    }
    %while3A_12 = arith.constant 1 : i32
    scf.for %while3A_115 = %while3A_10 to %while3A_6 step %while3A_12  : i32 {
      %mul3A_116 = arith.constant 400 : i32
      %mul3A_117 = arith.muli %while3A_115, %mul3A_116 : i32
      "tpu.region"() ({
        %run_scoped3A = tpu.sem_alloc : memref<!tpu.dma_semaphore, #tpu.memory_space<semaphore_mem>>
        %dma_start3A_118 = arith.constant 0 : i32
        %dma_start3A_119 = tpu.memref_slice %arg6[%mul3A_117, %dma_start3A_118] : memref<10008x128xf32, #tpu.memory_space<vmem_shared>> -> memref<400x128xf32, #tpu.memory_space<vmem_shared>>
        tpu.enqueue_dma source(%arg4 : memref<400x128xf32, #tpu.memory_space<hbm>>) target(%dma_start3A_119 : memref<400x128xf32, #tpu.memory_space<vmem_shared>>) target_semaphore(%run_scoped3A : memref<!tpu.dma_semaphore, #tpu.memory_space<semaphore_mem>>)
        %dma_wait3A_120 = arith.constant 0 : i32
        %dma_wait3A_121 = tpu.memref_slice %arg6[%mul3A_117, %dma_wait3A_120] : memref<10008x128xf32, #tpu.memory_space<vmem_shared>> -> memref<400x128xf32, #tpu.memory_space<vmem_shared>>
        tpu.wait_dma2 semaphore(%run_scoped3A : memref<!tpu.dma_semaphore, #tpu.memory_space<semaphore_mem>>) src(%arg4 : memref<400x128xf32, #tpu.memory_space<hbm>>) dst(%dma_wait3A_121 : memref<400x128xf32, #tpu.memory_space<vmem_shared>>)
        tpu.yield
      }) : () -> ()
    }
    %barrier3A = arith.constant 0 : index
    tpu.barrier barrier_id(%barrier3A)
    %mul3A_13 = arith.constant 320 : i32
    %mul3A_14 = arith.muli %arg1, %mul3A_13 : i32
    %add3A_15 = arith.constant 0 : i32
    %add3A_16 = arith.addi %mul3A_14, %add3A_15 : i32
    %dma_start3A = arith.constant 0 : i32
    %dma_start3A_17 = arith.constant 0 : i32
    %dma_start3A_18 = tpu.memref_slice %arg2[%arg0, %add3A_16, %dma_start3A, %dma_start3A_17] : memref<2x5120x2x64xi32, #tpu.memory_space<hbm>> -> memref<1x8x2x64xi32, #tpu.memory_space<hbm>>
    %dma_start3A_19 = tpu.memref_squeeze %dma_start3A_18 : memref<1x8x2x64xi32, #tpu.memory_space<hbm>> -> memref<8x2x64xi32, #tpu.memory_space<hbm>>
    %dma_start3A_20 = arith.constant 0 : i32
    %dma_start3A_21 = arith.constant 0 : i32
    %dma_start3A_22 = tpu.memref_slice %arg2[%arg0, %add3A_16, %dma_start3A_20, %dma_start3A_21] : memref<2x5120x2x64xi32, #tpu.memory_space<hbm>> -> memref<1x8x2x64xi32, #tpu.memory_space<hbm>>
    %dma_start3A_23 = tpu.memref_squeeze %dma_start3A_22 : memref<1x8x2x64xi32, #tpu.memory_space<hbm>> -> memref<8x2x64xi32, #tpu.memory_space<hbm>>
    tpu.enqueue_dma source(%dma_start3A_23 : memref<8x2x64xi32, #tpu.memory_space<hbm>>) target(%arg7 : memref<8x2x64xi32, #tpu.memory_space<vmem>>) target_semaphore(%arg15 : memref<!tpu.dma_semaphore, #tpu.memory_space<semaphore_mem>>)
    %mul3A_24 = arith.constant 320 : i32
    %mul3A_25 = arith.muli %arg1, %mul3A_24 : i32
    %add3A_26 = arith.constant 0 : i32
    %add3A_27 = arith.addi %mul3A_25, %add3A_26 : i32
    %dma_wait3A = arith.constant 0 : i32
    %dma_wait3A_28 = arith.constant 0 : i32
    %dma_wait3A_29 = tpu.memref_slice %arg2[%arg0, %add3A_27, %dma_wait3A, %dma_wait3A_28] : memref<2x5120x2x64xi32, #tpu.memory_space<hbm>> -> memref<1x8x2x64xi32, #tpu.memory_space<hbm>>
    %dma_wait3A_30 = tpu.memref_squeeze %dma_wait3A_29 : memref<1x8x2x64xi32, #tpu.memory_space<hbm>> -> memref<8x2x64xi32, #tpu.memory_space<hbm>>
    %dma_wait3A_31 = arith.constant 0 : i32
    %dma_wait3A_32 = arith.constant 0 : i32
    %dma_wait3A_33 = tpu.memref_slice %arg2[%arg0, %add3A_27, %dma_wait3A_31, %dma_wait3A_32] : memref<2x5120x2x64xi32, #tpu.memory_space<hbm>> -> memref<1x8x2x64xi32, #tpu.memory_space<hbm>>
    %dma_wait3A_34 = tpu.memref_squeeze %dma_wait3A_33 : memref<1x8x2x64xi32, #tpu.memory_space<hbm>> -> memref<8x2x64xi32, #tpu.memory_space<hbm>>
    tpu.wait_dma2 semaphore(%arg15 : memref<!tpu.dma_semaphore, #tpu.memory_space<semaphore_mem>>) src(%dma_wait3A_34 : memref<8x2x64xi32, #tpu.memory_space<hbm>>) dst(%arg7 : memref<8x2x64xi32, #tpu.memory_space<vmem>>)
    %dma_start3A_35 = arith.constant 0 : i32
    %dma_start3A_36 = arith.constant 0 : i32
    %dma_start3A_37 = arith.constant 0 : i32
    %dma_start3A_38 = tpu.memref_slice %arg7[%dma_start3A_35, %dma_start3A_36, %dma_start3A_37] : memref<8x2x64xi32, #tpu.memory_space<vmem>> -> memref<1x1x64xi32, #tpu.memory_space<vmem>>
    %dma_start3A_39 = tpu.memref_squeeze %dma_start3A_38 : memref<1x1x64xi32, #tpu.memory_space<vmem>> -> memref<64xi32, #tpu.memory_space<vmem>>
    %dma_start3A_40 = arith.constant 0 : i32
    %dma_start3A_41 = arith.constant 0 : i32
    %dma_start3A_42 = tpu.memref_slice %arg3[%dma_start3A_40, %dma_start3A_41] : memref<10000x128xf32, #tpu.memory_space<hbm>> -> memref<10000x128xf32, #tpu.memory_space<hbm>>
    tpu.enqueue_indirect_dma source(%dma_start3A_42 : memref<10000x128xf32, #tpu.memory_space<hbm>>) target(%arg11 : memref<64x128xf32, #tpu.memory_space<vmem>>) offsets(%dma_start3A_39 : memref<64xi32, #tpu.memory_space<vmem>>) semaphore(%arg19 : memref<!tpu.dma_semaphore, #tpu.memory_space<semaphore_mem>>)
    %dma_start3A_43 = arith.constant 1 : i32
    %dma_start3A_44 = arith.constant 0 : i32
    %dma_start3A_45 = arith.constant 0 : i32
    %dma_start3A_46 = tpu.memref_slice %arg7[%dma_start3A_43, %dma_start3A_44, %dma_start3A_45] : memref<8x2x64xi32, #tpu.memory_space<vmem>> -> memref<1x1x64xi32, #tpu.memory_space<vmem>>
    %dma_start3A_47 = tpu.memref_squeeze %dma_start3A_46 : memref<1x1x64xi32, #tpu.memory_space<vmem>> -> memref<64xi32, #tpu.memory_space<vmem>>
    %dma_start3A_48 = arith.constant 0 : i32
    %dma_start3A_49 = arith.constant 0 : i32
    %dma_start3A_50 = tpu.memref_slice %arg3[%dma_start3A_48, %dma_start3A_49] : memref<10000x128xf32, #tpu.memory_space<hbm>> -> memref<10000x128xf32, #tpu.memory_space<hbm>>
    tpu.enqueue_indirect_dma source(%dma_start3A_50 : memref<10000x128xf32, #tpu.memory_space<hbm>>) target(%arg12 : memref<64x128xf32, #tpu.memory_space<vmem>>) offsets(%dma_start3A_47 : memref<64xi32, #tpu.memory_space<vmem>>) semaphore(%arg20 : memref<!tpu.dma_semaphore, #tpu.memory_space<semaphore_mem>>)
    %dma_start3A_51 = arith.constant 2 : i32
    %dma_start3A_52 = arith.constant 0 : i32
    %dma_start3A_53 = arith.constant 0 : i32
    %dma_start3A_54 = tpu.memref_slice %arg7[%dma_start3A_51, %dma_start3A_52, %dma_start3A_53] : memref<8x2x64xi32, #tpu.memory_space<vmem>> -> memref<1x1x64xi32, #tpu.memory_space<vmem>>
    %dma_start3A_55 = tpu.memref_squeeze %dma_start3A_54 : memref<1x1x64xi32, #tpu.memory_space<vmem>> -> memref<64xi32, #tpu.memory_space<vmem>>
    %dma_start3A_56 = arith.constant 0 : i32
    %dma_start3A_57 = arith.constant 0 : i32
    %dma_start3A_58 = tpu.memref_slice %arg3[%dma_start3A_56, %dma_start3A_57] : memref<10000x128xf32, #tpu.memory_space<hbm>> -> memref<10000x128xf32, #tpu.memory_space<hbm>>
    tpu.enqueue_indirect_dma source(%dma_start3A_58 : memref<10000x128xf32, #tpu.memory_space<hbm>>) target(%arg13 : memref<64x128xf32, #tpu.memory_space<vmem>>) offsets(%dma_start3A_55 : memref<64xi32, #tpu.memory_space<vmem>>) semaphore(%arg21 : memref<!tpu.dma_semaphore, #tpu.memory_space<semaphore_mem>>)
    %dma_start3A_59 = arith.constant 3 : i32
    %dma_start3A_60 = arith.constant 0 : i32
    %dma_start3A_61 = arith.constant 0 : i32
    %dma_start3A_62 = tpu.memref_slice %arg7[%dma_start3A_59, %dma_start3A_60, %dma_start3A_61] : memref<8x2x64xi32, #tpu.memory_space<vmem>> -> memref<1x1x64xi32, #tpu.memory_space<vmem>>
    %dma_start3A_63 = tpu.memref_squeeze %dma_start3A_62 : memref<1x1x64xi32, #tpu.memory_space<vmem>> -> memref<64xi32, #tpu.memory_space<vmem>>
    %dma_start3A_64 = arith.constant 0 : i32
    %dma_start3A_65 = arith.constant 0 : i32
    %dma_start3A_66 = tpu.memref_slice %arg3[%dma_start3A_64, %dma_start3A_65] : memref<10000x128xf32, #tpu.memory_space<hbm>> -> memref<10000x128xf32, #tpu.memory_space<hbm>>
    tpu.enqueue_indirect_dma source(%dma_start3A_66 : memref<10000x128xf32, #tpu.memory_space<hbm>>) target(%arg14 : memref<64x128xf32, #tpu.memory_space<vmem>>) offsets(%dma_start3A_63 : memref<64xi32, #tpu.memory_space<vmem>>) semaphore(%arg22 : memref<!tpu.dma_semaphore, #tpu.memory_space<semaphore_mem>>)
    %scan3A = arith.constant 0 : i32
    %scan3A_67 = arith.constant 0 : i32
    %scan3A_68 = arith.constant 10 : i32
    %scan3A_69 = arith.addi %scan3A_67, %scan3A_68 : i32
    %scan3A_70 = arith.constant 1 : i32
    scf.for %scan3A_115 = %scan3A_67 to %scan3A_69 step %scan3A_70  : i32 {
      %mul3A_116 = arith.constant 4 : i32
      %mul3A_117 = arith.muli %scan3A_115, %mul3A_116 : i32
      %add3A_118 = arith.constant 0 : i32
      %add3A_119 = arith.addi %mul3A_117, %add3A_118 : i32
      %add3A_120 = arith.constant 1 : i32
      %add3A_121 = arith.addi %add3A_119, %add3A_120 : i32
      %mul3A_122 = arith.constant 8 : i32
      %mul3A_123 = arith.muli %add3A_121, %mul3A_122 : i32
      %mul3A_124 = arith.constant 320 : i32
      %mul3A_125 = arith.muli %arg1, %mul3A_124 : i32
      %add3A_126 = arith.addi %mul3A_125, %mul3A_123 : i32
      %dma_start3A_127 = arith.constant 0 : i32
      %dma_start3A_128 = arith.constant 0 : i32
      %dma_start3A_129 = tpu.memref_slice %arg2[%arg0, %add3A_126, %dma_start3A_127, %dma_start3A_128] : memref<2x5120x2x64xi32, #tpu.memory_space<hbm>> -> memref<1x8x2x64xi32, #tpu.memory_space<hbm>>
      %dma_start3A_130 = tpu.memref_squeeze %dma_start3A_129 : memref<1x8x2x64xi32, #tpu.memory_space<hbm>> -> memref<8x2x64xi32, #tpu.memory_space<hbm>>
      %dma_start3A_131 = arith.constant 0 : i32
      %dma_start3A_132 = arith.constant 0 : i32
      %dma_start3A_133 = tpu.memref_slice %arg2[%arg0, %add3A_126, %dma_start3A_131, %dma_start3A_132] : memref<2x5120x2x64xi32, #tpu.memory_space<hbm>> -> memref<1x8x2x64xi32, #tpu.memory_space<hbm>>
      %dma_start3A_134 = tpu.memref_squeeze %dma_start3A_133 : memref<1x8x2x64xi32, #tpu.memory_space<hbm>> -> memref<8x2x64xi32, #tpu.memory_space<hbm>>
      tpu.enqueue_dma source(%dma_start3A_134 : memref<8x2x64xi32, #tpu.memory_space<hbm>>) target(%arg8 : memref<8x2x64xi32, #tpu.memory_space<vmem>>) target_semaphore(%arg16 : memref<!tpu.dma_semaphore, #tpu.memory_space<semaphore_mem>>)
      %dma_wait3A_135 = arith.constant 0 : i32
      %dma_wait3A_136 = arith.constant 0 : i32
      %dma_wait3A_137 = arith.constant 0 : i32
      %dma_wait3A_138 = tpu.memref_slice %arg7[%dma_wait3A_135, %dma_wait3A_136, %dma_wait3A_137] : memref<8x2x64xi32, #tpu.memory_space<vmem>> -> memref<1x1x64xi32, #tpu.memory_space<vmem>>
      %dma_wait3A_139 = tpu.memref_squeeze %dma_wait3A_138 : memref<1x1x64xi32, #tpu.memory_space<vmem>> -> memref<64xi32, #tpu.memory_space<vmem>>
      %dma_wait3A_140 = arith.constant 0 : i32
      %dma_wait3A_141 = arith.constant 0 : i32
      %dma_wait3A_142 = tpu.memref_slice %arg3[%dma_wait3A_140, %dma_wait3A_141] : memref<10000x128xf32, #tpu.memory_space<hbm>> -> memref<10000x128xf32, #tpu.memory_space<hbm>>
      tpu.wait_indirect_dma semaphore(%arg19 : memref<!tpu.dma_semaphore, #tpu.memory_space<semaphore_mem>>) src(%dma_wait3A_142 : memref<10000x128xf32, #tpu.memory_space<hbm>>) dst(%arg11 : memref<64x128xf32, #tpu.memory_space<vmem>>)
      %dma_start3A_143 = arith.constant 0 : i32
      %dma_start3A_144 = arith.constant 1 : i32
      %dma_start3A_145 = arith.constant 0 : i32
      %dma_start3A_146 = tpu.memref_slice %arg7[%dma_start3A_143, %dma_start3A_144, %dma_start3A_145] : memref<8x2x64xi32, #tpu.memory_space<vmem>> -> memref<1x1x64xi32, #tpu.memory_space<vmem>>
      %dma_start3A_147 = tpu.memref_squeeze %dma_start3A_146 : memref<1x1x64xi32, #tpu.memory_space<vmem>> -> memref<64xi32, #tpu.memory_space<vmem>>
      %dma_start3A_148 = arith.constant 0 : i32
      %dma_start3A_149 = arith.constant 0 : i32
      %dma_start3A_150 = tpu.memref_slice %arg6[%dma_start3A_148, %dma_start3A_149] : memref<10008x128xf32, #tpu.memory_space<vmem_shared>> -> memref<10008x128xf32, #tpu.memory_space<vmem_shared>>
      tpu.enqueue_indirect_dma source(%arg11 : memref<64x128xf32, #tpu.memory_space<vmem>>) target(%dma_start3A_150 : memref<10008x128xf32, #tpu.memory_space<vmem_shared>>) offsets(%dma_start3A_147 : memref<64xi32, #tpu.memory_space<vmem>>) semaphore(%arg23 : memref<!tpu.dma_semaphore, #tpu.memory_space<semaphore_mem>>) {add = true}
      %dma_wait3A_151 = arith.constant 0 : i32
      %dma_wait3A_152 = arith.constant 1 : i32
      %dma_wait3A_153 = arith.constant 0 : i32
      %dma_wait3A_154 = tpu.memref_slice %arg7[%dma_wait3A_151, %dma_wait3A_152, %dma_wait3A_153] : memref<8x2x64xi32, #tpu.memory_space<vmem>> -> memref<1x1x64xi32, #tpu.memory_space<vmem>>
      %dma_wait3A_155 = tpu.memref_squeeze %dma_wait3A_154 : memref<1x1x64xi32, #tpu.memory_space<vmem>> -> memref<64xi32, #tpu.memory_space<vmem>>
      %dma_wait3A_156 = arith.constant 0 : i32
      %dma_wait3A_157 = arith.constant 0 : i32
      %dma_wait3A_158 = tpu.memref_slice %arg6[%dma_wait3A_156, %dma_wait3A_157] : memref<10008x128xf32, #tpu.memory_space<vmem_shared>> -> memref<10008x128xf32, #tpu.memory_space<vmem_shared>>
      tpu.wait_indirect_dma semaphore(%arg23 : memref<!tpu.dma_semaphore, #tpu.memory_space<semaphore_mem>>) src(%arg11 : memref<64x128xf32, #tpu.memory_space<vmem>>) dst(%dma_wait3A_158 : memref<10008x128xf32, #tpu.memory_space<vmem_shared>>)
      %dma_start3A_159 = arith.constant 4 : i32
      %dma_start3A_160 = arith.constant 0 : i32
      %dma_start3A_161 = arith.constant 0 : i32
      %dma_start3A_162 = tpu.memref_slice %arg7[%dma_start3A_159, %dma_start3A_160, %dma_start3A_161] : memref<8x2x64xi32, #tpu.memory_space<vmem>> -> memref<1x1x64xi32, #tpu.memory_space<vmem>>
      %dma_start3A_163 = tpu.memref_squeeze %dma_start3A_162 : memref<1x1x64xi32, #tpu.memory_space<vmem>> -> memref<64xi32, #tpu.memory_space<vmem>>
      %dma_start3A_164 = arith.constant 0 : i32
      %dma_start3A_165 = arith.constant 0 : i32
      %dma_start3A_166 = tpu.memref_slice %arg3[%dma_start3A_164, %dma_start3A_165] : memref<10000x128xf32, #tpu.memory_space<hbm>> -> memref<10000x128xf32, #tpu.memory_space<hbm>>
      tpu.enqueue_indirect_dma source(%dma_start3A_166 : memref<10000x128xf32, #tpu.memory_space<hbm>>) target(%arg11 : memref<64x128xf32, #tpu.memory_space<vmem>>) offsets(%dma_start3A_163 : memref<64xi32, #tpu.memory_space<vmem>>) semaphore(%arg19 : memref<!tpu.dma_semaphore, #tpu.memory_space<semaphore_mem>>)
      %dma_wait3A_167 = arith.constant 0 : i32
      %dma_wait3A_168 = arith.constant 0 : i32
      %dma_wait3A_169 = arith.constant 0 : i32
      %dma_wait3A_170 = tpu.memref_slice %arg7[%dma_wait3A_167, %dma_wait3A_168, %dma_wait3A_169] : memref<8x2x64xi32, #tpu.memory_space<vmem>> -> memref<1x1x64xi32, #tpu.memory_space<vmem>>
      %dma_wait3A_171 = tpu.memref_squeeze %dma_wait3A_170 : memref<1x1x64xi32, #tpu.memory_space<vmem>> -> memref<64xi32, #tpu.memory_space<vmem>>
      %dma_wait3A_172 = arith.constant 0 : i32
      %dma_wait3A_173 = arith.constant 0 : i32
      %dma_wait3A_174 = tpu.memref_slice %arg3[%dma_wait3A_172, %dma_wait3A_173] : memref<10000x128xf32, #tpu.memory_space<hbm>> -> memref<10000x128xf32, #tpu.memory_space<hbm>>
      tpu.wait_indirect_dma semaphore(%arg20 : memref<!tpu.dma_semaphore, #tpu.memory_space<semaphore_mem>>) src(%dma_wait3A_174 : memref<10000x128xf32, #tpu.memory_space<hbm>>) dst(%arg12 : memref<64x128xf32, #tpu.memory_space<vmem>>)
      %dma_start3A_175 = arith.constant 1 : i32
      %dma_start3A_176 = arith.constant 1 : i32
      %dma_start3A_177 = arith.constant 0 : i32
      %dma_start3A_178 = tpu.memref_slice %arg7[%dma_start3A_175, %dma_start3A_176, %dma_start3A_177] : memref<8x2x64xi32, #tpu.memory_space<vmem>> -> memref<1x1x64xi32, #tpu.memory_space<vmem>>
      %dma_start3A_179 = tpu.memref_squeeze %dma_start3A_178 : memref<1x1x64xi32, #tpu.memory_space<vmem>> -> memref<64xi32, #tpu.memory_space<vmem>>
      %dma_start3A_180 = arith.constant 0 : i32
      %dma_start3A_181 = arith.constant 0 : i32
      %dma_start3A_182 = tpu.memref_slice %arg6[%dma_start3A_180, %dma_start3A_181] : memref<10008x128xf32, #tpu.memory_space<vmem_shared>> -> memref<10008x128xf32, #tpu.memory_space<vmem_shared>>
      tpu.enqueue_indirect_dma source(%arg12 : memref<64x128xf32, #tpu.memory_space<vmem>>) target(%dma_start3A_182 : memref<10008x128xf32, #tpu.memory_space<vmem_shared>>) offsets(%dma_start3A_179 : memref<64xi32, #tpu.memory_space<vmem>>) semaphore(%arg24 : memref<!tpu.dma_semaphore, #tpu.memory_space<semaphore_mem>>) {add = true}
      %dma_wait3A_183 = arith.constant 0 : i32
      %dma_wait3A_184 = arith.constant 1 : i32
      %dma_wait3A_185 = arith.constant 0 : i32
      %dma_wait3A_186 = tpu.memref_slice %arg7[%dma_wait3A_183, %dma_wait3A_184, %dma_wait3A_185] : memref<8x2x64xi32, #tpu.memory_space<vmem>> -> memref<1x1x64xi32, #tpu.memory_space<vmem>>
      %dma_wait3A_187 = tpu.memref_squeeze %dma_wait3A_186 : memref<1x1x64xi32, #tpu.memory_space<vmem>> -> memref<64xi32, #tpu.memory_space<vmem>>
      %dma_wait3A_188 = arith.constant 0 : i32
      %dma_wait3A_189 = arith.constant 0 : i32
      %dma_wait3A_190 = tpu.memref_slice %arg6[%dma_wait3A_188, %dma_wait3A_189] : memref<10008x128xf32, #tpu.memory_space<vmem_shared>> -> memref<10008x128xf32, #tpu.memory_space<vmem_shared>>
      tpu.wait_indirect_dma semaphore(%arg24 : memref<!tpu.dma_semaphore, #tpu.memory_space<semaphore_mem>>) src(%arg11 : memref<64x128xf32, #tpu.memory_space<vmem>>) dst(%dma_wait3A_190 : memref<10008x128xf32, #tpu.memory_space<vmem_shared>>)
      %dma_start3A_191 = arith.constant 5 : i32
      %dma_start3A_192 = arith.constant 0 : i32
      %dma_start3A_193 = arith.constant 0 : i32
      %dma_start3A_194 = tpu.memref_slice %arg7[%dma_start3A_191, %dma_start3A_192, %dma_start3A_193] : memref<8x2x64xi32, #tpu.memory_space<vmem>> -> memref<1x1x64xi32, #tpu.memory_space<vmem>>
      %dma_start3A_195 = tpu.memref_squeeze %dma_start3A_194 : memref<1x1x64xi32, #tpu.memory_space<vmem>> -> memref<64xi32, #tpu.memory_space<vmem>>
      %dma_start3A_196 = arith.constant 0 : i32
      %dma_start3A_197 = arith.constant 0 : i32
      %dma_start3A_198 = tpu.memref_slice %arg3[%dma_start3A_196, %dma_start3A_197] : memref<10000x128xf32, #tpu.memory_space<hbm>> -> memref<10000x128xf32, #tpu.memory_space<hbm>>
      tpu.enqueue_indirect_dma source(%dma_start3A_198 : memref<10000x128xf32, #tpu.memory_space<hbm>>) target(%arg12 : memref<64x128xf32, #tpu.memory_space<vmem>>) offsets(%dma_start3A_195 : memref<64xi32, #tpu.memory_space<vmem>>) semaphore(%arg20 : memref<!tpu.dma_semaphore, #tpu.memory_space<semaphore_mem>>)
      %dma_wait3A_199 = arith.constant 0 : i32
      %dma_wait3A_200 = arith.constant 0 : i32
      %dma_wait3A_201 = arith.constant 0 : i32
      %dma_wait3A_202 = tpu.memref_slice %arg7[%dma_wait3A_199, %dma_wait3A_200, %dma_wait3A_201] : memref<8x2x64xi32, #tpu.memory_space<vmem>> -> memref<1x1x64xi32, #tpu.memory_space<vmem>>
      %dma_wait3A_203 = tpu.memref_squeeze %dma_wait3A_202 : memref<1x1x64xi32, #tpu.memory_space<vmem>> -> memref<64xi32, #tpu.memory_space<vmem>>
      %dma_wait3A_204 = arith.constant 0 : i32
      %dma_wait3A_205 = arith.constant 0 : i32
      %dma_wait3A_206 = tpu.memref_slice %arg3[%dma_wait3A_204, %dma_wait3A_205] : memref<10000x128xf32, #tpu.memory_space<hbm>> -> memref<10000x128xf32, #tpu.memory_space<hbm>>
      tpu.wait_indirect_dma semaphore(%arg21 : memref<!tpu.dma_semaphore, #tpu.memory_space<semaphore_mem>>) src(%dma_wait3A_206 : memref<10000x128xf32, #tpu.memory_space<hbm>>) dst(%arg13 : memref<64x128xf32, #tpu.memory_space<vmem>>)
      %dma_start3A_207 = arith.constant 2 : i32
      %dma_start3A_208 = arith.constant 1 : i32
      %dma_start3A_209 = arith.constant 0 : i32
      %dma_start3A_210 = tpu.memref_slice %arg7[%dma_start3A_207, %dma_start3A_208, %dma_start3A_209] : memref<8x2x64xi32, #tpu.memory_space<vmem>> -> memref<1x1x64xi32, #tpu.memory_space<vmem>>
      %dma_start3A_211 = tpu.memref_squeeze %dma_start3A_210 : memref<1x1x64xi32, #tpu.memory_space<vmem>> -> memref<64xi32, #tpu.memory_space<vmem>>
      %dma_start3A_212 = arith.constant 0 : i32
      %dma_start3A_213 = arith.constant 0 : i32
      %dma_start3A_214 = tpu.memref_slice %arg6[%dma_start3A_212, %dma_start3A_213] : memref<10008x128xf32, #tpu.memory_space<vmem_shared>> -> memref<10008x128xf32, #tpu.memory_space<vmem_shared>>
      tpu.enqueue_indirect_dma source(%arg13 : memref<64x128xf32, #tpu.memory_space<vmem>>) target(%dma_start3A_214 : memref<10008x128xf32, #tpu.memory_space<vmem_shared>>) offsets(%dma_start3A_211 : memref<64xi32, #tpu.memory_space<vmem>>) semaphore(%arg25 : memref<!tpu.dma_semaphore, #tpu.memory_space<semaphore_mem>>) {add = true}
      %dma_wait3A_215 = arith.constant 0 : i32
      %dma_wait3A_216 = arith.constant 1 : i32
      %dma_wait3A_217 = arith.constant 0 : i32
      %dma_wait3A_218 = tpu.memref_slice %arg7[%dma_wait3A_215, %dma_wait3A_216, %dma_wait3A_217] : memref<8x2x64xi32, #tpu.memory_space<vmem>> -> memref<1x1x64xi32, #tpu.memory_space<vmem>>
      %dma_wait3A_219 = tpu.memref_squeeze %dma_wait3A_218 : memref<1x1x64xi32, #tpu.memory_space<vmem>> -> memref<64xi32, #tpu.memory_space<vmem>>
      %dma_wait3A_220 = arith.constant 0 : i32
      %dma_wait3A_221 = arith.constant 0 : i32
      %dma_wait3A_222 = tpu.memref_slice %arg6[%dma_wait3A_220, %dma_wait3A_221] : memref<10008x128xf32, #tpu.memory_space<vmem_shared>> -> memref<10008x128xf32, #tpu.memory_space<vmem_shared>>
      tpu.wait_indirect_dma semaphore(%arg25 : memref<!tpu.dma_semaphore, #tpu.memory_space<semaphore_mem>>) src(%arg11 : memref<64x128xf32, #tpu.memory_space<vmem>>) dst(%dma_wait3A_222 : memref<10008x128xf32, #tpu.memory_space<vmem_shared>>)
      %dma_start3A_223 = arith.constant 6 : i32
      %dma_start3A_224 = arith.constant 0 : i32
      %dma_start3A_225 = arith.constant 0 : i32
      %dma_start3A_226 = tpu.memref_slice %arg7[%dma_start3A_223, %dma_start3A_224, %dma_start3A_225] : memref<8x2x64xi32, #tpu.memory_space<vmem>> -> memref<1x1x64xi32, #tpu.memory_space<vmem>>
      %dma_start3A_227 = tpu.memref_squeeze %dma_start3A_226 : memref<1x1x64xi32, #tpu.memory_space<vmem>> -> memref<64xi32, #tpu.memory_space<vmem>>
      %dma_start3A_228 = arith.constant 0 : i32
      %dma_start3A_229 = arith.constant 0 : i32
      %dma_start3A_230 = tpu.memref_slice %arg3[%dma_start3A_228, %dma_start3A_229] : memref<10000x128xf32, #tpu.memory_space<hbm>> -> memref<10000x128xf32, #tpu.memory_space<hbm>>
      tpu.enqueue_indirect_dma source(%dma_start3A_230 : memref<10000x128xf32, #tpu.memory_space<hbm>>) target(%arg13 : memref<64x128xf32, #tpu.memory_space<vmem>>) offsets(%dma_start3A_227 : memref<64xi32, #tpu.memory_space<vmem>>) semaphore(%arg21 : memref<!tpu.dma_semaphore, #tpu.memory_space<semaphore_mem>>)
      %dma_wait3A_231 = arith.constant 0 : i32
      %dma_wait3A_232 = arith.constant 0 : i32
      %dma_wait3A_233 = arith.constant 0 : i32
      %dma_wait3A_234 = tpu.memref_slice %arg7[%dma_wait3A_231, %dma_wait3A_232, %dma_wait3A_233] : memref<8x2x64xi32, #tpu.memory_space<vmem>> -> memref<1x1x64xi32, #tpu.memory_space<vmem>>
      %dma_wait3A_235 = tpu.memref_squeeze %dma_wait3A_234 : memref<1x1x64xi32, #tpu.memory_space<vmem>> -> memref<64xi32, #tpu.memory_space<vmem>>
      %dma_wait3A_236 = arith.constant 0 : i32
      %dma_wait3A_237 = arith.constant 0 : i32
      %dma_wait3A_238 = tpu.memref_slice %arg3[%dma_wait3A_236, %dma_wait3A_237] : memref<10000x128xf32, #tpu.memory_space<hbm>> -> memref<10000x128xf32, #tpu.memory_space<hbm>>
      tpu.wait_indirect_dma semaphore(%arg22 : memref<!tpu.dma_semaphore, #tpu.memory_space<semaphore_mem>>) src(%dma_wait3A_238 : memref<10000x128xf32, #tpu.memory_space<hbm>>) dst(%arg14 : memref<64x128xf32, #tpu.memory_space<vmem>>)
      %dma_start3A_239 = arith.constant 3 : i32
      %dma_start3A_240 = arith.constant 1 : i32
      %dma_start3A_241 = arith.constant 0 : i32
      %dma_start3A_242 = tpu.memref_slice %arg7[%dma_start3A_239, %dma_start3A_240, %dma_start3A_241] : memref<8x2x64xi32, #tpu.memory_space<vmem>> -> memref<1x1x64xi32, #tpu.memory_space<vmem>>
      %dma_start3A_243 = tpu.memref_squeeze %dma_start3A_242 : memref<1x1x64xi32, #tpu.memory_space<vmem>> -> memref<64xi32, #tpu.memory_space<vmem>>
      %dma_start3A_244 = arith.constant 0 : i32
      %dma_start3A_245 = arith.constant 0 : i32
      %dma_start3A_246 = tpu.memref_slice %arg6[%dma_start3A_244, %dma_start3A_245] : memref<10008x128xf32, #tpu.memory_space<vmem_shared>> -> memref<10008x128xf32, #tpu.memory_space<vmem_shared>>
      tpu.enqueue_indirect_dma source(%arg14 : memref<64x128xf32, #tpu.memory_space<vmem>>) target(%dma_start3A_246 : memref<10008x128xf32, #tpu.memory_space<vmem_shared>>) offsets(%dma_start3A_243 : memref<64xi32, #tpu.memory_space<vmem>>) semaphore(%arg26 : memref<!tpu.dma_semaphore, #tpu.memory_space<semaphore_mem>>) {add = true}
      %dma_wait3A_247 = arith.constant 0 : i32
      %dma_wait3A_248 = arith.constant 1 : i32
      %dma_wait3A_249 = arith.constant 0 : i32
      %dma_wait3A_250 = tpu.memref_slice %arg7[%dma_wait3A_247, %dma_wait3A_248, %dma_wait3A_249] : memref<8x2x64xi32, #tpu.memory_space<vmem>> -> memref<1x1x64xi32, #tpu.memory_space<vmem>>
      %dma_wait3A_251 = tpu.memref_squeeze %dma_wait3A_250 : memref<1x1x64xi32, #tpu.memory_space<vmem>> -> memref<64xi32, #tpu.memory_space<vmem>>
      %dma_wait3A_252 = arith.constant 0 : i32
      %dma_wait3A_253 = arith.constant 0 : i32
      %dma_wait3A_254 = tpu.memref_slice %arg6[%dma_wait3A_252, %dma_wait3A_253] : memref<10008x128xf32, #tpu.memory_space<vmem_shared>> -> memref<10008x128xf32, #tpu.memory_space<vmem_shared>>
      tpu.wait_indirect_dma semaphore(%arg26 : memref<!tpu.dma_semaphore, #tpu.memory_space<semaphore_mem>>) src(%arg11 : memref<64x128xf32, #tpu.memory_space<vmem>>) dst(%dma_wait3A_254 : memref<10008x128xf32, #tpu.memory_space<vmem_shared>>)
      %dma_start3A_255 = arith.constant 7 : i32
      %dma_start3A_256 = arith.constant 0 : i32
      %dma_start3A_257 = arith.constant 0 : i32
      %dma_start3A_258 = tpu.memref_slice %arg7[%dma_start3A_255, %dma_start3A_256, %dma_start3A_257] : memref<8x2x64xi32, #tpu.memory_space<vmem>> -> memref<1x1x64xi32, #tpu.memory_space<vmem>>
      %dma_start3A_259 = tpu.memref_squeeze %dma_start3A_258 : memref<1x1x64xi32, #tpu.memory_space<vmem>> -> memref<64xi32, #tpu.memory_space<vmem>>
      %dma_start3A_260 = arith.constant 0 : i32
      %dma_start3A_261 = arith.constant 0 : i32
      %dma_start3A_262 = tpu.memref_slice %arg3[%dma_start3A_260, %dma_start3A_261] : memref<10000x128xf32, #tpu.memory_space<hbm>> -> memref<10000x128xf32, #tpu.memory_space<hbm>>
      tpu.enqueue_indirect_dma source(%dma_start3A_262 : memref<10000x128xf32, #tpu.memory_space<hbm>>) target(%arg14 : memref<64x128xf32, #tpu.memory_space<vmem>>) offsets(%dma_start3A_259 : memref<64xi32, #tpu.memory_space<vmem>>) semaphore(%arg22 : memref<!tpu.dma_semaphore, #tpu.memory_space<semaphore_mem>>)
      %dma_wait3A_263 = arith.constant 0 : i32
      %dma_wait3A_264 = arith.constant 0 : i32
      %dma_wait3A_265 = arith.constant 0 : i32
      %dma_wait3A_266 = tpu.memref_slice %arg7[%dma_wait3A_263, %dma_wait3A_264, %dma_wait3A_265] : memref<8x2x64xi32, #tpu.memory_space<vmem>> -> memref<1x1x64xi32, #tpu.memory_space<vmem>>
      %dma_wait3A_267 = tpu.memref_squeeze %dma_wait3A_266 : memref<1x1x64xi32, #tpu.memory_space<vmem>> -> memref<64xi32, #tpu.memory_space<vmem>>
      %dma_wait3A_268 = arith.constant 0 : i32
      %dma_wait3A_269 = arith.constant 0 : i32
      %dma_wait3A_270 = tpu.memref_slice %arg3[%dma_wait3A_268, %dma_wait3A_269] : memref<10000x128xf32, #tpu.memory_space<hbm>> -> memref<10000x128xf32, #tpu.memory_space<hbm>>
      tpu.wait_indirect_dma semaphore(%arg19 : memref<!tpu.dma_semaphore, #tpu.memory_space<semaphore_mem>>) src(%dma_wait3A_270 : memref<10000x128xf32, #tpu.memory_space<hbm>>) dst(%arg11 : memref<64x128xf32, #tpu.memory_space<vmem>>)
      %dma_start3A_271 = arith.constant 4 : i32
      %dma_start3A_272 = arith.constant 1 : i32
      %dma_start3A_273 = arith.constant 0 : i32
      %dma_start3A_274 = tpu.memref_slice %arg7[%dma_start3A_271, %dma_start3A_272, %dma_start3A_273] : memref<8x2x64xi32, #tpu.memory_space<vmem>> -> memref<1x1x64xi32, #tpu.memory_space<vmem>>
      %dma_start3A_275 = tpu.memref_squeeze %dma_start3A_274 : memref<1x1x64xi32, #tpu.memory_space<vmem>> -> memref<64xi32, #tpu.memory_space<vmem>>
      %dma_start3A_276 = arith.constant 0 : i32
      %dma_start3A_277 = arith.constant 0 : i32
      %dma_start3A_278 = tpu.memref_slice %arg6[%dma_start3A_276, %dma_start3A_277] : memref<10008x128xf32, #tpu.memory_space<vmem_shared>> -> memref<10008x128xf32, #tpu.memory_space<vmem_shared>>
      tpu.enqueue_indirect_dma source(%arg11 : memref<64x128xf32, #tpu.memory_space<vmem>>) target(%dma_start3A_278 : memref<10008x128xf32, #tpu.memory_space<vmem_shared>>) offsets(%dma_start3A_275 : memref<64xi32, #tpu.memory_space<vmem>>) semaphore(%arg23 : memref<!tpu.dma_semaphore, #tpu.memory_space<semaphore_mem>>) {add = true}
      %mul3A_279 = arith.constant 320 : i32
      %mul3A_280 = arith.muli %arg1, %mul3A_279 : i32
      %add3A_281 = arith.constant 0 : i32
      %add3A_282 = arith.addi %mul3A_280, %add3A_281 : i32
      %dma_wait3A_283 = arith.constant 0 : i32
      %dma_wait3A_284 = arith.constant 0 : i32
      %dma_wait3A_285 = tpu.memref_slice %arg2[%arg0, %add3A_282, %dma_wait3A_283, %dma_wait3A_284] : memref<2x5120x2x64xi32, #tpu.memory_space<hbm>> -> memref<1x8x2x64xi32, #tpu.memory_space<hbm>>
      %dma_wait3A_286 = tpu.memref_squeeze %dma_wait3A_285 : memref<1x8x2x64xi32, #tpu.memory_space<hbm>> -> memref<8x2x64xi32, #tpu.memory_space<hbm>>
      %dma_wait3A_287 = arith.constant 0 : i32
      %dma_wait3A_288 = arith.constant 0 : i32
      %dma_wait3A_289 = tpu.memref_slice %arg2[%arg0, %add3A_282, %dma_wait3A_287, %dma_wait3A_288] : memref<2x5120x2x64xi32, #tpu.memory_space<hbm>> -> memref<1x8x2x64xi32, #tpu.memory_space<hbm>>
      %dma_wait3A_290 = tpu.memref_squeeze %dma_wait3A_289 : memref<1x8x2x64xi32, #tpu.memory_space<hbm>> -> memref<8x2x64xi32, #tpu.memory_space<hbm>>
      tpu.wait_dma2 semaphore(%arg16 : memref<!tpu.dma_semaphore, #tpu.memory_space<semaphore_mem>>) src(%dma_wait3A_290 : memref<8x2x64xi32, #tpu.memory_space<hbm>>) dst(%arg8 : memref<8x2x64xi32, #tpu.memory_space<vmem>>)
      %dma_wait3A_291 = arith.constant 0 : i32
      %dma_wait3A_292 = arith.constant 1 : i32
      %dma_wait3A_293 = arith.constant 0 : i32
      %dma_wait3A_294 = tpu.memref_slice %arg7[%dma_wait3A_291, %dma_wait3A_292, %dma_wait3A_293] : memref<8x2x64xi32, #tpu.memory_space<vmem>> -> memref<1x1x64xi32, #tpu.memory_space<vmem>>
      %dma_wait3A_295 = tpu.memref_squeeze %dma_wait3A_294 : memref<1x1x64xi32, #tpu.memory_space<vmem>> -> memref<64xi32, #tpu.memory_space<vmem>>
      %dma_wait3A_296 = arith.constant 0 : i32
      %dma_wait3A_297 = arith.constant 0 : i32
      %dma_wait3A_298 = tpu.memref_slice %arg6[%dma_wait3A_296, %dma_wait3A_297] : memref<10008x128xf32, #tpu.memory_space<vmem_shared>> -> memref<10008x128xf32, #tpu.memory_space<vmem_shared>>
      tpu.wait_indirect_dma semaphore(%arg23 : memref<!tpu.dma_semaphore, #tpu.memory_space<semaphore_mem>>) src(%arg11 : memref<64x128xf32, #tpu.memory_space<vmem>>) dst(%dma_wait3A_298 : memref<10008x128xf32, #tpu.memory_space<vmem_shared>>)
      %dma_start3A_299 = arith.constant 0 : i32
      %dma_start3A_300 = arith.constant 0 : i32
      %dma_start3A_301 = arith.constant 0 : i32
      %dma_start3A_302 = tpu.memref_slice %arg8[%dma_start3A_299, %dma_start3A_300, %dma_start3A_301] : memref<8x2x64xi32, #tpu.memory_space<vmem>> -> memref<1x1x64xi32, #tpu.memory_space<vmem>>
      %dma_start3A_303 = tpu.memref_squeeze %dma_start3A_302 : memref<1x1x64xi32, #tpu.memory_space<vmem>> -> memref<64xi32, #tpu.memory_space<vmem>>
      %dma_start3A_304 = arith.constant 0 : i32
      %dma_start3A_305 = arith.constant 0 : i32
      %dma_start3A_306 = tpu.memref_slice %arg3[%dma_start3A_304, %dma_start3A_305] : memref<10000x128xf32, #tpu.memory_space<hbm>> -> memref<10000x128xf32, #tpu.memory_space<hbm>>
      tpu.enqueue_indirect_dma source(%dma_start3A_306 : memref<10000x128xf32, #tpu.memory_space<hbm>>) target(%arg11 : memref<64x128xf32, #tpu.memory_space<vmem>>) offsets(%dma_start3A_303 : memref<64xi32, #tpu.memory_space<vmem>>) semaphore(%arg19 : memref<!tpu.dma_semaphore, #tpu.memory_space<semaphore_mem>>)
      %dma_wait3A_307 = arith.constant 0 : i32
      %dma_wait3A_308 = arith.constant 0 : i32
      %dma_wait3A_309 = arith.constant 0 : i32
      %dma_wait3A_310 = tpu.memref_slice %arg7[%dma_wait3A_307, %dma_wait3A_308, %dma_wait3A_309] : memref<8x2x64xi32, #tpu.memory_space<vmem>> -> memref<1x1x64xi32, #tpu.memory_space<vmem>>
      %dma_wait3A_311 = tpu.memref_squeeze %dma_wait3A_310 : memref<1x1x64xi32, #tpu.memory_space<vmem>> -> memref<64xi32, #tpu.memory_space<vmem>>
      %dma_wait3A_312 = arith.constant 0 : i32
      %dma_wait3A_313 = arith.constant 0 : i32
      %dma_wait3A_314 = tpu.memref_slice %arg3[%dma_wait3A_312, %dma_wait3A_313] : memref<10000x128xf32, #tpu.memory_space<hbm>> -> memref<10000x128xf32, #tpu.memory_space<hbm>>
      tpu.wait_indirect_dma semaphore(%arg20 : memref<!tpu.dma_semaphore, #tpu.memory_space<semaphore_mem>>) src(%dma_wait3A_314 : memref<10000x128xf32, #tpu.memory_space<hbm>>) dst(%arg12 : memref<64x128xf32, #tpu.memory_space<vmem>>)
      %dma_start3A_315 = arith.constant 5 : i32
      %dma_start3A_316 = arith.constant 1 : i32
      %dma_start3A_317 = arith.constant 0 : i32
      %dma_start3A_318 = tpu.memref_slice %arg7[%dma_start3A_315, %dma_start3A_316, %dma_start3A_317] : memref<8x2x64xi32, #tpu.memory_space<vmem>> -> memref<1x1x64xi32, #tpu.memory_space<vmem>>
      %dma_start3A_319 = tpu.memref_squeeze %dma_start3A_318 : memref<1x1x64xi32, #tpu.memory_space<vmem>> -> memref<64xi32, #tpu.memory_space<vmem>>
      %dma_start3A_320 = arith.constant 0 : i32
      %dma_start3A_321 = arith.constant 0 : i32
      %dma_start3A_322 = tpu.memref_slice %arg6[%dma_start3A_320, %dma_start3A_321] : memref<10008x128xf32, #tpu.memory_space<vmem_shared>> -> memref<10008x128xf32, #tpu.memory_space<vmem_shared>>
      tpu.enqueue_indirect_dma source(%arg12 : memref<64x128xf32, #tpu.memory_space<vmem>>) target(%dma_start3A_322 : memref<10008x128xf32, #tpu.memory_space<vmem_shared>>) offsets(%dma_start3A_319 : memref<64xi32, #tpu.memory_space<vmem>>) semaphore(%arg24 : memref<!tpu.dma_semaphore, #tpu.memory_space<semaphore_mem>>) {add = true}
      %dma_wait3A_323 = arith.constant 0 : i32
      %dma_wait3A_324 = arith.constant 1 : i32
      %dma_wait3A_325 = arith.constant 0 : i32
      %dma_wait3A_326 = tpu.memref_slice %arg7[%dma_wait3A_323, %dma_wait3A_324, %dma_wait3A_325] : memref<8x2x64xi32, #tpu.memory_space<vmem>> -> memref<1x1x64xi32, #tpu.memory_space<vmem>>
      %dma_wait3A_327 = tpu.memref_squeeze %dma_wait3A_326 : memref<1x1x64xi32, #tpu.memory_space<vmem>> -> memref<64xi32, #tpu.memory_space<vmem>>
      %dma_wait3A_328 = arith.constant 0 : i32
      %dma_wait3A_329 = arith.constant 0 : i32
      %dma_wait3A_330 = tpu.memref_slice %arg6[%dma_wait3A_328, %dma_wait3A_329] : memref<10008x128xf32, #tpu.memory_space<vmem_shared>> -> memref<10008x128xf32, #tpu.memory_space<vmem_shared>>
      tpu.wait_indirect_dma semaphore(%arg24 : memref<!tpu.dma_semaphore, #tpu.memory_space<semaphore_mem>>) src(%arg11 : memref<64x128xf32, #tpu.memory_space<vmem>>) dst(%dma_wait3A_330 : memref<10008x128xf32, #tpu.memory_space<vmem_shared>>)
      %dma_start3A_331 = arith.constant 1 : i32
      %dma_start3A_332 = arith.constant 0 : i32
      %dma_start3A_333 = arith.constant 0 : i32
      %dma_start3A_334 = tpu.memref_slice %arg8[%dma_start3A_331, %dma_start3A_332, %dma_start3A_333] : memref<8x2x64xi32, #tpu.memory_space<vmem>> -> memref<1x1x64xi32, #tpu.memory_space<vmem>>
      %dma_start3A_335 = tpu.memref_squeeze %dma_start3A_334 : memref<1x1x64xi32, #tpu.memory_space<vmem>> -> memref<64xi32, #tpu.memory_space<vmem>>
      %dma_start3A_336 = arith.constant 0 : i32
      %dma_start3A_337 = arith.constant 0 : i32
      %dma_start3A_338 = tpu.memref_slice %arg3[%dma_start3A_336, %dma_start3A_337] : memref<10000x128xf32, #tpu.memory_space<hbm>> -> memref<10000x128xf32, #tpu.memory_space<hbm>>
      tpu.enqueue_indirect_dma source(%dma_start3A_338 : memref<10000x128xf32, #tpu.memory_space<hbm>>) target(%arg12 : memref<64x128xf32, #tpu.memory_space<vmem>>) offsets(%dma_start3A_335 : memref<64xi32, #tpu.memory_space<vmem>>) semaphore(%arg20 : memref<!tpu.dma_semaphore, #tpu.memory_space<semaphore_mem>>)
      %dma_wait3A_339 = arith.constant 0 : i32
      %dma_wait3A_340 = arith.constant 0 : i32
      %dma_wait3A_341 = arith.constant 0 : i32
      %dma_wait3A_342 = tpu.memref_slice %arg7[%dma_wait3A_339, %dma_wait3A_340, %dma_wait3A_341] : memref<8x2x64xi32, #tpu.memory_space<vmem>> -> memref<1x1x64xi32, #tpu.memory_space<vmem>>
      %dma_wait3A_343 = tpu.memref_squeeze %dma_wait3A_342 : memref<1x1x64xi32, #tpu.memory_space<vmem>> -> memref<64xi32, #tpu.memory_space<vmem>>
      %dma_wait3A_344 = arith.constant 0 : i32
      %dma_wait3A_345 = arith.constant 0 : i32
      %dma_wait3A_346 = tpu.memref_slice %arg3[%dma_wait3A_344, %dma_wait3A_345] : memref<10000x128xf32, #tpu.memory_space<hbm>> -> memref<10000x128xf32, #tpu.memory_space<hbm>>
      tpu.wait_indirect_dma semaphore(%arg21 : memref<!tpu.dma_semaphore, #tpu.memory_space<semaphore_mem>>) src(%dma_wait3A_346 : memref<10000x128xf32, #tpu.memory_space<hbm>>) dst(%arg13 : memref<64x128xf32, #tpu.memory_space<vmem>>)
      %dma_start3A_347 = arith.constant 6 : i32
      %dma_start3A_348 = arith.constant 1 : i32
      %dma_start3A_349 = arith.constant 0 : i32
      %dma_start3A_350 = tpu.memref_slice %arg7[%dma_start3A_347, %dma_start3A_348, %dma_start3A_349] : memref<8x2x64xi32, #tpu.memory_space<vmem>> -> memref<1x1x64xi32, #tpu.memory_space<vmem>>
      %dma_start3A_351 = tpu.memref_squeeze %dma_start3A_350 : memref<1x1x64xi32, #tpu.memory_space<vmem>> -> memref<64xi32, #tpu.memory_space<vmem>>
      %dma_start3A_352 = arith.constant 0 : i32
      %dma_start3A_353 = arith.constant 0 : i32
      %dma_start3A_354 = tpu.memref_slice %arg6[%dma_start3A_352, %dma_start3A_353] : memref<10008x128xf32, #tpu.memory_space<vmem_shared>> -> memref<10008x128xf32, #tpu.memory_space<vmem_shared>>
      tpu.enqueue_indirect_dma source(%arg13 : memref<64x128xf32, #tpu.memory_space<vmem>>) target(%dma_start3A_354 : memref<10008x128xf32, #tpu.memory_space<vmem_shared>>) offsets(%dma_start3A_351 : memref<64xi32, #tpu.memory_space<vmem>>) semaphore(%arg25 : memref<!tpu.dma_semaphore, #tpu.memory_space<semaphore_mem>>) {add = true}
      %dma_wait3A_355 = arith.constant 0 : i32
      %dma_wait3A_356 = arith.constant 1 : i32
      %dma_wait3A_357 = arith.constant 0 : i32
      %dma_wait3A_358 = tpu.memref_slice %arg7[%dma_wait3A_355, %dma_wait3A_356, %dma_wait3A_357] : memref<8x2x64xi32, #tpu.memory_space<vmem>> -> memref<1x1x64xi32, #tpu.memory_space<vmem>>
      %dma_wait3A_359 = tpu.memref_squeeze %dma_wait3A_358 : memref<1x1x64xi32, #tpu.memory_space<vmem>> -> memref<64xi32, #tpu.memory_space<vmem>>
      %dma_wait3A_360 = arith.constant 0 : i32
      %dma_wait3A_361 = arith.constant 0 : i32
      %dma_wait3A_362 = tpu.memref_slice %arg6[%dma_wait3A_360, %dma_wait3A_361] : memref<10008x128xf32, #tpu.memory_space<vmem_shared>> -> memref<10008x128xf32, #tpu.memory_space<vmem_shared>>
      tpu.wait_indirect_dma semaphore(%arg25 : memref<!tpu.dma_semaphore, #tpu.memory_space<semaphore_mem>>) src(%arg11 : memref<64x128xf32, #tpu.memory_space<vmem>>) dst(%dma_wait3A_362 : memref<10008x128xf32, #tpu.memory_space<vmem_shared>>)
      %dma_start3A_363 = arith.constant 2 : i32
      %dma_start3A_364 = arith.constant 0 : i32
      %dma_start3A_365 = arith.constant 0 : i32
      %dma_start3A_366 = tpu.memref_slice %arg8[%dma_start3A_363, %dma_start3A_364, %dma_start3A_365] : memref<8x2x64xi32, #tpu.memory_space<vmem>> -> memref<1x1x64xi32, #tpu.memory_space<vmem>>
      %dma_start3A_367 = tpu.memref_squeeze %dma_start3A_366 : memref<1x1x64xi32, #tpu.memory_space<vmem>> -> memref<64xi32, #tpu.memory_space<vmem>>
      %dma_start3A_368 = arith.constant 0 : i32
      %dma_start3A_369 = arith.constant 0 : i32
      %dma_start3A_370 = tpu.memref_slice %arg3[%dma_start3A_368, %dma_start3A_369] : memref<10000x128xf32, #tpu.memory_space<hbm>> -> memref<10000x128xf32, #tpu.memory_space<hbm>>
      tpu.enqueue_indirect_dma source(%dma_start3A_370 : memref<10000x128xf32, #tpu.memory_space<hbm>>) target(%arg13 : memref<64x128xf32, #tpu.memory_space<vmem>>) offsets(%dma_start3A_367 : memref<64xi32, #tpu.memory_space<vmem>>) semaphore(%arg21 : memref<!tpu.dma_semaphore, #tpu.memory_space<semaphore_mem>>)
      %dma_wait3A_371 = arith.constant 0 : i32
      %dma_wait3A_372 = arith.constant 0 : i32
      %dma_wait3A_373 = arith.constant 0 : i32
      %dma_wait3A_374 = tpu.memref_slice %arg7[%dma_wait3A_371, %dma_wait3A_372, %dma_wait3A_373] : memref<8x2x64xi32, #tpu.memory_space<vmem>> -> memref<1x1x64xi32, #tpu.memory_space<vmem>>
      %dma_wait3A_375 = tpu.memref_squeeze %dma_wait3A_374 : memref<1x1x64xi32, #tpu.memory_space<vmem>> -> memref<64xi32, #tpu.memory_space<vmem>>
      %dma_wait3A_376 = arith.constant 0 : i32
      %dma_wait3A_377 = arith.constant 0 : i32
      %dma_wait3A_378 = tpu.memref_slice %arg3[%dma_wait3A_376, %dma_wait3A_377] : memref<10000x128xf32, #tpu.memory_space<hbm>> -> memref<10000x128xf32, #tpu.memory_space<hbm>>
      tpu.wait_indirect_dma semaphore(%arg22 : memref<!tpu.dma_semaphore, #tpu.memory_space<semaphore_mem>>) src(%dma_wait3A_378 : memref<10000x128xf32, #tpu.memory_space<hbm>>) dst(%arg14 : memref<64x128xf32, #tpu.memory_space<vmem>>)
      %dma_start3A_379 = arith.constant 7 : i32
      %dma_start3A_380 = arith.constant 1 : i32
      %dma_start3A_381 = arith.constant 0 : i32
      %dma_start3A_382 = tpu.memref_slice %arg7[%dma_start3A_379, %dma_start3A_380, %dma_start3A_381] : memref<8x2x64xi32, #tpu.memory_space<vmem>> -> memref<1x1x64xi32, #tpu.memory_space<vmem>>
      %dma_start3A_383 = tpu.memref_squeeze %dma_start3A_382 : memref<1x1x64xi32, #tpu.memory_space<vmem>> -> memref<64xi32, #tpu.memory_space<vmem>>
      %dma_start3A_384 = arith.constant 0 : i32
      %dma_start3A_385 = arith.constant 0 : i32
      %dma_start3A_386 = tpu.memref_slice %arg6[%dma_start3A_384, %dma_start3A_385] : memref<10008x128xf32, #tpu.memory_space<vmem_shared>> -> memref<10008x128xf32, #tpu.memory_space<vmem_shared>>
      tpu.enqueue_indirect_dma source(%arg14 : memref<64x128xf32, #tpu.memory_space<vmem>>) target(%dma_start3A_386 : memref<10008x128xf32, #tpu.memory_space<vmem_shared>>) offsets(%dma_start3A_383 : memref<64xi32, #tpu.memory_space<vmem>>) semaphore(%arg26 : memref<!tpu.dma_semaphore, #tpu.memory_space<semaphore_mem>>) {add = true}
      %dma_wait3A_387 = arith.constant 0 : i32
      %dma_wait3A_388 = arith.constant 1 : i32
      %dma_wait3A_389 = arith.constant 0 : i32
      %dma_wait3A_390 = tpu.memref_slice %arg7[%dma_wait3A_387, %dma_wait3A_388, %dma_wait3A_389] : memref<8x2x64xi32, #tpu.memory_space<vmem>> -> memref<1x1x64xi32, #tpu.memory_space<vmem>>
      %dma_wait3A_391 = tpu.memref_squeeze %dma_wait3A_390 : memref<1x1x64xi32, #tpu.memory_space<vmem>> -> memref<64xi32, #tpu.memory_space<vmem>>
      %dma_wait3A_392 = arith.constant 0 : i32
      %dma_wait3A_393 = arith.constant 0 : i32
      %dma_wait3A_394 = tpu.memref_slice %arg6[%dma_wait3A_392, %dma_wait3A_393] : memref<10008x128xf32, #tpu.memory_space<vmem_shared>> -> memref<10008x128xf32, #tpu.memory_space<vmem_shared>>
      tpu.wait_indirect_dma semaphore(%arg26 : memref<!tpu.dma_semaphore, #tpu.memory_space<semaphore_mem>>) src(%arg11 : memref<64x128xf32, #tpu.memory_space<vmem>>) dst(%dma_wait3A_394 : memref<10008x128xf32, #tpu.memory_space<vmem_shared>>)
      %dma_start3A_395 = arith.constant 3 : i32
      %dma_start3A_396 = arith.constant 0 : i32
      %dma_start3A_397 = arith.constant 0 : i32
      %dma_start3A_398 = tpu.memref_slice %arg8[%dma_start3A_395, %dma_start3A_396, %dma_start3A_397] : memref<8x2x64xi32, #tpu.memory_space<vmem>> -> memref<1x1x64xi32, #tpu.memory_space<vmem>>
      %dma_start3A_399 = tpu.memref_squeeze %dma_start3A_398 : memref<1x1x64xi32, #tpu.memory_space<vmem>> -> memref<64xi32, #tpu.memory_space<vmem>>
      %dma_start3A_400 = arith.constant 0 : i32
      %dma_start3A_401 = arith.constant 0 : i32
      %dma_start3A_402 = tpu.memref_slice %arg3[%dma_start3A_400, %dma_start3A_401] : memref<10000x128xf32, #tpu.memory_space<hbm>> -> memref<10000x128xf32, #tpu.memory_space<hbm>>
      tpu.enqueue_indirect_dma source(%dma_start3A_402 : memref<10000x128xf32, #tpu.memory_space<hbm>>) target(%arg14 : memref<64x128xf32, #tpu.memory_space<vmem>>) offsets(%dma_start3A_399 : memref<64xi32, #tpu.memory_space<vmem>>) semaphore(%arg22 : memref<!tpu.dma_semaphore, #tpu.memory_space<semaphore_mem>>)
      %mul3A_403 = arith.constant 4 : i32
      %mul3A_404 = arith.muli %scan3A_115, %mul3A_403 : i32
      %add3A_405 = arith.constant 1 : i32
      %add3A_406 = arith.addi %mul3A_404, %add3A_405 : i32
      %add3A_407 = arith.constant 1 : i32
      %add3A_408 = arith.addi %add3A_406, %add3A_407 : i32
      %mul3A_409 = arith.constant 8 : i32
      %mul3A_410 = arith.muli %add3A_408, %mul3A_409 : i32
      %mul3A_411 = arith.constant 320 : i32
      %mul3A_412 = arith.muli %arg1, %mul3A_411 : i32
      %add3A_413 = arith.addi %mul3A_412, %mul3A_410 : i32
      %dma_start3A_414 = arith.constant 0 : i32
      %dma_start3A_415 = arith.constant 0 : i32
      %dma_start3A_416 = tpu.memref_slice %arg2[%arg0, %add3A_413, %dma_start3A_414, %dma_start3A_415] : memref<2x5120x2x64xi32, #tpu.memory_space<hbm>> -> memref<1x8x2x64xi32, #tpu.memory_space<hbm>>
      %dma_start3A_417 = tpu.memref_squeeze %dma_start3A_416 : memref<1x8x2x64xi32, #tpu.memory_space<hbm>> -> memref<8x2x64xi32, #tpu.memory_space<hbm>>
      %dma_start3A_418 = arith.constant 0 : i32
      %dma_start3A_419 = arith.constant 0 : i32
      %dma_start3A_420 = tpu.memref_slice %arg2[%arg0, %add3A_413, %dma_start3A_418, %dma_start3A_419] : memref<2x5120x2x64xi32, #tpu.memory_space<hbm>> -> memref<1x8x2x64xi32, #tpu.memory_space<hbm>>
      %dma_start3A_421 = tpu.memref_squeeze %dma_start3A_420 : memref<1x8x2x64xi32, #tpu.memory_space<hbm>> -> memref<8x2x64xi32, #tpu.memory_space<hbm>>
      tpu.enqueue_dma source(%dma_start3A_421 : memref<8x2x64xi32, #tpu.memory_space<hbm>>) target(%arg9 : memref<8x2x64xi32, #tpu.memory_space<vmem>>) target_semaphore(%arg17 : memref<!tpu.dma_semaphore, #tpu.memory_space<semaphore_mem>>)
      %dma_wait3A_422 = arith.constant 0 : i32
      %dma_wait3A_423 = arith.constant 0 : i32
      %dma_wait3A_424 = arith.constant 0 : i32
      %dma_wait3A_425 = tpu.memref_slice %arg7[%dma_wait3A_422, %dma_wait3A_423, %dma_wait3A_424] : memref<8x2x64xi32, #tpu.memory_space<vmem>> -> memref<1x1x64xi32, #tpu.memory_space<vmem>>
      %dma_wait3A_426 = tpu.memref_squeeze %dma_wait3A_425 : memref<1x1x64xi32, #tpu.memory_space<vmem>> -> memref<64xi32, #tpu.memory_space<vmem>>
      %dma_wait3A_427 = arith.constant 0 : i32
      %dma_wait3A_428 = arith.constant 0 : i32
      %dma_wait3A_429 = tpu.memref_slice %arg3[%dma_wait3A_427, %dma_wait3A_428] : memref<10000x128xf32, #tpu.memory_space<hbm>> -> memref<10000x128xf32, #tpu.memory_space<hbm>>
      tpu.wait_indirect_dma semaphore(%arg19 : memref<!tpu.dma_semaphore, #tpu.memory_space<semaphore_mem>>) src(%dma_wait3A_429 : memref<10000x128xf32, #tpu.memory_space<hbm>>) dst(%arg11 : memref<64x128xf32, #tpu.memory_space<vmem>>)
      %dma_start3A_430 = arith.constant 0 : i32
      %dma_start3A_431 = arith.constant 1 : i32
      %dma_start3A_432 = arith.constant 0 : i32
      %dma_start3A_433 = tpu.memref_slice %arg8[%dma_start3A_430, %dma_start3A_431, %dma_start3A_432] : memref<8x2x64xi32, #tpu.memory_space<vmem>> -> memref<1x1x64xi32, #tpu.memory_space<vmem>>
      %dma_start3A_434 = tpu.memref_squeeze %dma_start3A_433 : memref<1x1x64xi32, #tpu.memory_space<vmem>> -> memref<64xi32, #tpu.memory_space<vmem>>
      %dma_start3A_435 = arith.constant 0 : i32
      %dma_start3A_436 = arith.constant 0 : i32
      %dma_start3A_437 = tpu.memref_slice %arg6[%dma_start3A_435, %dma_start3A_436] : memref<10008x128xf32, #tpu.memory_space<vmem_shared>> -> memref<10008x128xf32, #tpu.memory_space<vmem_shared>>
      tpu.enqueue_indirect_dma source(%arg11 : memref<64x128xf32, #tpu.memory_space<vmem>>) target(%dma_start3A_437 : memref<10008x128xf32, #tpu.memory_space<vmem_shared>>) offsets(%dma_start3A_434 : memref<64xi32, #tpu.memory_space<vmem>>) semaphore(%arg23 : memref<!tpu.dma_semaphore, #tpu.memory_space<semaphore_mem>>) {add = true}
      %dma_wait3A_438 = arith.constant 0 : i32
      %dma_wait3A_439 = arith.constant 1 : i32
      %dma_wait3A_440 = arith.constant 0 : i32
      %dma_wait3A_441 = tpu.memref_slice %arg7[%dma_wait3A_438, %dma_wait3A_439, %dma_wait3A_440] : memref<8x2x64xi32, #tpu.memory_space<vmem>> -> memref<1x1x64xi32, #tpu.memory_space<vmem>>
      %dma_wait3A_442 = tpu.memref_squeeze %dma_wait3A_441 : memref<1x1x64xi32, #tpu.memory_space<vmem>> -> memref<64xi32, #tpu.memory_space<vmem>>
      %dma_wait3A_443 = arith.constant 0 : i32
      %dma_wait3A_444 = arith.constant 0 : i32
      %dma_wait3A_445 = tpu.memref_slice %arg6[%dma_wait3A_443, %dma_wait3A_444] : memref<10008x128xf32, #tpu.memory_space<vmem_shared>> -> memref<10008x128xf32, #tpu.memory_space<vmem_shared>>
      tpu.wait_indirect_dma semaphore(%arg23 : memref<!tpu.dma_semaphore, #tpu.memory_space<semaphore_mem>>) src(%arg11 : memref<64x128xf32, #tpu.memory_space<vmem>>) dst(%dma_wait3A_445 : memref<10008x128xf32, #tpu.memory_space<vmem_shared>>)
      %dma_start3A_446 = arith.constant 4 : i32
      %dma_start3A_447 = arith.constant 0 : i32
      %dma_start3A_448 = arith.constant 0 : i32
      %dma_start3A_449 = tpu.memref_slice %arg8[%dma_start3A_446, %dma_start3A_447, %dma_start3A_448] : memref<8x2x64xi32, #tpu.memory_space<vmem>> -> memref<1x1x64xi32, #tpu.memory_space<vmem>>
      %dma_start3A_450 = tpu.memref_squeeze %dma_start3A_449 : memref<1x1x64xi32, #tpu.memory_space<vmem>> -> memref<64xi32, #tpu.memory_space<vmem>>
      %dma_start3A_451 = arith.constant 0 : i32
      %dma_start3A_452 = arith.constant 0 : i32
      %dma_start3A_453 = tpu.memref_slice %arg3[%dma_start3A_451, %dma_start3A_452] : memref<10000x128xf32, #tpu.memory_space<hbm>> -> memref<10000x128xf32, #tpu.memory_space<hbm>>
      tpu.enqueue_indirect_dma source(%dma_start3A_453 : memref<10000x128xf32, #tpu.memory_space<hbm>>) target(%arg11 : memref<64x128xf32, #tpu.memory_space<vmem>>) offsets(%dma_start3A_450 : memref<64xi32, #tpu.memory_space<vmem>>) semaphore(%arg19 : memref<!tpu.dma_semaphore, #tpu.memory_space<semaphore_mem>>)
      %dma_wait3A_454 = arith.constant 0 : i32
      %dma_wait3A_455 = arith.constant 0 : i32
      %dma_wait3A_456 = arith.constant 0 : i32
      %dma_wait3A_457 = tpu.memref_slice %arg7[%dma_wait3A_454, %dma_wait3A_455, %dma_wait3A_456] : memref<8x2x64xi32, #tpu.memory_space<vmem>> -> memref<1x1x64xi32, #tpu.memory_space<vmem>>
      %dma_wait3A_458 = tpu.memref_squeeze %dma_wait3A_457 : memref<1x1x64xi32, #tpu.memory_space<vmem>> -> memref<64xi32, #tpu.memory_space<vmem>>
      %dma_wait3A_459 = arith.constant 0 : i32
      %dma_wait3A_460 = arith.constant 0 : i32
      %dma_wait3A_461 = tpu.memref_slice %arg3[%dma_wait3A_459, %dma_wait3A_460] : memref<10000x128xf32, #tpu.memory_space<hbm>> -> memref<10000x128xf32, #tpu.memory_space<hbm>>
      tpu.wait_indirect_dma semaphore(%arg20 : memref<!tpu.dma_semaphore, #tpu.memory_space<semaphore_mem>>) src(%dma_wait3A_461 : memref<10000x128xf32, #tpu.memory_space<hbm>>) dst(%arg12 : memref<64x128xf32, #tpu.memory_space<vmem>>)
      %dma_start3A_462 = arith.constant 1 : i32
      %dma_start3A_463 = arith.constant 1 : i32
      %dma_start3A_464 = arith.constant 0 : i32
      %dma_start3A_465 = tpu.memref_slice %arg8[%dma_start3A_462, %dma_start3A_463, %dma_start3A_464] : memref<8x2x64xi32, #tpu.memory_space<vmem>> -> memref<1x1x64xi32, #tpu.memory_space<vmem>>
      %dma_start3A_466 = tpu.memref_squeeze %dma_start3A_465 : memref<1x1x64xi32, #tpu.memory_space<vmem>> -> memref<64xi32, #tpu.memory_space<vmem>>
      %dma_start3A_467 = arith.constant 0 : i32
      %dma_start3A_468 = arith.constant 0 : i32
      %dma_start3A_469 = tpu.memref_slice %arg6[%dma_start3A_467, %dma_start3A_468] : memref<10008x128xf32, #tpu.memory_space<vmem_shared>> -> memref<10008x128xf32, #tpu.memory_space<vmem_shared>>
      tpu.enqueue_indirect_dma source(%arg12 : memref<64x128xf32, #tpu.memory_space<vmem>>) target(%dma_start3A_469 : memref<10008x128xf32, #tpu.memory_space<vmem_shared>>) offsets(%dma_start3A_466 : memref<64xi32, #tpu.memory_space<vmem>>) semaphore(%arg24 : memref<!tpu.dma_semaphore, #tpu.memory_space<semaphore_mem>>) {add = true}
      %dma_wait3A_470 = arith.constant 0 : i32
      %dma_wait3A_471 = arith.constant 1 : i32
      %dma_wait3A_472 = arith.constant 0 : i32
      %dma_wait3A_473 = tpu.memref_slice %arg7[%dma_wait3A_470, %dma_wait3A_471, %dma_wait3A_472] : memref<8x2x64xi32, #tpu.memory_space<vmem>> -> memref<1x1x64xi32, #tpu.memory_space<vmem>>
      %dma_wait3A_474 = tpu.memref_squeeze %dma_wait3A_473 : memref<1x1x64xi32, #tpu.memory_space<vmem>> -> memref<64xi32, #tpu.memory_space<vmem>>
      %dma_wait3A_475 = arith.constant 0 : i32
      %dma_wait3A_476 = arith.constant 0 : i32
      %dma_wait3A_477 = tpu.memref_slice %arg6[%dma_wait3A_475, %dma_wait3A_476] : memref<10008x128xf32, #tpu.memory_space<vmem_shared>> -> memref<10008x128xf32, #tpu.memory_space<vmem_shared>>
      tpu.wait_indirect_dma semaphore(%arg24 : memref<!tpu.dma_semaphore, #tpu.memory_space<semaphore_mem>>) src(%arg11 : memref<64x128xf32, #tpu.memory_space<vmem>>) dst(%dma_wait3A_477 : memref<10008x128xf32, #tpu.memory_space<vmem_shared>>)
      %dma_start3A_478 = arith.constant 5 : i32
      %dma_start3A_479 = arith.constant 0 : i32
      %dma_start3A_480 = arith.constant 0 : i32
      %dma_start3A_481 = tpu.memref_slice %arg8[%dma_start3A_478, %dma_start3A_479, %dma_start3A_480] : memref<8x2x64xi32, #tpu.memory_space<vmem>> -> memref<1x1x64xi32, #tpu.memory_space<vmem>>
      %dma_start3A_482 = tpu.memref_squeeze %dma_start3A_481 : memref<1x1x64xi32, #tpu.memory_space<vmem>> -> memref<64xi32, #tpu.memory_space<vmem>>
      %dma_start3A_483 = arith.constant 0 : i32
      %dma_start3A_484 = arith.constant 0 : i32
      %dma_start3A_485 = tpu.memref_slice %arg3[%dma_start3A_483, %dma_start3A_484] : memref<10000x128xf32, #tpu.memory_space<hbm>> -> memref<10000x128xf32, #tpu.memory_space<hbm>>
      tpu.enqueue_indirect_dma source(%dma_start3A_485 : memref<10000x128xf32, #tpu.memory_space<hbm>>) target(%arg12 : memref<64x128xf32, #tpu.memory_space<vmem>>) offsets(%dma_start3A_482 : memref<64xi32, #tpu.memory_space<vmem>>) semaphore(%arg20 : memref<!tpu.dma_semaphore, #tpu.memory_space<semaphore_mem>>)
      %dma_wait3A_486 = arith.constant 0 : i32
      %dma_wait3A_487 = arith.constant 0 : i32
      %dma_wait3A_488 = arith.constant 0 : i32
      %dma_wait3A_489 = tpu.memref_slice %arg7[%dma_wait3A_486, %dma_wait3A_487, %dma_wait3A_488] : memref<8x2x64xi32, #tpu.memory_space<vmem>> -> memref<1x1x64xi32, #tpu.memory_space<vmem>>
      %dma_wait3A_490 = tpu.memref_squeeze %dma_wait3A_489 : memref<1x1x64xi32, #tpu.memory_space<vmem>> -> memref<64xi32, #tpu.memory_space<vmem>>
      %dma_wait3A_491 = arith.constant 0 : i32
      %dma_wait3A_492 = arith.constant 0 : i32
      %dma_wait3A_493 = tpu.memref_slice %arg3[%dma_wait3A_491, %dma_wait3A_492] : memref<10000x128xf32, #tpu.memory_space<hbm>> -> memref<10000x128xf32, #tpu.memory_space<hbm>>
      tpu.wait_indirect_dma semaphore(%arg21 : memref<!tpu.dma_semaphore, #tpu.memory_space<semaphore_mem>>) src(%dma_wait3A_493 : memref<10000x128xf32, #tpu.memory_space<hbm>>) dst(%arg13 : memref<64x128xf32, #tpu.memory_space<vmem>>)
      %dma_start3A_494 = arith.constant 2 : i32
      %dma_start3A_495 = arith.constant 1 : i32
      %dma_start3A_496 = arith.constant 0 : i32
      %dma_start3A_497 = tpu.memref_slice %arg8[%dma_start3A_494, %dma_start3A_495, %dma_start3A_496] : memref<8x2x64xi32, #tpu.memory_space<vmem>> -> memref<1x1x64xi32, #tpu.memory_space<vmem>>
      %dma_start3A_498 = tpu.memref_squeeze %dma_start3A_497 : memref<1x1x64xi32, #tpu.memory_space<vmem>> -> memref<64xi32, #tpu.memory_space<vmem>>
      %dma_start3A_499 = arith.constant 0 : i32
      %dma_start3A_500 = arith.constant 0 : i32
      %dma_start3A_501 = tpu.memref_slice %arg6[%dma_start3A_499, %dma_start3A_500] : memref<10008x128xf32, #tpu.memory_space<vmem_shared>> -> memref<10008x128xf32, #tpu.memory_space<vmem_shared>>
      tpu.enqueue_indirect_dma source(%arg13 : memref<64x128xf32, #tpu.memory_space<vmem>>) target(%dma_start3A_501 : memref<10008x128xf32, #tpu.memory_space<vmem_shared>>) offsets(%dma_start3A_498 : memref<64xi32, #tpu.memory_space<vmem>>) semaphore(%arg25 : memref<!tpu.dma_semaphore, #tpu.memory_space<semaphore_mem>>) {add = true}
      %dma_wait3A_502 = arith.constant 0 : i32
      %dma_wait3A_503 = arith.constant 1 : i32
      %dma_wait3A_504 = arith.constant 0 : i32
      %dma_wait3A_505 = tpu.memref_slice %arg7[%dma_wait3A_502, %dma_wait3A_503, %dma_wait3A_504] : memref<8x2x64xi32, #tpu.memory_space<vmem>> -> memref<1x1x64xi32, #tpu.memory_space<vmem>>
      %dma_wait3A_506 = tpu.memref_squeeze %dma_wait3A_505 : memref<1x1x64xi32, #tpu.memory_space<vmem>> -> memref<64xi32, #tpu.memory_space<vmem>>
      %dma_wait3A_507 = arith.constant 0 : i32
      %dma_wait3A_508 = arith.constant 0 : i32
      %dma_wait3A_509 = tpu.memref_slice %arg6[%dma_wait3A_507, %dma_wait3A_508] : memref<10008x128xf32, #tpu.memory_space<vmem_shared>> -> memref<10008x128xf32, #tpu.memory_space<vmem_shared>>
      tpu.wait_indirect_dma semaphore(%arg25 : memref<!tpu.dma_semaphore, #tpu.memory_space<semaphore_mem>>) src(%arg11 : memref<64x128xf32, #tpu.memory_space<vmem>>) dst(%dma_wait3A_509 : memref<10008x128xf32, #tpu.memory_space<vmem_shared>>)
      %dma_start3A_510 = arith.constant 6 : i32
      %dma_start3A_511 = arith.constant 0 : i32
      %dma_start3A_512 = arith.constant 0 : i32
      %dma_start3A_513 = tpu.memref_slice %arg8[%dma_start3A_510, %dma_start3A_511, %dma_start3A_512] : memref<8x2x64xi32, #tpu.memory_space<vmem>> -> memref<1x1x64xi32, #tpu.memory_space<vmem>>
      %dma_start3A_514 = tpu.memref_squeeze %dma_start3A_513 : memref<1x1x64xi32, #tpu.memory_space<vmem>> -> memref<64xi32, #tpu.memory_space<vmem>>
      %dma_start3A_515 = arith.constant 0 : i32
      %dma_start3A_516 = arith.constant 0 : i32
      %dma_start3A_517 = tpu.memref_slice %arg3[%dma_start3A_515, %dma_start3A_516] : memref<10000x128xf32, #tpu.memory_space<hbm>> -> memref<10000x128xf32, #tpu.memory_space<hbm>>
      tpu.enqueue_indirect_dma source(%dma_start3A_517 : memref<10000x128xf32, #tpu.memory_space<hbm>>) target(%arg13 : memref<64x128xf32, #tpu.memory_space<vmem>>) offsets(%dma_start3A_514 : memref<64xi32, #tpu.memory_space<vmem>>) semaphore(%arg21 : memref<!tpu.dma_semaphore, #tpu.memory_space<semaphore_mem>>)
      %dma_wait3A_518 = arith.constant 0 : i32
      %dma_wait3A_519 = arith.constant 0 : i32
      %dma_wait3A_520 = arith.constant 0 : i32
      %dma_wait3A_521 = tpu.memref_slice %arg7[%dma_wait3A_518, %dma_wait3A_519, %dma_wait3A_520] : memref<8x2x64xi32, #tpu.memory_space<vmem>> -> memref<1x1x64xi32, #tpu.memory_space<vmem>>
      %dma_wait3A_522 = tpu.memref_squeeze %dma_wait3A_521 : memref<1x1x64xi32, #tpu.memory_space<vmem>> -> memref<64xi32, #tpu.memory_space<vmem>>
      %dma_wait3A_523 = arith.constant 0 : i32
      %dma_wait3A_524 = arith.constant 0 : i32
      %dma_wait3A_525 = tpu.memref_slice %arg3[%dma_wait3A_523, %dma_wait3A_524] : memref<10000x128xf32, #tpu.memory_space<hbm>> -> memref<10000x128xf32, #tpu.memory_space<hbm>>
      tpu.wait_indirect_dma semaphore(%arg22 : memref<!tpu.dma_semaphore, #tpu.memory_space<semaphore_mem>>) src(%dma_wait3A_525 : memref<10000x128xf32, #tpu.memory_space<hbm>>) dst(%arg14 : memref<64x128xf32, #tpu.memory_space<vmem>>)
      %dma_start3A_526 = arith.constant 3 : i32
      %dma_start3A_527 = arith.constant 1 : i32
      %dma_start3A_528 = arith.constant 0 : i32
      %dma_start3A_529 = tpu.memref_slice %arg8[%dma_start3A_526, %dma_start3A_527, %dma_start3A_528] : memref<8x2x64xi32, #tpu.memory_space<vmem>> -> memref<1x1x64xi32, #tpu.memory_space<vmem>>
      %dma_start3A_530 = tpu.memref_squeeze %dma_start3A_529 : memref<1x1x64xi32, #tpu.memory_space<vmem>> -> memref<64xi32, #tpu.memory_space<vmem>>
      %dma_start3A_531 = arith.constant 0 : i32
      %dma_start3A_532 = arith.constant 0 : i32
      %dma_start3A_533 = tpu.memref_slice %arg6[%dma_start3A_531, %dma_start3A_532] : memref<10008x128xf32, #tpu.memory_space<vmem_shared>> -> memref<10008x128xf32, #tpu.memory_space<vmem_shared>>
      tpu.enqueue_indirect_dma source(%arg14 : memref<64x128xf32, #tpu.memory_space<vmem>>) target(%dma_start3A_533 : memref<10008x128xf32, #tpu.memory_space<vmem_shared>>) offsets(%dma_start3A_530 : memref<64xi32, #tpu.memory_space<vmem>>) semaphore(%arg26 : memref<!tpu.dma_semaphore, #tpu.memory_space<semaphore_mem>>) {add = true}
      %dma_wait3A_534 = arith.constant 0 : i32
      %dma_wait3A_535 = arith.constant 1 : i32
      %dma_wait3A_536 = arith.constant 0 : i32
      %dma_wait3A_537 = tpu.memref_slice %arg7[%dma_wait3A_534, %dma_wait3A_535, %dma_wait3A_536] : memref<8x2x64xi32, #tpu.memory_space<vmem>> -> memref<1x1x64xi32, #tpu.memory_space<vmem>>
      %dma_wait3A_538 = tpu.memref_squeeze %dma_wait3A_537 : memref<1x1x64xi32, #tpu.memory_space<vmem>> -> memref<64xi32, #tpu.memory_space<vmem>>
      %dma_wait3A_539 = arith.constant 0 : i32
      %dma_wait3A_540 = arith.constant 0 : i32
      %dma_wait3A_541 = tpu.memref_slice %arg6[%dma_wait3A_539, %dma_wait3A_540] : memref<10008x128xf32, #tpu.memory_space<vmem_shared>> -> memref<10008x128xf32, #tpu.memory_space<vmem_shared>>
      tpu.wait_indirect_dma semaphore(%arg26 : memref<!tpu.dma_semaphore, #tpu.memory_space<semaphore_mem>>) src(%arg11 : memref<64x128xf32, #tpu.memory_space<vmem>>) dst(%dma_wait3A_541 : memref<10008x128xf32, #tpu.memory_space<vmem_shared>>)
      %dma_start3A_542 = arith.constant 7 : i32
      %dma_start3A_543 = arith.constant 0 : i32
      %dma_start3A_544 = arith.constant 0 : i32
      %dma_start3A_545 = tpu.memref_slice %arg8[%dma_start3A_542, %dma_start3A_543, %dma_start3A_544] : memref<8x2x64xi32, #tpu.memory_space<vmem>> -> memref<1x1x64xi32, #tpu.memory_space<vmem>>
      %dma_start3A_546 = tpu.memref_squeeze %dma_start3A_545 : memref<1x1x64xi32, #tpu.memory_space<vmem>> -> memref<64xi32, #tpu.memory_space<vmem>>
      %dma_start3A_547 = arith.constant 0 : i32
      %dma_start3A_548 = arith.constant 0 : i32
      %dma_start3A_549 = tpu.memref_slice %arg3[%dma_start3A_547, %dma_start3A_548] : memref<10000x128xf32, #tpu.memory_space<hbm>> -> memref<10000x128xf32, #tpu.memory_space<hbm>>
      tpu.enqueue_indirect_dma source(%dma_start3A_549 : memref<10000x128xf32, #tpu.memory_space<hbm>>) target(%arg14 : memref<64x128xf32, #tpu.memory_space<vmem>>) offsets(%dma_start3A_546 : memref<64xi32, #tpu.memory_space<vmem>>) semaphore(%arg22 : memref<!tpu.dma_semaphore, #tpu.memory_space<semaphore_mem>>)
      %dma_wait3A_550 = arith.constant 0 : i32
      %dma_wait3A_551 = arith.constant 0 : i32
      %dma_wait3A_552 = arith.constant 0 : i32
      %dma_wait3A_553 = tpu.memref_slice %arg7[%dma_wait3A_550, %dma_wait3A_551, %dma_wait3A_552] : memref<8x2x64xi32, #tpu.memory_space<vmem>> -> memref<1x1x64xi32, #tpu.memory_space<vmem>>
      %dma_wait3A_554 = tpu.memref_squeeze %dma_wait3A_553 : memref<1x1x64xi32, #tpu.memory_space<vmem>> -> memref<64xi32, #tpu.memory_space<vmem>>
      %dma_wait3A_555 = arith.constant 0 : i32
      %dma_wait3A_556 = arith.constant 0 : i32
      %dma_wait3A_557 = tpu.memref_slice %arg3[%dma_wait3A_555, %dma_wait3A_556] : memref<10000x128xf32, #tpu.memory_space<hbm>> -> memref<10000x128xf32, #tpu.memory_space<hbm>>
      tpu.wait_indirect_dma semaphore(%arg19 : memref<!tpu.dma_semaphore, #tpu.memory_space<semaphore_mem>>) src(%dma_wait3A_557 : memref<10000x128xf32, #tpu.memory_space<hbm>>) dst(%arg11 : memref<64x128xf32, #tpu.memory_space<vmem>>)
      %dma_start3A_558 = arith.constant 4 : i32
      %dma_start3A_559 = arith.constant 1 : i32
      %dma_start3A_560 = arith.constant 0 : i32
      %dma_start3A_561 = tpu.memref_slice %arg8[%dma_start3A_558, %dma_start3A_559, %dma_start3A_560] : memref<8x2x64xi32, #tpu.memory_space<vmem>> -> memref<1x1x64xi32, #tpu.memory_space<vmem>>
      %dma_start3A_562 = tpu.memref_squeeze %dma_start3A_561 : memref<1x1x64xi32, #tpu.memory_space<vmem>> -> memref<64xi32, #tpu.memory_space<vmem>>
      %dma_start3A_563 = arith.constant 0 : i32
      %dma_start3A_564 = arith.constant 0 : i32
      %dma_start3A_565 = tpu.memref_slice %arg6[%dma_start3A_563, %dma_start3A_564] : memref<10008x128xf32, #tpu.memory_space<vmem_shared>> -> memref<10008x128xf32, #tpu.memory_space<vmem_shared>>
      tpu.enqueue_indirect_dma source(%arg11 : memref<64x128xf32, #tpu.memory_space<vmem>>) target(%dma_start3A_565 : memref<10008x128xf32, #tpu.memory_space<vmem_shared>>) offsets(%dma_start3A_562 : memref<64xi32, #tpu.memory_space<vmem>>) semaphore(%arg23 : memref<!tpu.dma_semaphore, #tpu.memory_space<semaphore_mem>>) {add = true}
      %mul3A_566 = arith.constant 320 : i32
      %mul3A_567 = arith.muli %arg1, %mul3A_566 : i32
      %add3A_568 = arith.constant 0 : i32
      %add3A_569 = arith.addi %mul3A_567, %add3A_568 : i32
      %dma_wait3A_570 = arith.constant 0 : i32
      %dma_wait3A_571 = arith.constant 0 : i32
      %dma_wait3A_572 = tpu.memref_slice %arg2[%arg0, %add3A_569, %dma_wait3A_570, %dma_wait3A_571] : memref<2x5120x2x64xi32, #tpu.memory_space<hbm>> -> memref<1x8x2x64xi32, #tpu.memory_space<hbm>>
      %dma_wait3A_573 = tpu.memref_squeeze %dma_wait3A_572 : memref<1x8x2x64xi32, #tpu.memory_space<hbm>> -> memref<8x2x64xi32, #tpu.memory_space<hbm>>
      %dma_wait3A_574 = arith.constant 0 : i32
      %dma_wait3A_575 = arith.constant 0 : i32
      %dma_wait3A_576 = tpu.memref_slice %arg2[%arg0, %add3A_569, %dma_wait3A_574, %dma_wait3A_575] : memref<2x5120x2x64xi32, #tpu.memory_space<hbm>> -> memref<1x8x2x64xi32, #tpu.memory_space<hbm>>
      %dma_wait3A_577 = tpu.memref_squeeze %dma_wait3A_576 : memref<1x8x2x64xi32, #tpu.memory_space<hbm>> -> memref<8x2x64xi32, #tpu.memory_space<hbm>>
      tpu.wait_dma2 semaphore(%arg17 : memref<!tpu.dma_semaphore, #tpu.memory_space<semaphore_mem>>) src(%dma_wait3A_577 : memref<8x2x64xi32, #tpu.memory_space<hbm>>) dst(%arg9 : memref<8x2x64xi32, #tpu.memory_space<vmem>>)
      %dma_wait3A_578 = arith.constant 0 : i32
      %dma_wait3A_579 = arith.constant 1 : i32
      %dma_wait3A_580 = arith.constant 0 : i32
      %dma_wait3A_581 = tpu.memref_slice %arg7[%dma_wait3A_578, %dma_wait3A_579, %dma_wait3A_580] : memref<8x2x64xi32, #tpu.memory_space<vmem>> -> memref<1x1x64xi32, #tpu.memory_space<vmem>>
      %dma_wait3A_582 = tpu.memref_squeeze %dma_wait3A_581 : memref<1x1x64xi32, #tpu.memory_space<vmem>> -> memref<64xi32, #tpu.memory_space<vmem>>
      %dma_wait3A_583 = arith.constant 0 : i32
      %dma_wait3A_584 = arith.constant 0 : i32
      %dma_wait3A_585 = tpu.memref_slice %arg6[%dma_wait3A_583, %dma_wait3A_584] : memref<10008x128xf32, #tpu.memory_space<vmem_shared>> -> memref<10008x128xf32, #tpu.memory_space<vmem_shared>>
      tpu.wait_indirect_dma semaphore(%arg23 : memref<!tpu.dma_semaphore, #tpu.memory_space<semaphore_mem>>) src(%arg11 : memref<64x128xf32, #tpu.memory_space<vmem>>) dst(%dma_wait3A_585 : memref<10008x128xf32, #tpu.memory_space<vmem_shared>>)
      %dma_start3A_586 = arith.constant 0 : i32
      %dma_start3A_587 = arith.constant 0 : i32
      %dma_start3A_588 = arith.constant 0 : i32
      %dma_start3A_589 = tpu.memref_slice %arg9[%dma_start3A_586, %dma_start3A_587, %dma_start3A_588] : memref<8x2x64xi32, #tpu.memory_space<vmem>> -> memref<1x1x64xi32, #tpu.memory_space<vmem>>
      %dma_start3A_590 = tpu.memref_squeeze %dma_start3A_589 : memref<1x1x64xi32, #tpu.memory_space<vmem>> -> memref<64xi32, #tpu.memory_space<vmem>>
      %dma_start3A_591 = arith.constant 0 : i32
      %dma_start3A_592 = arith.constant 0 : i32
      %dma_start3A_593 = tpu.memref_slice %arg3[%dma_start3A_591, %dma_start3A_592] : memref<10000x128xf32, #tpu.memory_space<hbm>> -> memref<10000x128xf32, #tpu.memory_space<hbm>>
      tpu.enqueue_indirect_dma source(%dma_start3A_593 : memref<10000x128xf32, #tpu.memory_space<hbm>>) target(%arg11 : memref<64x128xf32, #tpu.memory_space<vmem>>) offsets(%dma_start3A_590 : memref<64xi32, #tpu.memory_space<vmem>>) semaphore(%arg19 : memref<!tpu.dma_semaphore, #tpu.memory_space<semaphore_mem>>)
      %dma_wait3A_594 = arith.constant 0 : i32
      %dma_wait3A_595 = arith.constant 0 : i32
      %dma_wait3A_596 = arith.constant 0 : i32
      %dma_wait3A_597 = tpu.memref_slice %arg7[%dma_wait3A_594, %dma_wait3A_595, %dma_wait3A_596] : memref<8x2x64xi32, #tpu.memory_space<vmem>> -> memref<1x1x64xi32, #tpu.memory_space<vmem>>
      %dma_wait3A_598 = tpu.memref_squeeze %dma_wait3A_597 : memref<1x1x64xi32, #tpu.memory_space<vmem>> -> memref<64xi32, #tpu.memory_space<vmem>>
      %dma_wait3A_599 = arith.constant 0 : i32
      %dma_wait3A_600 = arith.constant 0 : i32
      %dma_wait3A_601 = tpu.memref_slice %arg3[%dma_wait3A_599, %dma_wait3A_600] : memref<10000x128xf32, #tpu.memory_space<hbm>> -> memref<10000x128xf32, #tpu.memory_space<hbm>>
      tpu.wait_indirect_dma semaphore(%arg20 : memref<!tpu.dma_semaphore, #tpu.memory_space<semaphore_mem>>) src(%dma_wait3A_601 : memref<10000x128xf32, #tpu.memory_space<hbm>>) dst(%arg12 : memref<64x128xf32, #tpu.memory_space<vmem>>)
      %dma_start3A_602 = arith.constant 5 : i32
      %dma_start3A_603 = arith.constant 1 : i32
      %dma_start3A_604 = arith.constant 0 : i32
      %dma_start3A_605 = tpu.memref_slice %arg8[%dma_start3A_602, %dma_start3A_603, %dma_start3A_604] : memref<8x2x64xi32, #tpu.memory_space<vmem>> -> memref<1x1x64xi32, #tpu.memory_space<vmem>>
      %dma_start3A_606 = tpu.memref_squeeze %dma_start3A_605 : memref<1x1x64xi32, #tpu.memory_space<vmem>> -> memref<64xi32, #tpu.memory_space<vmem>>
      %dma_start3A_607 = arith.constant 0 : i32
      %dma_start3A_608 = arith.constant 0 : i32
      %dma_start3A_609 = tpu.memref_slice %arg6[%dma_start3A_607, %dma_start3A_608] : memref<10008x128xf32, #tpu.memory_space<vmem_shared>> -> memref<10008x128xf32, #tpu.memory_space<vmem_shared>>
      tpu.enqueue_indirect_dma source(%arg12 : memref<64x128xf32, #tpu.memory_space<vmem>>) target(%dma_start3A_609 : memref<10008x128xf32, #tpu.memory_space<vmem_shared>>) offsets(%dma_start3A_606 : memref<64xi32, #tpu.memory_space<vmem>>) semaphore(%arg24 : memref<!tpu.dma_semaphore, #tpu.memory_space<semaphore_mem>>) {add = true}
      %dma_wait3A_610 = arith.constant 0 : i32
      %dma_wait3A_611 = arith.constant 1 : i32
      %dma_wait3A_612 = arith.constant 0 : i32
      %dma_wait3A_613 = tpu.memref_slice %arg7[%dma_wait3A_610, %dma_wait3A_611, %dma_wait3A_612] : memref<8x2x64xi32, #tpu.memory_space<vmem>> -> memref<1x1x64xi32, #tpu.memory_space<vmem>>
      %dma_wait3A_614 = tpu.memref_squeeze %dma_wait3A_613 : memref<1x1x64xi32, #tpu.memory_space<vmem>> -> memref<64xi32, #tpu.memory_space<vmem>>
      %dma_wait3A_615 = arith.constant 0 : i32
      %dma_wait3A_616 = arith.constant 0 : i32
      %dma_wait3A_617 = tpu.memref_slice %arg6[%dma_wait3A_615, %dma_wait3A_616] : memref<10008x128xf32, #tpu.memory_space<vmem_shared>> -> memref<10008x128xf32, #tpu.memory_space<vmem_shared>>
      tpu.wait_indirect_dma semaphore(%arg24 : memref<!tpu.dma_semaphore, #tpu.memory_space<semaphore_mem>>) src(%arg11 : memref<64x128xf32, #tpu.memory_space<vmem>>) dst(%dma_wait3A_617 : memref<10008x128xf32, #tpu.memory_space<vmem_shared>>)
      %dma_start3A_618 = arith.constant 1 : i32
      %dma_start3A_619 = arith.constant 0 : i32
      %dma_start3A_620 = arith.constant 0 : i32
      %dma_start3A_621 = tpu.memref_slice %arg9[%dma_start3A_618, %dma_start3A_619, %dma_start3A_620] : memref<8x2x64xi32, #tpu.memory_space<vmem>> -> memref<1x1x64xi32, #tpu.memory_space<vmem>>
      %dma_start3A_622 = tpu.memref_squeeze %dma_start3A_621 : memref<1x1x64xi32, #tpu.memory_space<vmem>> -> memref<64xi32, #tpu.memory_space<vmem>>
      %dma_start3A_623 = arith.constant 0 : i32
      %dma_start3A_624 = arith.constant 0 : i32
      %dma_start3A_625 = tpu.memref_slice %arg3[%dma_start3A_623, %dma_start3A_624] : memref<10000x128xf32, #tpu.memory_space<hbm>> -> memref<10000x128xf32, #tpu.memory_space<hbm>>
      tpu.enqueue_indirect_dma source(%dma_start3A_625 : memref<10000x128xf32, #tpu.memory_space<hbm>>) target(%arg12 : memref<64x128xf32, #tpu.memory_space<vmem>>) offsets(%dma_start3A_622 : memref<64xi32, #tpu.memory_space<vmem>>) semaphore(%arg20 : memref<!tpu.dma_semaphore, #tpu.memory_space<semaphore_mem>>)
      %dma_wait3A_626 = arith.constant 0 : i32
      %dma_wait3A_627 = arith.constant 0 : i32
      %dma_wait3A_628 = arith.constant 0 : i32
      %dma_wait3A_629 = tpu.memref_slice %arg7[%dma_wait3A_626, %dma_wait3A_627, %dma_wait3A_628] : memref<8x2x64xi32, #tpu.memory_space<vmem>> -> memref<1x1x64xi32, #tpu.memory_space<vmem>>
      %dma_wait3A_630 = tpu.memref_squeeze %dma_wait3A_629 : memref<1x1x64xi32, #tpu.memory_space<vmem>> -> memref<64xi32, #tpu.memory_space<vmem>>
      %dma_wait3A_631 = arith.constant 0 : i32
      %dma_wait3A_632 = arith.constant 0 : i32
      %dma_wait3A_633 = tpu.memref_slice %arg3[%dma_wait3A_631, %dma_wait3A_632] : memref<10000x128xf32, #tpu.memory_space<hbm>> -> memref<10000x128xf32, #tpu.memory_space<hbm>>
      tpu.wait_indirect_dma semaphore(%arg21 : memref<!tpu.dma_semaphore, #tpu.memory_space<semaphore_mem>>) src(%dma_wait3A_633 : memref<10000x128xf32, #tpu.memory_space<hbm>>) dst(%arg13 : memref<64x128xf32, #tpu.memory_space<vmem>>)
      %dma_start3A_634 = arith.constant 6 : i32
      %dma_start3A_635 = arith.constant 1 : i32
      %dma_start3A_636 = arith.constant 0 : i32
      %dma_start3A_637 = tpu.memref_slice %arg8[%dma_start3A_634, %dma_start3A_635, %dma_start3A_636] : memref<8x2x64xi32, #tpu.memory_space<vmem>> -> memref<1x1x64xi32, #tpu.memory_space<vmem>>
      %dma_start3A_638 = tpu.memref_squeeze %dma_start3A_637 : memref<1x1x64xi32, #tpu.memory_space<vmem>> -> memref<64xi32, #tpu.memory_space<vmem>>
      %dma_start3A_639 = arith.constant 0 : i32
      %dma_start3A_640 = arith.constant 0 : i32
      %dma_start3A_641 = tpu.memref_slice %arg6[%dma_start3A_639, %dma_start3A_640] : memref<10008x128xf32, #tpu.memory_space<vmem_shared>> -> memref<10008x128xf32, #tpu.memory_space<vmem_shared>>
      tpu.enqueue_indirect_dma source(%arg13 : memref<64x128xf32, #tpu.memory_space<vmem>>) target(%dma_start3A_641 : memref<10008x128xf32, #tpu.memory_space<vmem_shared>>) offsets(%dma_start3A_638 : memref<64xi32, #tpu.memory_space<vmem>>) semaphore(%arg25 : memref<!tpu.dma_semaphore, #tpu.memory_space<semaphore_mem>>) {add = true}
      %dma_wait3A_642 = arith.constant 0 : i32
      %dma_wait3A_643 = arith.constant 1 : i32
      %dma_wait3A_644 = arith.constant 0 : i32
      %dma_wait3A_645 = tpu.memref_slice %arg7[%dma_wait3A_642, %dma_wait3A_643, %dma_wait3A_644] : memref<8x2x64xi32, #tpu.memory_space<vmem>> -> memref<1x1x64xi32, #tpu.memory_space<vmem>>
      %dma_wait3A_646 = tpu.memref_squeeze %dma_wait3A_645 : memref<1x1x64xi32, #tpu.memory_space<vmem>> -> memref<64xi32, #tpu.memory_space<vmem>>
      %dma_wait3A_647 = arith.constant 0 : i32
      %dma_wait3A_648 = arith.constant 0 : i32
      %dma_wait3A_649 = tpu.memref_slice %arg6[%dma_wait3A_647, %dma_wait3A_648] : memref<10008x128xf32, #tpu.memory_space<vmem_shared>> -> memref<10008x128xf32, #tpu.memory_space<vmem_shared>>
      tpu.wait_indirect_dma semaphore(%arg25 : memref<!tpu.dma_semaphore, #tpu.memory_space<semaphore_mem>>) src(%arg11 : memref<64x128xf32, #tpu.memory_space<vmem>>) dst(%dma_wait3A_649 : memref<10008x128xf32, #tpu.memory_space<vmem_shared>>)
      %dma_start3A_650 = arith.constant 2 : i32
      %dma_start3A_651 = arith.constant 0 : i32
      %dma_start3A_652 = arith.constant 0 : i32
      %dma_start3A_653 = tpu.memref_slice %arg9[%dma_start3A_650, %dma_start3A_651, %dma_start3A_652] : memref<8x2x64xi32, #tpu.memory_space<vmem>> -> memref<1x1x64xi32, #tpu.memory_space<vmem>>
      %dma_start3A_654 = tpu.memref_squeeze %dma_start3A_653 : memref<1x1x64xi32, #tpu.memory_space<vmem>> -> memref<64xi32, #tpu.memory_space<vmem>>
      %dma_start3A_655 = arith.constant 0 : i32
      %dma_start3A_656 = arith.constant 0 : i32
      %dma_start3A_657 = tpu.memref_slice %arg3[%dma_start3A_655, %dma_start3A_656] : memref<10000x128xf32, #tpu.memory_space<hbm>> -> memref<10000x128xf32, #tpu.memory_space<hbm>>
      tpu.enqueue_indirect_dma source(%dma_start3A_657 : memref<10000x128xf32, #tpu.memory_space<hbm>>) target(%arg13 : memref<64x128xf32, #tpu.memory_space<vmem>>) offsets(%dma_start3A_654 : memref<64xi32, #tpu.memory_space<vmem>>) semaphore(%arg21 : memref<!tpu.dma_semaphore, #tpu.memory_space<semaphore_mem>>)
      %dma_wait3A_658 = arith.constant 0 : i32
      %dma_wait3A_659 = arith.constant 0 : i32
      %dma_wait3A_660 = arith.constant 0 : i32
      %dma_wait3A_661 = tpu.memref_slice %arg7[%dma_wait3A_658, %dma_wait3A_659, %dma_wait3A_660] : memref<8x2x64xi32, #tpu.memory_space<vmem>> -> memref<1x1x64xi32, #tpu.memory_space<vmem>>
      %dma_wait3A_662 = tpu.memref_squeeze %dma_wait3A_661 : memref<1x1x64xi32, #tpu.memory_space<vmem>> -> memref<64xi32, #tpu.memory_space<vmem>>
      %dma_wait3A_663 = arith.constant 0 : i32
      %dma_wait3A_664 = arith.constant 0 : i32
      %dma_wait3A_665 = tpu.memref_slice %arg3[%dma_wait3A_663, %dma_wait3A_664] : memref<10000x128xf32, #tpu.memory_space<hbm>> -> memref<10000x128xf32, #tpu.memory_space<hbm>>
      tpu.wait_indirect_dma semaphore(%arg22 : memref<!tpu.dma_semaphore, #tpu.memory_space<semaphore_mem>>) src(%dma_wait3A_665 : memref<10000x128xf32, #tpu.memory_space<hbm>>) dst(%arg14 : memref<64x128xf32, #tpu.memory_space<vmem>>)
      %dma_start3A_666 = arith.constant 7 : i32
      %dma_start3A_667 = arith.constant 1 : i32
      %dma_start3A_668 = arith.constant 0 : i32
      %dma_start3A_669 = tpu.memref_slice %arg8[%dma_start3A_666, %dma_start3A_667, %dma_start3A_668] : memref<8x2x64xi32, #tpu.memory_space<vmem>> -> memref<1x1x64xi32, #tpu.memory_space<vmem>>
      %dma_start3A_670 = tpu.memref_squeeze %dma_start3A_669 : memref<1x1x64xi32, #tpu.memory_space<vmem>> -> memref<64xi32, #tpu.memory_space<vmem>>
      %dma_start3A_671 = arith.constant 0 : i32
      %dma_start3A_672 = arith.constant 0 : i32
      %dma_start3A_673 = tpu.memref_slice %arg6[%dma_start3A_671, %dma_start3A_672] : memref<10008x128xf32, #tpu.memory_space<vmem_shared>> -> memref<10008x128xf32, #tpu.memory_space<vmem_shared>>
      tpu.enqueue_indirect_dma source(%arg14 : memref<64x128xf32, #tpu.memory_space<vmem>>) target(%dma_start3A_673 : memref<10008x128xf32, #tpu.memory_space<vmem_shared>>) offsets(%dma_start3A_670 : memref<64xi32, #tpu.memory_space<vmem>>) semaphore(%arg26 : memref<!tpu.dma_semaphore, #tpu.memory_space<semaphore_mem>>) {add = true}
      %dma_wait3A_674 = arith.constant 0 : i32
      %dma_wait3A_675 = arith.constant 1 : i32
      %dma_wait3A_676 = arith.constant 0 : i32
      %dma_wait3A_677 = tpu.memref_slice %arg7[%dma_wait3A_674, %dma_wait3A_675, %dma_wait3A_676] : memref<8x2x64xi32, #tpu.memory_space<vmem>> -> memref<1x1x64xi32, #tpu.memory_space<vmem>>
      %dma_wait3A_678 = tpu.memref_squeeze %dma_wait3A_677 : memref<1x1x64xi32, #tpu.memory_space<vmem>> -> memref<64xi32, #tpu.memory_space<vmem>>
      %dma_wait3A_679 = arith.constant 0 : i32
      %dma_wait3A_680 = arith.constant 0 : i32
      %dma_wait3A_681 = tpu.memref_slice %arg6[%dma_wait3A_679, %dma_wait3A_680] : memref<10008x128xf32, #tpu.memory_space<vmem_shared>> -> memref<10008x128xf32, #tpu.memory_space<vmem_shared>>
      tpu.wait_indirect_dma semaphore(%arg26 : memref<!tpu.dma_semaphore, #tpu.memory_space<semaphore_mem>>) src(%arg11 : memref<64x128xf32, #tpu.memory_space<vmem>>) dst(%dma_wait3A_681 : memref<10008x128xf32, #tpu.memory_space<vmem_shared>>)
      %dma_start3A_682 = arith.constant 3 : i32
      %dma_start3A_683 = arith.constant 0 : i32
      %dma_start3A_684 = arith.constant 0 : i32
      %dma_start3A_685 = tpu.memref_slice %arg9[%dma_start3A_682, %dma_start3A_683, %dma_start3A_684] : memref<8x2x64xi32, #tpu.memory_space<vmem>> -> memref<1x1x64xi32, #tpu.memory_space<vmem>>
      %dma_start3A_686 = tpu.memref_squeeze %dma_start3A_685 : memref<1x1x64xi32, #tpu.memory_space<vmem>> -> memref<64xi32, #tpu.memory_space<vmem>>
      %dma_start3A_687 = arith.constant 0 : i32
      %dma_start3A_688 = arith.constant 0 : i32
      %dma_start3A_689 = tpu.memref_slice %arg3[%dma_start3A_687, %dma_start3A_688] : memref<10000x128xf32, #tpu.memory_space<hbm>> -> memref<10000x128xf32, #tpu.memory_space<hbm>>
      tpu.enqueue_indirect_dma source(%dma_start3A_689 : memref<10000x128xf32, #tpu.memory_space<hbm>>) target(%arg14 : memref<64x128xf32, #tpu.memory_space<vmem>>) offsets(%dma_start3A_686 : memref<64xi32, #tpu.memory_space<vmem>>) semaphore(%arg22 : memref<!tpu.dma_semaphore, #tpu.memory_space<semaphore_mem>>)
      %mul3A_690 = arith.constant 4 : i32
      %mul3A_691 = arith.muli %scan3A_115, %mul3A_690 : i32
      %add3A_692 = arith.constant 2 : i32
      %add3A_693 = arith.addi %mul3A_691, %add3A_692 : i32
      %add3A_694 = arith.constant 1 : i32
      %add3A_695 = arith.addi %add3A_693, %add3A_694 : i32
      %mul3A_696 = arith.constant 8 : i32
      %mul3A_697 = arith.muli %add3A_695, %mul3A_696 : i32
      %mul3A_698 = arith.constant 320 : i32
      %mul3A_699 = arith.muli %arg1, %mul3A_698 : i32
      %add3A_700 = arith.addi %mul3A_699, %mul3A_697 : i32
      %dma_start3A_701 = arith.constant 0 : i32
      %dma_start3A_702 = arith.constant 0 : i32
      %dma_start3A_703 = tpu.memref_slice %arg2[%arg0, %add3A_700, %dma_start3A_701, %dma_start3A_702] : memref<2x5120x2x64xi32, #tpu.memory_space<hbm>> -> memref<1x8x2x64xi32, #tpu.memory_space<hbm>>
      %dma_start3A_704 = tpu.memref_squeeze %dma_start3A_703 : memref<1x8x2x64xi32, #tpu.memory_space<hbm>> -> memref<8x2x64xi32, #tpu.memory_space<hbm>>
      %dma_start3A_705 = arith.constant 0 : i32
      %dma_start3A_706 = arith.constant 0 : i32
      %dma_start3A_707 = tpu.memref_slice %arg2[%arg0, %add3A_700, %dma_start3A_705, %dma_start3A_706] : memref<2x5120x2x64xi32, #tpu.memory_space<hbm>> -> memref<1x8x2x64xi32, #tpu.memory_space<hbm>>
      %dma_start3A_708 = tpu.memref_squeeze %dma_start3A_707 : memref<1x8x2x64xi32, #tpu.memory_space<hbm>> -> memref<8x2x64xi32, #tpu.memory_space<hbm>>
      tpu.enqueue_dma source(%dma_start3A_708 : memref<8x2x64xi32, #tpu.memory_space<hbm>>) target(%arg10 : memref<8x2x64xi32, #tpu.memory_space<vmem>>) target_semaphore(%arg18 : memref<!tpu.dma_semaphore, #tpu.memory_space<semaphore_mem>>)
      %dma_wait3A_709 = arith.constant 0 : i32
      %dma_wait3A_710 = arith.constant 0 : i32
      %dma_wait3A_711 = arith.constant 0 : i32
      %dma_wait3A_712 = tpu.memref_slice %arg7[%dma_wait3A_709, %dma_wait3A_710, %dma_wait3A_711] : memref<8x2x64xi32, #tpu.memory_space<vmem>> -> memref<1x1x64xi32, #tpu.memory_space<vmem>>
      %dma_wait3A_713 = tpu.memref_squeeze %dma_wait3A_712 : memref<1x1x64xi32, #tpu.memory_space<vmem>> -> memref<64xi32, #tpu.memory_space<vmem>>
      %dma_wait3A_714 = arith.constant 0 : i32
      %dma_wait3A_715 = arith.constant 0 : i32
      %dma_wait3A_716 = tpu.memref_slice %arg3[%dma_wait3A_714, %dma_wait3A_715] : memref<10000x128xf32, #tpu.memory_space<hbm>> -> memref<10000x128xf32, #tpu.memory_space<hbm>>
      tpu.wait_indirect_dma semaphore(%arg19 : memref<!tpu.dma_semaphore, #tpu.memory_space<semaphore_mem>>) src(%dma_wait3A_716 : memref<10000x128xf32, #tpu.memory_space<hbm>>) dst(%arg11 : memref<64x128xf32, #tpu.memory_space<vmem>>)
      %dma_start3A_717 = arith.constant 0 : i32
      %dma_start3A_718 = arith.constant 1 : i32
      %dma_start3A_719 = arith.constant 0 : i32
      %dma_start3A_720 = tpu.memref_slice %arg9[%dma_start3A_717, %dma_start3A_718, %dma_start3A_719] : memref<8x2x64xi32, #tpu.memory_space<vmem>> -> memref<1x1x64xi32, #tpu.memory_space<vmem>>
      %dma_start3A_721 = tpu.memref_squeeze %dma_start3A_720 : memref<1x1x64xi32, #tpu.memory_space<vmem>> -> memref<64xi32, #tpu.memory_space<vmem>>
      %dma_start3A_722 = arith.constant 0 : i32
      %dma_start3A_723 = arith.constant 0 : i32
      %dma_start3A_724 = tpu.memref_slice %arg6[%dma_start3A_722, %dma_start3A_723] : memref<10008x128xf32, #tpu.memory_space<vmem_shared>> -> memref<10008x128xf32, #tpu.memory_space<vmem_shared>>
      tpu.enqueue_indirect_dma source(%arg11 : memref<64x128xf32, #tpu.memory_space<vmem>>) target(%dma_start3A_724 : memref<10008x128xf32, #tpu.memory_space<vmem_shared>>) offsets(%dma_start3A_721 : memref<64xi32, #tpu.memory_space<vmem>>) semaphore(%arg23 : memref<!tpu.dma_semaphore, #tpu.memory_space<semaphore_mem>>) {add = true}
      %dma_wait3A_725 = arith.constant 0 : i32
      %dma_wait3A_726 = arith.constant 1 : i32
      %dma_wait3A_727 = arith.constant 0 : i32
      %dma_wait3A_728 = tpu.memref_slice %arg7[%dma_wait3A_725, %dma_wait3A_726, %dma_wait3A_727] : memref<8x2x64xi32, #tpu.memory_space<vmem>> -> memref<1x1x64xi32, #tpu.memory_space<vmem>>
      %dma_wait3A_729 = tpu.memref_squeeze %dma_wait3A_728 : memref<1x1x64xi32, #tpu.memory_space<vmem>> -> memref<64xi32, #tpu.memory_space<vmem>>
      %dma_wait3A_730 = arith.constant 0 : i32
      %dma_wait3A_731 = arith.constant 0 : i32
      %dma_wait3A_732 = tpu.memref_slice %arg6[%dma_wait3A_730, %dma_wait3A_731] : memref<10008x128xf32, #tpu.memory_space<vmem_shared>> -> memref<10008x128xf32, #tpu.memory_space<vmem_shared>>
      tpu.wait_indirect_dma semaphore(%arg23 : memref<!tpu.dma_semaphore, #tpu.memory_space<semaphore_mem>>) src(%arg11 : memref<64x128xf32, #tpu.memory_space<vmem>>) dst(%dma_wait3A_732 : memref<10008x128xf32, #tpu.memory_space<vmem_shared>>)
      %dma_start3A_733 = arith.constant 4 : i32
      %dma_start3A_734 = arith.constant 0 : i32
      %dma_start3A_735 = arith.constant 0 : i32
      %dma_start3A_736 = tpu.memref_slice %arg9[%dma_start3A_733, %dma_start3A_734, %dma_start3A_735] : memref<8x2x64xi32, #tpu.memory_space<vmem>> -> memref<1x1x64xi32, #tpu.memory_space<vmem>>
      %dma_start3A_737 = tpu.memref_squeeze %dma_start3A_736 : memref<1x1x64xi32, #tpu.memory_space<vmem>> -> memref<64xi32, #tpu.memory_space<vmem>>
      %dma_start3A_738 = arith.constant 0 : i32
      %dma_start3A_739 = arith.constant 0 : i32
      %dma_start3A_740 = tpu.memref_slice %arg3[%dma_start3A_738, %dma_start3A_739] : memref<10000x128xf32, #tpu.memory_space<hbm>> -> memref<10000x128xf32, #tpu.memory_space<hbm>>
      tpu.enqueue_indirect_dma source(%dma_start3A_740 : memref<10000x128xf32, #tpu.memory_space<hbm>>) target(%arg11 : memref<64x128xf32, #tpu.memory_space<vmem>>) offsets(%dma_start3A_737 : memref<64xi32, #tpu.memory_space<vmem>>) semaphore(%arg19 : memref<!tpu.dma_semaphore, #tpu.memory_space<semaphore_mem>>)
      %dma_wait3A_741 = arith.constant 0 : i32
      %dma_wait3A_742 = arith.constant 0 : i32
      %dma_wait3A_743 = arith.constant 0 : i32
      %dma_wait3A_744 = tpu.memref_slice %arg7[%dma_wait3A_741, %dma_wait3A_742, %dma_wait3A_743] : memref<8x2x64xi32, #tpu.memory_space<vmem>> -> memref<1x1x64xi32, #tpu.memory_space<vmem>>
      %dma_wait3A_745 = tpu.memref_squeeze %dma_wait3A_744 : memref<1x1x64xi32, #tpu.memory_space<vmem>> -> memref<64xi32, #tpu.memory_space<vmem>>
      %dma_wait3A_746 = arith.constant 0 : i32
      %dma_wait3A_747 = arith.constant 0 : i32
      %dma_wait3A_748 = tpu.memref_slice %arg3[%dma_wait3A_746, %dma_wait3A_747] : memref<10000x128xf32, #tpu.memory_space<hbm>> -> memref<10000x128xf32, #tpu.memory_space<hbm>>
      tpu.wait_indirect_dma semaphore(%arg20 : memref<!tpu.dma_semaphore, #tpu.memory_space<semaphore_mem>>) src(%dma_wait3A_748 : memref<10000x128xf32, #tpu.memory_space<hbm>>) dst(%arg12 : memref<64x128xf32, #tpu.memory_space<vmem>>)
      %dma_start3A_749 = arith.constant 1 : i32
      %dma_start3A_750 = arith.constant 1 : i32
      %dma_start3A_751 = arith.constant 0 : i32
      %dma_start3A_752 = tpu.memref_slice %arg9[%dma_start3A_749, %dma_start3A_750, %dma_start3A_751] : memref<8x2x64xi32, #tpu.memory_space<vmem>> -> memref<1x1x64xi32, #tpu.memory_space<vmem>>
      %dma_start3A_753 = tpu.memref_squeeze %dma_start3A_752 : memref<1x1x64xi32, #tpu.memory_space<vmem>> -> memref<64xi32, #tpu.memory_space<vmem>>
      %dma_start3A_754 = arith.constant 0 : i32
      %dma_start3A_755 = arith.constant 0 : i32
      %dma_start3A_756 = tpu.memref_slice %arg6[%dma_start3A_754, %dma_start3A_755] : memref<10008x128xf32, #tpu.memory_space<vmem_shared>> -> memref<10008x128xf32, #tpu.memory_space<vmem_shared>>
      tpu.enqueue_indirect_dma source(%arg12 : memref<64x128xf32, #tpu.memory_space<vmem>>) target(%dma_start3A_756 : memref<10008x128xf32, #tpu.memory_space<vmem_shared>>) offsets(%dma_start3A_753 : memref<64xi32, #tpu.memory_space<vmem>>) semaphore(%arg24 : memref<!tpu.dma_semaphore, #tpu.memory_space<semaphore_mem>>) {add = true}
      %dma_wait3A_757 = arith.constant 0 : i32
      %dma_wait3A_758 = arith.constant 1 : i32
      %dma_wait3A_759 = arith.constant 0 : i32
      %dma_wait3A_760 = tpu.memref_slice %arg7[%dma_wait3A_757, %dma_wait3A_758, %dma_wait3A_759] : memref<8x2x64xi32, #tpu.memory_space<vmem>> -> memref<1x1x64xi32, #tpu.memory_space<vmem>>
      %dma_wait3A_761 = tpu.memref_squeeze %dma_wait3A_760 : memref<1x1x64xi32, #tpu.memory_space<vmem>> -> memref<64xi32, #tpu.memory_space<vmem>>
      %dma_wait3A_762 = arith.constant 0 : i32
      %dma_wait3A_763 = arith.constant 0 : i32
      %dma_wait3A_764 = tpu.memref_slice %arg6[%dma_wait3A_762, %dma_wait3A_763] : memref<10008x128xf32, #tpu.memory_space<vmem_shared>> -> memref<10008x128xf32, #tpu.memory_space<vmem_shared>>
      tpu.wait_indirect_dma semaphore(%arg24 : memref<!tpu.dma_semaphore, #tpu.memory_space<semaphore_mem>>) src(%arg11 : memref<64x128xf32, #tpu.memory_space<vmem>>) dst(%dma_wait3A_764 : memref<10008x128xf32, #tpu.memory_space<vmem_shared>>)
      %dma_start3A_765 = arith.constant 5 : i32
      %dma_start3A_766 = arith.constant 0 : i32
      %dma_start3A_767 = arith.constant 0 : i32
      %dma_start3A_768 = tpu.memref_slice %arg9[%dma_start3A_765, %dma_start3A_766, %dma_start3A_767] : memref<8x2x64xi32, #tpu.memory_space<vmem>> -> memref<1x1x64xi32, #tpu.memory_space<vmem>>
      %dma_start3A_769 = tpu.memref_squeeze %dma_start3A_768 : memref<1x1x64xi32, #tpu.memory_space<vmem>> -> memref<64xi32, #tpu.memory_space<vmem>>
      %dma_start3A_770 = arith.constant 0 : i32
      %dma_start3A_771 = arith.constant 0 : i32
      %dma_start3A_772 = tpu.memref_slice %arg3[%dma_start3A_770, %dma_start3A_771] : memref<10000x128xf32, #tpu.memory_space<hbm>> -> memref<10000x128xf32, #tpu.memory_space<hbm>>
      tpu.enqueue_indirect_dma source(%dma_start3A_772 : memref<10000x128xf32, #tpu.memory_space<hbm>>) target(%arg12 : memref<64x128xf32, #tpu.memory_space<vmem>>) offsets(%dma_start3A_769 : memref<64xi32, #tpu.memory_space<vmem>>) semaphore(%arg20 : memref<!tpu.dma_semaphore, #tpu.memory_space<semaphore_mem>>)
      %dma_wait3A_773 = arith.constant 0 : i32
      %dma_wait3A_774 = arith.constant 0 : i32
      %dma_wait3A_775 = arith.constant 0 : i32
      %dma_wait3A_776 = tpu.memref_slice %arg7[%dma_wait3A_773, %dma_wait3A_774, %dma_wait3A_775] : memref<8x2x64xi32, #tpu.memory_space<vmem>> -> memref<1x1x64xi32, #tpu.memory_space<vmem>>
      %dma_wait3A_777 = tpu.memref_squeeze %dma_wait3A_776 : memref<1x1x64xi32, #tpu.memory_space<vmem>> -> memref<64xi32, #tpu.memory_space<vmem>>
      %dma_wait3A_778 = arith.constant 0 : i32
      %dma_wait3A_779 = arith.constant 0 : i32
      %dma_wait3A_780 = tpu.memref_slice %arg3[%dma_wait3A_778, %dma_wait3A_779] : memref<10000x128xf32, #tpu.memory_space<hbm>> -> memref<10000x128xf32, #tpu.memory_space<hbm>>
      tpu.wait_indirect_dma semaphore(%arg21 : memref<!tpu.dma_semaphore, #tpu.memory_space<semaphore_mem>>) src(%dma_wait3A_780 : memref<10000x128xf32, #tpu.memory_space<hbm>>) dst(%arg13 : memref<64x128xf32, #tpu.memory_space<vmem>>)
      %dma_start3A_781 = arith.constant 2 : i32
      %dma_start3A_782 = arith.constant 1 : i32
      %dma_start3A_783 = arith.constant 0 : i32
      %dma_start3A_784 = tpu.memref_slice %arg9[%dma_start3A_781, %dma_start3A_782, %dma_start3A_783] : memref<8x2x64xi32, #tpu.memory_space<vmem>> -> memref<1x1x64xi32, #tpu.memory_space<vmem>>
      %dma_start3A_785 = tpu.memref_squeeze %dma_start3A_784 : memref<1x1x64xi32, #tpu.memory_space<vmem>> -> memref<64xi32, #tpu.memory_space<vmem>>
      %dma_start3A_786 = arith.constant 0 : i32
      %dma_start3A_787 = arith.constant 0 : i32
      %dma_start3A_788 = tpu.memref_slice %arg6[%dma_start3A_786, %dma_start3A_787] : memref<10008x128xf32, #tpu.memory_space<vmem_shared>> -> memref<10008x128xf32, #tpu.memory_space<vmem_shared>>
      tpu.enqueue_indirect_dma source(%arg13 : memref<64x128xf32, #tpu.memory_space<vmem>>) target(%dma_start3A_788 : memref<10008x128xf32, #tpu.memory_space<vmem_shared>>) offsets(%dma_start3A_785 : memref<64xi32, #tpu.memory_space<vmem>>) semaphore(%arg25 : memref<!tpu.dma_semaphore, #tpu.memory_space<semaphore_mem>>) {add = true}
      %dma_wait3A_789 = arith.constant 0 : i32
      %dma_wait3A_790 = arith.constant 1 : i32
      %dma_wait3A_791 = arith.constant 0 : i32
      %dma_wait3A_792 = tpu.memref_slice %arg7[%dma_wait3A_789, %dma_wait3A_790, %dma_wait3A_791] : memref<8x2x64xi32, #tpu.memory_space<vmem>> -> memref<1x1x64xi32, #tpu.memory_space<vmem>>
      %dma_wait3A_793 = tpu.memref_squeeze %dma_wait3A_792 : memref<1x1x64xi32, #tpu.memory_space<vmem>> -> memref<64xi32, #tpu.memory_space<vmem>>
      %dma_wait3A_794 = arith.constant 0 : i32
      %dma_wait3A_795 = arith.constant 0 : i32
      %dma_wait3A_796 = tpu.memref_slice %arg6[%dma_wait3A_794, %dma_wait3A_795] : memref<10008x128xf32, #tpu.memory_space<vmem_shared>> -> memref<10008x128xf32, #tpu.memory_space<vmem_shared>>
      tpu.wait_indirect_dma semaphore(%arg25 : memref<!tpu.dma_semaphore, #tpu.memory_space<semaphore_mem>>) src(%arg11 : memref<64x128xf32, #tpu.memory_space<vmem>>) dst(%dma_wait3A_796 : memref<10008x128xf32, #tpu.memory_space<vmem_shared>>)
      %dma_start3A_797 = arith.constant 6 : i32
      %dma_start3A_798 = arith.constant 0 : i32
      %dma_start3A_799 = arith.constant 0 : i32
      %dma_start3A_800 = tpu.memref_slice %arg9[%dma_start3A_797, %dma_start3A_798, %dma_start3A_799] : memref<8x2x64xi32, #tpu.memory_space<vmem>> -> memref<1x1x64xi32, #tpu.memory_space<vmem>>
      %dma_start3A_801 = tpu.memref_squeeze %dma_start3A_800 : memref<1x1x64xi32, #tpu.memory_space<vmem>> -> memref<64xi32, #tpu.memory_space<vmem>>
      %dma_start3A_802 = arith.constant 0 : i32
      %dma_start3A_803 = arith.constant 0 : i32
      %dma_start3A_804 = tpu.memref_slice %arg3[%dma_start3A_802, %dma_start3A_803] : memref<10000x128xf32, #tpu.memory_space<hbm>> -> memref<10000x128xf32, #tpu.memory_space<hbm>>
      tpu.enqueue_indirect_dma source(%dma_start3A_804 : memref<10000x128xf32, #tpu.memory_space<hbm>>) target(%arg13 : memref<64x128xf32, #tpu.memory_space<vmem>>) offsets(%dma_start3A_801 : memref<64xi32, #tpu.memory_space<vmem>>) semaphore(%arg21 : memref<!tpu.dma_semaphore, #tpu.memory_space<semaphore_mem>>)
      %dma_wait3A_805 = arith.constant 0 : i32
      %dma_wait3A_806 = arith.constant 0 : i32
      %dma_wait3A_807 = arith.constant 0 : i32
      %dma_wait3A_808 = tpu.memref_slice %arg7[%dma_wait3A_805, %dma_wait3A_806, %dma_wait3A_807] : memref<8x2x64xi32, #tpu.memory_space<vmem>> -> memref<1x1x64xi32, #tpu.memory_space<vmem>>
      %dma_wait3A_809 = tpu.memref_squeeze %dma_wait3A_808 : memref<1x1x64xi32, #tpu.memory_space<vmem>> -> memref<64xi32, #tpu.memory_space<vmem>>
      %dma_wait3A_810 = arith.constant 0 : i32
      %dma_wait3A_811 = arith.constant 0 : i32
      %dma_wait3A_812 = tpu.memref_slice %arg3[%dma_wait3A_810, %dma_wait3A_811] : memref<10000x128xf32, #tpu.memory_space<hbm>> -> memref<10000x128xf32, #tpu.memory_space<hbm>>
      tpu.wait_indirect_dma semaphore(%arg22 : memref<!tpu.dma_semaphore, #tpu.memory_space<semaphore_mem>>) src(%dma_wait3A_812 : memref<10000x128xf32, #tpu.memory_space<hbm>>) dst(%arg14 : memref<64x128xf32, #tpu.memory_space<vmem>>)
      %dma_start3A_813 = arith.constant 3 : i32
      %dma_start3A_814 = arith.constant 1 : i32
      %dma_start3A_815 = arith.constant 0 : i32
      %dma_start3A_816 = tpu.memref_slice %arg9[%dma_start3A_813, %dma_start3A_814, %dma_start3A_815] : memref<8x2x64xi32, #tpu.memory_space<vmem>> -> memref<1x1x64xi32, #tpu.memory_space<vmem>>
      %dma_start3A_817 = tpu.memref_squeeze %dma_start3A_816 : memref<1x1x64xi32, #tpu.memory_space<vmem>> -> memref<64xi32, #tpu.memory_space<vmem>>
      %dma_start3A_818 = arith.constant 0 : i32
      %dma_start3A_819 = arith.constant 0 : i32
      %dma_start3A_820 = tpu.memref_slice %arg6[%dma_start3A_818, %dma_start3A_819] : memref<10008x128xf32, #tpu.memory_space<vmem_shared>> -> memref<10008x128xf32, #tpu.memory_space<vmem_shared>>
      tpu.enqueue_indirect_dma source(%arg14 : memref<64x128xf32, #tpu.memory_space<vmem>>) target(%dma_start3A_820 : memref<10008x128xf32, #tpu.memory_space<vmem_shared>>) offsets(%dma_start3A_817 : memref<64xi32, #tpu.memory_space<vmem>>) semaphore(%arg26 : memref<!tpu.dma_semaphore, #tpu.memory_space<semaphore_mem>>) {add = true}
      %dma_wait3A_821 = arith.constant 0 : i32
      %dma_wait3A_822 = arith.constant 1 : i32
      %dma_wait3A_823 = arith.constant 0 : i32
      %dma_wait3A_824 = tpu.memref_slice %arg7[%dma_wait3A_821, %dma_wait3A_822, %dma_wait3A_823] : memref<8x2x64xi32, #tpu.memory_space<vmem>> -> memref<1x1x64xi32, #tpu.memory_space<vmem>>
      %dma_wait3A_825 = tpu.memref_squeeze %dma_wait3A_824 : memref<1x1x64xi32, #tpu.memory_space<vmem>> -> memref<64xi32, #tpu.memory_space<vmem>>
      %dma_wait3A_826 = arith.constant 0 : i32
      %dma_wait3A_827 = arith.constant 0 : i32
      %dma_wait3A_828 = tpu.memref_slice %arg6[%dma_wait3A_826, %dma_wait3A_827] : memref<10008x128xf32, #tpu.memory_space<vmem_shared>> -> memref<10008x128xf32, #tpu.memory_space<vmem_shared>>
      tpu.wait_indirect_dma semaphore(%arg26 : memref<!tpu.dma_semaphore, #tpu.memory_space<semaphore_mem>>) src(%arg11 : memref<64x128xf32, #tpu.memory_space<vmem>>) dst(%dma_wait3A_828 : memref<10008x128xf32, #tpu.memory_space<vmem_shared>>)
      %dma_start3A_829 = arith.constant 7 : i32
      %dma_start3A_830 = arith.constant 0 : i32
      %dma_start3A_831 = arith.constant 0 : i32
      %dma_start3A_832 = tpu.memref_slice %arg9[%dma_start3A_829, %dma_start3A_830, %dma_start3A_831] : memref<8x2x64xi32, #tpu.memory_space<vmem>> -> memref<1x1x64xi32, #tpu.memory_space<vmem>>
      %dma_start3A_833 = tpu.memref_squeeze %dma_start3A_832 : memref<1x1x64xi32, #tpu.memory_space<vmem>> -> memref<64xi32, #tpu.memory_space<vmem>>
      %dma_start3A_834 = arith.constant 0 : i32
      %dma_start3A_835 = arith.constant 0 : i32
      %dma_start3A_836 = tpu.memref_slice %arg3[%dma_start3A_834, %dma_start3A_835] : memref<10000x128xf32, #tpu.memory_space<hbm>> -> memref<10000x128xf32, #tpu.memory_space<hbm>>
      tpu.enqueue_indirect_dma source(%dma_start3A_836 : memref<10000x128xf32, #tpu.memory_space<hbm>>) target(%arg14 : memref<64x128xf32, #tpu.memory_space<vmem>>) offsets(%dma_start3A_833 : memref<64xi32, #tpu.memory_space<vmem>>) semaphore(%arg22 : memref<!tpu.dma_semaphore, #tpu.memory_space<semaphore_mem>>)
      %dma_wait3A_837 = arith.constant 0 : i32
      %dma_wait3A_838 = arith.constant 0 : i32
      %dma_wait3A_839 = arith.constant 0 : i32
      %dma_wait3A_840 = tpu.memref_slice %arg7[%dma_wait3A_837, %dma_wait3A_838, %dma_wait3A_839] : memref<8x2x64xi32, #tpu.memory_space<vmem>> -> memref<1x1x64xi32, #tpu.memory_space<vmem>>
      %dma_wait3A_841 = tpu.memref_squeeze %dma_wait3A_840 : memref<1x1x64xi32, #tpu.memory_space<vmem>> -> memref<64xi32, #tpu.memory_space<vmem>>
      %dma_wait3A_842 = arith.constant 0 : i32
      %dma_wait3A_843 = arith.constant 0 : i32
      %dma_wait3A_844 = tpu.memref_slice %arg3[%dma_wait3A_842, %dma_wait3A_843] : memref<10000x128xf32, #tpu.memory_space<hbm>> -> memref<10000x128xf32, #tpu.memory_space<hbm>>
      tpu.wait_indirect_dma semaphore(%arg19 : memref<!tpu.dma_semaphore, #tpu.memory_space<semaphore_mem>>) src(%dma_wait3A_844 : memref<10000x128xf32, #tpu.memory_space<hbm>>) dst(%arg11 : memref<64x128xf32, #tpu.memory_space<vmem>>)
      %dma_start3A_845 = arith.constant 4 : i32
      %dma_start3A_846 = arith.constant 1 : i32
      %dma_start3A_847 = arith.constant 0 : i32
      %dma_start3A_848 = tpu.memref_slice %arg9[%dma_start3A_845, %dma_start3A_846, %dma_start3A_847] : memref<8x2x64xi32, #tpu.memory_space<vmem>> -> memref<1x1x64xi32, #tpu.memory_space<vmem>>
      %dma_start3A_849 = tpu.memref_squeeze %dma_start3A_848 : memref<1x1x64xi32, #tpu.memory_space<vmem>> -> memref<64xi32, #tpu.memory_space<vmem>>
      %dma_start3A_850 = arith.constant 0 : i32
      %dma_start3A_851 = arith.constant 0 : i32
      %dma_start3A_852 = tpu.memref_slice %arg6[%dma_start3A_850, %dma_start3A_851] : memref<10008x128xf32, #tpu.memory_space<vmem_shared>> -> memref<10008x128xf32, #tpu.memory_space<vmem_shared>>
      tpu.enqueue_indirect_dma source(%arg11 : memref<64x128xf32, #tpu.memory_space<vmem>>) target(%dma_start3A_852 : memref<10008x128xf32, #tpu.memory_space<vmem_shared>>) offsets(%dma_start3A_849 : memref<64xi32, #tpu.memory_space<vmem>>) semaphore(%arg23 : memref<!tpu.dma_semaphore, #tpu.memory_space<semaphore_mem>>) {add = true}
      %mul3A_853 = arith.constant 320 : i32
      %mul3A_854 = arith.muli %arg1, %mul3A_853 : i32
      %add3A_855 = arith.constant 0 : i32
      %add3A_856 = arith.addi %mul3A_854, %add3A_855 : i32
      %dma_wait3A_857 = arith.constant 0 : i32
      %dma_wait3A_858 = arith.constant 0 : i32
      %dma_wait3A_859 = tpu.memref_slice %arg2[%arg0, %add3A_856, %dma_wait3A_857, %dma_wait3A_858] : memref<2x5120x2x64xi32, #tpu.memory_space<hbm>> -> memref<1x8x2x64xi32, #tpu.memory_space<hbm>>
      %dma_wait3A_860 = tpu.memref_squeeze %dma_wait3A_859 : memref<1x8x2x64xi32, #tpu.memory_space<hbm>> -> memref<8x2x64xi32, #tpu.memory_space<hbm>>
      %dma_wait3A_861 = arith.constant 0 : i32
      %dma_wait3A_862 = arith.constant 0 : i32
      %dma_wait3A_863 = tpu.memref_slice %arg2[%arg0, %add3A_856, %dma_wait3A_861, %dma_wait3A_862] : memref<2x5120x2x64xi32, #tpu.memory_space<hbm>> -> memref<1x8x2x64xi32, #tpu.memory_space<hbm>>
      %dma_wait3A_864 = tpu.memref_squeeze %dma_wait3A_863 : memref<1x8x2x64xi32, #tpu.memory_space<hbm>> -> memref<8x2x64xi32, #tpu.memory_space<hbm>>
      tpu.wait_dma2 semaphore(%arg18 : memref<!tpu.dma_semaphore, #tpu.memory_space<semaphore_mem>>) src(%dma_wait3A_864 : memref<8x2x64xi32, #tpu.memory_space<hbm>>) dst(%arg10 : memref<8x2x64xi32, #tpu.memory_space<vmem>>)
      %dma_wait3A_865 = arith.constant 0 : i32
      %dma_wait3A_866 = arith.constant 1 : i32
      %dma_wait3A_867 = arith.constant 0 : i32
      %dma_wait3A_868 = tpu.memref_slice %arg7[%dma_wait3A_865, %dma_wait3A_866, %dma_wait3A_867] : memref<8x2x64xi32, #tpu.memory_space<vmem>> -> memref<1x1x64xi32, #tpu.memory_space<vmem>>
      %dma_wait3A_869 = tpu.memref_squeeze %dma_wait3A_868 : memref<1x1x64xi32, #tpu.memory_space<vmem>> -> memref<64xi32, #tpu.memory_space<vmem>>
      %dma_wait3A_870 = arith.constant 0 : i32
      %dma_wait3A_871 = arith.constant 0 : i32
      %dma_wait3A_872 = tpu.memref_slice %arg6[%dma_wait3A_870, %dma_wait3A_871] : memref<10008x128xf32, #tpu.memory_space<vmem_shared>> -> memref<10008x128xf32, #tpu.memory_space<vmem_shared>>
      tpu.wait_indirect_dma semaphore(%arg23 : memref<!tpu.dma_semaphore, #tpu.memory_space<semaphore_mem>>) src(%arg11 : memref<64x128xf32, #tpu.memory_space<vmem>>) dst(%dma_wait3A_872 : memref<10008x128xf32, #tpu.memory_space<vmem_shared>>)
      %dma_start3A_873 = arith.constant 0 : i32
      %dma_start3A_874 = arith.constant 0 : i32
      %dma_start3A_875 = arith.constant 0 : i32
      %dma_start3A_876 = tpu.memref_slice %arg10[%dma_start3A_873, %dma_start3A_874, %dma_start3A_875] : memref<8x2x64xi32, #tpu.memory_space<vmem>> -> memref<1x1x64xi32, #tpu.memory_space<vmem>>
      %dma_start3A_877 = tpu.memref_squeeze %dma_start3A_876 : memref<1x1x64xi32, #tpu.memory_space<vmem>> -> memref<64xi32, #tpu.memory_space<vmem>>
      %dma_start3A_878 = arith.constant 0 : i32
      %dma_start3A_879 = arith.constant 0 : i32
      %dma_start3A_880 = tpu.memref_slice %arg3[%dma_start3A_878, %dma_start3A_879] : memref<10000x128xf32, #tpu.memory_space<hbm>> -> memref<10000x128xf32, #tpu.memory_space<hbm>>
      tpu.enqueue_indirect_dma source(%dma_start3A_880 : memref<10000x128xf32, #tpu.memory_space<hbm>>) target(%arg11 : memref<64x128xf32, #tpu.memory_space<vmem>>) offsets(%dma_start3A_877 : memref<64xi32, #tpu.memory_space<vmem>>) semaphore(%arg19 : memref<!tpu.dma_semaphore, #tpu.memory_space<semaphore_mem>>)
      %dma_wait3A_881 = arith.constant 0 : i32
      %dma_wait3A_882 = arith.constant 0 : i32
      %dma_wait3A_883 = arith.constant 0 : i32
      %dma_wait3A_884 = tpu.memref_slice %arg7[%dma_wait3A_881, %dma_wait3A_882, %dma_wait3A_883] : memref<8x2x64xi32, #tpu.memory_space<vmem>> -> memref<1x1x64xi32, #tpu.memory_space<vmem>>
      %dma_wait3A_885 = tpu.memref_squeeze %dma_wait3A_884 : memref<1x1x64xi32, #tpu.memory_space<vmem>> -> memref<64xi32, #tpu.memory_space<vmem>>
      %dma_wait3A_886 = arith.constant 0 : i32
      %dma_wait3A_887 = arith.constant 0 : i32
      %dma_wait3A_888 = tpu.memref_slice %arg3[%dma_wait3A_886, %dma_wait3A_887] : memref<10000x128xf32, #tpu.memory_space<hbm>> -> memref<10000x128xf32, #tpu.memory_space<hbm>>
      tpu.wait_indirect_dma semaphore(%arg20 : memref<!tpu.dma_semaphore, #tpu.memory_space<semaphore_mem>>) src(%dma_wait3A_888 : memref<10000x128xf32, #tpu.memory_space<hbm>>) dst(%arg12 : memref<64x128xf32, #tpu.memory_space<vmem>>)
      %dma_start3A_889 = arith.constant 5 : i32
      %dma_start3A_890 = arith.constant 1 : i32
      %dma_start3A_891 = arith.constant 0 : i32
      %dma_start3A_892 = tpu.memref_slice %arg9[%dma_start3A_889, %dma_start3A_890, %dma_start3A_891] : memref<8x2x64xi32, #tpu.memory_space<vmem>> -> memref<1x1x64xi32, #tpu.memory_space<vmem>>
      %dma_start3A_893 = tpu.memref_squeeze %dma_start3A_892 : memref<1x1x64xi32, #tpu.memory_space<vmem>> -> memref<64xi32, #tpu.memory_space<vmem>>
      %dma_start3A_894 = arith.constant 0 : i32
      %dma_start3A_895 = arith.constant 0 : i32
      %dma_start3A_896 = tpu.memref_slice %arg6[%dma_start3A_894, %dma_start3A_895] : memref<10008x128xf32, #tpu.memory_space<vmem_shared>> -> memref<10008x128xf32, #tpu.memory_space<vmem_shared>>
      tpu.enqueue_indirect_dma source(%arg12 : memref<64x128xf32, #tpu.memory_space<vmem>>) target(%dma_start3A_896 : memref<10008x128xf32, #tpu.memory_space<vmem_shared>>) offsets(%dma_start3A_893 : memref<64xi32, #tpu.memory_space<vmem>>) semaphore(%arg24 : memref<!tpu.dma_semaphore, #tpu.memory_space<semaphore_mem>>) {add = true}
      %dma_wait3A_897 = arith.constant 0 : i32
      %dma_wait3A_898 = arith.constant 1 : i32
      %dma_wait3A_899 = arith.constant 0 : i32
      %dma_wait3A_900 = tpu.memref_slice %arg7[%dma_wait3A_897, %dma_wait3A_898, %dma_wait3A_899] : memref<8x2x64xi32, #tpu.memory_space<vmem>> -> memref<1x1x64xi32, #tpu.memory_space<vmem>>
      %dma_wait3A_901 = tpu.memref_squeeze %dma_wait3A_900 : memref<1x1x64xi32, #tpu.memory_space<vmem>> -> memref<64xi32, #tpu.memory_space<vmem>>
      %dma_wait3A_902 = arith.constant 0 : i32
      %dma_wait3A_903 = arith.constant 0 : i32
      %dma_wait3A_904 = tpu.memref_slice %arg6[%dma_wait3A_902, %dma_wait3A_903] : memref<10008x128xf32, #tpu.memory_space<vmem_shared>> -> memref<10008x128xf32, #tpu.memory_space<vmem_shared>>
      tpu.wait_indirect_dma semaphore(%arg24 : memref<!tpu.dma_semaphore, #tpu.memory_space<semaphore_mem>>) src(%arg11 : memref<64x128xf32, #tpu.memory_space<vmem>>) dst(%dma_wait3A_904 : memref<10008x128xf32, #tpu.memory_space<vmem_shared>>)
      %dma_start3A_905 = arith.constant 1 : i32
      %dma_start3A_906 = arith.constant 0 : i32
      %dma_start3A_907 = arith.constant 0 : i32
      %dma_start3A_908 = tpu.memref_slice %arg10[%dma_start3A_905, %dma_start3A_906, %dma_start3A_907] : memref<8x2x64xi32, #tpu.memory_space<vmem>> -> memref<1x1x64xi32, #tpu.memory_space<vmem>>
      %dma_start3A_909 = tpu.memref_squeeze %dma_start3A_908 : memref<1x1x64xi32, #tpu.memory_space<vmem>> -> memref<64xi32, #tpu.memory_space<vmem>>
      %dma_start3A_910 = arith.constant 0 : i32
      %dma_start3A_911 = arith.constant 0 : i32
      %dma_start3A_912 = tpu.memref_slice %arg3[%dma_start3A_910, %dma_start3A_911] : memref<10000x128xf32, #tpu.memory_space<hbm>> -> memref<10000x128xf32, #tpu.memory_space<hbm>>
      tpu.enqueue_indirect_dma source(%dma_start3A_912 : memref<10000x128xf32, #tpu.memory_space<hbm>>) target(%arg12 : memref<64x128xf32, #tpu.memory_space<vmem>>) offsets(%dma_start3A_909 : memref<64xi32, #tpu.memory_space<vmem>>) semaphore(%arg20 : memref<!tpu.dma_semaphore, #tpu.memory_space<semaphore_mem>>)
      %dma_wait3A_913 = arith.constant 0 : i32
      %dma_wait3A_914 = arith.constant 0 : i32
      %dma_wait3A_915 = arith.constant 0 : i32
      %dma_wait3A_916 = tpu.memref_slice %arg7[%dma_wait3A_913, %dma_wait3A_914, %dma_wait3A_915] : memref<8x2x64xi32, #tpu.memory_space<vmem>> -> memref<1x1x64xi32, #tpu.memory_space<vmem>>
      %dma_wait3A_917 = tpu.memref_squeeze %dma_wait3A_916 : memref<1x1x64xi32, #tpu.memory_space<vmem>> -> memref<64xi32, #tpu.memory_space<vmem>>
      %dma_wait3A_918 = arith.constant 0 : i32
      %dma_wait3A_919 = arith.constant 0 : i32
      %dma_wait3A_920 = tpu.memref_slice %arg3[%dma_wait3A_918, %dma_wait3A_919] : memref<10000x128xf32, #tpu.memory_space<hbm>> -> memref<10000x128xf32, #tpu.memory_space<hbm>>
      tpu.wait_indirect_dma semaphore(%arg21 : memref<!tpu.dma_semaphore, #tpu.memory_space<semaphore_mem>>) src(%dma_wait3A_920 : memref<10000x128xf32, #tpu.memory_space<hbm>>) dst(%arg13 : memref<64x128xf32, #tpu.memory_space<vmem>>)
      %dma_start3A_921 = arith.constant 6 : i32
      %dma_start3A_922 = arith.constant 1 : i32
      %dma_start3A_923 = arith.constant 0 : i32
      %dma_start3A_924 = tpu.memref_slice %arg9[%dma_start3A_921, %dma_start3A_922, %dma_start3A_923] : memref<8x2x64xi32, #tpu.memory_space<vmem>> -> memref<1x1x64xi32, #tpu.memory_space<vmem>>
      %dma_start3A_925 = tpu.memref_squeeze %dma_start3A_924 : memref<1x1x64xi32, #tpu.memory_space<vmem>> -> memref<64xi32, #tpu.memory_space<vmem>>
      %dma_start3A_926 = arith.constant 0 : i32
      %dma_start3A_927 = arith.constant 0 : i32
      %dma_start3A_928 = tpu.memref_slice %arg6[%dma_start3A_926, %dma_start3A_927] : memref<10008x128xf32, #tpu.memory_space<vmem_shared>> -> memref<10008x128xf32, #tpu.memory_space<vmem_shared>>
      tpu.enqueue_indirect_dma source(%arg13 : memref<64x128xf32, #tpu.memory_space<vmem>>) target(%dma_start3A_928 : memref<10008x128xf32, #tpu.memory_space<vmem_shared>>) offsets(%dma_start3A_925 : memref<64xi32, #tpu.memory_space<vmem>>) semaphore(%arg25 : memref<!tpu.dma_semaphore, #tpu.memory_space<semaphore_mem>>) {add = true}
      %dma_wait3A_929 = arith.constant 0 : i32
      %dma_wait3A_930 = arith.constant 1 : i32
      %dma_wait3A_931 = arith.constant 0 : i32
      %dma_wait3A_932 = tpu.memref_slice %arg7[%dma_wait3A_929, %dma_wait3A_930, %dma_wait3A_931] : memref<8x2x64xi32, #tpu.memory_space<vmem>> -> memref<1x1x64xi32, #tpu.memory_space<vmem>>
      %dma_wait3A_933 = tpu.memref_squeeze %dma_wait3A_932 : memref<1x1x64xi32, #tpu.memory_space<vmem>> -> memref<64xi32, #tpu.memory_space<vmem>>
      %dma_wait3A_934 = arith.constant 0 : i32
      %dma_wait3A_935 = arith.constant 0 : i32
      %dma_wait3A_936 = tpu.memref_slice %arg6[%dma_wait3A_934, %dma_wait3A_935] : memref<10008x128xf32, #tpu.memory_space<vmem_shared>> -> memref<10008x128xf32, #tpu.memory_space<vmem_shared>>
      tpu.wait_indirect_dma semaphore(%arg25 : memref<!tpu.dma_semaphore, #tpu.memory_space<semaphore_mem>>) src(%arg11 : memref<64x128xf32, #tpu.memory_space<vmem>>) dst(%dma_wait3A_936 : memref<10008x128xf32, #tpu.memory_space<vmem_shared>>)
      %dma_start3A_937 = arith.constant 2 : i32
      %dma_start3A_938 = arith.constant 0 : i32
      %dma_start3A_939 = arith.constant 0 : i32
      %dma_start3A_940 = tpu.memref_slice %arg10[%dma_start3A_937, %dma_start3A_938, %dma_start3A_939] : memref<8x2x64xi32, #tpu.memory_space<vmem>> -> memref<1x1x64xi32, #tpu.memory_space<vmem>>
      %dma_start3A_941 = tpu.memref_squeeze %dma_start3A_940 : memref<1x1x64xi32, #tpu.memory_space<vmem>> -> memref<64xi32, #tpu.memory_space<vmem>>
      %dma_start3A_942 = arith.constant 0 : i32
      %dma_start3A_943 = arith.constant 0 : i32
      %dma_start3A_944 = tpu.memref_slice %arg3[%dma_start3A_942, %dma_start3A_943] : memref<10000x128xf32, #tpu.memory_space<hbm>> -> memref<10000x128xf32, #tpu.memory_space<hbm>>
      tpu.enqueue_indirect_dma source(%dma_start3A_944 : memref<10000x128xf32, #tpu.memory_space<hbm>>) target(%arg13 : memref<64x128xf32, #tpu.memory_space<vmem>>) offsets(%dma_start3A_941 : memref<64xi32, #tpu.memory_space<vmem>>) semaphore(%arg21 : memref<!tpu.dma_semaphore, #tpu.memory_space<semaphore_mem>>)
      %dma_wait3A_945 = arith.constant 0 : i32
      %dma_wait3A_946 = arith.constant 0 : i32
      %dma_wait3A_947 = arith.constant 0 : i32
      %dma_wait3A_948 = tpu.memref_slice %arg7[%dma_wait3A_945, %dma_wait3A_946, %dma_wait3A_947] : memref<8x2x64xi32, #tpu.memory_space<vmem>> -> memref<1x1x64xi32, #tpu.memory_space<vmem>>
      %dma_wait3A_949 = tpu.memref_squeeze %dma_wait3A_948 : memref<1x1x64xi32, #tpu.memory_space<vmem>> -> memref<64xi32, #tpu.memory_space<vmem>>
      %dma_wait3A_950 = arith.constant 0 : i32
      %dma_wait3A_951 = arith.constant 0 : i32
      %dma_wait3A_952 = tpu.memref_slice %arg3[%dma_wait3A_950, %dma_wait3A_951] : memref<10000x128xf32, #tpu.memory_space<hbm>> -> memref<10000x128xf32, #tpu.memory_space<hbm>>
      tpu.wait_indirect_dma semaphore(%arg22 : memref<!tpu.dma_semaphore, #tpu.memory_space<semaphore_mem>>) src(%dma_wait3A_952 : memref<10000x128xf32, #tpu.memory_space<hbm>>) dst(%arg14 : memref<64x128xf32, #tpu.memory_space<vmem>>)
      %dma_start3A_953 = arith.constant 7 : i32
      %dma_start3A_954 = arith.constant 1 : i32
      %dma_start3A_955 = arith.constant 0 : i32
      %dma_start3A_956 = tpu.memref_slice %arg9[%dma_start3A_953, %dma_start3A_954, %dma_start3A_955] : memref<8x2x64xi32, #tpu.memory_space<vmem>> -> memref<1x1x64xi32, #tpu.memory_space<vmem>>
      %dma_start3A_957 = tpu.memref_squeeze %dma_start3A_956 : memref<1x1x64xi32, #tpu.memory_space<vmem>> -> memref<64xi32, #tpu.memory_space<vmem>>
      %dma_start3A_958 = arith.constant 0 : i32
      %dma_start3A_959 = arith.constant 0 : i32
      %dma_start3A_960 = tpu.memref_slice %arg6[%dma_start3A_958, %dma_start3A_959] : memref<10008x128xf32, #tpu.memory_space<vmem_shared>> -> memref<10008x128xf32, #tpu.memory_space<vmem_shared>>
      tpu.enqueue_indirect_dma source(%arg14 : memref<64x128xf32, #tpu.memory_space<vmem>>) target(%dma_start3A_960 : memref<10008x128xf32, #tpu.memory_space<vmem_shared>>) offsets(%dma_start3A_957 : memref<64xi32, #tpu.memory_space<vmem>>) semaphore(%arg26 : memref<!tpu.dma_semaphore, #tpu.memory_space<semaphore_mem>>) {add = true}
      %dma_wait3A_961 = arith.constant 0 : i32
      %dma_wait3A_962 = arith.constant 1 : i32
      %dma_wait3A_963 = arith.constant 0 : i32
      %dma_wait3A_964 = tpu.memref_slice %arg7[%dma_wait3A_961, %dma_wait3A_962, %dma_wait3A_963] : memref<8x2x64xi32, #tpu.memory_space<vmem>> -> memref<1x1x64xi32, #tpu.memory_space<vmem>>
      %dma_wait3A_965 = tpu.memref_squeeze %dma_wait3A_964 : memref<1x1x64xi32, #tpu.memory_space<vmem>> -> memref<64xi32, #tpu.memory_space<vmem>>
      %dma_wait3A_966 = arith.constant 0 : i32
      %dma_wait3A_967 = arith.constant 0 : i32
      %dma_wait3A_968 = tpu.memref_slice %arg6[%dma_wait3A_966, %dma_wait3A_967] : memref<10008x128xf32, #tpu.memory_space<vmem_shared>> -> memref<10008x128xf32, #tpu.memory_space<vmem_shared>>
      tpu.wait_indirect_dma semaphore(%arg26 : memref<!tpu.dma_semaphore, #tpu.memory_space<semaphore_mem>>) src(%arg11 : memref<64x128xf32, #tpu.memory_space<vmem>>) dst(%dma_wait3A_968 : memref<10008x128xf32, #tpu.memory_space<vmem_shared>>)
      %dma_start3A_969 = arith.constant 3 : i32
      %dma_start3A_970 = arith.constant 0 : i32
      %dma_start3A_971 = arith.constant 0 : i32
      %dma_start3A_972 = tpu.memref_slice %arg10[%dma_start3A_969, %dma_start3A_970, %dma_start3A_971] : memref<8x2x64xi32, #tpu.memory_space<vmem>> -> memref<1x1x64xi32, #tpu.memory_space<vmem>>
      %dma_start3A_973 = tpu.memref_squeeze %dma_start3A_972 : memref<1x1x64xi32, #tpu.memory_space<vmem>> -> memref<64xi32, #tpu.memory_space<vmem>>
      %dma_start3A_974 = arith.constant 0 : i32
      %dma_start3A_975 = arith.constant 0 : i32
      %dma_start3A_976 = tpu.memref_slice %arg3[%dma_start3A_974, %dma_start3A_975] : memref<10000x128xf32, #tpu.memory_space<hbm>> -> memref<10000x128xf32, #tpu.memory_space<hbm>>
      tpu.enqueue_indirect_dma source(%dma_start3A_976 : memref<10000x128xf32, #tpu.memory_space<hbm>>) target(%arg14 : memref<64x128xf32, #tpu.memory_space<vmem>>) offsets(%dma_start3A_973 : memref<64xi32, #tpu.memory_space<vmem>>) semaphore(%arg22 : memref<!tpu.dma_semaphore, #tpu.memory_space<semaphore_mem>>)
      %mul3A_977 = arith.constant 4 : i32
      %mul3A_978 = arith.muli %scan3A_115, %mul3A_977 : i32
      %add3A_979 = arith.constant 3 : i32
      %add3A_980 = arith.addi %mul3A_978, %add3A_979 : i32
      %lt3A_981 = arith.constant 9 : i32
      %lt3A_982 = arith.cmpi slt, %scan3A_115, %lt3A_981 : i32
      %convert_element_type3A = arith.extui %lt3A_982 : i1 to i32
      %cond3A = arith.constant 0 : i32
      %cond3A_983 = arith.cmpi ne, %convert_element_type3A, %cond3A : i32
      scf.if %cond3A_983 {
        %add3A_1201 = arith.constant 1 : i32
        %add3A_1202 = arith.addi %add3A_980, %add3A_1201 : i32
        %mul3A_1203 = arith.constant 8 : i32
        %mul3A_1204 = arith.muli %add3A_1202, %mul3A_1203 : i32
        %mul3A_1205 = arith.constant 320 : i32
        %mul3A_1206 = arith.muli %arg1, %mul3A_1205 : i32
        %add3A_1207 = arith.addi %mul3A_1206, %mul3A_1204 : i32
        %dma_start3A_1208 = arith.constant 0 : i32
        %dma_start3A_1209 = arith.constant 0 : i32
        %dma_start3A_1210 = tpu.memref_slice %arg2[%arg0, %add3A_1207, %dma_start3A_1208, %dma_start3A_1209] : memref<2x5120x2x64xi32, #tpu.memory_space<hbm>> -> memref<1x8x2x64xi32, #tpu.memory_space<hbm>>
        %dma_start3A_1211 = tpu.memref_squeeze %dma_start3A_1210 : memref<1x8x2x64xi32, #tpu.memory_space<hbm>> -> memref<8x2x64xi32, #tpu.memory_space<hbm>>
        %dma_start3A_1212 = arith.constant 0 : i32
        %dma_start3A_1213 = arith.constant 0 : i32
        %dma_start3A_1214 = tpu.memref_slice %arg2[%arg0, %add3A_1207, %dma_start3A_1212, %dma_start3A_1213] : memref<2x5120x2x64xi32, #tpu.memory_space<hbm>> -> memref<1x8x2x64xi32, #tpu.memory_space<hbm>>
        %dma_start3A_1215 = tpu.memref_squeeze %dma_start3A_1214 : memref<1x8x2x64xi32, #tpu.memory_space<hbm>> -> memref<8x2x64xi32, #tpu.memory_space<hbm>>
        tpu.enqueue_dma source(%dma_start3A_1215 : memref<8x2x64xi32, #tpu.memory_space<hbm>>) target(%arg7 : memref<8x2x64xi32, #tpu.memory_space<vmem>>) target_semaphore(%arg15 : memref<!tpu.dma_semaphore, #tpu.memory_space<semaphore_mem>>)
      } else {
      }
      %dma_wait3A_984 = arith.constant 0 : i32
      %dma_wait3A_985 = arith.constant 0 : i32
      %dma_wait3A_986 = arith.constant 0 : i32
      %dma_wait3A_987 = tpu.memref_slice %arg7[%dma_wait3A_984, %dma_wait3A_985, %dma_wait3A_986] : memref<8x2x64xi32, #tpu.memory_space<vmem>> -> memref<1x1x64xi32, #tpu.memory_space<vmem>>
      %dma_wait3A_988 = tpu.memref_squeeze %dma_wait3A_987 : memref<1x1x64xi32, #tpu.memory_space<vmem>> -> memref<64xi32, #tpu.memory_space<vmem>>
      %dma_wait3A_989 = arith.constant 0 : i32
      %dma_wait3A_990 = arith.constant 0 : i32
      %dma_wait3A_991 = tpu.memref_slice %arg3[%dma_wait3A_989, %dma_wait3A_990] : memref<10000x128xf32, #tpu.memory_space<hbm>> -> memref<10000x128xf32, #tpu.memory_space<hbm>>
      tpu.wait_indirect_dma semaphore(%arg19 : memref<!tpu.dma_semaphore, #tpu.memory_space<semaphore_mem>>) src(%dma_wait3A_991 : memref<10000x128xf32, #tpu.memory_space<hbm>>) dst(%arg11 : memref<64x128xf32, #tpu.memory_space<vmem>>)
      %dma_start3A_992 = arith.constant 0 : i32
      %dma_start3A_993 = arith.constant 1 : i32
      %dma_start3A_994 = arith.constant 0 : i32
      %dma_start3A_995 = tpu.memref_slice %arg10[%dma_start3A_992, %dma_start3A_993, %dma_start3A_994] : memref<8x2x64xi32, #tpu.memory_space<vmem>> -> memref<1x1x64xi32, #tpu.memory_space<vmem>>
      %dma_start3A_996 = tpu.memref_squeeze %dma_start3A_995 : memref<1x1x64xi32, #tpu.memory_space<vmem>> -> memref<64xi32, #tpu.memory_space<vmem>>
      %dma_start3A_997 = arith.constant 0 : i32
      %dma_start3A_998 = arith.constant 0 : i32
      %dma_start3A_999 = tpu.memref_slice %arg6[%dma_start3A_997, %dma_start3A_998] : memref<10008x128xf32, #tpu.memory_space<vmem_shared>> -> memref<10008x128xf32, #tpu.memory_space<vmem_shared>>
      tpu.enqueue_indirect_dma source(%arg11 : memref<64x128xf32, #tpu.memory_space<vmem>>) target(%dma_start3A_999 : memref<10008x128xf32, #tpu.memory_space<vmem_shared>>) offsets(%dma_start3A_996 : memref<64xi32, #tpu.memory_space<vmem>>) semaphore(%arg23 : memref<!tpu.dma_semaphore, #tpu.memory_space<semaphore_mem>>) {add = true}
      %dma_wait3A_1000 = arith.constant 0 : i32
      %dma_wait3A_1001 = arith.constant 1 : i32
      %dma_wait3A_1002 = arith.constant 0 : i32
      %dma_wait3A_1003 = tpu.memref_slice %arg7[%dma_wait3A_1000, %dma_wait3A_1001, %dma_wait3A_1002] : memref<8x2x64xi32, #tpu.memory_space<vmem>> -> memref<1x1x64xi32, #tpu.memory_space<vmem>>
      %dma_wait3A_1004 = tpu.memref_squeeze %dma_wait3A_1003 : memref<1x1x64xi32, #tpu.memory_space<vmem>> -> memref<64xi32, #tpu.memory_space<vmem>>
      %dma_wait3A_1005 = arith.constant 0 : i32
      %dma_wait3A_1006 = arith.constant 0 : i32
      %dma_wait3A_1007 = tpu.memref_slice %arg6[%dma_wait3A_1005, %dma_wait3A_1006] : memref<10008x128xf32, #tpu.memory_space<vmem_shared>> -> memref<10008x128xf32, #tpu.memory_space<vmem_shared>>
      tpu.wait_indirect_dma semaphore(%arg23 : memref<!tpu.dma_semaphore, #tpu.memory_space<semaphore_mem>>) src(%arg11 : memref<64x128xf32, #tpu.memory_space<vmem>>) dst(%dma_wait3A_1007 : memref<10008x128xf32, #tpu.memory_space<vmem_shared>>)
      %dma_start3A_1008 = arith.constant 4 : i32
      %dma_start3A_1009 = arith.constant 0 : i32
      %dma_start3A_1010 = arith.constant 0 : i32
      %dma_start3A_1011 = tpu.memref_slice %arg10[%dma_start3A_1008, %dma_start3A_1009, %dma_start3A_1010] : memref<8x2x64xi32, #tpu.memory_space<vmem>> -> memref<1x1x64xi32, #tpu.memory_space<vmem>>
      %dma_start3A_1012 = tpu.memref_squeeze %dma_start3A_1011 : memref<1x1x64xi32, #tpu.memory_space<vmem>> -> memref<64xi32, #tpu.memory_space<vmem>>
      %dma_start3A_1013 = arith.constant 0 : i32
      %dma_start3A_1014 = arith.constant 0 : i32
      %dma_start3A_1015 = tpu.memref_slice %arg3[%dma_start3A_1013, %dma_start3A_1014] : memref<10000x128xf32, #tpu.memory_space<hbm>> -> memref<10000x128xf32, #tpu.memory_space<hbm>>
      tpu.enqueue_indirect_dma source(%dma_start3A_1015 : memref<10000x128xf32, #tpu.memory_space<hbm>>) target(%arg11 : memref<64x128xf32, #tpu.memory_space<vmem>>) offsets(%dma_start3A_1012 : memref<64xi32, #tpu.memory_space<vmem>>) semaphore(%arg19 : memref<!tpu.dma_semaphore, #tpu.memory_space<semaphore_mem>>)
      %dma_wait3A_1016 = arith.constant 0 : i32
      %dma_wait3A_1017 = arith.constant 0 : i32
      %dma_wait3A_1018 = arith.constant 0 : i32
      %dma_wait3A_1019 = tpu.memref_slice %arg7[%dma_wait3A_1016, %dma_wait3A_1017, %dma_wait3A_1018] : memref<8x2x64xi32, #tpu.memory_space<vmem>> -> memref<1x1x64xi32, #tpu.memory_space<vmem>>
      %dma_wait3A_1020 = tpu.memref_squeeze %dma_wait3A_1019 : memref<1x1x64xi32, #tpu.memory_space<vmem>> -> memref<64xi32, #tpu.memory_space<vmem>>
      %dma_wait3A_1021 = arith.constant 0 : i32
      %dma_wait3A_1022 = arith.constant 0 : i32
      %dma_wait3A_1023 = tpu.memref_slice %arg3[%dma_wait3A_1021, %dma_wait3A_1022] : memref<10000x128xf32, #tpu.memory_space<hbm>> -> memref<10000x128xf32, #tpu.memory_space<hbm>>
      tpu.wait_indirect_dma semaphore(%arg20 : memref<!tpu.dma_semaphore, #tpu.memory_space<semaphore_mem>>) src(%dma_wait3A_1023 : memref<10000x128xf32, #tpu.memory_space<hbm>>) dst(%arg12 : memref<64x128xf32, #tpu.memory_space<vmem>>)
      %dma_start3A_1024 = arith.constant 1 : i32
      %dma_start3A_1025 = arith.constant 1 : i32
      %dma_start3A_1026 = arith.constant 0 : i32
      %dma_start3A_1027 = tpu.memref_slice %arg10[%dma_start3A_1024, %dma_start3A_1025, %dma_start3A_1026] : memref<8x2x64xi32, #tpu.memory_space<vmem>> -> memref<1x1x64xi32, #tpu.memory_space<vmem>>
      %dma_start3A_1028 = tpu.memref_squeeze %dma_start3A_1027 : memref<1x1x64xi32, #tpu.memory_space<vmem>> -> memref<64xi32, #tpu.memory_space<vmem>>
      %dma_start3A_1029 = arith.constant 0 : i32
      %dma_start3A_1030 = arith.constant 0 : i32
      %dma_start3A_1031 = tpu.memref_slice %arg6[%dma_start3A_1029, %dma_start3A_1030] : memref<10008x128xf32, #tpu.memory_space<vmem_shared>> -> memref<10008x128xf32, #tpu.memory_space<vmem_shared>>
      tpu.enqueue_indirect_dma source(%arg12 : memref<64x128xf32, #tpu.memory_space<vmem>>) target(%dma_start3A_1031 : memref<10008x128xf32, #tpu.memory_space<vmem_shared>>) offsets(%dma_start3A_1028 : memref<64xi32, #tpu.memory_space<vmem>>) semaphore(%arg24 : memref<!tpu.dma_semaphore, #tpu.memory_space<semaphore_mem>>) {add = true}
      %dma_wait3A_1032 = arith.constant 0 : i32
      %dma_wait3A_1033 = arith.constant 1 : i32
      %dma_wait3A_1034 = arith.constant 0 : i32
      %dma_wait3A_1035 = tpu.memref_slice %arg7[%dma_wait3A_1032, %dma_wait3A_1033, %dma_wait3A_1034] : memref<8x2x64xi32, #tpu.memory_space<vmem>> -> memref<1x1x64xi32, #tpu.memory_space<vmem>>
      %dma_wait3A_1036 = tpu.memref_squeeze %dma_wait3A_1035 : memref<1x1x64xi32, #tpu.memory_space<vmem>> -> memref<64xi32, #tpu.memory_space<vmem>>
      %dma_wait3A_1037 = arith.constant 0 : i32
      %dma_wait3A_1038 = arith.constant 0 : i32
      %dma_wait3A_1039 = tpu.memref_slice %arg6[%dma_wait3A_1037, %dma_wait3A_1038] : memref<10008x128xf32, #tpu.memory_space<vmem_shared>> -> memref<10008x128xf32, #tpu.memory_space<vmem_shared>>
      tpu.wait_indirect_dma semaphore(%arg24 : memref<!tpu.dma_semaphore, #tpu.memory_space<semaphore_mem>>) src(%arg11 : memref<64x128xf32, #tpu.memory_space<vmem>>) dst(%dma_wait3A_1039 : memref<10008x128xf32, #tpu.memory_space<vmem_shared>>)
      %dma_start3A_1040 = arith.constant 5 : i32
      %dma_start3A_1041 = arith.constant 0 : i32
      %dma_start3A_1042 = arith.constant 0 : i32
      %dma_start3A_1043 = tpu.memref_slice %arg10[%dma_start3A_1040, %dma_start3A_1041, %dma_start3A_1042] : memref<8x2x64xi32, #tpu.memory_space<vmem>> -> memref<1x1x64xi32, #tpu.memory_space<vmem>>
      %dma_start3A_1044 = tpu.memref_squeeze %dma_start3A_1043 : memref<1x1x64xi32, #tpu.memory_space<vmem>> -> memref<64xi32, #tpu.memory_space<vmem>>
      %dma_start3A_1045 = arith.constant 0 : i32
      %dma_start3A_1046 = arith.constant 0 : i32
      %dma_start3A_1047 = tpu.memref_slice %arg3[%dma_start3A_1045, %dma_start3A_1046] : memref<10000x128xf32, #tpu.memory_space<hbm>> -> memref<10000x128xf32, #tpu.memory_space<hbm>>
      tpu.enqueue_indirect_dma source(%dma_start3A_1047 : memref<10000x128xf32, #tpu.memory_space<hbm>>) target(%arg12 : memref<64x128xf32, #tpu.memory_space<vmem>>) offsets(%dma_start3A_1044 : memref<64xi32, #tpu.memory_space<vmem>>) semaphore(%arg20 : memref<!tpu.dma_semaphore, #tpu.memory_space<semaphore_mem>>)
      %dma_wait3A_1048 = arith.constant 0 : i32
      %dma_wait3A_1049 = arith.constant 0 : i32
      %dma_wait3A_1050 = arith.constant 0 : i32
      %dma_wait3A_1051 = tpu.memref_slice %arg7[%dma_wait3A_1048, %dma_wait3A_1049, %dma_wait3A_1050] : memref<8x2x64xi32, #tpu.memory_space<vmem>> -> memref<1x1x64xi32, #tpu.memory_space<vmem>>
      %dma_wait3A_1052 = tpu.memref_squeeze %dma_wait3A_1051 : memref<1x1x64xi32, #tpu.memory_space<vmem>> -> memref<64xi32, #tpu.memory_space<vmem>>
      %dma_wait3A_1053 = arith.constant 0 : i32
      %dma_wait3A_1054 = arith.constant 0 : i32
      %dma_wait3A_1055 = tpu.memref_slice %arg3[%dma_wait3A_1053, %dma_wait3A_1054] : memref<10000x128xf32, #tpu.memory_space<hbm>> -> memref<10000x128xf32, #tpu.memory_space<hbm>>
      tpu.wait_indirect_dma semaphore(%arg21 : memref<!tpu.dma_semaphore, #tpu.memory_space<semaphore_mem>>) src(%dma_wait3A_1055 : memref<10000x128xf32, #tpu.memory_space<hbm>>) dst(%arg13 : memref<64x128xf32, #tpu.memory_space<vmem>>)
      %dma_start3A_1056 = arith.constant 2 : i32
      %dma_start3A_1057 = arith.constant 1 : i32
      %dma_start3A_1058 = arith.constant 0 : i32
      %dma_start3A_1059 = tpu.memref_slice %arg10[%dma_start3A_1056, %dma_start3A_1057, %dma_start3A_1058] : memref<8x2x64xi32, #tpu.memory_space<vmem>> -> memref<1x1x64xi32, #tpu.memory_space<vmem>>
      %dma_start3A_1060 = tpu.memref_squeeze %dma_start3A_1059 : memref<1x1x64xi32, #tpu.memory_space<vmem>> -> memref<64xi32, #tpu.memory_space<vmem>>
      %dma_start3A_1061 = arith.constant 0 : i32
      %dma_start3A_1062 = arith.constant 0 : i32
      %dma_start3A_1063 = tpu.memref_slice %arg6[%dma_start3A_1061, %dma_start3A_1062] : memref<10008x128xf32, #tpu.memory_space<vmem_shared>> -> memref<10008x128xf32, #tpu.memory_space<vmem_shared>>
      tpu.enqueue_indirect_dma source(%arg13 : memref<64x128xf32, #tpu.memory_space<vmem>>) target(%dma_start3A_1063 : memref<10008x128xf32, #tpu.memory_space<vmem_shared>>) offsets(%dma_start3A_1060 : memref<64xi32, #tpu.memory_space<vmem>>) semaphore(%arg25 : memref<!tpu.dma_semaphore, #tpu.memory_space<semaphore_mem>>) {add = true}
      %dma_wait3A_1064 = arith.constant 0 : i32
      %dma_wait3A_1065 = arith.constant 1 : i32
      %dma_wait3A_1066 = arith.constant 0 : i32
      %dma_wait3A_1067 = tpu.memref_slice %arg7[%dma_wait3A_1064, %dma_wait3A_1065, %dma_wait3A_1066] : memref<8x2x64xi32, #tpu.memory_space<vmem>> -> memref<1x1x64xi32, #tpu.memory_space<vmem>>
      %dma_wait3A_1068 = tpu.memref_squeeze %dma_wait3A_1067 : memref<1x1x64xi32, #tpu.memory_space<vmem>> -> memref<64xi32, #tpu.memory_space<vmem>>
      %dma_wait3A_1069 = arith.constant 0 : i32
      %dma_wait3A_1070 = arith.constant 0 : i32
      %dma_wait3A_1071 = tpu.memref_slice %arg6[%dma_wait3A_1069, %dma_wait3A_1070] : memref<10008x128xf32, #tpu.memory_space<vmem_shared>> -> memref<10008x128xf32, #tpu.memory_space<vmem_shared>>
      tpu.wait_indirect_dma semaphore(%arg25 : memref<!tpu.dma_semaphore, #tpu.memory_space<semaphore_mem>>) src(%arg11 : memref<64x128xf32, #tpu.memory_space<vmem>>) dst(%dma_wait3A_1071 : memref<10008x128xf32, #tpu.memory_space<vmem_shared>>)
      %dma_start3A_1072 = arith.constant 6 : i32
      %dma_start3A_1073 = arith.constant 0 : i32
      %dma_start3A_1074 = arith.constant 0 : i32
      %dma_start3A_1075 = tpu.memref_slice %arg10[%dma_start3A_1072, %dma_start3A_1073, %dma_start3A_1074] : memref<8x2x64xi32, #tpu.memory_space<vmem>> -> memref<1x1x64xi32, #tpu.memory_space<vmem>>
      %dma_start3A_1076 = tpu.memref_squeeze %dma_start3A_1075 : memref<1x1x64xi32, #tpu.memory_space<vmem>> -> memref<64xi32, #tpu.memory_space<vmem>>
      %dma_start3A_1077 = arith.constant 0 : i32
      %dma_start3A_1078 = arith.constant 0 : i32
      %dma_start3A_1079 = tpu.memref_slice %arg3[%dma_start3A_1077, %dma_start3A_1078] : memref<10000x128xf32, #tpu.memory_space<hbm>> -> memref<10000x128xf32, #tpu.memory_space<hbm>>
      tpu.enqueue_indirect_dma source(%dma_start3A_1079 : memref<10000x128xf32, #tpu.memory_space<hbm>>) target(%arg13 : memref<64x128xf32, #tpu.memory_space<vmem>>) offsets(%dma_start3A_1076 : memref<64xi32, #tpu.memory_space<vmem>>) semaphore(%arg21 : memref<!tpu.dma_semaphore, #tpu.memory_space<semaphore_mem>>)
      %dma_wait3A_1080 = arith.constant 0 : i32
      %dma_wait3A_1081 = arith.constant 0 : i32
      %dma_wait3A_1082 = arith.constant 0 : i32
      %dma_wait3A_1083 = tpu.memref_slice %arg7[%dma_wait3A_1080, %dma_wait3A_1081, %dma_wait3A_1082] : memref<8x2x64xi32, #tpu.memory_space<vmem>> -> memref<1x1x64xi32, #tpu.memory_space<vmem>>
      %dma_wait3A_1084 = tpu.memref_squeeze %dma_wait3A_1083 : memref<1x1x64xi32, #tpu.memory_space<vmem>> -> memref<64xi32, #tpu.memory_space<vmem>>
      %dma_wait3A_1085 = arith.constant 0 : i32
      %dma_wait3A_1086 = arith.constant 0 : i32
      %dma_wait3A_1087 = tpu.memref_slice %arg3[%dma_wait3A_1085, %dma_wait3A_1086] : memref<10000x128xf32, #tpu.memory_space<hbm>> -> memref<10000x128xf32, #tpu.memory_space<hbm>>
      tpu.wait_indirect_dma semaphore(%arg22 : memref<!tpu.dma_semaphore, #tpu.memory_space<semaphore_mem>>) src(%dma_wait3A_1087 : memref<10000x128xf32, #tpu.memory_space<hbm>>) dst(%arg14 : memref<64x128xf32, #tpu.memory_space<vmem>>)
      %dma_start3A_1088 = arith.constant 3 : i32
      %dma_start3A_1089 = arith.constant 1 : i32
      %dma_start3A_1090 = arith.constant 0 : i32
      %dma_start3A_1091 = tpu.memref_slice %arg10[%dma_start3A_1088, %dma_start3A_1089, %dma_start3A_1090] : memref<8x2x64xi32, #tpu.memory_space<vmem>> -> memref<1x1x64xi32, #tpu.memory_space<vmem>>
      %dma_start3A_1092 = tpu.memref_squeeze %dma_start3A_1091 : memref<1x1x64xi32, #tpu.memory_space<vmem>> -> memref<64xi32, #tpu.memory_space<vmem>>
      %dma_start3A_1093 = arith.constant 0 : i32
      %dma_start3A_1094 = arith.constant 0 : i32
      %dma_start3A_1095 = tpu.memref_slice %arg6[%dma_start3A_1093, %dma_start3A_1094] : memref<10008x128xf32, #tpu.memory_space<vmem_shared>> -> memref<10008x128xf32, #tpu.memory_space<vmem_shared>>
      tpu.enqueue_indirect_dma source(%arg14 : memref<64x128xf32, #tpu.memory_space<vmem>>) target(%dma_start3A_1095 : memref<10008x128xf32, #tpu.memory_space<vmem_shared>>) offsets(%dma_start3A_1092 : memref<64xi32, #tpu.memory_space<vmem>>) semaphore(%arg26 : memref<!tpu.dma_semaphore, #tpu.memory_space<semaphore_mem>>) {add = true}
      %dma_wait3A_1096 = arith.constant 0 : i32
      %dma_wait3A_1097 = arith.constant 1 : i32
      %dma_wait3A_1098 = arith.constant 0 : i32
      %dma_wait3A_1099 = tpu.memref_slice %arg7[%dma_wait3A_1096, %dma_wait3A_1097, %dma_wait3A_1098] : memref<8x2x64xi32, #tpu.memory_space<vmem>> -> memref<1x1x64xi32, #tpu.memory_space<vmem>>
      %dma_wait3A_1100 = tpu.memref_squeeze %dma_wait3A_1099 : memref<1x1x64xi32, #tpu.memory_space<vmem>> -> memref<64xi32, #tpu.memory_space<vmem>>
      %dma_wait3A_1101 = arith.constant 0 : i32
      %dma_wait3A_1102 = arith.constant 0 : i32
      %dma_wait3A_1103 = tpu.memref_slice %arg6[%dma_wait3A_1101, %dma_wait3A_1102] : memref<10008x128xf32, #tpu.memory_space<vmem_shared>> -> memref<10008x128xf32, #tpu.memory_space<vmem_shared>>
      tpu.wait_indirect_dma semaphore(%arg26 : memref<!tpu.dma_semaphore, #tpu.memory_space<semaphore_mem>>) src(%arg11 : memref<64x128xf32, #tpu.memory_space<vmem>>) dst(%dma_wait3A_1103 : memref<10008x128xf32, #tpu.memory_space<vmem_shared>>)
      %dma_start3A_1104 = arith.constant 7 : i32
      %dma_start3A_1105 = arith.constant 0 : i32
      %dma_start3A_1106 = arith.constant 0 : i32
      %dma_start3A_1107 = tpu.memref_slice %arg10[%dma_start3A_1104, %dma_start3A_1105, %dma_start3A_1106] : memref<8x2x64xi32, #tpu.memory_space<vmem>> -> memref<1x1x64xi32, #tpu.memory_space<vmem>>
      %dma_start3A_1108 = tpu.memref_squeeze %dma_start3A_1107 : memref<1x1x64xi32, #tpu.memory_space<vmem>> -> memref<64xi32, #tpu.memory_space<vmem>>
      %dma_start3A_1109 = arith.constant 0 : i32
      %dma_start3A_1110 = arith.constant 0 : i32
      %dma_start3A_1111 = tpu.memref_slice %arg3[%dma_start3A_1109, %dma_start3A_1110] : memref<10000x128xf32, #tpu.memory_space<hbm>> -> memref<10000x128xf32, #tpu.memory_space<hbm>>
      tpu.enqueue_indirect_dma source(%dma_start3A_1111 : memref<10000x128xf32, #tpu.memory_space<hbm>>) target(%arg14 : memref<64x128xf32, #tpu.memory_space<vmem>>) offsets(%dma_start3A_1108 : memref<64xi32, #tpu.memory_space<vmem>>) semaphore(%arg22 : memref<!tpu.dma_semaphore, #tpu.memory_space<semaphore_mem>>)
      %dma_wait3A_1112 = arith.constant 0 : i32
      %dma_wait3A_1113 = arith.constant 0 : i32
      %dma_wait3A_1114 = arith.constant 0 : i32
      %dma_wait3A_1115 = tpu.memref_slice %arg7[%dma_wait3A_1112, %dma_wait3A_1113, %dma_wait3A_1114] : memref<8x2x64xi32, #tpu.memory_space<vmem>> -> memref<1x1x64xi32, #tpu.memory_space<vmem>>
      %dma_wait3A_1116 = tpu.memref_squeeze %dma_wait3A_1115 : memref<1x1x64xi32, #tpu.memory_space<vmem>> -> memref<64xi32, #tpu.memory_space<vmem>>
      %dma_wait3A_1117 = arith.constant 0 : i32
      %dma_wait3A_1118 = arith.constant 0 : i32
      %dma_wait3A_1119 = tpu.memref_slice %arg3[%dma_wait3A_1117, %dma_wait3A_1118] : memref<10000x128xf32, #tpu.memory_space<hbm>> -> memref<10000x128xf32, #tpu.memory_space<hbm>>
      tpu.wait_indirect_dma semaphore(%arg19 : memref<!tpu.dma_semaphore, #tpu.memory_space<semaphore_mem>>) src(%dma_wait3A_1119 : memref<10000x128xf32, #tpu.memory_space<hbm>>) dst(%arg11 : memref<64x128xf32, #tpu.memory_space<vmem>>)
      %dma_start3A_1120 = arith.constant 4 : i32
      %dma_start3A_1121 = arith.constant 1 : i32
      %dma_start3A_1122 = arith.constant 0 : i32
      %dma_start3A_1123 = tpu.memref_slice %arg10[%dma_start3A_1120, %dma_start3A_1121, %dma_start3A_1122] : memref<8x2x64xi32, #tpu.memory_space<vmem>> -> memref<1x1x64xi32, #tpu.memory_space<vmem>>
      %dma_start3A_1124 = tpu.memref_squeeze %dma_start3A_1123 : memref<1x1x64xi32, #tpu.memory_space<vmem>> -> memref<64xi32, #tpu.memory_space<vmem>>
      %dma_start3A_1125 = arith.constant 0 : i32
      %dma_start3A_1126 = arith.constant 0 : i32
      %dma_start3A_1127 = tpu.memref_slice %arg6[%dma_start3A_1125, %dma_start3A_1126] : memref<10008x128xf32, #tpu.memory_space<vmem_shared>> -> memref<10008x128xf32, #tpu.memory_space<vmem_shared>>
      tpu.enqueue_indirect_dma source(%arg11 : memref<64x128xf32, #tpu.memory_space<vmem>>) target(%dma_start3A_1127 : memref<10008x128xf32, #tpu.memory_space<vmem_shared>>) offsets(%dma_start3A_1124 : memref<64xi32, #tpu.memory_space<vmem>>) semaphore(%arg23 : memref<!tpu.dma_semaphore, #tpu.memory_space<semaphore_mem>>) {add = true}
      %lt3A_1128 = arith.constant 9 : i32
      %lt3A_1129 = arith.cmpi slt, %scan3A_115, %lt3A_1128 : i32
      %convert_element_type3A_1130 = arith.extui %lt3A_1129 : i1 to i32
      %cond3A_1131 = arith.constant 0 : i32
      %cond3A_1132 = arith.cmpi ne, %convert_element_type3A_1130, %cond3A_1131 : i32
      scf.if %cond3A_1132 {
        %mul3A_1201 = arith.constant 320 : i32
        %mul3A_1202 = arith.muli %arg1, %mul3A_1201 : i32
        %add3A_1203 = arith.constant 0 : i32
        %add3A_1204 = arith.addi %mul3A_1202, %add3A_1203 : i32
        %dma_wait3A_1205 = arith.constant 0 : i32
        %dma_wait3A_1206 = arith.constant 0 : i32
        %dma_wait3A_1207 = tpu.memref_slice %arg2[%arg0, %add3A_1204, %dma_wait3A_1205, %dma_wait3A_1206] : memref<2x5120x2x64xi32, #tpu.memory_space<hbm>> -> memref<1x8x2x64xi32, #tpu.memory_space<hbm>>
        %dma_wait3A_1208 = tpu.memref_squeeze %dma_wait3A_1207 : memref<1x8x2x64xi32, #tpu.memory_space<hbm>> -> memref<8x2x64xi32, #tpu.memory_space<hbm>>
        %dma_wait3A_1209 = arith.constant 0 : i32
        %dma_wait3A_1210 = arith.constant 0 : i32
        %dma_wait3A_1211 = tpu.memref_slice %arg2[%arg0, %add3A_1204, %dma_wait3A_1209, %dma_wait3A_1210] : memref<2x5120x2x64xi32, #tpu.memory_space<hbm>> -> memref<1x8x2x64xi32, #tpu.memory_space<hbm>>
        %dma_wait3A_1212 = tpu.memref_squeeze %dma_wait3A_1211 : memref<1x8x2x64xi32, #tpu.memory_space<hbm>> -> memref<8x2x64xi32, #tpu.memory_space<hbm>>
        tpu.wait_dma2 semaphore(%arg15 : memref<!tpu.dma_semaphore, #tpu.memory_space<semaphore_mem>>) src(%dma_wait3A_1212 : memref<8x2x64xi32, #tpu.memory_space<hbm>>) dst(%arg7 : memref<8x2x64xi32, #tpu.memory_space<vmem>>)
      } else {
      }
      %lt3A_1133 = arith.constant 9 : i32
      %lt3A_1134 = arith.cmpi slt, %scan3A_115, %lt3A_1133 : i32
      %convert_element_type3A_1135 = arith.extui %lt3A_1134 : i1 to i32
      %cond3A_1136 = arith.constant 0 : i32
      %cond3A_1137 = arith.cmpi ne, %convert_element_type3A_1135, %cond3A_1136 : i32
      scf.if %cond3A_1137 {
        %dma_wait3A_1201 = arith.constant 0 : i32
        %dma_wait3A_1202 = arith.constant 1 : i32
        %dma_wait3A_1203 = arith.constant 0 : i32
        %dma_wait3A_1204 = tpu.memref_slice %arg7[%dma_wait3A_1201, %dma_wait3A_1202, %dma_wait3A_1203] : memref<8x2x64xi32, #tpu.memory_space<vmem>> -> memref<1x1x64xi32, #tpu.memory_space<vmem>>
        %dma_wait3A_1205 = tpu.memref_squeeze %dma_wait3A_1204 : memref<1x1x64xi32, #tpu.memory_space<vmem>> -> memref<64xi32, #tpu.memory_space<vmem>>
        %dma_wait3A_1206 = arith.constant 0 : i32
        %dma_wait3A_1207 = arith.constant 0 : i32
        %dma_wait3A_1208 = tpu.memref_slice %arg6[%dma_wait3A_1206, %dma_wait3A_1207] : memref<10008x128xf32, #tpu.memory_space<vmem_shared>> -> memref<10008x128xf32, #tpu.memory_space<vmem_shared>>
        tpu.wait_indirect_dma semaphore(%arg23 : memref<!tpu.dma_semaphore, #tpu.memory_space<semaphore_mem>>) src(%arg11 : memref<64x128xf32, #tpu.memory_space<vmem>>) dst(%dma_wait3A_1208 : memref<10008x128xf32, #tpu.memory_space<vmem_shared>>)
        %dma_start3A_1209 = arith.constant 0 : i32
        %dma_start3A_1210 = arith.constant 0 : i32
        %dma_start3A_1211 = arith.constant 0 : i32
        %dma_start3A_1212 = tpu.memref_slice %arg7[%dma_start3A_1209, %dma_start3A_1210, %dma_start3A_1211] : memref<8x2x64xi32, #tpu.memory_space<vmem>> -> memref<1x1x64xi32, #tpu.memory_space<vmem>>
        %dma_start3A_1213 = tpu.memref_squeeze %dma_start3A_1212 : memref<1x1x64xi32, #tpu.memory_space<vmem>> -> memref<64xi32, #tpu.memory_space<vmem>>
        %dma_start3A_1214 = arith.constant 0 : i32
        %dma_start3A_1215 = arith.constant 0 : i32
        %dma_start3A_1216 = tpu.memref_slice %arg3[%dma_start3A_1214, %dma_start3A_1215] : memref<10000x128xf32, #tpu.memory_space<hbm>> -> memref<10000x128xf32, #tpu.memory_space<hbm>>
        tpu.enqueue_indirect_dma source(%dma_start3A_1216 : memref<10000x128xf32, #tpu.memory_space<hbm>>) target(%arg11 : memref<64x128xf32, #tpu.memory_space<vmem>>) offsets(%dma_start3A_1213 : memref<64xi32, #tpu.memory_space<vmem>>) semaphore(%arg19 : memref<!tpu.dma_semaphore, #tpu.memory_space<semaphore_mem>>)
      } else {
      }
      %dma_wait3A_1138 = arith.constant 0 : i32
      %dma_wait3A_1139 = arith.constant 0 : i32
      %dma_wait3A_1140 = arith.constant 0 : i32
      %dma_wait3A_1141 = tpu.memref_slice %arg7[%dma_wait3A_1138, %dma_wait3A_1139, %dma_wait3A_1140] : memref<8x2x64xi32, #tpu.memory_space<vmem>> -> memref<1x1x64xi32, #tpu.memory_space<vmem>>
      %dma_wait3A_1142 = tpu.memref_squeeze %dma_wait3A_1141 : memref<1x1x64xi32, #tpu.memory_space<vmem>> -> memref<64xi32, #tpu.memory_space<vmem>>
      %dma_wait3A_1143 = arith.constant 0 : i32
      %dma_wait3A_1144 = arith.constant 0 : i32
      %dma_wait3A_1145 = tpu.memref_slice %arg3[%dma_wait3A_1143, %dma_wait3A_1144] : memref<10000x128xf32, #tpu.memory_space<hbm>> -> memref<10000x128xf32, #tpu.memory_space<hbm>>
      tpu.wait_indirect_dma semaphore(%arg20 : memref<!tpu.dma_semaphore, #tpu.memory_space<semaphore_mem>>) src(%dma_wait3A_1145 : memref<10000x128xf32, #tpu.memory_space<hbm>>) dst(%arg12 : memref<64x128xf32, #tpu.memory_space<vmem>>)
      %dma_start3A_1146 = arith.constant 5 : i32
      %dma_start3A_1147 = arith.constant 1 : i32
      %dma_start3A_1148 = arith.constant 0 : i32
      %dma_start3A_1149 = tpu.memref_slice %arg10[%dma_start3A_1146, %dma_start3A_1147, %dma_start3A_1148] : memref<8x2x64xi32, #tpu.memory_space<vmem>> -> memref<1x1x64xi32, #tpu.memory_space<vmem>>
      %dma_start3A_1150 = tpu.memref_squeeze %dma_start3A_1149 : memref<1x1x64xi32, #tpu.memory_space<vmem>> -> memref<64xi32, #tpu.memory_space<vmem>>
      %dma_start3A_1151 = arith.constant 0 : i32
      %dma_start3A_1152 = arith.constant 0 : i32
      %dma_start3A_1153 = tpu.memref_slice %arg6[%dma_start3A_1151, %dma_start3A_1152] : memref<10008x128xf32, #tpu.memory_space<vmem_shared>> -> memref<10008x128xf32, #tpu.memory_space<vmem_shared>>
      tpu.enqueue_indirect_dma source(%arg12 : memref<64x128xf32, #tpu.memory_space<vmem>>) target(%dma_start3A_1153 : memref<10008x128xf32, #tpu.memory_space<vmem_shared>>) offsets(%dma_start3A_1150 : memref<64xi32, #tpu.memory_space<vmem>>) semaphore(%arg24 : memref<!tpu.dma_semaphore, #tpu.memory_space<semaphore_mem>>) {add = true}
      %lt3A_1154 = arith.constant 9 : i32
      %lt3A_1155 = arith.cmpi slt, %scan3A_115, %lt3A_1154 : i32
      %convert_element_type3A_1156 = arith.extui %lt3A_1155 : i1 to i32
      %cond3A_1157 = arith.constant 0 : i32
      %cond3A_1158 = arith.cmpi ne, %convert_element_type3A_1156, %cond3A_1157 : i32
      scf.if %cond3A_1158 {
        %dma_wait3A_1201 = arith.constant 0 : i32
        %dma_wait3A_1202 = arith.constant 1 : i32
        %dma_wait3A_1203 = arith.constant 0 : i32
        %dma_wait3A_1204 = tpu.memref_slice %arg7[%dma_wait3A_1201, %dma_wait3A_1202, %dma_wait3A_1203] : memref<8x2x64xi32, #tpu.memory_space<vmem>> -> memref<1x1x64xi32, #tpu.memory_space<vmem>>
        %dma_wait3A_1205 = tpu.memref_squeeze %dma_wait3A_1204 : memref<1x1x64xi32, #tpu.memory_space<vmem>> -> memref<64xi32, #tpu.memory_space<vmem>>
        %dma_wait3A_1206 = arith.constant 0 : i32
        %dma_wait3A_1207 = arith.constant 0 : i32
        %dma_wait3A_1208 = tpu.memref_slice %arg6[%dma_wait3A_1206, %dma_wait3A_1207] : memref<10008x128xf32, #tpu.memory_space<vmem_shared>> -> memref<10008x128xf32, #tpu.memory_space<vmem_shared>>
        tpu.wait_indirect_dma semaphore(%arg24 : memref<!tpu.dma_semaphore, #tpu.memory_space<semaphore_mem>>) src(%arg11 : memref<64x128xf32, #tpu.memory_space<vmem>>) dst(%dma_wait3A_1208 : memref<10008x128xf32, #tpu.memory_space<vmem_shared>>)
        %dma_start3A_1209 = arith.constant 1 : i32
        %dma_start3A_1210 = arith.constant 0 : i32
        %dma_start3A_1211 = arith.constant 0 : i32
        %dma_start3A_1212 = tpu.memref_slice %arg7[%dma_start3A_1209, %dma_start3A_1210, %dma_start3A_1211] : memref<8x2x64xi32, #tpu.memory_space<vmem>> -> memref<1x1x64xi32, #tpu.memory_space<vmem>>
        %dma_start3A_1213 = tpu.memref_squeeze %dma_start3A_1212 : memref<1x1x64xi32, #tpu.memory_space<vmem>> -> memref<64xi32, #tpu.memory_space<vmem>>
        %dma_start3A_1214 = arith.constant 0 : i32
        %dma_start3A_1215 = arith.constant 0 : i32
        %dma_start3A_1216 = tpu.memref_slice %arg3[%dma_start3A_1214, %dma_start3A_1215] : memref<10000x128xf32, #tpu.memory_space<hbm>> -> memref<10000x128xf32, #tpu.memory_space<hbm>>
        tpu.enqueue_indirect_dma source(%dma_start3A_1216 : memref<10000x128xf32, #tpu.memory_space<hbm>>) target(%arg12 : memref<64x128xf32, #tpu.memory_space<vmem>>) offsets(%dma_start3A_1213 : memref<64xi32, #tpu.memory_space<vmem>>) semaphore(%arg20 : memref<!tpu.dma_semaphore, #tpu.memory_space<semaphore_mem>>)
      } else {
      }
      %dma_wait3A_1159 = arith.constant 0 : i32
      %dma_wait3A_1160 = arith.constant 0 : i32
      %dma_wait3A_1161 = arith.constant 0 : i32
      %dma_wait3A_1162 = tpu.memref_slice %arg7[%dma_wait3A_1159, %dma_wait3A_1160, %dma_wait3A_1161] : memref<8x2x64xi32, #tpu.memory_space<vmem>> -> memref<1x1x64xi32, #tpu.memory_space<vmem>>
      %dma_wait3A_1163 = tpu.memref_squeeze %dma_wait3A_1162 : memref<1x1x64xi32, #tpu.memory_space<vmem>> -> memref<64xi32, #tpu.memory_space<vmem>>
      %dma_wait3A_1164 = arith.constant 0 : i32
      %dma_wait3A_1165 = arith.constant 0 : i32
      %dma_wait3A_1166 = tpu.memref_slice %arg3[%dma_wait3A_1164, %dma_wait3A_1165] : memref<10000x128xf32, #tpu.memory_space<hbm>> -> memref<10000x128xf32, #tpu.memory_space<hbm>>
      tpu.wait_indirect_dma semaphore(%arg21 : memref<!tpu.dma_semaphore, #tpu.memory_space<semaphore_mem>>) src(%dma_wait3A_1166 : memref<10000x128xf32, #tpu.memory_space<hbm>>) dst(%arg13 : memref<64x128xf32, #tpu.memory_space<vmem>>)
      %dma_start3A_1167 = arith.constant 6 : i32
      %dma_start3A_1168 = arith.constant 1 : i32
      %dma_start3A_1169 = arith.constant 0 : i32
      %dma_start3A_1170 = tpu.memref_slice %arg10[%dma_start3A_1167, %dma_start3A_1168, %dma_start3A_1169] : memref<8x2x64xi32, #tpu.memory_space<vmem>> -> memref<1x1x64xi32, #tpu.memory_space<vmem>>
      %dma_start3A_1171 = tpu.memref_squeeze %dma_start3A_1170 : memref<1x1x64xi32, #tpu.memory_space<vmem>> -> memref<64xi32, #tpu.memory_space<vmem>>
      %dma_start3A_1172 = arith.constant 0 : i32
      %dma_start3A_1173 = arith.constant 0 : i32
      %dma_start3A_1174 = tpu.memref_slice %arg6[%dma_start3A_1172, %dma_start3A_1173] : memref<10008x128xf32, #tpu.memory_space<vmem_shared>> -> memref<10008x128xf32, #tpu.memory_space<vmem_shared>>
      tpu.enqueue_indirect_dma source(%arg13 : memref<64x128xf32, #tpu.memory_space<vmem>>) target(%dma_start3A_1174 : memref<10008x128xf32, #tpu.memory_space<vmem_shared>>) offsets(%dma_start3A_1171 : memref<64xi32, #tpu.memory_space<vmem>>) semaphore(%arg25 : memref<!tpu.dma_semaphore, #tpu.memory_space<semaphore_mem>>) {add = true}
      %lt3A_1175 = arith.constant 9 : i32
      %lt3A_1176 = arith.cmpi slt, %scan3A_115, %lt3A_1175 : i32
      %convert_element_type3A_1177 = arith.extui %lt3A_1176 : i1 to i32
      %cond3A_1178 = arith.constant 0 : i32
      %cond3A_1179 = arith.cmpi ne, %convert_element_type3A_1177, %cond3A_1178 : i32
      scf.if %cond3A_1179 {
        %dma_wait3A_1201 = arith.constant 0 : i32
        %dma_wait3A_1202 = arith.constant 1 : i32
        %dma_wait3A_1203 = arith.constant 0 : i32
        %dma_wait3A_1204 = tpu.memref_slice %arg7[%dma_wait3A_1201, %dma_wait3A_1202, %dma_wait3A_1203] : memref<8x2x64xi32, #tpu.memory_space<vmem>> -> memref<1x1x64xi32, #tpu.memory_space<vmem>>
        %dma_wait3A_1205 = tpu.memref_squeeze %dma_wait3A_1204 : memref<1x1x64xi32, #tpu.memory_space<vmem>> -> memref<64xi32, #tpu.memory_space<vmem>>
        %dma_wait3A_1206 = arith.constant 0 : i32
        %dma_wait3A_1207 = arith.constant 0 : i32
        %dma_wait3A_1208 = tpu.memref_slice %arg6[%dma_wait3A_1206, %dma_wait3A_1207] : memref<10008x128xf32, #tpu.memory_space<vmem_shared>> -> memref<10008x128xf32, #tpu.memory_space<vmem_shared>>
        tpu.wait_indirect_dma semaphore(%arg25 : memref<!tpu.dma_semaphore, #tpu.memory_space<semaphore_mem>>) src(%arg11 : memref<64x128xf32, #tpu.memory_space<vmem>>) dst(%dma_wait3A_1208 : memref<10008x128xf32, #tpu.memory_space<vmem_shared>>)
        %dma_start3A_1209 = arith.constant 2 : i32
        %dma_start3A_1210 = arith.constant 0 : i32
        %dma_start3A_1211 = arith.constant 0 : i32
        %dma_start3A_1212 = tpu.memref_slice %arg7[%dma_start3A_1209, %dma_start3A_1210, %dma_start3A_1211] : memref<8x2x64xi32, #tpu.memory_space<vmem>> -> memref<1x1x64xi32, #tpu.memory_space<vmem>>
        %dma_start3A_1213 = tpu.memref_squeeze %dma_start3A_1212 : memref<1x1x64xi32, #tpu.memory_space<vmem>> -> memref<64xi32, #tpu.memory_space<vmem>>
        %dma_start3A_1214 = arith.constant 0 : i32
        %dma_start3A_1215 = arith.constant 0 : i32
        %dma_start3A_1216 = tpu.memref_slice %arg3[%dma_start3A_1214, %dma_start3A_1215] : memref<10000x128xf32, #tpu.memory_space<hbm>> -> memref<10000x128xf32, #tpu.memory_space<hbm>>
        tpu.enqueue_indirect_dma source(%dma_start3A_1216 : memref<10000x128xf32, #tpu.memory_space<hbm>>) target(%arg13 : memref<64x128xf32, #tpu.memory_space<vmem>>) offsets(%dma_start3A_1213 : memref<64xi32, #tpu.memory_space<vmem>>) semaphore(%arg21 : memref<!tpu.dma_semaphore, #tpu.memory_space<semaphore_mem>>)
      } else {
      }
      %dma_wait3A_1180 = arith.constant 0 : i32
      %dma_wait3A_1181 = arith.constant 0 : i32
      %dma_wait3A_1182 = arith.constant 0 : i32
      %dma_wait3A_1183 = tpu.memref_slice %arg7[%dma_wait3A_1180, %dma_wait3A_1181, %dma_wait3A_1182] : memref<8x2x64xi32, #tpu.memory_space<vmem>> -> memref<1x1x64xi32, #tpu.memory_space<vmem>>
      %dma_wait3A_1184 = tpu.memref_squeeze %dma_wait3A_1183 : memref<1x1x64xi32, #tpu.memory_space<vmem>> -> memref<64xi32, #tpu.memory_space<vmem>>
      %dma_wait3A_1185 = arith.constant 0 : i32
      %dma_wait3A_1186 = arith.constant 0 : i32
      %dma_wait3A_1187 = tpu.memref_slice %arg3[%dma_wait3A_1185, %dma_wait3A_1186] : memref<10000x128xf32, #tpu.memory_space<hbm>> -> memref<10000x128xf32, #tpu.memory_space<hbm>>
      tpu.wait_indirect_dma semaphore(%arg22 : memref<!tpu.dma_semaphore, #tpu.memory_space<semaphore_mem>>) src(%dma_wait3A_1187 : memref<10000x128xf32, #tpu.memory_space<hbm>>) dst(%arg14 : memref<64x128xf32, #tpu.memory_space<vmem>>)
      %dma_start3A_1188 = arith.constant 7 : i32
      %dma_start3A_1189 = arith.constant 1 : i32
      %dma_start3A_1190 = arith.constant 0 : i32
      %dma_start3A_1191 = tpu.memref_slice %arg10[%dma_start3A_1188, %dma_start3A_1189, %dma_start3A_1190] : memref<8x2x64xi32, #tpu.memory_space<vmem>> -> memref<1x1x64xi32, #tpu.memory_space<vmem>>
      %dma_start3A_1192 = tpu.memref_squeeze %dma_start3A_1191 : memref<1x1x64xi32, #tpu.memory_space<vmem>> -> memref<64xi32, #tpu.memory_space<vmem>>
      %dma_start3A_1193 = arith.constant 0 : i32
      %dma_start3A_1194 = arith.constant 0 : i32
      %dma_start3A_1195 = tpu.memref_slice %arg6[%dma_start3A_1193, %dma_start3A_1194] : memref<10008x128xf32, #tpu.memory_space<vmem_shared>> -> memref<10008x128xf32, #tpu.memory_space<vmem_shared>>
      tpu.enqueue_indirect_dma source(%arg14 : memref<64x128xf32, #tpu.memory_space<vmem>>) target(%dma_start3A_1195 : memref<10008x128xf32, #tpu.memory_space<vmem_shared>>) offsets(%dma_start3A_1192 : memref<64xi32, #tpu.memory_space<vmem>>) semaphore(%arg26 : memref<!tpu.dma_semaphore, #tpu.memory_space<semaphore_mem>>) {add = true}
      %lt3A_1196 = arith.constant 9 : i32
      %lt3A_1197 = arith.cmpi slt, %scan3A_115, %lt3A_1196 : i32
      %convert_element_type3A_1198 = arith.extui %lt3A_1197 : i1 to i32
      %cond3A_1199 = arith.constant 0 : i32
      %cond3A_1200 = arith.cmpi ne, %convert_element_type3A_1198, %cond3A_1199 : i32
      scf.if %cond3A_1200 {
        %dma_wait3A_1201 = arith.constant 0 : i32
        %dma_wait3A_1202 = arith.constant 1 : i32
        %dma_wait3A_1203 = arith.constant 0 : i32
        %dma_wait3A_1204 = tpu.memref_slice %arg7[%dma_wait3A_1201, %dma_wait3A_1202, %dma_wait3A_1203] : memref<8x2x64xi32, #tpu.memory_space<vmem>> -> memref<1x1x64xi32, #tpu.memory_space<vmem>>
        %dma_wait3A_1205 = tpu.memref_squeeze %dma_wait3A_1204 : memref<1x1x64xi32, #tpu.memory_space<vmem>> -> memref<64xi32, #tpu.memory_space<vmem>>
        %dma_wait3A_1206 = arith.constant 0 : i32
        %dma_wait3A_1207 = arith.constant 0 : i32
        %dma_wait3A_1208 = tpu.memref_slice %arg6[%dma_wait3A_1206, %dma_wait3A_1207] : memref<10008x128xf32, #tpu.memory_space<vmem_shared>> -> memref<10008x128xf32, #tpu.memory_space<vmem_shared>>
        tpu.wait_indirect_dma semaphore(%arg26 : memref<!tpu.dma_semaphore, #tpu.memory_space<semaphore_mem>>) src(%arg11 : memref<64x128xf32, #tpu.memory_space<vmem>>) dst(%dma_wait3A_1208 : memref<10008x128xf32, #tpu.memory_space<vmem_shared>>)
        %dma_start3A_1209 = arith.constant 3 : i32
        %dma_start3A_1210 = arith.constant 0 : i32
        %dma_start3A_1211 = arith.constant 0 : i32
        %dma_start3A_1212 = tpu.memref_slice %arg7[%dma_start3A_1209, %dma_start3A_1210, %dma_start3A_1211] : memref<8x2x64xi32, #tpu.memory_space<vmem>> -> memref<1x1x64xi32, #tpu.memory_space<vmem>>
        %dma_start3A_1213 = tpu.memref_squeeze %dma_start3A_1212 : memref<1x1x64xi32, #tpu.memory_space<vmem>> -> memref<64xi32, #tpu.memory_space<vmem>>
        %dma_start3A_1214 = arith.constant 0 : i32
        %dma_start3A_1215 = arith.constant 0 : i32
        %dma_start3A_1216 = tpu.memref_slice %arg3[%dma_start3A_1214, %dma_start3A_1215] : memref<10000x128xf32, #tpu.memory_space<hbm>> -> memref<10000x128xf32, #tpu.memory_space<hbm>>
        tpu.enqueue_indirect_dma source(%dma_start3A_1216 : memref<10000x128xf32, #tpu.memory_space<hbm>>) target(%arg14 : memref<64x128xf32, #tpu.memory_space<vmem>>) offsets(%dma_start3A_1213 : memref<64xi32, #tpu.memory_space<vmem>>) semaphore(%arg22 : memref<!tpu.dma_semaphore, #tpu.memory_space<semaphore_mem>>)
      } else {
      }
    }
    %scan3A_71 = arith.constant 10 : i32
    %dma_wait3A_72 = arith.constant 0 : i32
    %dma_wait3A_73 = arith.constant 1 : i32
    %dma_wait3A_74 = arith.constant 0 : i32
    %dma_wait3A_75 = tpu.memref_slice %arg7[%dma_wait3A_72, %dma_wait3A_73, %dma_wait3A_74] : memref<8x2x64xi32, #tpu.memory_space<vmem>> -> memref<1x1x64xi32, #tpu.memory_space<vmem>>
    %dma_wait3A_76 = tpu.memref_squeeze %dma_wait3A_75 : memref<1x1x64xi32, #tpu.memory_space<vmem>> -> memref<64xi32, #tpu.memory_space<vmem>>
    %dma_wait3A_77 = arith.constant 0 : i32
    %dma_wait3A_78 = arith.constant 0 : i32
    %dma_wait3A_79 = tpu.memref_slice %arg6[%dma_wait3A_77, %dma_wait3A_78] : memref<10008x128xf32, #tpu.memory_space<vmem_shared>> -> memref<10008x128xf32, #tpu.memory_space<vmem_shared>>
    tpu.wait_indirect_dma semaphore(%arg23 : memref<!tpu.dma_semaphore, #tpu.memory_space<semaphore_mem>>) src(%arg11 : memref<64x128xf32, #tpu.memory_space<vmem>>) dst(%dma_wait3A_79 : memref<10008x128xf32, #tpu.memory_space<vmem_shared>>)
    %dma_wait3A_80 = arith.constant 0 : i32
    %dma_wait3A_81 = arith.constant 1 : i32
    %dma_wait3A_82 = arith.constant 0 : i32
    %dma_wait3A_83 = tpu.memref_slice %arg7[%dma_wait3A_80, %dma_wait3A_81, %dma_wait3A_82] : memref<8x2x64xi32, #tpu.memory_space<vmem>> -> memref<1x1x64xi32, #tpu.memory_space<vmem>>
    %dma_wait3A_84 = tpu.memref_squeeze %dma_wait3A_83 : memref<1x1x64xi32, #tpu.memory_space<vmem>> -> memref<64xi32, #tpu.memory_space<vmem>>
    %dma_wait3A_85 = arith.constant 0 : i32
    %dma_wait3A_86 = arith.constant 0 : i32
    %dma_wait3A_87 = tpu.memref_slice %arg6[%dma_wait3A_85, %dma_wait3A_86] : memref<10008x128xf32, #tpu.memory_space<vmem_shared>> -> memref<10008x128xf32, #tpu.memory_space<vmem_shared>>
    tpu.wait_indirect_dma semaphore(%arg24 : memref<!tpu.dma_semaphore, #tpu.memory_space<semaphore_mem>>) src(%arg11 : memref<64x128xf32, #tpu.memory_space<vmem>>) dst(%dma_wait3A_87 : memref<10008x128xf32, #tpu.memory_space<vmem_shared>>)
    %dma_wait3A_88 = arith.constant 0 : i32
    %dma_wait3A_89 = arith.constant 1 : i32
    %dma_wait3A_90 = arith.constant 0 : i32
    %dma_wait3A_91 = tpu.memref_slice %arg7[%dma_wait3A_88, %dma_wait3A_89, %dma_wait3A_90] : memref<8x2x64xi32, #tpu.memory_space<vmem>> -> memref<1x1x64xi32, #tpu.memory_space<vmem>>
    %dma_wait3A_92 = tpu.memref_squeeze %dma_wait3A_91 : memref<1x1x64xi32, #tpu.memory_space<vmem>> -> memref<64xi32, #tpu.memory_space<vmem>>
    %dma_wait3A_93 = arith.constant 0 : i32
    %dma_wait3A_94 = arith.constant 0 : i32
    %dma_wait3A_95 = tpu.memref_slice %arg6[%dma_wait3A_93, %dma_wait3A_94] : memref<10008x128xf32, #tpu.memory_space<vmem_shared>> -> memref<10008x128xf32, #tpu.memory_space<vmem_shared>>
    tpu.wait_indirect_dma semaphore(%arg25 : memref<!tpu.dma_semaphore, #tpu.memory_space<semaphore_mem>>) src(%arg11 : memref<64x128xf32, #tpu.memory_space<vmem>>) dst(%dma_wait3A_95 : memref<10008x128xf32, #tpu.memory_space<vmem_shared>>)
    %dma_wait3A_96 = arith.constant 0 : i32
    %dma_wait3A_97 = arith.constant 1 : i32
    %dma_wait3A_98 = arith.constant 0 : i32
    %dma_wait3A_99 = tpu.memref_slice %arg7[%dma_wait3A_96, %dma_wait3A_97, %dma_wait3A_98] : memref<8x2x64xi32, #tpu.memory_space<vmem>> -> memref<1x1x64xi32, #tpu.memory_space<vmem>>
    %dma_wait3A_100 = tpu.memref_squeeze %dma_wait3A_99 : memref<1x1x64xi32, #tpu.memory_space<vmem>> -> memref<64xi32, #tpu.memory_space<vmem>>
    %dma_wait3A_101 = arith.constant 0 : i32
    %dma_wait3A_102 = arith.constant 0 : i32
    %dma_wait3A_103 = tpu.memref_slice %arg6[%dma_wait3A_101, %dma_wait3A_102] : memref<10008x128xf32, #tpu.memory_space<vmem_shared>> -> memref<10008x128xf32, #tpu.memory_space<vmem_shared>>
    tpu.wait_indirect_dma semaphore(%arg26 : memref<!tpu.dma_semaphore, #tpu.memory_space<semaphore_mem>>) src(%arg11 : memref<64x128xf32, #tpu.memory_space<vmem>>) dst(%dma_wait3A_103 : memref<10008x128xf32, #tpu.memory_space<vmem_shared>>)
    %barrier3A_104 = arith.constant 0 : index
    tpu.barrier barrier_id(%barrier3A_104)
    %add3A_105 = arith.addi %add3A, %select_n3A : i32
    %while3A_106 = arith.constant 0 : i32
    %while3A_107 = arith.subi %add3A_105, %add3A : i32
    %while3A_108 = arith.addi %add3A, %while3A_107 : i32
    %while3A_109 = arith.constant 1 : i32
    %while3A_110 = arith.divsi %while3A_107, %while3A_109 : i32
    %while3A_111 = arith.muli %while3A_110, %while3A_109 : i32
    %while3A_112 = arith.addi %add3A, %while3A_111 : i32
    %while3A_113 = arith.constant 1 : i32
    scf.for %while3A_115 = %add3A to %while3A_112 step %while3A_113  : i32 {
      %mul3A_116 = arith.constant 400 : i32
      %mul3A_117 = arith.muli %while3A_115, %mul3A_116 : i32
      %mul3A_118 = arith.constant 400 : i32
      %mul3A_119 = arith.muli %while3A_115, %mul3A_118 : i32
      "tpu.region"() ({
        %run_scoped3A = tpu.sem_alloc : memref<!tpu.dma_semaphore, #tpu.memory_space<semaphore_mem>>
        %dma_start3A_120 = arith.constant 0 : i32
        %dma_start3A_121 = tpu.memref_slice %arg5[%arg0, %mul3A_119, %dma_start3A_120] : memref<2x10000x128xf32, #tpu.memory_space<hbm>> -> memref<1x400x128xf32, #tpu.memory_space<hbm>>
        %dma_start3A_122 = tpu.memref_squeeze %dma_start3A_121 : memref<1x400x128xf32, #tpu.memory_space<hbm>> -> memref<400x128xf32, #tpu.memory_space<hbm>>
        %dma_start3A_123 = arith.constant 0 : i32
        %dma_start3A_124 = tpu.memref_slice %arg6[%mul3A_117, %dma_start3A_123] : memref<10008x128xf32, #tpu.memory_space<vmem_shared>> -> memref<400x128xf32, #tpu.memory_space<vmem_shared>>
        tpu.enqueue_dma source(%dma_start3A_124 : memref<400x128xf32, #tpu.memory_space<vmem_shared>>) target(%dma_start3A_122 : memref<400x128xf32, #tpu.memory_space<hbm>>) target_semaphore(%run_scoped3A : memref<!tpu.dma_semaphore, #tpu.memory_space<semaphore_mem>>)
        %dma_wait3A_125 = arith.constant 0 : i32
        %dma_wait3A_126 = tpu.memref_slice %arg5[%arg0, %mul3A_119, %dma_wait3A_125] : memref<2x10000x128xf32, #tpu.memory_space<hbm>> -> memref<1x400x128xf32, #tpu.memory_space<hbm>>
        %dma_wait3A_127 = tpu.memref_squeeze %dma_wait3A_126 : memref<1x400x128xf32, #tpu.memory_space<hbm>> -> memref<400x128xf32, #tpu.memory_space<hbm>>
        %dma_wait3A_128 = arith.constant 0 : i32
        %dma_wait3A_129 = tpu.memref_slice %arg6[%mul3A_117, %dma_wait3A_128] : memref<10008x128xf32, #tpu.memory_space<vmem_shared>> -> memref<400x128xf32, #tpu.memory_space<vmem_shared>>
        tpu.wait_dma2 semaphore(%run_scoped3A : memref<!tpu.dma_semaphore, #tpu.memory_space<semaphore_mem>>) src(%dma_wait3A_129 : memref<400x128xf32, #tpu.memory_space<vmem_shared>>) dst(%dma_wait3A_127 : memref<400x128xf32, #tpu.memory_space<hbm>>)
        tpu.yield
      }) : () -> ()
    }
    %while3A_114 = arith.constant 1 : i32
    scf.for %while3A_115 = %while3A_112 to %while3A_108 step %while3A_114  : i32 {
      %mul3A_116 = arith.constant 400 : i32
      %mul3A_117 = arith.muli %while3A_115, %mul3A_116 : i32
      %mul3A_118 = arith.constant 400 : i32
      %mul3A_119 = arith.muli %while3A_115, %mul3A_118 : i32
      "tpu.region"() ({
        %run_scoped3A = tpu.sem_alloc : memref<!tpu.dma_semaphore, #tpu.memory_space<semaphore_mem>>
        %dma_start3A_120 = arith.constant 0 : i32
        %dma_start3A_121 = tpu.memref_slice %arg5[%arg0, %mul3A_119, %dma_start3A_120] : memref<2x10000x128xf32, #tpu.memory_space<hbm>> -> memref<1x400x128xf32, #tpu.memory_space<hbm>>
        %dma_start3A_122 = tpu.memref_squeeze %dma_start3A_121 : memref<1x400x128xf32, #tpu.memory_space<hbm>> -> memref<400x128xf32, #tpu.memory_space<hbm>>
        %dma_start3A_123 = arith.constant 0 : i32
        %dma_start3A_124 = tpu.memref_slice %arg6[%mul3A_117, %dma_start3A_123] : memref<10008x128xf32, #tpu.memory_space<vmem_shared>> -> memref<400x128xf32, #tpu.memory_space<vmem_shared>>
        tpu.enqueue_dma source(%dma_start3A_124 : memref<400x128xf32, #tpu.memory_space<vmem_shared>>) target(%dma_start3A_122 : memref<400x128xf32, #tpu.memory_space<hbm>>) target_semaphore(%run_scoped3A : memref<!tpu.dma_semaphore, #tpu.memory_space<semaphore_mem>>)
        %dma_wait3A_125 = arith.constant 0 : i32
        %dma_wait3A_126 = tpu.memref_slice %arg5[%arg0, %mul3A_119, %dma_wait3A_125] : memref<2x10000x128xf32, #tpu.memory_space<hbm>> -> memref<1x400x128xf32, #tpu.memory_space<hbm>>
        %dma_wait3A_127 = tpu.memref_squeeze %dma_wait3A_126 : memref<1x400x128xf32, #tpu.memory_space<hbm>> -> memref<400x128xf32, #tpu.memory_space<hbm>>
        %dma_wait3A_128 = arith.constant 0 : i32
        %dma_wait3A_129 = tpu.memref_slice %arg6[%mul3A_117, %dma_wait3A_128] : memref<10008x128xf32, #tpu.memory_space<vmem_shared>> -> memref<400x128xf32, #tpu.memory_space<vmem_shared>>
        tpu.wait_dma2 semaphore(%run_scoped3A : memref<!tpu.dma_semaphore, #tpu.memory_space<semaphore_mem>>) src(%dma_wait3A_129 : memref<400x128xf32, #tpu.memory_space<vmem_shared>>) dst(%dma_wait3A_127 : memref<400x128xf32, #tpu.memory_space<hbm>>)
        tpu.yield
      }) : () -> ()
    }
    return
  }
}

#map = affine_map<(d0, d1) -> (0, 0, 0)>
#map1 = affine_map<(d0, d1) -> (0, 0)>
module attributes {stable_mosaic.version = 14 : i64} {
  func.func @body(%arg0: i32, %arg1: i32, %arg2: memref<5120x2x64xi32, #tpu.memory_space<hbm>>, %arg3: memref<20000x128xf32, #tpu.memory_space<hbm>>, %arg4: memref<400x128xf32, #tpu.memory_space<hbm>>, %arg5: memref<2x10000x128xf32, #tpu.memory_space<hbm>>, %arg6: memref<10008x128xf32, #tpu.memory_space<vmem_shared>>, %arg7: memref<8x2x64xi32, #tpu.memory_space<vmem>>, %arg8: memref<8x2x64xi32, #tpu.memory_space<vmem>>, %arg9: memref<8x2x64xi32, #tpu.memory_space<vmem>>, %arg10: memref<8x2x64xi32, #tpu.memory_space<vmem>>, %arg11: memref<64x128xf32, #tpu.memory_space<vmem>>, %arg12: memref<64x128xf32, #tpu.memory_space<vmem>>, %arg13: memref<64x128xf32, #tpu.memory_space<vmem>>, %arg14: memref<64x128xf32, #tpu.memory_space<vmem>>, %arg15: memref<!tpu.dma_semaphore, #tpu.memory_space<semaphore_mem>>, %arg16: memref<!tpu.dma_semaphore, #tpu.memory_space<semaphore_mem>>, %arg17: memref<!tpu.dma_semaphore, #tpu.memory_space<semaphore_mem>>, %arg18: memref<!tpu.dma_semaphore, #tpu.memory_space<semaphore_mem>>, %arg19: memref<!tpu.dma_semaphore, #tpu.memory_space<semaphore_mem>>, %arg20: memref<!tpu.dma_semaphore, #tpu.memory_space<semaphore_mem>>, %arg21: memref<!tpu.dma_semaphore, #tpu.memory_space<semaphore_mem>>, %arg22: memref<!tpu.dma_semaphore, #tpu.memory_space<semaphore_mem>>, %arg23: memref<!tpu.dma_semaphore, #tpu.memory_space<semaphore_mem>>, %arg24: memref<!tpu.dma_semaphore, #tpu.memory_space<semaphore_mem>>, %arg25: memref<!tpu.dma_semaphore, #tpu.memory_space<semaphore_mem>>, %arg26: memref<!tpu.dma_semaphore, #tpu.memory_space<semaphore_mem>>) attributes {dimension_semantics = [#tpu.dimension_semantics<core_parallel>, #tpu.dimension_semantics<subcore_parallel>], iteration_bounds = array<i64: 2, 16>, scalar_prefetch = 0 : i64, scratch_operands = 21 : i64, tpu.core_type = #tpu.core_type<sc_vector_subcore>, window_params = [{transform_indices = #map}, {transform_indices = #map1}, {transform_indices = #map1}, {transform_indices = #map}]} {
    %mul3A = arith.constant 1 : i32
    %mul3A_0 = arith.muli %mul3A, %arg1 : i32
    %min3A = arith.constant 9 : i32
    %min3A_1 = arith.minsi %arg1, %min3A : i32
    %add3A = arith.addi %mul3A_0, %min3A_1 : i32
    %lt3A = arith.constant 9 : i32
    %lt3A_2 = arith.cmpi slt, %arg1, %lt3A : i32
    %jit3A = arith.constant 2 : i32
    %jit3A_3 = arith.constant 1 : i32
    %select_n3A = arith.select %lt3A_2, %jit3A, %jit3A_3 : i32
    %add3A_4 = arith.addi %add3A, %select_n3A : i32
    %while3A = arith.constant 0 : i32
    %while3A_5 = arith.subi %add3A_4, %add3A : i32
    %while3A_6 = arith.addi %add3A, %while3A_5 : i32
    %while3A_7 = arith.constant 1 : i32
    %while3A_8 = arith.divsi %while3A_5, %while3A_7 : i32
    %while3A_9 = arith.muli %while3A_8, %while3A_7 : i32
    %while3A_10 = arith.addi %add3A, %while3A_9 : i32
    %while3A_11 = arith.constant 1 : i32
    scf.for %while3A_117 = %add3A to %while3A_10 step %while3A_11  : i32 {
      %mul3A_118 = arith.constant 400 : i32
      %mul3A_119 = arith.muli %while3A_117, %mul3A_118 : i32
      "tpu.region"() ({
        %run_scoped3A = tpu.sem_alloc : memref<!tpu.dma_semaphore, #tpu.memory_space<semaphore_mem>>
        %dma_start3A_120 = arith.constant 0 : i32
        %dma_start3A_121 = tpu.memref_slice %arg6[%mul3A_119, %dma_start3A_120] : memref<10008x128xf32, #tpu.memory_space<vmem_shared>> -> memref<400x128xf32, #tpu.memory_space<vmem_shared>>
        tpu.enqueue_dma source(%arg4 : memref<400x128xf32, #tpu.memory_space<hbm>>) target(%dma_start3A_121 : memref<400x128xf32, #tpu.memory_space<vmem_shared>>) target_semaphore(%run_scoped3A : memref<!tpu.dma_semaphore, #tpu.memory_space<semaphore_mem>>)
        %dma_wait3A_122 = arith.constant 0 : i32
        %dma_wait3A_123 = tpu.memref_slice %arg6[%mul3A_119, %dma_wait3A_122] : memref<10008x128xf32, #tpu.memory_space<vmem_shared>> -> memref<400x128xf32, #tpu.memory_space<vmem_shared>>
        tpu.wait_dma2 semaphore(%run_scoped3A : memref<!tpu.dma_semaphore, #tpu.memory_space<semaphore_mem>>) src(%arg4 : memref<400x128xf32, #tpu.memory_space<hbm>>) dst(%dma_wait3A_123 : memref<400x128xf32, #tpu.memory_space<vmem_shared>>)
        tpu.yield
      }) : () -> ()
    }
    %while3A_12 = arith.constant 1 : i32
    scf.for %while3A_117 = %while3A_10 to %while3A_6 step %while3A_12  : i32 {
      %mul3A_118 = arith.constant 400 : i32
      %mul3A_119 = arith.muli %while3A_117, %mul3A_118 : i32
      "tpu.region"() ({
        %run_scoped3A = tpu.sem_alloc : memref<!tpu.dma_semaphore, #tpu.memory_space<semaphore_mem>>
        %dma_start3A_120 = arith.constant 0 : i32
        %dma_start3A_121 = tpu.memref_slice %arg6[%mul3A_119, %dma_start3A_120] : memref<10008x128xf32, #tpu.memory_space<vmem_shared>> -> memref<400x128xf32, #tpu.memory_space<vmem_shared>>
        tpu.enqueue_dma source(%arg4 : memref<400x128xf32, #tpu.memory_space<hbm>>) target(%dma_start3A_121 : memref<400x128xf32, #tpu.memory_space<vmem_shared>>) target_semaphore(%run_scoped3A : memref<!tpu.dma_semaphore, #tpu.memory_space<semaphore_mem>>)
        %dma_wait3A_122 = arith.constant 0 : i32
        %dma_wait3A_123 = tpu.memref_slice %arg6[%mul3A_119, %dma_wait3A_122] : memref<10008x128xf32, #tpu.memory_space<vmem_shared>> -> memref<400x128xf32, #tpu.memory_space<vmem_shared>>
        tpu.wait_dma2 semaphore(%run_scoped3A : memref<!tpu.dma_semaphore, #tpu.memory_space<semaphore_mem>>) src(%arg4 : memref<400x128xf32, #tpu.memory_space<hbm>>) dst(%dma_wait3A_123 : memref<400x128xf32, #tpu.memory_space<vmem_shared>>)
        tpu.yield
      }) : () -> ()
    }
    %barrier3A = arith.constant 0 : index
    tpu.barrier barrier_id(%barrier3A)
    %mul3A_13 = arith.constant 2560 : i32
    %mul3A_14 = arith.muli %arg0, %mul3A_13 : i32
    %mul3A_15 = arith.constant 160 : i32
    %mul3A_16 = arith.muli %arg1, %mul3A_15 : i32
    %add3A_17 = arith.addi %mul3A_14, %mul3A_16 : i32
    %add3A_18 = arith.constant 0 : i32
    %add3A_19 = arith.addi %add3A_17, %add3A_18 : i32
    %dma_start3A = arith.constant 0 : i32
    %dma_start3A_20 = arith.constant 0 : i32
    %dma_start3A_21 = tpu.memref_slice %arg2[%add3A_19, %dma_start3A, %dma_start3A_20] : memref<5120x2x64xi32, #tpu.memory_space<hbm>> -> memref<8x2x64xi32, #tpu.memory_space<hbm>>
    %dma_start3A_22 = arith.constant 0 : i32
    %dma_start3A_23 = arith.constant 0 : i32
    %dma_start3A_24 = tpu.memref_slice %arg2[%add3A_19, %dma_start3A_22, %dma_start3A_23] : memref<5120x2x64xi32, #tpu.memory_space<hbm>> -> memref<8x2x64xi32, #tpu.memory_space<hbm>>
    tpu.enqueue_dma source(%dma_start3A_24 : memref<8x2x64xi32, #tpu.memory_space<hbm>>) target(%arg7 : memref<8x2x64xi32, #tpu.memory_space<vmem>>) target_semaphore(%arg15 : memref<!tpu.dma_semaphore, #tpu.memory_space<semaphore_mem>>)
    %mul3A_25 = arith.constant 2560 : i32
    %mul3A_26 = arith.muli %arg0, %mul3A_25 : i32
    %mul3A_27 = arith.constant 160 : i32
    %mul3A_28 = arith.muli %arg1, %mul3A_27 : i32
    %add3A_29 = arith.addi %mul3A_26, %mul3A_28 : i32
    %add3A_30 = arith.constant 0 : i32
    %add3A_31 = arith.addi %add3A_29, %add3A_30 : i32
    %dma_wait3A = arith.constant 0 : i32
    %dma_wait3A_32 = arith.constant 0 : i32
    %dma_wait3A_33 = tpu.memref_slice %arg2[%add3A_31, %dma_wait3A, %dma_wait3A_32] : memref<5120x2x64xi32, #tpu.memory_space<hbm>> -> memref<8x2x64xi32, #tpu.memory_space<hbm>>
    %dma_wait3A_34 = arith.constant 0 : i32
    %dma_wait3A_35 = arith.constant 0 : i32
    %dma_wait3A_36 = tpu.memref_slice %arg2[%add3A_31, %dma_wait3A_34, %dma_wait3A_35] : memref<5120x2x64xi32, #tpu.memory_space<hbm>> -> memref<8x2x64xi32, #tpu.memory_space<hbm>>
    tpu.wait_dma2 semaphore(%arg15 : memref<!tpu.dma_semaphore, #tpu.memory_space<semaphore_mem>>) src(%dma_wait3A_36 : memref<8x2x64xi32, #tpu.memory_space<hbm>>) dst(%arg7 : memref<8x2x64xi32, #tpu.memory_space<vmem>>)
    %dma_start3A_37 = arith.constant 0 : i32
    %dma_start3A_38 = arith.constant 0 : i32
    %dma_start3A_39 = arith.constant 0 : i32
    %dma_start3A_40 = tpu.memref_slice %arg7[%dma_start3A_37, %dma_start3A_38, %dma_start3A_39] : memref<8x2x64xi32, #tpu.memory_space<vmem>> -> memref<1x1x64xi32, #tpu.memory_space<vmem>>
    %dma_start3A_41 = tpu.memref_squeeze %dma_start3A_40 : memref<1x1x64xi32, #tpu.memory_space<vmem>> -> memref<64xi32, #tpu.memory_space<vmem>>
    %dma_start3A_42 = arith.constant 0 : i32
    %dma_start3A_43 = arith.constant 0 : i32
    %dma_start3A_44 = tpu.memref_slice %arg3[%dma_start3A_42, %dma_start3A_43] : memref<20000x128xf32, #tpu.memory_space<hbm>> -> memref<20000x128xf32, #tpu.memory_space<hbm>>
    tpu.enqueue_indirect_dma source(%dma_start3A_44 : memref<20000x128xf32, #tpu.memory_space<hbm>>) target(%arg11 : memref<64x128xf32, #tpu.memory_space<vmem>>) offsets(%dma_start3A_41 : memref<64xi32, #tpu.memory_space<vmem>>) semaphore(%arg19 : memref<!tpu.dma_semaphore, #tpu.memory_space<semaphore_mem>>)
    %dma_start3A_45 = arith.constant 1 : i32
    %dma_start3A_46 = arith.constant 0 : i32
    %dma_start3A_47 = arith.constant 0 : i32
    %dma_start3A_48 = tpu.memref_slice %arg7[%dma_start3A_45, %dma_start3A_46, %dma_start3A_47] : memref<8x2x64xi32, #tpu.memory_space<vmem>> -> memref<1x1x64xi32, #tpu.memory_space<vmem>>
    %dma_start3A_49 = tpu.memref_squeeze %dma_start3A_48 : memref<1x1x64xi32, #tpu.memory_space<vmem>> -> memref<64xi32, #tpu.memory_space<vmem>>
    %dma_start3A_50 = arith.constant 0 : i32
    %dma_start3A_51 = arith.constant 0 : i32
    %dma_start3A_52 = tpu.memref_slice %arg3[%dma_start3A_50, %dma_start3A_51] : memref<20000x128xf32, #tpu.memory_space<hbm>> -> memref<20000x128xf32, #tpu.memory_space<hbm>>
    tpu.enqueue_indirect_dma source(%dma_start3A_52 : memref<20000x128xf32, #tpu.memory_space<hbm>>) target(%arg12 : memref<64x128xf32, #tpu.memory_space<vmem>>) offsets(%dma_start3A_49 : memref<64xi32, #tpu.memory_space<vmem>>) semaphore(%arg20 : memref<!tpu.dma_semaphore, #tpu.memory_space<semaphore_mem>>)
    %dma_start3A_53 = arith.constant 2 : i32
    %dma_start3A_54 = arith.constant 0 : i32
    %dma_start3A_55 = arith.constant 0 : i32
    %dma_start3A_56 = tpu.memref_slice %arg7[%dma_start3A_53, %dma_start3A_54, %dma_start3A_55] : memref<8x2x64xi32, #tpu.memory_space<vmem>> -> memref<1x1x64xi32, #tpu.memory_space<vmem>>
    %dma_start3A_57 = tpu.memref_squeeze %dma_start3A_56 : memref<1x1x64xi32, #tpu.memory_space<vmem>> -> memref<64xi32, #tpu.memory_space<vmem>>
    %dma_start3A_58 = arith.constant 0 : i32
    %dma_start3A_59 = arith.constant 0 : i32
    %dma_start3A_60 = tpu.memref_slice %arg3[%dma_start3A_58, %dma_start3A_59] : memref<20000x128xf32, #tpu.memory_space<hbm>> -> memref<20000x128xf32, #tpu.memory_space<hbm>>
    tpu.enqueue_indirect_dma source(%dma_start3A_60 : memref<20000x128xf32, #tpu.memory_space<hbm>>) target(%arg13 : memref<64x128xf32, #tpu.memory_space<vmem>>) offsets(%dma_start3A_57 : memref<64xi32, #tpu.memory_space<vmem>>) semaphore(%arg21 : memref<!tpu.dma_semaphore, #tpu.memory_space<semaphore_mem>>)
    %dma_start3A_61 = arith.constant 3 : i32
    %dma_start3A_62 = arith.constant 0 : i32
    %dma_start3A_63 = arith.constant 0 : i32
    %dma_start3A_64 = tpu.memref_slice %arg7[%dma_start3A_61, %dma_start3A_62, %dma_start3A_63] : memref<8x2x64xi32, #tpu.memory_space<vmem>> -> memref<1x1x64xi32, #tpu.memory_space<vmem>>
    %dma_start3A_65 = tpu.memref_squeeze %dma_start3A_64 : memref<1x1x64xi32, #tpu.memory_space<vmem>> -> memref<64xi32, #tpu.memory_space<vmem>>
    %dma_start3A_66 = arith.constant 0 : i32
    %dma_start3A_67 = arith.constant 0 : i32
    %dma_start3A_68 = tpu.memref_slice %arg3[%dma_start3A_66, %dma_start3A_67] : memref<20000x128xf32, #tpu.memory_space<hbm>> -> memref<20000x128xf32, #tpu.memory_space<hbm>>
    tpu.enqueue_indirect_dma source(%dma_start3A_68 : memref<20000x128xf32, #tpu.memory_space<hbm>>) target(%arg14 : memref<64x128xf32, #tpu.memory_space<vmem>>) offsets(%dma_start3A_65 : memref<64xi32, #tpu.memory_space<vmem>>) semaphore(%arg22 : memref<!tpu.dma_semaphore, #tpu.memory_space<semaphore_mem>>)
    %scan3A = arith.constant 0 : i32
    %scan3A_69 = arith.constant 0 : i32
    %scan3A_70 = arith.constant 5 : i32
    %scan3A_71 = arith.addi %scan3A_69, %scan3A_70 : i32
    %scan3A_72 = arith.constant 1 : i32
    scf.for %scan3A_117 = %scan3A_69 to %scan3A_71 step %scan3A_72  : i32 {
      %mul3A_118 = arith.constant 4 : i32
      %mul3A_119 = arith.muli %scan3A_117, %mul3A_118 : i32
      %add3A_120 = arith.constant 0 : i32
      %add3A_121 = arith.addi %mul3A_119, %add3A_120 : i32
      %add3A_122 = arith.constant 1 : i32
      %add3A_123 = arith.addi %add3A_121, %add3A_122 : i32
      %mul3A_124 = arith.constant 8 : i32
      %mul3A_125 = arith.muli %add3A_123, %mul3A_124 : i32
      %mul3A_126 = arith.constant 2560 : i32
      %mul3A_127 = arith.muli %arg0, %mul3A_126 : i32
      %mul3A_128 = arith.constant 160 : i32
      %mul3A_129 = arith.muli %arg1, %mul3A_128 : i32
      %add3A_130 = arith.addi %mul3A_127, %mul3A_129 : i32
      %add3A_131 = arith.addi %add3A_130, %mul3A_125 : i32
      %dma_start3A_132 = arith.constant 0 : i32
      %dma_start3A_133 = arith.constant 0 : i32
      %dma_start3A_134 = tpu.memref_slice %arg2[%add3A_131, %dma_start3A_132, %dma_start3A_133] : memref<5120x2x64xi32, #tpu.memory_space<hbm>> -> memref<8x2x64xi32, #tpu.memory_space<hbm>>
      %dma_start3A_135 = arith.constant 0 : i32
      %dma_start3A_136 = arith.constant 0 : i32
      %dma_start3A_137 = tpu.memref_slice %arg2[%add3A_131, %dma_start3A_135, %dma_start3A_136] : memref<5120x2x64xi32, #tpu.memory_space<hbm>> -> memref<8x2x64xi32, #tpu.memory_space<hbm>>
      tpu.enqueue_dma source(%dma_start3A_137 : memref<8x2x64xi32, #tpu.memory_space<hbm>>) target(%arg8 : memref<8x2x64xi32, #tpu.memory_space<vmem>>) target_semaphore(%arg16 : memref<!tpu.dma_semaphore, #tpu.memory_space<semaphore_mem>>)
      %dma_wait3A_138 = arith.constant 0 : i32
      %dma_wait3A_139 = arith.constant 0 : i32
      %dma_wait3A_140 = arith.constant 0 : i32
      %dma_wait3A_141 = tpu.memref_slice %arg7[%dma_wait3A_138, %dma_wait3A_139, %dma_wait3A_140] : memref<8x2x64xi32, #tpu.memory_space<vmem>> -> memref<1x1x64xi32, #tpu.memory_space<vmem>>
      %dma_wait3A_142 = tpu.memref_squeeze %dma_wait3A_141 : memref<1x1x64xi32, #tpu.memory_space<vmem>> -> memref<64xi32, #tpu.memory_space<vmem>>
      %dma_wait3A_143 = arith.constant 0 : i32
      %dma_wait3A_144 = arith.constant 0 : i32
      %dma_wait3A_145 = tpu.memref_slice %arg3[%dma_wait3A_143, %dma_wait3A_144] : memref<20000x128xf32, #tpu.memory_space<hbm>> -> memref<20000x128xf32, #tpu.memory_space<hbm>>
      tpu.wait_indirect_dma semaphore(%arg19 : memref<!tpu.dma_semaphore, #tpu.memory_space<semaphore_mem>>) src(%dma_wait3A_145 : memref<20000x128xf32, #tpu.memory_space<hbm>>) dst(%arg11 : memref<64x128xf32, #tpu.memory_space<vmem>>)
      %dma_start3A_146 = arith.constant 0 : i32
      %dma_start3A_147 = arith.constant 1 : i32
      %dma_start3A_148 = arith.constant 0 : i32
      %dma_start3A_149 = tpu.memref_slice %arg7[%dma_start3A_146, %dma_start3A_147, %dma_start3A_148] : memref<8x2x64xi32, #tpu.memory_space<vmem>> -> memref<1x1x64xi32, #tpu.memory_space<vmem>>
      %dma_start3A_150 = tpu.memref_squeeze %dma_start3A_149 : memref<1x1x64xi32, #tpu.memory_space<vmem>> -> memref<64xi32, #tpu.memory_space<vmem>>
      %dma_start3A_151 = arith.constant 0 : i32
      %dma_start3A_152 = arith.constant 0 : i32
      %dma_start3A_153 = tpu.memref_slice %arg6[%dma_start3A_151, %dma_start3A_152] : memref<10008x128xf32, #tpu.memory_space<vmem_shared>> -> memref<10008x128xf32, #tpu.memory_space<vmem_shared>>
      tpu.enqueue_indirect_dma source(%arg11 : memref<64x128xf32, #tpu.memory_space<vmem>>) target(%dma_start3A_153 : memref<10008x128xf32, #tpu.memory_space<vmem_shared>>) offsets(%dma_start3A_150 : memref<64xi32, #tpu.memory_space<vmem>>) semaphore(%arg23 : memref<!tpu.dma_semaphore, #tpu.memory_space<semaphore_mem>>) {add = true}
      %dma_wait3A_154 = arith.constant 0 : i32
      %dma_wait3A_155 = arith.constant 1 : i32
      %dma_wait3A_156 = arith.constant 0 : i32
      %dma_wait3A_157 = tpu.memref_slice %arg7[%dma_wait3A_154, %dma_wait3A_155, %dma_wait3A_156] : memref<8x2x64xi32, #tpu.memory_space<vmem>> -> memref<1x1x64xi32, #tpu.memory_space<vmem>>
      %dma_wait3A_158 = tpu.memref_squeeze %dma_wait3A_157 : memref<1x1x64xi32, #tpu.memory_space<vmem>> -> memref<64xi32, #tpu.memory_space<vmem>>
      %dma_wait3A_159 = arith.constant 0 : i32
      %dma_wait3A_160 = arith.constant 0 : i32
      %dma_wait3A_161 = tpu.memref_slice %arg6[%dma_wait3A_159, %dma_wait3A_160] : memref<10008x128xf32, #tpu.memory_space<vmem_shared>> -> memref<10008x128xf32, #tpu.memory_space<vmem_shared>>
      tpu.wait_indirect_dma semaphore(%arg23 : memref<!tpu.dma_semaphore, #tpu.memory_space<semaphore_mem>>) src(%arg11 : memref<64x128xf32, #tpu.memory_space<vmem>>) dst(%dma_wait3A_161 : memref<10008x128xf32, #tpu.memory_space<vmem_shared>>)
      %dma_start3A_162 = arith.constant 4 : i32
      %dma_start3A_163 = arith.constant 0 : i32
      %dma_start3A_164 = arith.constant 0 : i32
      %dma_start3A_165 = tpu.memref_slice %arg7[%dma_start3A_162, %dma_start3A_163, %dma_start3A_164] : memref<8x2x64xi32, #tpu.memory_space<vmem>> -> memref<1x1x64xi32, #tpu.memory_space<vmem>>
      %dma_start3A_166 = tpu.memref_squeeze %dma_start3A_165 : memref<1x1x64xi32, #tpu.memory_space<vmem>> -> memref<64xi32, #tpu.memory_space<vmem>>
      %dma_start3A_167 = arith.constant 0 : i32
      %dma_start3A_168 = arith.constant 0 : i32
      %dma_start3A_169 = tpu.memref_slice %arg3[%dma_start3A_167, %dma_start3A_168] : memref<20000x128xf32, #tpu.memory_space<hbm>> -> memref<20000x128xf32, #tpu.memory_space<hbm>>
      tpu.enqueue_indirect_dma source(%dma_start3A_169 : memref<20000x128xf32, #tpu.memory_space<hbm>>) target(%arg11 : memref<64x128xf32, #tpu.memory_space<vmem>>) offsets(%dma_start3A_166 : memref<64xi32, #tpu.memory_space<vmem>>) semaphore(%arg19 : memref<!tpu.dma_semaphore, #tpu.memory_space<semaphore_mem>>)
      %dma_wait3A_170 = arith.constant 0 : i32
      %dma_wait3A_171 = arith.constant 0 : i32
      %dma_wait3A_172 = arith.constant 0 : i32
      %dma_wait3A_173 = tpu.memref_slice %arg7[%dma_wait3A_170, %dma_wait3A_171, %dma_wait3A_172] : memref<8x2x64xi32, #tpu.memory_space<vmem>> -> memref<1x1x64xi32, #tpu.memory_space<vmem>>
      %dma_wait3A_174 = tpu.memref_squeeze %dma_wait3A_173 : memref<1x1x64xi32, #tpu.memory_space<vmem>> -> memref<64xi32, #tpu.memory_space<vmem>>
      %dma_wait3A_175 = arith.constant 0 : i32
      %dma_wait3A_176 = arith.constant 0 : i32
      %dma_wait3A_177 = tpu.memref_slice %arg3[%dma_wait3A_175, %dma_wait3A_176] : memref<20000x128xf32, #tpu.memory_space<hbm>> -> memref<20000x128xf32, #tpu.memory_space<hbm>>
      tpu.wait_indirect_dma semaphore(%arg20 : memref<!tpu.dma_semaphore, #tpu.memory_space<semaphore_mem>>) src(%dma_wait3A_177 : memref<20000x128xf32, #tpu.memory_space<hbm>>) dst(%arg12 : memref<64x128xf32, #tpu.memory_space<vmem>>)
      %dma_start3A_178 = arith.constant 1 : i32
      %dma_start3A_179 = arith.constant 1 : i32
      %dma_start3A_180 = arith.constant 0 : i32
      %dma_start3A_181 = tpu.memref_slice %arg7[%dma_start3A_178, %dma_start3A_179, %dma_start3A_180] : memref<8x2x64xi32, #tpu.memory_space<vmem>> -> memref<1x1x64xi32, #tpu.memory_space<vmem>>
      %dma_start3A_182 = tpu.memref_squeeze %dma_start3A_181 : memref<1x1x64xi32, #tpu.memory_space<vmem>> -> memref<64xi32, #tpu.memory_space<vmem>>
      %dma_start3A_183 = arith.constant 0 : i32
      %dma_start3A_184 = arith.constant 0 : i32
      %dma_start3A_185 = tpu.memref_slice %arg6[%dma_start3A_183, %dma_start3A_184] : memref<10008x128xf32, #tpu.memory_space<vmem_shared>> -> memref<10008x128xf32, #tpu.memory_space<vmem_shared>>
      tpu.enqueue_indirect_dma source(%arg12 : memref<64x128xf32, #tpu.memory_space<vmem>>) target(%dma_start3A_185 : memref<10008x128xf32, #tpu.memory_space<vmem_shared>>) offsets(%dma_start3A_182 : memref<64xi32, #tpu.memory_space<vmem>>) semaphore(%arg24 : memref<!tpu.dma_semaphore, #tpu.memory_space<semaphore_mem>>) {add = true}
      %dma_wait3A_186 = arith.constant 0 : i32
      %dma_wait3A_187 = arith.constant 1 : i32
      %dma_wait3A_188 = arith.constant 0 : i32
      %dma_wait3A_189 = tpu.memref_slice %arg7[%dma_wait3A_186, %dma_wait3A_187, %dma_wait3A_188] : memref<8x2x64xi32, #tpu.memory_space<vmem>> -> memref<1x1x64xi32, #tpu.memory_space<vmem>>
      %dma_wait3A_190 = tpu.memref_squeeze %dma_wait3A_189 : memref<1x1x64xi32, #tpu.memory_space<vmem>> -> memref<64xi32, #tpu.memory_space<vmem>>
      %dma_wait3A_191 = arith.constant 0 : i32
      %dma_wait3A_192 = arith.constant 0 : i32
      %dma_wait3A_193 = tpu.memref_slice %arg6[%dma_wait3A_191, %dma_wait3A_192] : memref<10008x128xf32, #tpu.memory_space<vmem_shared>> -> memref<10008x128xf32, #tpu.memory_space<vmem_shared>>
      tpu.wait_indirect_dma semaphore(%arg24 : memref<!tpu.dma_semaphore, #tpu.memory_space<semaphore_mem>>) src(%arg11 : memref<64x128xf32, #tpu.memory_space<vmem>>) dst(%dma_wait3A_193 : memref<10008x128xf32, #tpu.memory_space<vmem_shared>>)
      %dma_start3A_194 = arith.constant 5 : i32
      %dma_start3A_195 = arith.constant 0 : i32
      %dma_start3A_196 = arith.constant 0 : i32
      %dma_start3A_197 = tpu.memref_slice %arg7[%dma_start3A_194, %dma_start3A_195, %dma_start3A_196] : memref<8x2x64xi32, #tpu.memory_space<vmem>> -> memref<1x1x64xi32, #tpu.memory_space<vmem>>
      %dma_start3A_198 = tpu.memref_squeeze %dma_start3A_197 : memref<1x1x64xi32, #tpu.memory_space<vmem>> -> memref<64xi32, #tpu.memory_space<vmem>>
      %dma_start3A_199 = arith.constant 0 : i32
      %dma_start3A_200 = arith.constant 0 : i32
      %dma_start3A_201 = tpu.memref_slice %arg3[%dma_start3A_199, %dma_start3A_200] : memref<20000x128xf32, #tpu.memory_space<hbm>> -> memref<20000x128xf32, #tpu.memory_space<hbm>>
      tpu.enqueue_indirect_dma source(%dma_start3A_201 : memref<20000x128xf32, #tpu.memory_space<hbm>>) target(%arg12 : memref<64x128xf32, #tpu.memory_space<vmem>>) offsets(%dma_start3A_198 : memref<64xi32, #tpu.memory_space<vmem>>) semaphore(%arg20 : memref<!tpu.dma_semaphore, #tpu.memory_space<semaphore_mem>>)
      %dma_wait3A_202 = arith.constant 0 : i32
      %dma_wait3A_203 = arith.constant 0 : i32
      %dma_wait3A_204 = arith.constant 0 : i32
      %dma_wait3A_205 = tpu.memref_slice %arg7[%dma_wait3A_202, %dma_wait3A_203, %dma_wait3A_204] : memref<8x2x64xi32, #tpu.memory_space<vmem>> -> memref<1x1x64xi32, #tpu.memory_space<vmem>>
      %dma_wait3A_206 = tpu.memref_squeeze %dma_wait3A_205 : memref<1x1x64xi32, #tpu.memory_space<vmem>> -> memref<64xi32, #tpu.memory_space<vmem>>
      %dma_wait3A_207 = arith.constant 0 : i32
      %dma_wait3A_208 = arith.constant 0 : i32
      %dma_wait3A_209 = tpu.memref_slice %arg3[%dma_wait3A_207, %dma_wait3A_208] : memref<20000x128xf32, #tpu.memory_space<hbm>> -> memref<20000x128xf32, #tpu.memory_space<hbm>>
      tpu.wait_indirect_dma semaphore(%arg21 : memref<!tpu.dma_semaphore, #tpu.memory_space<semaphore_mem>>) src(%dma_wait3A_209 : memref<20000x128xf32, #tpu.memory_space<hbm>>) dst(%arg13 : memref<64x128xf32, #tpu.memory_space<vmem>>)
      %dma_start3A_210 = arith.constant 2 : i32
      %dma_start3A_211 = arith.constant 1 : i32
      %dma_start3A_212 = arith.constant 0 : i32
      %dma_start3A_213 = tpu.memref_slice %arg7[%dma_start3A_210, %dma_start3A_211, %dma_start3A_212] : memref<8x2x64xi32, #tpu.memory_space<vmem>> -> memref<1x1x64xi32, #tpu.memory_space<vmem>>
      %dma_start3A_214 = tpu.memref_squeeze %dma_start3A_213 : memref<1x1x64xi32, #tpu.memory_space<vmem>> -> memref<64xi32, #tpu.memory_space<vmem>>
      %dma_start3A_215 = arith.constant 0 : i32
      %dma_start3A_216 = arith.constant 0 : i32
      %dma_start3A_217 = tpu.memref_slice %arg6[%dma_start3A_215, %dma_start3A_216] : memref<10008x128xf32, #tpu.memory_space<vmem_shared>> -> memref<10008x128xf32, #tpu.memory_space<vmem_shared>>
      tpu.enqueue_indirect_dma source(%arg13 : memref<64x128xf32, #tpu.memory_space<vmem>>) target(%dma_start3A_217 : memref<10008x128xf32, #tpu.memory_space<vmem_shared>>) offsets(%dma_start3A_214 : memref<64xi32, #tpu.memory_space<vmem>>) semaphore(%arg25 : memref<!tpu.dma_semaphore, #tpu.memory_space<semaphore_mem>>) {add = true}
      %dma_wait3A_218 = arith.constant 0 : i32
      %dma_wait3A_219 = arith.constant 1 : i32
      %dma_wait3A_220 = arith.constant 0 : i32
      %dma_wait3A_221 = tpu.memref_slice %arg7[%dma_wait3A_218, %dma_wait3A_219, %dma_wait3A_220] : memref<8x2x64xi32, #tpu.memory_space<vmem>> -> memref<1x1x64xi32, #tpu.memory_space<vmem>>
      %dma_wait3A_222 = tpu.memref_squeeze %dma_wait3A_221 : memref<1x1x64xi32, #tpu.memory_space<vmem>> -> memref<64xi32, #tpu.memory_space<vmem>>
      %dma_wait3A_223 = arith.constant 0 : i32
      %dma_wait3A_224 = arith.constant 0 : i32
      %dma_wait3A_225 = tpu.memref_slice %arg6[%dma_wait3A_223, %dma_wait3A_224] : memref<10008x128xf32, #tpu.memory_space<vmem_shared>> -> memref<10008x128xf32, #tpu.memory_space<vmem_shared>>
      tpu.wait_indirect_dma semaphore(%arg25 : memref<!tpu.dma_semaphore, #tpu.memory_space<semaphore_mem>>) src(%arg11 : memref<64x128xf32, #tpu.memory_space<vmem>>) dst(%dma_wait3A_225 : memref<10008x128xf32, #tpu.memory_space<vmem_shared>>)
      %dma_start3A_226 = arith.constant 6 : i32
      %dma_start3A_227 = arith.constant 0 : i32
      %dma_start3A_228 = arith.constant 0 : i32
      %dma_start3A_229 = tpu.memref_slice %arg7[%dma_start3A_226, %dma_start3A_227, %dma_start3A_228] : memref<8x2x64xi32, #tpu.memory_space<vmem>> -> memref<1x1x64xi32, #tpu.memory_space<vmem>>
      %dma_start3A_230 = tpu.memref_squeeze %dma_start3A_229 : memref<1x1x64xi32, #tpu.memory_space<vmem>> -> memref<64xi32, #tpu.memory_space<vmem>>
      %dma_start3A_231 = arith.constant 0 : i32
      %dma_start3A_232 = arith.constant 0 : i32
      %dma_start3A_233 = tpu.memref_slice %arg3[%dma_start3A_231, %dma_start3A_232] : memref<20000x128xf32, #tpu.memory_space<hbm>> -> memref<20000x128xf32, #tpu.memory_space<hbm>>
      tpu.enqueue_indirect_dma source(%dma_start3A_233 : memref<20000x128xf32, #tpu.memory_space<hbm>>) target(%arg13 : memref<64x128xf32, #tpu.memory_space<vmem>>) offsets(%dma_start3A_230 : memref<64xi32, #tpu.memory_space<vmem>>) semaphore(%arg21 : memref<!tpu.dma_semaphore, #tpu.memory_space<semaphore_mem>>)
      %dma_wait3A_234 = arith.constant 0 : i32
      %dma_wait3A_235 = arith.constant 0 : i32
      %dma_wait3A_236 = arith.constant 0 : i32
      %dma_wait3A_237 = tpu.memref_slice %arg7[%dma_wait3A_234, %dma_wait3A_235, %dma_wait3A_236] : memref<8x2x64xi32, #tpu.memory_space<vmem>> -> memref<1x1x64xi32, #tpu.memory_space<vmem>>
      %dma_wait3A_238 = tpu.memref_squeeze %dma_wait3A_237 : memref<1x1x64xi32, #tpu.memory_space<vmem>> -> memref<64xi32, #tpu.memory_space<vmem>>
      %dma_wait3A_239 = arith.constant 0 : i32
      %dma_wait3A_240 = arith.constant 0 : i32
      %dma_wait3A_241 = tpu.memref_slice %arg3[%dma_wait3A_239, %dma_wait3A_240] : memref<20000x128xf32, #tpu.memory_space<hbm>> -> memref<20000x128xf32, #tpu.memory_space<hbm>>
      tpu.wait_indirect_dma semaphore(%arg22 : memref<!tpu.dma_semaphore, #tpu.memory_space<semaphore_mem>>) src(%dma_wait3A_241 : memref<20000x128xf32, #tpu.memory_space<hbm>>) dst(%arg14 : memref<64x128xf32, #tpu.memory_space<vmem>>)
      %dma_start3A_242 = arith.constant 3 : i32
      %dma_start3A_243 = arith.constant 1 : i32
      %dma_start3A_244 = arith.constant 0 : i32
      %dma_start3A_245 = tpu.memref_slice %arg7[%dma_start3A_242, %dma_start3A_243, %dma_start3A_244] : memref<8x2x64xi32, #tpu.memory_space<vmem>> -> memref<1x1x64xi32, #tpu.memory_space<vmem>>
      %dma_start3A_246 = tpu.memref_squeeze %dma_start3A_245 : memref<1x1x64xi32, #tpu.memory_space<vmem>> -> memref<64xi32, #tpu.memory_space<vmem>>
      %dma_start3A_247 = arith.constant 0 : i32
      %dma_start3A_248 = arith.constant 0 : i32
      %dma_start3A_249 = tpu.memref_slice %arg6[%dma_start3A_247, %dma_start3A_248] : memref<10008x128xf32, #tpu.memory_space<vmem_shared>> -> memref<10008x128xf32, #tpu.memory_space<vmem_shared>>
      tpu.enqueue_indirect_dma source(%arg14 : memref<64x128xf32, #tpu.memory_space<vmem>>) target(%dma_start3A_249 : memref<10008x128xf32, #tpu.memory_space<vmem_shared>>) offsets(%dma_start3A_246 : memref<64xi32, #tpu.memory_space<vmem>>) semaphore(%arg26 : memref<!tpu.dma_semaphore, #tpu.memory_space<semaphore_mem>>) {add = true}
      %dma_wait3A_250 = arith.constant 0 : i32
      %dma_wait3A_251 = arith.constant 1 : i32
      %dma_wait3A_252 = arith.constant 0 : i32
      %dma_wait3A_253 = tpu.memref_slice %arg7[%dma_wait3A_250, %dma_wait3A_251, %dma_wait3A_252] : memref<8x2x64xi32, #tpu.memory_space<vmem>> -> memref<1x1x64xi32, #tpu.memory_space<vmem>>
      %dma_wait3A_254 = tpu.memref_squeeze %dma_wait3A_253 : memref<1x1x64xi32, #tpu.memory_space<vmem>> -> memref<64xi32, #tpu.memory_space<vmem>>
      %dma_wait3A_255 = arith.constant 0 : i32
      %dma_wait3A_256 = arith.constant 0 : i32
      %dma_wait3A_257 = tpu.memref_slice %arg6[%dma_wait3A_255, %dma_wait3A_256] : memref<10008x128xf32, #tpu.memory_space<vmem_shared>> -> memref<10008x128xf32, #tpu.memory_space<vmem_shared>>
      tpu.wait_indirect_dma semaphore(%arg26 : memref<!tpu.dma_semaphore, #tpu.memory_space<semaphore_mem>>) src(%arg11 : memref<64x128xf32, #tpu.memory_space<vmem>>) dst(%dma_wait3A_257 : memref<10008x128xf32, #tpu.memory_space<vmem_shared>>)
      %dma_start3A_258 = arith.constant 7 : i32
      %dma_start3A_259 = arith.constant 0 : i32
      %dma_start3A_260 = arith.constant 0 : i32
      %dma_start3A_261 = tpu.memref_slice %arg7[%dma_start3A_258, %dma_start3A_259, %dma_start3A_260] : memref<8x2x64xi32, #tpu.memory_space<vmem>> -> memref<1x1x64xi32, #tpu.memory_space<vmem>>
      %dma_start3A_262 = tpu.memref_squeeze %dma_start3A_261 : memref<1x1x64xi32, #tpu.memory_space<vmem>> -> memref<64xi32, #tpu.memory_space<vmem>>
      %dma_start3A_263 = arith.constant 0 : i32
      %dma_start3A_264 = arith.constant 0 : i32
      %dma_start3A_265 = tpu.memref_slice %arg3[%dma_start3A_263, %dma_start3A_264] : memref<20000x128xf32, #tpu.memory_space<hbm>> -> memref<20000x128xf32, #tpu.memory_space<hbm>>
      tpu.enqueue_indirect_dma source(%dma_start3A_265 : memref<20000x128xf32, #tpu.memory_space<hbm>>) target(%arg14 : memref<64x128xf32, #tpu.memory_space<vmem>>) offsets(%dma_start3A_262 : memref<64xi32, #tpu.memory_space<vmem>>) semaphore(%arg22 : memref<!tpu.dma_semaphore, #tpu.memory_space<semaphore_mem>>)
      %dma_wait3A_266 = arith.constant 0 : i32
      %dma_wait3A_267 = arith.constant 0 : i32
      %dma_wait3A_268 = arith.constant 0 : i32
      %dma_wait3A_269 = tpu.memref_slice %arg7[%dma_wait3A_266, %dma_wait3A_267, %dma_wait3A_268] : memref<8x2x64xi32, #tpu.memory_space<vmem>> -> memref<1x1x64xi32, #tpu.memory_space<vmem>>
      %dma_wait3A_270 = tpu.memref_squeeze %dma_wait3A_269 : memref<1x1x64xi32, #tpu.memory_space<vmem>> -> memref<64xi32, #tpu.memory_space<vmem>>
      %dma_wait3A_271 = arith.constant 0 : i32
      %dma_wait3A_272 = arith.constant 0 : i32
      %dma_wait3A_273 = tpu.memref_slice %arg3[%dma_wait3A_271, %dma_wait3A_272] : memref<20000x128xf32, #tpu.memory_space<hbm>> -> memref<20000x128xf32, #tpu.memory_space<hbm>>
      tpu.wait_indirect_dma semaphore(%arg19 : memref<!tpu.dma_semaphore, #tpu.memory_space<semaphore_mem>>) src(%dma_wait3A_273 : memref<20000x128xf32, #tpu.memory_space<hbm>>) dst(%arg11 : memref<64x128xf32, #tpu.memory_space<vmem>>)
      %dma_start3A_274 = arith.constant 4 : i32
      %dma_start3A_275 = arith.constant 1 : i32
      %dma_start3A_276 = arith.constant 0 : i32
      %dma_start3A_277 = tpu.memref_slice %arg7[%dma_start3A_274, %dma_start3A_275, %dma_start3A_276] : memref<8x2x64xi32, #tpu.memory_space<vmem>> -> memref<1x1x64xi32, #tpu.memory_space<vmem>>
      %dma_start3A_278 = tpu.memref_squeeze %dma_start3A_277 : memref<1x1x64xi32, #tpu.memory_space<vmem>> -> memref<64xi32, #tpu.memory_space<vmem>>
      %dma_start3A_279 = arith.constant 0 : i32
      %dma_start3A_280 = arith.constant 0 : i32
      %dma_start3A_281 = tpu.memref_slice %arg6[%dma_start3A_279, %dma_start3A_280] : memref<10008x128xf32, #tpu.memory_space<vmem_shared>> -> memref<10008x128xf32, #tpu.memory_space<vmem_shared>>
      tpu.enqueue_indirect_dma source(%arg11 : memref<64x128xf32, #tpu.memory_space<vmem>>) target(%dma_start3A_281 : memref<10008x128xf32, #tpu.memory_space<vmem_shared>>) offsets(%dma_start3A_278 : memref<64xi32, #tpu.memory_space<vmem>>) semaphore(%arg23 : memref<!tpu.dma_semaphore, #tpu.memory_space<semaphore_mem>>) {add = true}
      %mul3A_282 = arith.constant 2560 : i32
      %mul3A_283 = arith.muli %arg0, %mul3A_282 : i32
      %mul3A_284 = arith.constant 160 : i32
      %mul3A_285 = arith.muli %arg1, %mul3A_284 : i32
      %add3A_286 = arith.addi %mul3A_283, %mul3A_285 : i32
      %add3A_287 = arith.constant 0 : i32
      %add3A_288 = arith.addi %add3A_286, %add3A_287 : i32
      %dma_wait3A_289 = arith.constant 0 : i32
      %dma_wait3A_290 = arith.constant 0 : i32
      %dma_wait3A_291 = tpu.memref_slice %arg2[%add3A_288, %dma_wait3A_289, %dma_wait3A_290] : memref<5120x2x64xi32, #tpu.memory_space<hbm>> -> memref<8x2x64xi32, #tpu.memory_space<hbm>>
      %dma_wait3A_292 = arith.constant 0 : i32
      %dma_wait3A_293 = arith.constant 0 : i32
      %dma_wait3A_294 = tpu.memref_slice %arg2[%add3A_288, %dma_wait3A_292, %dma_wait3A_293] : memref<5120x2x64xi32, #tpu.memory_space<hbm>> -> memref<8x2x64xi32, #tpu.memory_space<hbm>>
      tpu.wait_dma2 semaphore(%arg16 : memref<!tpu.dma_semaphore, #tpu.memory_space<semaphore_mem>>) src(%dma_wait3A_294 : memref<8x2x64xi32, #tpu.memory_space<hbm>>) dst(%arg8 : memref<8x2x64xi32, #tpu.memory_space<vmem>>)
      %dma_wait3A_295 = arith.constant 0 : i32
      %dma_wait3A_296 = arith.constant 1 : i32
      %dma_wait3A_297 = arith.constant 0 : i32
      %dma_wait3A_298 = tpu.memref_slice %arg7[%dma_wait3A_295, %dma_wait3A_296, %dma_wait3A_297] : memref<8x2x64xi32, #tpu.memory_space<vmem>> -> memref<1x1x64xi32, #tpu.memory_space<vmem>>
      %dma_wait3A_299 = tpu.memref_squeeze %dma_wait3A_298 : memref<1x1x64xi32, #tpu.memory_space<vmem>> -> memref<64xi32, #tpu.memory_space<vmem>>
      %dma_wait3A_300 = arith.constant 0 : i32
      %dma_wait3A_301 = arith.constant 0 : i32
      %dma_wait3A_302 = tpu.memref_slice %arg6[%dma_wait3A_300, %dma_wait3A_301] : memref<10008x128xf32, #tpu.memory_space<vmem_shared>> -> memref<10008x128xf32, #tpu.memory_space<vmem_shared>>
      tpu.wait_indirect_dma semaphore(%arg23 : memref<!tpu.dma_semaphore, #tpu.memory_space<semaphore_mem>>) src(%arg11 : memref<64x128xf32, #tpu.memory_space<vmem>>) dst(%dma_wait3A_302 : memref<10008x128xf32, #tpu.memory_space<vmem_shared>>)
      %dma_start3A_303 = arith.constant 0 : i32
      %dma_start3A_304 = arith.constant 0 : i32
      %dma_start3A_305 = arith.constant 0 : i32
      %dma_start3A_306 = tpu.memref_slice %arg8[%dma_start3A_303, %dma_start3A_304, %dma_start3A_305] : memref<8x2x64xi32, #tpu.memory_space<vmem>> -> memref<1x1x64xi32, #tpu.memory_space<vmem>>
      %dma_start3A_307 = tpu.memref_squeeze %dma_start3A_306 : memref<1x1x64xi32, #tpu.memory_space<vmem>> -> memref<64xi32, #tpu.memory_space<vmem>>
      %dma_start3A_308 = arith.constant 0 : i32
      %dma_start3A_309 = arith.constant 0 : i32
      %dma_start3A_310 = tpu.memref_slice %arg3[%dma_start3A_308, %dma_start3A_309] : memref<20000x128xf32, #tpu.memory_space<hbm>> -> memref<20000x128xf32, #tpu.memory_space<hbm>>
      tpu.enqueue_indirect_dma source(%dma_start3A_310 : memref<20000x128xf32, #tpu.memory_space<hbm>>) target(%arg11 : memref<64x128xf32, #tpu.memory_space<vmem>>) offsets(%dma_start3A_307 : memref<64xi32, #tpu.memory_space<vmem>>) semaphore(%arg19 : memref<!tpu.dma_semaphore, #tpu.memory_space<semaphore_mem>>)
      %dma_wait3A_311 = arith.constant 0 : i32
      %dma_wait3A_312 = arith.constant 0 : i32
      %dma_wait3A_313 = arith.constant 0 : i32
      %dma_wait3A_314 = tpu.memref_slice %arg7[%dma_wait3A_311, %dma_wait3A_312, %dma_wait3A_313] : memref<8x2x64xi32, #tpu.memory_space<vmem>> -> memref<1x1x64xi32, #tpu.memory_space<vmem>>
      %dma_wait3A_315 = tpu.memref_squeeze %dma_wait3A_314 : memref<1x1x64xi32, #tpu.memory_space<vmem>> -> memref<64xi32, #tpu.memory_space<vmem>>
      %dma_wait3A_316 = arith.constant 0 : i32
      %dma_wait3A_317 = arith.constant 0 : i32
      %dma_wait3A_318 = tpu.memref_slice %arg3[%dma_wait3A_316, %dma_wait3A_317] : memref<20000x128xf32, #tpu.memory_space<hbm>> -> memref<20000x128xf32, #tpu.memory_space<hbm>>
      tpu.wait_indirect_dma semaphore(%arg20 : memref<!tpu.dma_semaphore, #tpu.memory_space<semaphore_mem>>) src(%dma_wait3A_318 : memref<20000x128xf32, #tpu.memory_space<hbm>>) dst(%arg12 : memref<64x128xf32, #tpu.memory_space<vmem>>)
      %dma_start3A_319 = arith.constant 5 : i32
      %dma_start3A_320 = arith.constant 1 : i32
      %dma_start3A_321 = arith.constant 0 : i32
      %dma_start3A_322 = tpu.memref_slice %arg7[%dma_start3A_319, %dma_start3A_320, %dma_start3A_321] : memref<8x2x64xi32, #tpu.memory_space<vmem>> -> memref<1x1x64xi32, #tpu.memory_space<vmem>>
      %dma_start3A_323 = tpu.memref_squeeze %dma_start3A_322 : memref<1x1x64xi32, #tpu.memory_space<vmem>> -> memref<64xi32, #tpu.memory_space<vmem>>
      %dma_start3A_324 = arith.constant 0 : i32
      %dma_start3A_325 = arith.constant 0 : i32
      %dma_start3A_326 = tpu.memref_slice %arg6[%dma_start3A_324, %dma_start3A_325] : memref<10008x128xf32, #tpu.memory_space<vmem_shared>> -> memref<10008x128xf32, #tpu.memory_space<vmem_shared>>
      tpu.enqueue_indirect_dma source(%arg12 : memref<64x128xf32, #tpu.memory_space<vmem>>) target(%dma_start3A_326 : memref<10008x128xf32, #tpu.memory_space<vmem_shared>>) offsets(%dma_start3A_323 : memref<64xi32, #tpu.memory_space<vmem>>) semaphore(%arg24 : memref<!tpu.dma_semaphore, #tpu.memory_space<semaphore_mem>>) {add = true}
      %dma_wait3A_327 = arith.constant 0 : i32
      %dma_wait3A_328 = arith.constant 1 : i32
      %dma_wait3A_329 = arith.constant 0 : i32
      %dma_wait3A_330 = tpu.memref_slice %arg7[%dma_wait3A_327, %dma_wait3A_328, %dma_wait3A_329] : memref<8x2x64xi32, #tpu.memory_space<vmem>> -> memref<1x1x64xi32, #tpu.memory_space<vmem>>
      %dma_wait3A_331 = tpu.memref_squeeze %dma_wait3A_330 : memref<1x1x64xi32, #tpu.memory_space<vmem>> -> memref<64xi32, #tpu.memory_space<vmem>>
      %dma_wait3A_332 = arith.constant 0 : i32
      %dma_wait3A_333 = arith.constant 0 : i32
      %dma_wait3A_334 = tpu.memref_slice %arg6[%dma_wait3A_332, %dma_wait3A_333] : memref<10008x128xf32, #tpu.memory_space<vmem_shared>> -> memref<10008x128xf32, #tpu.memory_space<vmem_shared>>
      tpu.wait_indirect_dma semaphore(%arg24 : memref<!tpu.dma_semaphore, #tpu.memory_space<semaphore_mem>>) src(%arg11 : memref<64x128xf32, #tpu.memory_space<vmem>>) dst(%dma_wait3A_334 : memref<10008x128xf32, #tpu.memory_space<vmem_shared>>)
      %dma_start3A_335 = arith.constant 1 : i32
      %dma_start3A_336 = arith.constant 0 : i32
      %dma_start3A_337 = arith.constant 0 : i32
      %dma_start3A_338 = tpu.memref_slice %arg8[%dma_start3A_335, %dma_start3A_336, %dma_start3A_337] : memref<8x2x64xi32, #tpu.memory_space<vmem>> -> memref<1x1x64xi32, #tpu.memory_space<vmem>>
      %dma_start3A_339 = tpu.memref_squeeze %dma_start3A_338 : memref<1x1x64xi32, #tpu.memory_space<vmem>> -> memref<64xi32, #tpu.memory_space<vmem>>
      %dma_start3A_340 = arith.constant 0 : i32
      %dma_start3A_341 = arith.constant 0 : i32
      %dma_start3A_342 = tpu.memref_slice %arg3[%dma_start3A_340, %dma_start3A_341] : memref<20000x128xf32, #tpu.memory_space<hbm>> -> memref<20000x128xf32, #tpu.memory_space<hbm>>
      tpu.enqueue_indirect_dma source(%dma_start3A_342 : memref<20000x128xf32, #tpu.memory_space<hbm>>) target(%arg12 : memref<64x128xf32, #tpu.memory_space<vmem>>) offsets(%dma_start3A_339 : memref<64xi32, #tpu.memory_space<vmem>>) semaphore(%arg20 : memref<!tpu.dma_semaphore, #tpu.memory_space<semaphore_mem>>)
      %dma_wait3A_343 = arith.constant 0 : i32
      %dma_wait3A_344 = arith.constant 0 : i32
      %dma_wait3A_345 = arith.constant 0 : i32
      %dma_wait3A_346 = tpu.memref_slice %arg7[%dma_wait3A_343, %dma_wait3A_344, %dma_wait3A_345] : memref<8x2x64xi32, #tpu.memory_space<vmem>> -> memref<1x1x64xi32, #tpu.memory_space<vmem>>
      %dma_wait3A_347 = tpu.memref_squeeze %dma_wait3A_346 : memref<1x1x64xi32, #tpu.memory_space<vmem>> -> memref<64xi32, #tpu.memory_space<vmem>>
      %dma_wait3A_348 = arith.constant 0 : i32
      %dma_wait3A_349 = arith.constant 0 : i32
      %dma_wait3A_350 = tpu.memref_slice %arg3[%dma_wait3A_348, %dma_wait3A_349] : memref<20000x128xf32, #tpu.memory_space<hbm>> -> memref<20000x128xf32, #tpu.memory_space<hbm>>
      tpu.wait_indirect_dma semaphore(%arg21 : memref<!tpu.dma_semaphore, #tpu.memory_space<semaphore_mem>>) src(%dma_wait3A_350 : memref<20000x128xf32, #tpu.memory_space<hbm>>) dst(%arg13 : memref<64x128xf32, #tpu.memory_space<vmem>>)
      %dma_start3A_351 = arith.constant 6 : i32
      %dma_start3A_352 = arith.constant 1 : i32
      %dma_start3A_353 = arith.constant 0 : i32
      %dma_start3A_354 = tpu.memref_slice %arg7[%dma_start3A_351, %dma_start3A_352, %dma_start3A_353] : memref<8x2x64xi32, #tpu.memory_space<vmem>> -> memref<1x1x64xi32, #tpu.memory_space<vmem>>
      %dma_start3A_355 = tpu.memref_squeeze %dma_start3A_354 : memref<1x1x64xi32, #tpu.memory_space<vmem>> -> memref<64xi32, #tpu.memory_space<vmem>>
      %dma_start3A_356 = arith.constant 0 : i32
      %dma_start3A_357 = arith.constant 0 : i32
      %dma_start3A_358 = tpu.memref_slice %arg6[%dma_start3A_356, %dma_start3A_357] : memref<10008x128xf32, #tpu.memory_space<vmem_shared>> -> memref<10008x128xf32, #tpu.memory_space<vmem_shared>>
      tpu.enqueue_indirect_dma source(%arg13 : memref<64x128xf32, #tpu.memory_space<vmem>>) target(%dma_start3A_358 : memref<10008x128xf32, #tpu.memory_space<vmem_shared>>) offsets(%dma_start3A_355 : memref<64xi32, #tpu.memory_space<vmem>>) semaphore(%arg25 : memref<!tpu.dma_semaphore, #tpu.memory_space<semaphore_mem>>) {add = true}
      %dma_wait3A_359 = arith.constant 0 : i32
      %dma_wait3A_360 = arith.constant 1 : i32
      %dma_wait3A_361 = arith.constant 0 : i32
      %dma_wait3A_362 = tpu.memref_slice %arg7[%dma_wait3A_359, %dma_wait3A_360, %dma_wait3A_361] : memref<8x2x64xi32, #tpu.memory_space<vmem>> -> memref<1x1x64xi32, #tpu.memory_space<vmem>>
      %dma_wait3A_363 = tpu.memref_squeeze %dma_wait3A_362 : memref<1x1x64xi32, #tpu.memory_space<vmem>> -> memref<64xi32, #tpu.memory_space<vmem>>
      %dma_wait3A_364 = arith.constant 0 : i32
      %dma_wait3A_365 = arith.constant 0 : i32
      %dma_wait3A_366 = tpu.memref_slice %arg6[%dma_wait3A_364, %dma_wait3A_365] : memref<10008x128xf32, #tpu.memory_space<vmem_shared>> -> memref<10008x128xf32, #tpu.memory_space<vmem_shared>>
      tpu.wait_indirect_dma semaphore(%arg25 : memref<!tpu.dma_semaphore, #tpu.memory_space<semaphore_mem>>) src(%arg11 : memref<64x128xf32, #tpu.memory_space<vmem>>) dst(%dma_wait3A_366 : memref<10008x128xf32, #tpu.memory_space<vmem_shared>>)
      %dma_start3A_367 = arith.constant 2 : i32
      %dma_start3A_368 = arith.constant 0 : i32
      %dma_start3A_369 = arith.constant 0 : i32
      %dma_start3A_370 = tpu.memref_slice %arg8[%dma_start3A_367, %dma_start3A_368, %dma_start3A_369] : memref<8x2x64xi32, #tpu.memory_space<vmem>> -> memref<1x1x64xi32, #tpu.memory_space<vmem>>
      %dma_start3A_371 = tpu.memref_squeeze %dma_start3A_370 : memref<1x1x64xi32, #tpu.memory_space<vmem>> -> memref<64xi32, #tpu.memory_space<vmem>>
      %dma_start3A_372 = arith.constant 0 : i32
      %dma_start3A_373 = arith.constant 0 : i32
      %dma_start3A_374 = tpu.memref_slice %arg3[%dma_start3A_372, %dma_start3A_373] : memref<20000x128xf32, #tpu.memory_space<hbm>> -> memref<20000x128xf32, #tpu.memory_space<hbm>>
      tpu.enqueue_indirect_dma source(%dma_start3A_374 : memref<20000x128xf32, #tpu.memory_space<hbm>>) target(%arg13 : memref<64x128xf32, #tpu.memory_space<vmem>>) offsets(%dma_start3A_371 : memref<64xi32, #tpu.memory_space<vmem>>) semaphore(%arg21 : memref<!tpu.dma_semaphore, #tpu.memory_space<semaphore_mem>>)
      %dma_wait3A_375 = arith.constant 0 : i32
      %dma_wait3A_376 = arith.constant 0 : i32
      %dma_wait3A_377 = arith.constant 0 : i32
      %dma_wait3A_378 = tpu.memref_slice %arg7[%dma_wait3A_375, %dma_wait3A_376, %dma_wait3A_377] : memref<8x2x64xi32, #tpu.memory_space<vmem>> -> memref<1x1x64xi32, #tpu.memory_space<vmem>>
      %dma_wait3A_379 = tpu.memref_squeeze %dma_wait3A_378 : memref<1x1x64xi32, #tpu.memory_space<vmem>> -> memref<64xi32, #tpu.memory_space<vmem>>
      %dma_wait3A_380 = arith.constant 0 : i32
      %dma_wait3A_381 = arith.constant 0 : i32
      %dma_wait3A_382 = tpu.memref_slice %arg3[%dma_wait3A_380, %dma_wait3A_381] : memref<20000x128xf32, #tpu.memory_space<hbm>> -> memref<20000x128xf32, #tpu.memory_space<hbm>>
      tpu.wait_indirect_dma semaphore(%arg22 : memref<!tpu.dma_semaphore, #tpu.memory_space<semaphore_mem>>) src(%dma_wait3A_382 : memref<20000x128xf32, #tpu.memory_space<hbm>>) dst(%arg14 : memref<64x128xf32, #tpu.memory_space<vmem>>)
      %dma_start3A_383 = arith.constant 7 : i32
      %dma_start3A_384 = arith.constant 1 : i32
      %dma_start3A_385 = arith.constant 0 : i32
      %dma_start3A_386 = tpu.memref_slice %arg7[%dma_start3A_383, %dma_start3A_384, %dma_start3A_385] : memref<8x2x64xi32, #tpu.memory_space<vmem>> -> memref<1x1x64xi32, #tpu.memory_space<vmem>>
      %dma_start3A_387 = tpu.memref_squeeze %dma_start3A_386 : memref<1x1x64xi32, #tpu.memory_space<vmem>> -> memref<64xi32, #tpu.memory_space<vmem>>
      %dma_start3A_388 = arith.constant 0 : i32
      %dma_start3A_389 = arith.constant 0 : i32
      %dma_start3A_390 = tpu.memref_slice %arg6[%dma_start3A_388, %dma_start3A_389] : memref<10008x128xf32, #tpu.memory_space<vmem_shared>> -> memref<10008x128xf32, #tpu.memory_space<vmem_shared>>
      tpu.enqueue_indirect_dma source(%arg14 : memref<64x128xf32, #tpu.memory_space<vmem>>) target(%dma_start3A_390 : memref<10008x128xf32, #tpu.memory_space<vmem_shared>>) offsets(%dma_start3A_387 : memref<64xi32, #tpu.memory_space<vmem>>) semaphore(%arg26 : memref<!tpu.dma_semaphore, #tpu.memory_space<semaphore_mem>>) {add = true}
      %dma_wait3A_391 = arith.constant 0 : i32
      %dma_wait3A_392 = arith.constant 1 : i32
      %dma_wait3A_393 = arith.constant 0 : i32
      %dma_wait3A_394 = tpu.memref_slice %arg7[%dma_wait3A_391, %dma_wait3A_392, %dma_wait3A_393] : memref<8x2x64xi32, #tpu.memory_space<vmem>> -> memref<1x1x64xi32, #tpu.memory_space<vmem>>
      %dma_wait3A_395 = tpu.memref_squeeze %dma_wait3A_394 : memref<1x1x64xi32, #tpu.memory_space<vmem>> -> memref<64xi32, #tpu.memory_space<vmem>>
      %dma_wait3A_396 = arith.constant 0 : i32
      %dma_wait3A_397 = arith.constant 0 : i32
      %dma_wait3A_398 = tpu.memref_slice %arg6[%dma_wait3A_396, %dma_wait3A_397] : memref<10008x128xf32, #tpu.memory_space<vmem_shared>> -> memref<10008x128xf32, #tpu.memory_space<vmem_shared>>
      tpu.wait_indirect_dma semaphore(%arg26 : memref<!tpu.dma_semaphore, #tpu.memory_space<semaphore_mem>>) src(%arg11 : memref<64x128xf32, #tpu.memory_space<vmem>>) dst(%dma_wait3A_398 : memref<10008x128xf32, #tpu.memory_space<vmem_shared>>)
      %dma_start3A_399 = arith.constant 3 : i32
      %dma_start3A_400 = arith.constant 0 : i32
      %dma_start3A_401 = arith.constant 0 : i32
      %dma_start3A_402 = tpu.memref_slice %arg8[%dma_start3A_399, %dma_start3A_400, %dma_start3A_401] : memref<8x2x64xi32, #tpu.memory_space<vmem>> -> memref<1x1x64xi32, #tpu.memory_space<vmem>>
      %dma_start3A_403 = tpu.memref_squeeze %dma_start3A_402 : memref<1x1x64xi32, #tpu.memory_space<vmem>> -> memref<64xi32, #tpu.memory_space<vmem>>
      %dma_start3A_404 = arith.constant 0 : i32
      %dma_start3A_405 = arith.constant 0 : i32
      %dma_start3A_406 = tpu.memref_slice %arg3[%dma_start3A_404, %dma_start3A_405] : memref<20000x128xf32, #tpu.memory_space<hbm>> -> memref<20000x128xf32, #tpu.memory_space<hbm>>
      tpu.enqueue_indirect_dma source(%dma_start3A_406 : memref<20000x128xf32, #tpu.memory_space<hbm>>) target(%arg14 : memref<64x128xf32, #tpu.memory_space<vmem>>) offsets(%dma_start3A_403 : memref<64xi32, #tpu.memory_space<vmem>>) semaphore(%arg22 : memref<!tpu.dma_semaphore, #tpu.memory_space<semaphore_mem>>)
      %mul3A_407 = arith.constant 4 : i32
      %mul3A_408 = arith.muli %scan3A_117, %mul3A_407 : i32
      %add3A_409 = arith.constant 1 : i32
      %add3A_410 = arith.addi %mul3A_408, %add3A_409 : i32
      %add3A_411 = arith.constant 1 : i32
      %add3A_412 = arith.addi %add3A_410, %add3A_411 : i32
      %mul3A_413 = arith.constant 8 : i32
      %mul3A_414 = arith.muli %add3A_412, %mul3A_413 : i32
      %mul3A_415 = arith.constant 2560 : i32
      %mul3A_416 = arith.muli %arg0, %mul3A_415 : i32
      %mul3A_417 = arith.constant 160 : i32
      %mul3A_418 = arith.muli %arg1, %mul3A_417 : i32
      %add3A_419 = arith.addi %mul3A_416, %mul3A_418 : i32
      %add3A_420 = arith.addi %add3A_419, %mul3A_414 : i32
      %dma_start3A_421 = arith.constant 0 : i32
      %dma_start3A_422 = arith.constant 0 : i32
      %dma_start3A_423 = tpu.memref_slice %arg2[%add3A_420, %dma_start3A_421, %dma_start3A_422] : memref<5120x2x64xi32, #tpu.memory_space<hbm>> -> memref<8x2x64xi32, #tpu.memory_space<hbm>>
      %dma_start3A_424 = arith.constant 0 : i32
      %dma_start3A_425 = arith.constant 0 : i32
      %dma_start3A_426 = tpu.memref_slice %arg2[%add3A_420, %dma_start3A_424, %dma_start3A_425] : memref<5120x2x64xi32, #tpu.memory_space<hbm>> -> memref<8x2x64xi32, #tpu.memory_space<hbm>>
      tpu.enqueue_dma source(%dma_start3A_426 : memref<8x2x64xi32, #tpu.memory_space<hbm>>) target(%arg9 : memref<8x2x64xi32, #tpu.memory_space<vmem>>) target_semaphore(%arg17 : memref<!tpu.dma_semaphore, #tpu.memory_space<semaphore_mem>>)
      %dma_wait3A_427 = arith.constant 0 : i32
      %dma_wait3A_428 = arith.constant 0 : i32
      %dma_wait3A_429 = arith.constant 0 : i32
      %dma_wait3A_430 = tpu.memref_slice %arg7[%dma_wait3A_427, %dma_wait3A_428, %dma_wait3A_429] : memref<8x2x64xi32, #tpu.memory_space<vmem>> -> memref<1x1x64xi32, #tpu.memory_space<vmem>>
      %dma_wait3A_431 = tpu.memref_squeeze %dma_wait3A_430 : memref<1x1x64xi32, #tpu.memory_space<vmem>> -> memref<64xi32, #tpu.memory_space<vmem>>
      %dma_wait3A_432 = arith.constant 0 : i32
      %dma_wait3A_433 = arith.constant 0 : i32
      %dma_wait3A_434 = tpu.memref_slice %arg3[%dma_wait3A_432, %dma_wait3A_433] : memref<20000x128xf32, #tpu.memory_space<hbm>> -> memref<20000x128xf32, #tpu.memory_space<hbm>>
      tpu.wait_indirect_dma semaphore(%arg19 : memref<!tpu.dma_semaphore, #tpu.memory_space<semaphore_mem>>) src(%dma_wait3A_434 : memref<20000x128xf32, #tpu.memory_space<hbm>>) dst(%arg11 : memref<64x128xf32, #tpu.memory_space<vmem>>)
      %dma_start3A_435 = arith.constant 0 : i32
      %dma_start3A_436 = arith.constant 1 : i32
      %dma_start3A_437 = arith.constant 0 : i32
      %dma_start3A_438 = tpu.memref_slice %arg8[%dma_start3A_435, %dma_start3A_436, %dma_start3A_437] : memref<8x2x64xi32, #tpu.memory_space<vmem>> -> memref<1x1x64xi32, #tpu.memory_space<vmem>>
      %dma_start3A_439 = tpu.memref_squeeze %dma_start3A_438 : memref<1x1x64xi32, #tpu.memory_space<vmem>> -> memref<64xi32, #tpu.memory_space<vmem>>
      %dma_start3A_440 = arith.constant 0 : i32
      %dma_start3A_441 = arith.constant 0 : i32
      %dma_start3A_442 = tpu.memref_slice %arg6[%dma_start3A_440, %dma_start3A_441] : memref<10008x128xf32, #tpu.memory_space<vmem_shared>> -> memref<10008x128xf32, #tpu.memory_space<vmem_shared>>
      tpu.enqueue_indirect_dma source(%arg11 : memref<64x128xf32, #tpu.memory_space<vmem>>) target(%dma_start3A_442 : memref<10008x128xf32, #tpu.memory_space<vmem_shared>>) offsets(%dma_start3A_439 : memref<64xi32, #tpu.memory_space<vmem>>) semaphore(%arg23 : memref<!tpu.dma_semaphore, #tpu.memory_space<semaphore_mem>>) {add = true}
      %dma_wait3A_443 = arith.constant 0 : i32
      %dma_wait3A_444 = arith.constant 1 : i32
      %dma_wait3A_445 = arith.constant 0 : i32
      %dma_wait3A_446 = tpu.memref_slice %arg7[%dma_wait3A_443, %dma_wait3A_444, %dma_wait3A_445] : memref<8x2x64xi32, #tpu.memory_space<vmem>> -> memref<1x1x64xi32, #tpu.memory_space<vmem>>
      %dma_wait3A_447 = tpu.memref_squeeze %dma_wait3A_446 : memref<1x1x64xi32, #tpu.memory_space<vmem>> -> memref<64xi32, #tpu.memory_space<vmem>>
      %dma_wait3A_448 = arith.constant 0 : i32
      %dma_wait3A_449 = arith.constant 0 : i32
      %dma_wait3A_450 = tpu.memref_slice %arg6[%dma_wait3A_448, %dma_wait3A_449] : memref<10008x128xf32, #tpu.memory_space<vmem_shared>> -> memref<10008x128xf32, #tpu.memory_space<vmem_shared>>
      tpu.wait_indirect_dma semaphore(%arg23 : memref<!tpu.dma_semaphore, #tpu.memory_space<semaphore_mem>>) src(%arg11 : memref<64x128xf32, #tpu.memory_space<vmem>>) dst(%dma_wait3A_450 : memref<10008x128xf32, #tpu.memory_space<vmem_shared>>)
      %dma_start3A_451 = arith.constant 4 : i32
      %dma_start3A_452 = arith.constant 0 : i32
      %dma_start3A_453 = arith.constant 0 : i32
      %dma_start3A_454 = tpu.memref_slice %arg8[%dma_start3A_451, %dma_start3A_452, %dma_start3A_453] : memref<8x2x64xi32, #tpu.memory_space<vmem>> -> memref<1x1x64xi32, #tpu.memory_space<vmem>>
      %dma_start3A_455 = tpu.memref_squeeze %dma_start3A_454 : memref<1x1x64xi32, #tpu.memory_space<vmem>> -> memref<64xi32, #tpu.memory_space<vmem>>
      %dma_start3A_456 = arith.constant 0 : i32
      %dma_start3A_457 = arith.constant 0 : i32
      %dma_start3A_458 = tpu.memref_slice %arg3[%dma_start3A_456, %dma_start3A_457] : memref<20000x128xf32, #tpu.memory_space<hbm>> -> memref<20000x128xf32, #tpu.memory_space<hbm>>
      tpu.enqueue_indirect_dma source(%dma_start3A_458 : memref<20000x128xf32, #tpu.memory_space<hbm>>) target(%arg11 : memref<64x128xf32, #tpu.memory_space<vmem>>) offsets(%dma_start3A_455 : memref<64xi32, #tpu.memory_space<vmem>>) semaphore(%arg19 : memref<!tpu.dma_semaphore, #tpu.memory_space<semaphore_mem>>)
      %dma_wait3A_459 = arith.constant 0 : i32
      %dma_wait3A_460 = arith.constant 0 : i32
      %dma_wait3A_461 = arith.constant 0 : i32
      %dma_wait3A_462 = tpu.memref_slice %arg7[%dma_wait3A_459, %dma_wait3A_460, %dma_wait3A_461] : memref<8x2x64xi32, #tpu.memory_space<vmem>> -> memref<1x1x64xi32, #tpu.memory_space<vmem>>
      %dma_wait3A_463 = tpu.memref_squeeze %dma_wait3A_462 : memref<1x1x64xi32, #tpu.memory_space<vmem>> -> memref<64xi32, #tpu.memory_space<vmem>>
      %dma_wait3A_464 = arith.constant 0 : i32
      %dma_wait3A_465 = arith.constant 0 : i32
      %dma_wait3A_466 = tpu.memref_slice %arg3[%dma_wait3A_464, %dma_wait3A_465] : memref<20000x128xf32, #tpu.memory_space<hbm>> -> memref<20000x128xf32, #tpu.memory_space<hbm>>
      tpu.wait_indirect_dma semaphore(%arg20 : memref<!tpu.dma_semaphore, #tpu.memory_space<semaphore_mem>>) src(%dma_wait3A_466 : memref<20000x128xf32, #tpu.memory_space<hbm>>) dst(%arg12 : memref<64x128xf32, #tpu.memory_space<vmem>>)
      %dma_start3A_467 = arith.constant 1 : i32
      %dma_start3A_468 = arith.constant 1 : i32
      %dma_start3A_469 = arith.constant 0 : i32
      %dma_start3A_470 = tpu.memref_slice %arg8[%dma_start3A_467, %dma_start3A_468, %dma_start3A_469] : memref<8x2x64xi32, #tpu.memory_space<vmem>> -> memref<1x1x64xi32, #tpu.memory_space<vmem>>
      %dma_start3A_471 = tpu.memref_squeeze %dma_start3A_470 : memref<1x1x64xi32, #tpu.memory_space<vmem>> -> memref<64xi32, #tpu.memory_space<vmem>>
      %dma_start3A_472 = arith.constant 0 : i32
      %dma_start3A_473 = arith.constant 0 : i32
      %dma_start3A_474 = tpu.memref_slice %arg6[%dma_start3A_472, %dma_start3A_473] : memref<10008x128xf32, #tpu.memory_space<vmem_shared>> -> memref<10008x128xf32, #tpu.memory_space<vmem_shared>>
      tpu.enqueue_indirect_dma source(%arg12 : memref<64x128xf32, #tpu.memory_space<vmem>>) target(%dma_start3A_474 : memref<10008x128xf32, #tpu.memory_space<vmem_shared>>) offsets(%dma_start3A_471 : memref<64xi32, #tpu.memory_space<vmem>>) semaphore(%arg24 : memref<!tpu.dma_semaphore, #tpu.memory_space<semaphore_mem>>) {add = true}
      %dma_wait3A_475 = arith.constant 0 : i32
      %dma_wait3A_476 = arith.constant 1 : i32
      %dma_wait3A_477 = arith.constant 0 : i32
      %dma_wait3A_478 = tpu.memref_slice %arg7[%dma_wait3A_475, %dma_wait3A_476, %dma_wait3A_477] : memref<8x2x64xi32, #tpu.memory_space<vmem>> -> memref<1x1x64xi32, #tpu.memory_space<vmem>>
      %dma_wait3A_479 = tpu.memref_squeeze %dma_wait3A_478 : memref<1x1x64xi32, #tpu.memory_space<vmem>> -> memref<64xi32, #tpu.memory_space<vmem>>
      %dma_wait3A_480 = arith.constant 0 : i32
      %dma_wait3A_481 = arith.constant 0 : i32
      %dma_wait3A_482 = tpu.memref_slice %arg6[%dma_wait3A_480, %dma_wait3A_481] : memref<10008x128xf32, #tpu.memory_space<vmem_shared>> -> memref<10008x128xf32, #tpu.memory_space<vmem_shared>>
      tpu.wait_indirect_dma semaphore(%arg24 : memref<!tpu.dma_semaphore, #tpu.memory_space<semaphore_mem>>) src(%arg11 : memref<64x128xf32, #tpu.memory_space<vmem>>) dst(%dma_wait3A_482 : memref<10008x128xf32, #tpu.memory_space<vmem_shared>>)
      %dma_start3A_483 = arith.constant 5 : i32
      %dma_start3A_484 = arith.constant 0 : i32
      %dma_start3A_485 = arith.constant 0 : i32
      %dma_start3A_486 = tpu.memref_slice %arg8[%dma_start3A_483, %dma_start3A_484, %dma_start3A_485] : memref<8x2x64xi32, #tpu.memory_space<vmem>> -> memref<1x1x64xi32, #tpu.memory_space<vmem>>
      %dma_start3A_487 = tpu.memref_squeeze %dma_start3A_486 : memref<1x1x64xi32, #tpu.memory_space<vmem>> -> memref<64xi32, #tpu.memory_space<vmem>>
      %dma_start3A_488 = arith.constant 0 : i32
      %dma_start3A_489 = arith.constant 0 : i32
      %dma_start3A_490 = tpu.memref_slice %arg3[%dma_start3A_488, %dma_start3A_489] : memref<20000x128xf32, #tpu.memory_space<hbm>> -> memref<20000x128xf32, #tpu.memory_space<hbm>>
      tpu.enqueue_indirect_dma source(%dma_start3A_490 : memref<20000x128xf32, #tpu.memory_space<hbm>>) target(%arg12 : memref<64x128xf32, #tpu.memory_space<vmem>>) offsets(%dma_start3A_487 : memref<64xi32, #tpu.memory_space<vmem>>) semaphore(%arg20 : memref<!tpu.dma_semaphore, #tpu.memory_space<semaphore_mem>>)
      %dma_wait3A_491 = arith.constant 0 : i32
      %dma_wait3A_492 = arith.constant 0 : i32
      %dma_wait3A_493 = arith.constant 0 : i32
      %dma_wait3A_494 = tpu.memref_slice %arg7[%dma_wait3A_491, %dma_wait3A_492, %dma_wait3A_493] : memref<8x2x64xi32, #tpu.memory_space<vmem>> -> memref<1x1x64xi32, #tpu.memory_space<vmem>>
      %dma_wait3A_495 = tpu.memref_squeeze %dma_wait3A_494 : memref<1x1x64xi32, #tpu.memory_space<vmem>> -> memref<64xi32, #tpu.memory_space<vmem>>
      %dma_wait3A_496 = arith.constant 0 : i32
      %dma_wait3A_497 = arith.constant 0 : i32
      %dma_wait3A_498 = tpu.memref_slice %arg3[%dma_wait3A_496, %dma_wait3A_497] : memref<20000x128xf32, #tpu.memory_space<hbm>> -> memref<20000x128xf32, #tpu.memory_space<hbm>>
      tpu.wait_indirect_dma semaphore(%arg21 : memref<!tpu.dma_semaphore, #tpu.memory_space<semaphore_mem>>) src(%dma_wait3A_498 : memref<20000x128xf32, #tpu.memory_space<hbm>>) dst(%arg13 : memref<64x128xf32, #tpu.memory_space<vmem>>)
      %dma_start3A_499 = arith.constant 2 : i32
      %dma_start3A_500 = arith.constant 1 : i32
      %dma_start3A_501 = arith.constant 0 : i32
      %dma_start3A_502 = tpu.memref_slice %arg8[%dma_start3A_499, %dma_start3A_500, %dma_start3A_501] : memref<8x2x64xi32, #tpu.memory_space<vmem>> -> memref<1x1x64xi32, #tpu.memory_space<vmem>>
      %dma_start3A_503 = tpu.memref_squeeze %dma_start3A_502 : memref<1x1x64xi32, #tpu.memory_space<vmem>> -> memref<64xi32, #tpu.memory_space<vmem>>
      %dma_start3A_504 = arith.constant 0 : i32
      %dma_start3A_505 = arith.constant 0 : i32
      %dma_start3A_506 = tpu.memref_slice %arg6[%dma_start3A_504, %dma_start3A_505] : memref<10008x128xf32, #tpu.memory_space<vmem_shared>> -> memref<10008x128xf32, #tpu.memory_space<vmem_shared>>
      tpu.enqueue_indirect_dma source(%arg13 : memref<64x128xf32, #tpu.memory_space<vmem>>) target(%dma_start3A_506 : memref<10008x128xf32, #tpu.memory_space<vmem_shared>>) offsets(%dma_start3A_503 : memref<64xi32, #tpu.memory_space<vmem>>) semaphore(%arg25 : memref<!tpu.dma_semaphore, #tpu.memory_space<semaphore_mem>>) {add = true}
      %dma_wait3A_507 = arith.constant 0 : i32
      %dma_wait3A_508 = arith.constant 1 : i32
      %dma_wait3A_509 = arith.constant 0 : i32
      %dma_wait3A_510 = tpu.memref_slice %arg7[%dma_wait3A_507, %dma_wait3A_508, %dma_wait3A_509] : memref<8x2x64xi32, #tpu.memory_space<vmem>> -> memref<1x1x64xi32, #tpu.memory_space<vmem>>
      %dma_wait3A_511 = tpu.memref_squeeze %dma_wait3A_510 : memref<1x1x64xi32, #tpu.memory_space<vmem>> -> memref<64xi32, #tpu.memory_space<vmem>>
      %dma_wait3A_512 = arith.constant 0 : i32
      %dma_wait3A_513 = arith.constant 0 : i32
      %dma_wait3A_514 = tpu.memref_slice %arg6[%dma_wait3A_512, %dma_wait3A_513] : memref<10008x128xf32, #tpu.memory_space<vmem_shared>> -> memref<10008x128xf32, #tpu.memory_space<vmem_shared>>
      tpu.wait_indirect_dma semaphore(%arg25 : memref<!tpu.dma_semaphore, #tpu.memory_space<semaphore_mem>>) src(%arg11 : memref<64x128xf32, #tpu.memory_space<vmem>>) dst(%dma_wait3A_514 : memref<10008x128xf32, #tpu.memory_space<vmem_shared>>)
      %dma_start3A_515 = arith.constant 6 : i32
      %dma_start3A_516 = arith.constant 0 : i32
      %dma_start3A_517 = arith.constant 0 : i32
      %dma_start3A_518 = tpu.memref_slice %arg8[%dma_start3A_515, %dma_start3A_516, %dma_start3A_517] : memref<8x2x64xi32, #tpu.memory_space<vmem>> -> memref<1x1x64xi32, #tpu.memory_space<vmem>>
      %dma_start3A_519 = tpu.memref_squeeze %dma_start3A_518 : memref<1x1x64xi32, #tpu.memory_space<vmem>> -> memref<64xi32, #tpu.memory_space<vmem>>
      %dma_start3A_520 = arith.constant 0 : i32
      %dma_start3A_521 = arith.constant 0 : i32
      %dma_start3A_522 = tpu.memref_slice %arg3[%dma_start3A_520, %dma_start3A_521] : memref<20000x128xf32, #tpu.memory_space<hbm>> -> memref<20000x128xf32, #tpu.memory_space<hbm>>
      tpu.enqueue_indirect_dma source(%dma_start3A_522 : memref<20000x128xf32, #tpu.memory_space<hbm>>) target(%arg13 : memref<64x128xf32, #tpu.memory_space<vmem>>) offsets(%dma_start3A_519 : memref<64xi32, #tpu.memory_space<vmem>>) semaphore(%arg21 : memref<!tpu.dma_semaphore, #tpu.memory_space<semaphore_mem>>)
      %dma_wait3A_523 = arith.constant 0 : i32
      %dma_wait3A_524 = arith.constant 0 : i32
      %dma_wait3A_525 = arith.constant 0 : i32
      %dma_wait3A_526 = tpu.memref_slice %arg7[%dma_wait3A_523, %dma_wait3A_524, %dma_wait3A_525] : memref<8x2x64xi32, #tpu.memory_space<vmem>> -> memref<1x1x64xi32, #tpu.memory_space<vmem>>
      %dma_wait3A_527 = tpu.memref_squeeze %dma_wait3A_526 : memref<1x1x64xi32, #tpu.memory_space<vmem>> -> memref<64xi32, #tpu.memory_space<vmem>>
      %dma_wait3A_528 = arith.constant 0 : i32
      %dma_wait3A_529 = arith.constant 0 : i32
      %dma_wait3A_530 = tpu.memref_slice %arg3[%dma_wait3A_528, %dma_wait3A_529] : memref<20000x128xf32, #tpu.memory_space<hbm>> -> memref<20000x128xf32, #tpu.memory_space<hbm>>
      tpu.wait_indirect_dma semaphore(%arg22 : memref<!tpu.dma_semaphore, #tpu.memory_space<semaphore_mem>>) src(%dma_wait3A_530 : memref<20000x128xf32, #tpu.memory_space<hbm>>) dst(%arg14 : memref<64x128xf32, #tpu.memory_space<vmem>>)
      %dma_start3A_531 = arith.constant 3 : i32
      %dma_start3A_532 = arith.constant 1 : i32
      %dma_start3A_533 = arith.constant 0 : i32
      %dma_start3A_534 = tpu.memref_slice %arg8[%dma_start3A_531, %dma_start3A_532, %dma_start3A_533] : memref<8x2x64xi32, #tpu.memory_space<vmem>> -> memref<1x1x64xi32, #tpu.memory_space<vmem>>
      %dma_start3A_535 = tpu.memref_squeeze %dma_start3A_534 : memref<1x1x64xi32, #tpu.memory_space<vmem>> -> memref<64xi32, #tpu.memory_space<vmem>>
      %dma_start3A_536 = arith.constant 0 : i32
      %dma_start3A_537 = arith.constant 0 : i32
      %dma_start3A_538 = tpu.memref_slice %arg6[%dma_start3A_536, %dma_start3A_537] : memref<10008x128xf32, #tpu.memory_space<vmem_shared>> -> memref<10008x128xf32, #tpu.memory_space<vmem_shared>>
      tpu.enqueue_indirect_dma source(%arg14 : memref<64x128xf32, #tpu.memory_space<vmem>>) target(%dma_start3A_538 : memref<10008x128xf32, #tpu.memory_space<vmem_shared>>) offsets(%dma_start3A_535 : memref<64xi32, #tpu.memory_space<vmem>>) semaphore(%arg26 : memref<!tpu.dma_semaphore, #tpu.memory_space<semaphore_mem>>) {add = true}
      %dma_wait3A_539 = arith.constant 0 : i32
      %dma_wait3A_540 = arith.constant 1 : i32
      %dma_wait3A_541 = arith.constant 0 : i32
      %dma_wait3A_542 = tpu.memref_slice %arg7[%dma_wait3A_539, %dma_wait3A_540, %dma_wait3A_541] : memref<8x2x64xi32, #tpu.memory_space<vmem>> -> memref<1x1x64xi32, #tpu.memory_space<vmem>>
      %dma_wait3A_543 = tpu.memref_squeeze %dma_wait3A_542 : memref<1x1x64xi32, #tpu.memory_space<vmem>> -> memref<64xi32, #tpu.memory_space<vmem>>
      %dma_wait3A_544 = arith.constant 0 : i32
      %dma_wait3A_545 = arith.constant 0 : i32
      %dma_wait3A_546 = tpu.memref_slice %arg6[%dma_wait3A_544, %dma_wait3A_545] : memref<10008x128xf32, #tpu.memory_space<vmem_shared>> -> memref<10008x128xf32, #tpu.memory_space<vmem_shared>>
      tpu.wait_indirect_dma semaphore(%arg26 : memref<!tpu.dma_semaphore, #tpu.memory_space<semaphore_mem>>) src(%arg11 : memref<64x128xf32, #tpu.memory_space<vmem>>) dst(%dma_wait3A_546 : memref<10008x128xf32, #tpu.memory_space<vmem_shared>>)
      %dma_start3A_547 = arith.constant 7 : i32
      %dma_start3A_548 = arith.constant 0 : i32
      %dma_start3A_549 = arith.constant 0 : i32
      %dma_start3A_550 = tpu.memref_slice %arg8[%dma_start3A_547, %dma_start3A_548, %dma_start3A_549] : memref<8x2x64xi32, #tpu.memory_space<vmem>> -> memref<1x1x64xi32, #tpu.memory_space<vmem>>
      %dma_start3A_551 = tpu.memref_squeeze %dma_start3A_550 : memref<1x1x64xi32, #tpu.memory_space<vmem>> -> memref<64xi32, #tpu.memory_space<vmem>>
      %dma_start3A_552 = arith.constant 0 : i32
      %dma_start3A_553 = arith.constant 0 : i32
      %dma_start3A_554 = tpu.memref_slice %arg3[%dma_start3A_552, %dma_start3A_553] : memref<20000x128xf32, #tpu.memory_space<hbm>> -> memref<20000x128xf32, #tpu.memory_space<hbm>>
      tpu.enqueue_indirect_dma source(%dma_start3A_554 : memref<20000x128xf32, #tpu.memory_space<hbm>>) target(%arg14 : memref<64x128xf32, #tpu.memory_space<vmem>>) offsets(%dma_start3A_551 : memref<64xi32, #tpu.memory_space<vmem>>) semaphore(%arg22 : memref<!tpu.dma_semaphore, #tpu.memory_space<semaphore_mem>>)
      %dma_wait3A_555 = arith.constant 0 : i32
      %dma_wait3A_556 = arith.constant 0 : i32
      %dma_wait3A_557 = arith.constant 0 : i32
      %dma_wait3A_558 = tpu.memref_slice %arg7[%dma_wait3A_555, %dma_wait3A_556, %dma_wait3A_557] : memref<8x2x64xi32, #tpu.memory_space<vmem>> -> memref<1x1x64xi32, #tpu.memory_space<vmem>>
      %dma_wait3A_559 = tpu.memref_squeeze %dma_wait3A_558 : memref<1x1x64xi32, #tpu.memory_space<vmem>> -> memref<64xi32, #tpu.memory_space<vmem>>
      %dma_wait3A_560 = arith.constant 0 : i32
      %dma_wait3A_561 = arith.constant 0 : i32
      %dma_wait3A_562 = tpu.memref_slice %arg3[%dma_wait3A_560, %dma_wait3A_561] : memref<20000x128xf32, #tpu.memory_space<hbm>> -> memref<20000x128xf32, #tpu.memory_space<hbm>>
      tpu.wait_indirect_dma semaphore(%arg19 : memref<!tpu.dma_semaphore, #tpu.memory_space<semaphore_mem>>) src(%dma_wait3A_562 : memref<20000x128xf32, #tpu.memory_space<hbm>>) dst(%arg11 : memref<64x128xf32, #tpu.memory_space<vmem>>)
      %dma_start3A_563 = arith.constant 4 : i32
      %dma_start3A_564 = arith.constant 1 : i32
      %dma_start3A_565 = arith.constant 0 : i32
      %dma_start3A_566 = tpu.memref_slice %arg8[%dma_start3A_563, %dma_start3A_564, %dma_start3A_565] : memref<8x2x64xi32, #tpu.memory_space<vmem>> -> memref<1x1x64xi32, #tpu.memory_space<vmem>>
      %dma_start3A_567 = tpu.memref_squeeze %dma_start3A_566 : memref<1x1x64xi32, #tpu.memory_space<vmem>> -> memref<64xi32, #tpu.memory_space<vmem>>
      %dma_start3A_568 = arith.constant 0 : i32
      %dma_start3A_569 = arith.constant 0 : i32
      %dma_start3A_570 = tpu.memref_slice %arg6[%dma_start3A_568, %dma_start3A_569] : memref<10008x128xf32, #tpu.memory_space<vmem_shared>> -> memref<10008x128xf32, #tpu.memory_space<vmem_shared>>
      tpu.enqueue_indirect_dma source(%arg11 : memref<64x128xf32, #tpu.memory_space<vmem>>) target(%dma_start3A_570 : memref<10008x128xf32, #tpu.memory_space<vmem_shared>>) offsets(%dma_start3A_567 : memref<64xi32, #tpu.memory_space<vmem>>) semaphore(%arg23 : memref<!tpu.dma_semaphore, #tpu.memory_space<semaphore_mem>>) {add = true}
      %mul3A_571 = arith.constant 2560 : i32
      %mul3A_572 = arith.muli %arg0, %mul3A_571 : i32
      %mul3A_573 = arith.constant 160 : i32
      %mul3A_574 = arith.muli %arg1, %mul3A_573 : i32
      %add3A_575 = arith.addi %mul3A_572, %mul3A_574 : i32
      %add3A_576 = arith.constant 0 : i32
      %add3A_577 = arith.addi %add3A_575, %add3A_576 : i32
      %dma_wait3A_578 = arith.constant 0 : i32
      %dma_wait3A_579 = arith.constant 0 : i32
      %dma_wait3A_580 = tpu.memref_slice %arg2[%add3A_577, %dma_wait3A_578, %dma_wait3A_579] : memref<5120x2x64xi32, #tpu.memory_space<hbm>> -> memref<8x2x64xi32, #tpu.memory_space<hbm>>
      %dma_wait3A_581 = arith.constant 0 : i32
      %dma_wait3A_582 = arith.constant 0 : i32
      %dma_wait3A_583 = tpu.memref_slice %arg2[%add3A_577, %dma_wait3A_581, %dma_wait3A_582] : memref<5120x2x64xi32, #tpu.memory_space<hbm>> -> memref<8x2x64xi32, #tpu.memory_space<hbm>>
      tpu.wait_dma2 semaphore(%arg17 : memref<!tpu.dma_semaphore, #tpu.memory_space<semaphore_mem>>) src(%dma_wait3A_583 : memref<8x2x64xi32, #tpu.memory_space<hbm>>) dst(%arg9 : memref<8x2x64xi32, #tpu.memory_space<vmem>>)
      %dma_wait3A_584 = arith.constant 0 : i32
      %dma_wait3A_585 = arith.constant 1 : i32
      %dma_wait3A_586 = arith.constant 0 : i32
      %dma_wait3A_587 = tpu.memref_slice %arg7[%dma_wait3A_584, %dma_wait3A_585, %dma_wait3A_586] : memref<8x2x64xi32, #tpu.memory_space<vmem>> -> memref<1x1x64xi32, #tpu.memory_space<vmem>>
      %dma_wait3A_588 = tpu.memref_squeeze %dma_wait3A_587 : memref<1x1x64xi32, #tpu.memory_space<vmem>> -> memref<64xi32, #tpu.memory_space<vmem>>
      %dma_wait3A_589 = arith.constant 0 : i32
      %dma_wait3A_590 = arith.constant 0 : i32
      %dma_wait3A_591 = tpu.memref_slice %arg6[%dma_wait3A_589, %dma_wait3A_590] : memref<10008x128xf32, #tpu.memory_space<vmem_shared>> -> memref<10008x128xf32, #tpu.memory_space<vmem_shared>>
      tpu.wait_indirect_dma semaphore(%arg23 : memref<!tpu.dma_semaphore, #tpu.memory_space<semaphore_mem>>) src(%arg11 : memref<64x128xf32, #tpu.memory_space<vmem>>) dst(%dma_wait3A_591 : memref<10008x128xf32, #tpu.memory_space<vmem_shared>>)
      %dma_start3A_592 = arith.constant 0 : i32
      %dma_start3A_593 = arith.constant 0 : i32
      %dma_start3A_594 = arith.constant 0 : i32
      %dma_start3A_595 = tpu.memref_slice %arg9[%dma_start3A_592, %dma_start3A_593, %dma_start3A_594] : memref<8x2x64xi32, #tpu.memory_space<vmem>> -> memref<1x1x64xi32, #tpu.memory_space<vmem>>
      %dma_start3A_596 = tpu.memref_squeeze %dma_start3A_595 : memref<1x1x64xi32, #tpu.memory_space<vmem>> -> memref<64xi32, #tpu.memory_space<vmem>>
      %dma_start3A_597 = arith.constant 0 : i32
      %dma_start3A_598 = arith.constant 0 : i32
      %dma_start3A_599 = tpu.memref_slice %arg3[%dma_start3A_597, %dma_start3A_598] : memref<20000x128xf32, #tpu.memory_space<hbm>> -> memref<20000x128xf32, #tpu.memory_space<hbm>>
      tpu.enqueue_indirect_dma source(%dma_start3A_599 : memref<20000x128xf32, #tpu.memory_space<hbm>>) target(%arg11 : memref<64x128xf32, #tpu.memory_space<vmem>>) offsets(%dma_start3A_596 : memref<64xi32, #tpu.memory_space<vmem>>) semaphore(%arg19 : memref<!tpu.dma_semaphore, #tpu.memory_space<semaphore_mem>>)
      %dma_wait3A_600 = arith.constant 0 : i32
      %dma_wait3A_601 = arith.constant 0 : i32
      %dma_wait3A_602 = arith.constant 0 : i32
      %dma_wait3A_603 = tpu.memref_slice %arg7[%dma_wait3A_600, %dma_wait3A_601, %dma_wait3A_602] : memref<8x2x64xi32, #tpu.memory_space<vmem>> -> memref<1x1x64xi32, #tpu.memory_space<vmem>>
      %dma_wait3A_604 = tpu.memref_squeeze %dma_wait3A_603 : memref<1x1x64xi32, #tpu.memory_space<vmem>> -> memref<64xi32, #tpu.memory_space<vmem>>
      %dma_wait3A_605 = arith.constant 0 : i32
      %dma_wait3A_606 = arith.constant 0 : i32
      %dma_wait3A_607 = tpu.memref_slice %arg3[%dma_wait3A_605, %dma_wait3A_606] : memref<20000x128xf32, #tpu.memory_space<hbm>> -> memref<20000x128xf32, #tpu.memory_space<hbm>>
      tpu.wait_indirect_dma semaphore(%arg20 : memref<!tpu.dma_semaphore, #tpu.memory_space<semaphore_mem>>) src(%dma_wait3A_607 : memref<20000x128xf32, #tpu.memory_space<hbm>>) dst(%arg12 : memref<64x128xf32, #tpu.memory_space<vmem>>)
      %dma_start3A_608 = arith.constant 5 : i32
      %dma_start3A_609 = arith.constant 1 : i32
      %dma_start3A_610 = arith.constant 0 : i32
      %dma_start3A_611 = tpu.memref_slice %arg8[%dma_start3A_608, %dma_start3A_609, %dma_start3A_610] : memref<8x2x64xi32, #tpu.memory_space<vmem>> -> memref<1x1x64xi32, #tpu.memory_space<vmem>>
      %dma_start3A_612 = tpu.memref_squeeze %dma_start3A_611 : memref<1x1x64xi32, #tpu.memory_space<vmem>> -> memref<64xi32, #tpu.memory_space<vmem>>
      %dma_start3A_613 = arith.constant 0 : i32
      %dma_start3A_614 = arith.constant 0 : i32
      %dma_start3A_615 = tpu.memref_slice %arg6[%dma_start3A_613, %dma_start3A_614] : memref<10008x128xf32, #tpu.memory_space<vmem_shared>> -> memref<10008x128xf32, #tpu.memory_space<vmem_shared>>
      tpu.enqueue_indirect_dma source(%arg12 : memref<64x128xf32, #tpu.memory_space<vmem>>) target(%dma_start3A_615 : memref<10008x128xf32, #tpu.memory_space<vmem_shared>>) offsets(%dma_start3A_612 : memref<64xi32, #tpu.memory_space<vmem>>) semaphore(%arg24 : memref<!tpu.dma_semaphore, #tpu.memory_space<semaphore_mem>>) {add = true}
      %dma_wait3A_616 = arith.constant 0 : i32
      %dma_wait3A_617 = arith.constant 1 : i32
      %dma_wait3A_618 = arith.constant 0 : i32
      %dma_wait3A_619 = tpu.memref_slice %arg7[%dma_wait3A_616, %dma_wait3A_617, %dma_wait3A_618] : memref<8x2x64xi32, #tpu.memory_space<vmem>> -> memref<1x1x64xi32, #tpu.memory_space<vmem>>
      %dma_wait3A_620 = tpu.memref_squeeze %dma_wait3A_619 : memref<1x1x64xi32, #tpu.memory_space<vmem>> -> memref<64xi32, #tpu.memory_space<vmem>>
      %dma_wait3A_621 = arith.constant 0 : i32
      %dma_wait3A_622 = arith.constant 0 : i32
      %dma_wait3A_623 = tpu.memref_slice %arg6[%dma_wait3A_621, %dma_wait3A_622] : memref<10008x128xf32, #tpu.memory_space<vmem_shared>> -> memref<10008x128xf32, #tpu.memory_space<vmem_shared>>
      tpu.wait_indirect_dma semaphore(%arg24 : memref<!tpu.dma_semaphore, #tpu.memory_space<semaphore_mem>>) src(%arg11 : memref<64x128xf32, #tpu.memory_space<vmem>>) dst(%dma_wait3A_623 : memref<10008x128xf32, #tpu.memory_space<vmem_shared>>)
      %dma_start3A_624 = arith.constant 1 : i32
      %dma_start3A_625 = arith.constant 0 : i32
      %dma_start3A_626 = arith.constant 0 : i32
      %dma_start3A_627 = tpu.memref_slice %arg9[%dma_start3A_624, %dma_start3A_625, %dma_start3A_626] : memref<8x2x64xi32, #tpu.memory_space<vmem>> -> memref<1x1x64xi32, #tpu.memory_space<vmem>>
      %dma_start3A_628 = tpu.memref_squeeze %dma_start3A_627 : memref<1x1x64xi32, #tpu.memory_space<vmem>> -> memref<64xi32, #tpu.memory_space<vmem>>
      %dma_start3A_629 = arith.constant 0 : i32
      %dma_start3A_630 = arith.constant 0 : i32
      %dma_start3A_631 = tpu.memref_slice %arg3[%dma_start3A_629, %dma_start3A_630] : memref<20000x128xf32, #tpu.memory_space<hbm>> -> memref<20000x128xf32, #tpu.memory_space<hbm>>
      tpu.enqueue_indirect_dma source(%dma_start3A_631 : memref<20000x128xf32, #tpu.memory_space<hbm>>) target(%arg12 : memref<64x128xf32, #tpu.memory_space<vmem>>) offsets(%dma_start3A_628 : memref<64xi32, #tpu.memory_space<vmem>>) semaphore(%arg20 : memref<!tpu.dma_semaphore, #tpu.memory_space<semaphore_mem>>)
      %dma_wait3A_632 = arith.constant 0 : i32
      %dma_wait3A_633 = arith.constant 0 : i32
      %dma_wait3A_634 = arith.constant 0 : i32
      %dma_wait3A_635 = tpu.memref_slice %arg7[%dma_wait3A_632, %dma_wait3A_633, %dma_wait3A_634] : memref<8x2x64xi32, #tpu.memory_space<vmem>> -> memref<1x1x64xi32, #tpu.memory_space<vmem>>
      %dma_wait3A_636 = tpu.memref_squeeze %dma_wait3A_635 : memref<1x1x64xi32, #tpu.memory_space<vmem>> -> memref<64xi32, #tpu.memory_space<vmem>>
      %dma_wait3A_637 = arith.constant 0 : i32
      %dma_wait3A_638 = arith.constant 0 : i32
      %dma_wait3A_639 = tpu.memref_slice %arg3[%dma_wait3A_637, %dma_wait3A_638] : memref<20000x128xf32, #tpu.memory_space<hbm>> -> memref<20000x128xf32, #tpu.memory_space<hbm>>
      tpu.wait_indirect_dma semaphore(%arg21 : memref<!tpu.dma_semaphore, #tpu.memory_space<semaphore_mem>>) src(%dma_wait3A_639 : memref<20000x128xf32, #tpu.memory_space<hbm>>) dst(%arg13 : memref<64x128xf32, #tpu.memory_space<vmem>>)
      %dma_start3A_640 = arith.constant 6 : i32
      %dma_start3A_641 = arith.constant 1 : i32
      %dma_start3A_642 = arith.constant 0 : i32
      %dma_start3A_643 = tpu.memref_slice %arg8[%dma_start3A_640, %dma_start3A_641, %dma_start3A_642] : memref<8x2x64xi32, #tpu.memory_space<vmem>> -> memref<1x1x64xi32, #tpu.memory_space<vmem>>
      %dma_start3A_644 = tpu.memref_squeeze %dma_start3A_643 : memref<1x1x64xi32, #tpu.memory_space<vmem>> -> memref<64xi32, #tpu.memory_space<vmem>>
      %dma_start3A_645 = arith.constant 0 : i32
      %dma_start3A_646 = arith.constant 0 : i32
      %dma_start3A_647 = tpu.memref_slice %arg6[%dma_start3A_645, %dma_start3A_646] : memref<10008x128xf32, #tpu.memory_space<vmem_shared>> -> memref<10008x128xf32, #tpu.memory_space<vmem_shared>>
      tpu.enqueue_indirect_dma source(%arg13 : memref<64x128xf32, #tpu.memory_space<vmem>>) target(%dma_start3A_647 : memref<10008x128xf32, #tpu.memory_space<vmem_shared>>) offsets(%dma_start3A_644 : memref<64xi32, #tpu.memory_space<vmem>>) semaphore(%arg25 : memref<!tpu.dma_semaphore, #tpu.memory_space<semaphore_mem>>) {add = true}
      %dma_wait3A_648 = arith.constant 0 : i32
      %dma_wait3A_649 = arith.constant 1 : i32
      %dma_wait3A_650 = arith.constant 0 : i32
      %dma_wait3A_651 = tpu.memref_slice %arg7[%dma_wait3A_648, %dma_wait3A_649, %dma_wait3A_650] : memref<8x2x64xi32, #tpu.memory_space<vmem>> -> memref<1x1x64xi32, #tpu.memory_space<vmem>>
      %dma_wait3A_652 = tpu.memref_squeeze %dma_wait3A_651 : memref<1x1x64xi32, #tpu.memory_space<vmem>> -> memref<64xi32, #tpu.memory_space<vmem>>
      %dma_wait3A_653 = arith.constant 0 : i32
      %dma_wait3A_654 = arith.constant 0 : i32
      %dma_wait3A_655 = tpu.memref_slice %arg6[%dma_wait3A_653, %dma_wait3A_654] : memref<10008x128xf32, #tpu.memory_space<vmem_shared>> -> memref<10008x128xf32, #tpu.memory_space<vmem_shared>>
      tpu.wait_indirect_dma semaphore(%arg25 : memref<!tpu.dma_semaphore, #tpu.memory_space<semaphore_mem>>) src(%arg11 : memref<64x128xf32, #tpu.memory_space<vmem>>) dst(%dma_wait3A_655 : memref<10008x128xf32, #tpu.memory_space<vmem_shared>>)
      %dma_start3A_656 = arith.constant 2 : i32
      %dma_start3A_657 = arith.constant 0 : i32
      %dma_start3A_658 = arith.constant 0 : i32
      %dma_start3A_659 = tpu.memref_slice %arg9[%dma_start3A_656, %dma_start3A_657, %dma_start3A_658] : memref<8x2x64xi32, #tpu.memory_space<vmem>> -> memref<1x1x64xi32, #tpu.memory_space<vmem>>
      %dma_start3A_660 = tpu.memref_squeeze %dma_start3A_659 : memref<1x1x64xi32, #tpu.memory_space<vmem>> -> memref<64xi32, #tpu.memory_space<vmem>>
      %dma_start3A_661 = arith.constant 0 : i32
      %dma_start3A_662 = arith.constant 0 : i32
      %dma_start3A_663 = tpu.memref_slice %arg3[%dma_start3A_661, %dma_start3A_662] : memref<20000x128xf32, #tpu.memory_space<hbm>> -> memref<20000x128xf32, #tpu.memory_space<hbm>>
      tpu.enqueue_indirect_dma source(%dma_start3A_663 : memref<20000x128xf32, #tpu.memory_space<hbm>>) target(%arg13 : memref<64x128xf32, #tpu.memory_space<vmem>>) offsets(%dma_start3A_660 : memref<64xi32, #tpu.memory_space<vmem>>) semaphore(%arg21 : memref<!tpu.dma_semaphore, #tpu.memory_space<semaphore_mem>>)
      %dma_wait3A_664 = arith.constant 0 : i32
      %dma_wait3A_665 = arith.constant 0 : i32
      %dma_wait3A_666 = arith.constant 0 : i32
      %dma_wait3A_667 = tpu.memref_slice %arg7[%dma_wait3A_664, %dma_wait3A_665, %dma_wait3A_666] : memref<8x2x64xi32, #tpu.memory_space<vmem>> -> memref<1x1x64xi32, #tpu.memory_space<vmem>>
      %dma_wait3A_668 = tpu.memref_squeeze %dma_wait3A_667 : memref<1x1x64xi32, #tpu.memory_space<vmem>> -> memref<64xi32, #tpu.memory_space<vmem>>
      %dma_wait3A_669 = arith.constant 0 : i32
      %dma_wait3A_670 = arith.constant 0 : i32
      %dma_wait3A_671 = tpu.memref_slice %arg3[%dma_wait3A_669, %dma_wait3A_670] : memref<20000x128xf32, #tpu.memory_space<hbm>> -> memref<20000x128xf32, #tpu.memory_space<hbm>>
      tpu.wait_indirect_dma semaphore(%arg22 : memref<!tpu.dma_semaphore, #tpu.memory_space<semaphore_mem>>) src(%dma_wait3A_671 : memref<20000x128xf32, #tpu.memory_space<hbm>>) dst(%arg14 : memref<64x128xf32, #tpu.memory_space<vmem>>)
      %dma_start3A_672 = arith.constant 7 : i32
      %dma_start3A_673 = arith.constant 1 : i32
      %dma_start3A_674 = arith.constant 0 : i32
      %dma_start3A_675 = tpu.memref_slice %arg8[%dma_start3A_672, %dma_start3A_673, %dma_start3A_674] : memref<8x2x64xi32, #tpu.memory_space<vmem>> -> memref<1x1x64xi32, #tpu.memory_space<vmem>>
      %dma_start3A_676 = tpu.memref_squeeze %dma_start3A_675 : memref<1x1x64xi32, #tpu.memory_space<vmem>> -> memref<64xi32, #tpu.memory_space<vmem>>
      %dma_start3A_677 = arith.constant 0 : i32
      %dma_start3A_678 = arith.constant 0 : i32
      %dma_start3A_679 = tpu.memref_slice %arg6[%dma_start3A_677, %dma_start3A_678] : memref<10008x128xf32, #tpu.memory_space<vmem_shared>> -> memref<10008x128xf32, #tpu.memory_space<vmem_shared>>
      tpu.enqueue_indirect_dma source(%arg14 : memref<64x128xf32, #tpu.memory_space<vmem>>) target(%dma_start3A_679 : memref<10008x128xf32, #tpu.memory_space<vmem_shared>>) offsets(%dma_start3A_676 : memref<64xi32, #tpu.memory_space<vmem>>) semaphore(%arg26 : memref<!tpu.dma_semaphore, #tpu.memory_space<semaphore_mem>>) {add = true}
      %dma_wait3A_680 = arith.constant 0 : i32
      %dma_wait3A_681 = arith.constant 1 : i32
      %dma_wait3A_682 = arith.constant 0 : i32
      %dma_wait3A_683 = tpu.memref_slice %arg7[%dma_wait3A_680, %dma_wait3A_681, %dma_wait3A_682] : memref<8x2x64xi32, #tpu.memory_space<vmem>> -> memref<1x1x64xi32, #tpu.memory_space<vmem>>
      %dma_wait3A_684 = tpu.memref_squeeze %dma_wait3A_683 : memref<1x1x64xi32, #tpu.memory_space<vmem>> -> memref<64xi32, #tpu.memory_space<vmem>>
      %dma_wait3A_685 = arith.constant 0 : i32
      %dma_wait3A_686 = arith.constant 0 : i32
      %dma_wait3A_687 = tpu.memref_slice %arg6[%dma_wait3A_685, %dma_wait3A_686] : memref<10008x128xf32, #tpu.memory_space<vmem_shared>> -> memref<10008x128xf32, #tpu.memory_space<vmem_shared>>
      tpu.wait_indirect_dma semaphore(%arg26 : memref<!tpu.dma_semaphore, #tpu.memory_space<semaphore_mem>>) src(%arg11 : memref<64x128xf32, #tpu.memory_space<vmem>>) dst(%dma_wait3A_687 : memref<10008x128xf32, #tpu.memory_space<vmem_shared>>)
      %dma_start3A_688 = arith.constant 3 : i32
      %dma_start3A_689 = arith.constant 0 : i32
      %dma_start3A_690 = arith.constant 0 : i32
      %dma_start3A_691 = tpu.memref_slice %arg9[%dma_start3A_688, %dma_start3A_689, %dma_start3A_690] : memref<8x2x64xi32, #tpu.memory_space<vmem>> -> memref<1x1x64xi32, #tpu.memory_space<vmem>>
      %dma_start3A_692 = tpu.memref_squeeze %dma_start3A_691 : memref<1x1x64xi32, #tpu.memory_space<vmem>> -> memref<64xi32, #tpu.memory_space<vmem>>
      %dma_start3A_693 = arith.constant 0 : i32
      %dma_start3A_694 = arith.constant 0 : i32
      %dma_start3A_695 = tpu.memref_slice %arg3[%dma_start3A_693, %dma_start3A_694] : memref<20000x128xf32, #tpu.memory_space<hbm>> -> memref<20000x128xf32, #tpu.memory_space<hbm>>
      tpu.enqueue_indirect_dma source(%dma_start3A_695 : memref<20000x128xf32, #tpu.memory_space<hbm>>) target(%arg14 : memref<64x128xf32, #tpu.memory_space<vmem>>) offsets(%dma_start3A_692 : memref<64xi32, #tpu.memory_space<vmem>>) semaphore(%arg22 : memref<!tpu.dma_semaphore, #tpu.memory_space<semaphore_mem>>)
      %mul3A_696 = arith.constant 4 : i32
      %mul3A_697 = arith.muli %scan3A_117, %mul3A_696 : i32
      %add3A_698 = arith.constant 2 : i32
      %add3A_699 = arith.addi %mul3A_697, %add3A_698 : i32
      %add3A_700 = arith.constant 1 : i32
      %add3A_701 = arith.addi %add3A_699, %add3A_700 : i32
      %mul3A_702 = arith.constant 8 : i32
      %mul3A_703 = arith.muli %add3A_701, %mul3A_702 : i32
      %mul3A_704 = arith.constant 2560 : i32
      %mul3A_705 = arith.muli %arg0, %mul3A_704 : i32
      %mul3A_706 = arith.constant 160 : i32
      %mul3A_707 = arith.muli %arg1, %mul3A_706 : i32
      %add3A_708 = arith.addi %mul3A_705, %mul3A_707 : i32
      %add3A_709 = arith.addi %add3A_708, %mul3A_703 : i32
      %dma_start3A_710 = arith.constant 0 : i32
      %dma_start3A_711 = arith.constant 0 : i32
      %dma_start3A_712 = tpu.memref_slice %arg2[%add3A_709, %dma_start3A_710, %dma_start3A_711] : memref<5120x2x64xi32, #tpu.memory_space<hbm>> -> memref<8x2x64xi32, #tpu.memory_space<hbm>>
      %dma_start3A_713 = arith.constant 0 : i32
      %dma_start3A_714 = arith.constant 0 : i32
      %dma_start3A_715 = tpu.memref_slice %arg2[%add3A_709, %dma_start3A_713, %dma_start3A_714] : memref<5120x2x64xi32, #tpu.memory_space<hbm>> -> memref<8x2x64xi32, #tpu.memory_space<hbm>>
      tpu.enqueue_dma source(%dma_start3A_715 : memref<8x2x64xi32, #tpu.memory_space<hbm>>) target(%arg10 : memref<8x2x64xi32, #tpu.memory_space<vmem>>) target_semaphore(%arg18 : memref<!tpu.dma_semaphore, #tpu.memory_space<semaphore_mem>>)
      %dma_wait3A_716 = arith.constant 0 : i32
      %dma_wait3A_717 = arith.constant 0 : i32
      %dma_wait3A_718 = arith.constant 0 : i32
      %dma_wait3A_719 = tpu.memref_slice %arg7[%dma_wait3A_716, %dma_wait3A_717, %dma_wait3A_718] : memref<8x2x64xi32, #tpu.memory_space<vmem>> -> memref<1x1x64xi32, #tpu.memory_space<vmem>>
      %dma_wait3A_720 = tpu.memref_squeeze %dma_wait3A_719 : memref<1x1x64xi32, #tpu.memory_space<vmem>> -> memref<64xi32, #tpu.memory_space<vmem>>
      %dma_wait3A_721 = arith.constant 0 : i32
      %dma_wait3A_722 = arith.constant 0 : i32
      %dma_wait3A_723 = tpu.memref_slice %arg3[%dma_wait3A_721, %dma_wait3A_722] : memref<20000x128xf32, #tpu.memory_space<hbm>> -> memref<20000x128xf32, #tpu.memory_space<hbm>>
      tpu.wait_indirect_dma semaphore(%arg19 : memref<!tpu.dma_semaphore, #tpu.memory_space<semaphore_mem>>) src(%dma_wait3A_723 : memref<20000x128xf32, #tpu.memory_space<hbm>>) dst(%arg11 : memref<64x128xf32, #tpu.memory_space<vmem>>)
      %dma_start3A_724 = arith.constant 0 : i32
      %dma_start3A_725 = arith.constant 1 : i32
      %dma_start3A_726 = arith.constant 0 : i32
      %dma_start3A_727 = tpu.memref_slice %arg9[%dma_start3A_724, %dma_start3A_725, %dma_start3A_726] : memref<8x2x64xi32, #tpu.memory_space<vmem>> -> memref<1x1x64xi32, #tpu.memory_space<vmem>>
      %dma_start3A_728 = tpu.memref_squeeze %dma_start3A_727 : memref<1x1x64xi32, #tpu.memory_space<vmem>> -> memref<64xi32, #tpu.memory_space<vmem>>
      %dma_start3A_729 = arith.constant 0 : i32
      %dma_start3A_730 = arith.constant 0 : i32
      %dma_start3A_731 = tpu.memref_slice %arg6[%dma_start3A_729, %dma_start3A_730] : memref<10008x128xf32, #tpu.memory_space<vmem_shared>> -> memref<10008x128xf32, #tpu.memory_space<vmem_shared>>
      tpu.enqueue_indirect_dma source(%arg11 : memref<64x128xf32, #tpu.memory_space<vmem>>) target(%dma_start3A_731 : memref<10008x128xf32, #tpu.memory_space<vmem_shared>>) offsets(%dma_start3A_728 : memref<64xi32, #tpu.memory_space<vmem>>) semaphore(%arg23 : memref<!tpu.dma_semaphore, #tpu.memory_space<semaphore_mem>>) {add = true}
      %dma_wait3A_732 = arith.constant 0 : i32
      %dma_wait3A_733 = arith.constant 1 : i32
      %dma_wait3A_734 = arith.constant 0 : i32
      %dma_wait3A_735 = tpu.memref_slice %arg7[%dma_wait3A_732, %dma_wait3A_733, %dma_wait3A_734] : memref<8x2x64xi32, #tpu.memory_space<vmem>> -> memref<1x1x64xi32, #tpu.memory_space<vmem>>
      %dma_wait3A_736 = tpu.memref_squeeze %dma_wait3A_735 : memref<1x1x64xi32, #tpu.memory_space<vmem>> -> memref<64xi32, #tpu.memory_space<vmem>>
      %dma_wait3A_737 = arith.constant 0 : i32
      %dma_wait3A_738 = arith.constant 0 : i32
      %dma_wait3A_739 = tpu.memref_slice %arg6[%dma_wait3A_737, %dma_wait3A_738] : memref<10008x128xf32, #tpu.memory_space<vmem_shared>> -> memref<10008x128xf32, #tpu.memory_space<vmem_shared>>
      tpu.wait_indirect_dma semaphore(%arg23 : memref<!tpu.dma_semaphore, #tpu.memory_space<semaphore_mem>>) src(%arg11 : memref<64x128xf32, #tpu.memory_space<vmem>>) dst(%dma_wait3A_739 : memref<10008x128xf32, #tpu.memory_space<vmem_shared>>)
      %dma_start3A_740 = arith.constant 4 : i32
      %dma_start3A_741 = arith.constant 0 : i32
      %dma_start3A_742 = arith.constant 0 : i32
      %dma_start3A_743 = tpu.memref_slice %arg9[%dma_start3A_740, %dma_start3A_741, %dma_start3A_742] : memref<8x2x64xi32, #tpu.memory_space<vmem>> -> memref<1x1x64xi32, #tpu.memory_space<vmem>>
      %dma_start3A_744 = tpu.memref_squeeze %dma_start3A_743 : memref<1x1x64xi32, #tpu.memory_space<vmem>> -> memref<64xi32, #tpu.memory_space<vmem>>
      %dma_start3A_745 = arith.constant 0 : i32
      %dma_start3A_746 = arith.constant 0 : i32
      %dma_start3A_747 = tpu.memref_slice %arg3[%dma_start3A_745, %dma_start3A_746] : memref<20000x128xf32, #tpu.memory_space<hbm>> -> memref<20000x128xf32, #tpu.memory_space<hbm>>
      tpu.enqueue_indirect_dma source(%dma_start3A_747 : memref<20000x128xf32, #tpu.memory_space<hbm>>) target(%arg11 : memref<64x128xf32, #tpu.memory_space<vmem>>) offsets(%dma_start3A_744 : memref<64xi32, #tpu.memory_space<vmem>>) semaphore(%arg19 : memref<!tpu.dma_semaphore, #tpu.memory_space<semaphore_mem>>)
      %dma_wait3A_748 = arith.constant 0 : i32
      %dma_wait3A_749 = arith.constant 0 : i32
      %dma_wait3A_750 = arith.constant 0 : i32
      %dma_wait3A_751 = tpu.memref_slice %arg7[%dma_wait3A_748, %dma_wait3A_749, %dma_wait3A_750] : memref<8x2x64xi32, #tpu.memory_space<vmem>> -> memref<1x1x64xi32, #tpu.memory_space<vmem>>
      %dma_wait3A_752 = tpu.memref_squeeze %dma_wait3A_751 : memref<1x1x64xi32, #tpu.memory_space<vmem>> -> memref<64xi32, #tpu.memory_space<vmem>>
      %dma_wait3A_753 = arith.constant 0 : i32
      %dma_wait3A_754 = arith.constant 0 : i32
      %dma_wait3A_755 = tpu.memref_slice %arg3[%dma_wait3A_753, %dma_wait3A_754] : memref<20000x128xf32, #tpu.memory_space<hbm>> -> memref<20000x128xf32, #tpu.memory_space<hbm>>
      tpu.wait_indirect_dma semaphore(%arg20 : memref<!tpu.dma_semaphore, #tpu.memory_space<semaphore_mem>>) src(%dma_wait3A_755 : memref<20000x128xf32, #tpu.memory_space<hbm>>) dst(%arg12 : memref<64x128xf32, #tpu.memory_space<vmem>>)
      %dma_start3A_756 = arith.constant 1 : i32
      %dma_start3A_757 = arith.constant 1 : i32
      %dma_start3A_758 = arith.constant 0 : i32
      %dma_start3A_759 = tpu.memref_slice %arg9[%dma_start3A_756, %dma_start3A_757, %dma_start3A_758] : memref<8x2x64xi32, #tpu.memory_space<vmem>> -> memref<1x1x64xi32, #tpu.memory_space<vmem>>
      %dma_start3A_760 = tpu.memref_squeeze %dma_start3A_759 : memref<1x1x64xi32, #tpu.memory_space<vmem>> -> memref<64xi32, #tpu.memory_space<vmem>>
      %dma_start3A_761 = arith.constant 0 : i32
      %dma_start3A_762 = arith.constant 0 : i32
      %dma_start3A_763 = tpu.memref_slice %arg6[%dma_start3A_761, %dma_start3A_762] : memref<10008x128xf32, #tpu.memory_space<vmem_shared>> -> memref<10008x128xf32, #tpu.memory_space<vmem_shared>>
      tpu.enqueue_indirect_dma source(%arg12 : memref<64x128xf32, #tpu.memory_space<vmem>>) target(%dma_start3A_763 : memref<10008x128xf32, #tpu.memory_space<vmem_shared>>) offsets(%dma_start3A_760 : memref<64xi32, #tpu.memory_space<vmem>>) semaphore(%arg24 : memref<!tpu.dma_semaphore, #tpu.memory_space<semaphore_mem>>) {add = true}
      %dma_wait3A_764 = arith.constant 0 : i32
      %dma_wait3A_765 = arith.constant 1 : i32
      %dma_wait3A_766 = arith.constant 0 : i32
      %dma_wait3A_767 = tpu.memref_slice %arg7[%dma_wait3A_764, %dma_wait3A_765, %dma_wait3A_766] : memref<8x2x64xi32, #tpu.memory_space<vmem>> -> memref<1x1x64xi32, #tpu.memory_space<vmem>>
      %dma_wait3A_768 = tpu.memref_squeeze %dma_wait3A_767 : memref<1x1x64xi32, #tpu.memory_space<vmem>> -> memref<64xi32, #tpu.memory_space<vmem>>
      %dma_wait3A_769 = arith.constant 0 : i32
      %dma_wait3A_770 = arith.constant 0 : i32
      %dma_wait3A_771 = tpu.memref_slice %arg6[%dma_wait3A_769, %dma_wait3A_770] : memref<10008x128xf32, #tpu.memory_space<vmem_shared>> -> memref<10008x128xf32, #tpu.memory_space<vmem_shared>>
      tpu.wait_indirect_dma semaphore(%arg24 : memref<!tpu.dma_semaphore, #tpu.memory_space<semaphore_mem>>) src(%arg11 : memref<64x128xf32, #tpu.memory_space<vmem>>) dst(%dma_wait3A_771 : memref<10008x128xf32, #tpu.memory_space<vmem_shared>>)
      %dma_start3A_772 = arith.constant 5 : i32
      %dma_start3A_773 = arith.constant 0 : i32
      %dma_start3A_774 = arith.constant 0 : i32
      %dma_start3A_775 = tpu.memref_slice %arg9[%dma_start3A_772, %dma_start3A_773, %dma_start3A_774] : memref<8x2x64xi32, #tpu.memory_space<vmem>> -> memref<1x1x64xi32, #tpu.memory_space<vmem>>
      %dma_start3A_776 = tpu.memref_squeeze %dma_start3A_775 : memref<1x1x64xi32, #tpu.memory_space<vmem>> -> memref<64xi32, #tpu.memory_space<vmem>>
      %dma_start3A_777 = arith.constant 0 : i32
      %dma_start3A_778 = arith.constant 0 : i32
      %dma_start3A_779 = tpu.memref_slice %arg3[%dma_start3A_777, %dma_start3A_778] : memref<20000x128xf32, #tpu.memory_space<hbm>> -> memref<20000x128xf32, #tpu.memory_space<hbm>>
      tpu.enqueue_indirect_dma source(%dma_start3A_779 : memref<20000x128xf32, #tpu.memory_space<hbm>>) target(%arg12 : memref<64x128xf32, #tpu.memory_space<vmem>>) offsets(%dma_start3A_776 : memref<64xi32, #tpu.memory_space<vmem>>) semaphore(%arg20 : memref<!tpu.dma_semaphore, #tpu.memory_space<semaphore_mem>>)
      %dma_wait3A_780 = arith.constant 0 : i32
      %dma_wait3A_781 = arith.constant 0 : i32
      %dma_wait3A_782 = arith.constant 0 : i32
      %dma_wait3A_783 = tpu.memref_slice %arg7[%dma_wait3A_780, %dma_wait3A_781, %dma_wait3A_782] : memref<8x2x64xi32, #tpu.memory_space<vmem>> -> memref<1x1x64xi32, #tpu.memory_space<vmem>>
      %dma_wait3A_784 = tpu.memref_squeeze %dma_wait3A_783 : memref<1x1x64xi32, #tpu.memory_space<vmem>> -> memref<64xi32, #tpu.memory_space<vmem>>
      %dma_wait3A_785 = arith.constant 0 : i32
      %dma_wait3A_786 = arith.constant 0 : i32
      %dma_wait3A_787 = tpu.memref_slice %arg3[%dma_wait3A_785, %dma_wait3A_786] : memref<20000x128xf32, #tpu.memory_space<hbm>> -> memref<20000x128xf32, #tpu.memory_space<hbm>>
      tpu.wait_indirect_dma semaphore(%arg21 : memref<!tpu.dma_semaphore, #tpu.memory_space<semaphore_mem>>) src(%dma_wait3A_787 : memref<20000x128xf32, #tpu.memory_space<hbm>>) dst(%arg13 : memref<64x128xf32, #tpu.memory_space<vmem>>)
      %dma_start3A_788 = arith.constant 2 : i32
      %dma_start3A_789 = arith.constant 1 : i32
      %dma_start3A_790 = arith.constant 0 : i32
      %dma_start3A_791 = tpu.memref_slice %arg9[%dma_start3A_788, %dma_start3A_789, %dma_start3A_790] : memref<8x2x64xi32, #tpu.memory_space<vmem>> -> memref<1x1x64xi32, #tpu.memory_space<vmem>>
      %dma_start3A_792 = tpu.memref_squeeze %dma_start3A_791 : memref<1x1x64xi32, #tpu.memory_space<vmem>> -> memref<64xi32, #tpu.memory_space<vmem>>
      %dma_start3A_793 = arith.constant 0 : i32
      %dma_start3A_794 = arith.constant 0 : i32
      %dma_start3A_795 = tpu.memref_slice %arg6[%dma_start3A_793, %dma_start3A_794] : memref<10008x128xf32, #tpu.memory_space<vmem_shared>> -> memref<10008x128xf32, #tpu.memory_space<vmem_shared>>
      tpu.enqueue_indirect_dma source(%arg13 : memref<64x128xf32, #tpu.memory_space<vmem>>) target(%dma_start3A_795 : memref<10008x128xf32, #tpu.memory_space<vmem_shared>>) offsets(%dma_start3A_792 : memref<64xi32, #tpu.memory_space<vmem>>) semaphore(%arg25 : memref<!tpu.dma_semaphore, #tpu.memory_space<semaphore_mem>>) {add = true}
      %dma_wait3A_796 = arith.constant 0 : i32
      %dma_wait3A_797 = arith.constant 1 : i32
      %dma_wait3A_798 = arith.constant 0 : i32
      %dma_wait3A_799 = tpu.memref_slice %arg7[%dma_wait3A_796, %dma_wait3A_797, %dma_wait3A_798] : memref<8x2x64xi32, #tpu.memory_space<vmem>> -> memref<1x1x64xi32, #tpu.memory_space<vmem>>
      %dma_wait3A_800 = tpu.memref_squeeze %dma_wait3A_799 : memref<1x1x64xi32, #tpu.memory_space<vmem>> -> memref<64xi32, #tpu.memory_space<vmem>>
      %dma_wait3A_801 = arith.constant 0 : i32
      %dma_wait3A_802 = arith.constant 0 : i32
      %dma_wait3A_803 = tpu.memref_slice %arg6[%dma_wait3A_801, %dma_wait3A_802] : memref<10008x128xf32, #tpu.memory_space<vmem_shared>> -> memref<10008x128xf32, #tpu.memory_space<vmem_shared>>
      tpu.wait_indirect_dma semaphore(%arg25 : memref<!tpu.dma_semaphore, #tpu.memory_space<semaphore_mem>>) src(%arg11 : memref<64x128xf32, #tpu.memory_space<vmem>>) dst(%dma_wait3A_803 : memref<10008x128xf32, #tpu.memory_space<vmem_shared>>)
      %dma_start3A_804 = arith.constant 6 : i32
      %dma_start3A_805 = arith.constant 0 : i32
      %dma_start3A_806 = arith.constant 0 : i32
      %dma_start3A_807 = tpu.memref_slice %arg9[%dma_start3A_804, %dma_start3A_805, %dma_start3A_806] : memref<8x2x64xi32, #tpu.memory_space<vmem>> -> memref<1x1x64xi32, #tpu.memory_space<vmem>>
      %dma_start3A_808 = tpu.memref_squeeze %dma_start3A_807 : memref<1x1x64xi32, #tpu.memory_space<vmem>> -> memref<64xi32, #tpu.memory_space<vmem>>
      %dma_start3A_809 = arith.constant 0 : i32
      %dma_start3A_810 = arith.constant 0 : i32
      %dma_start3A_811 = tpu.memref_slice %arg3[%dma_start3A_809, %dma_start3A_810] : memref<20000x128xf32, #tpu.memory_space<hbm>> -> memref<20000x128xf32, #tpu.memory_space<hbm>>
      tpu.enqueue_indirect_dma source(%dma_start3A_811 : memref<20000x128xf32, #tpu.memory_space<hbm>>) target(%arg13 : memref<64x128xf32, #tpu.memory_space<vmem>>) offsets(%dma_start3A_808 : memref<64xi32, #tpu.memory_space<vmem>>) semaphore(%arg21 : memref<!tpu.dma_semaphore, #tpu.memory_space<semaphore_mem>>)
      %dma_wait3A_812 = arith.constant 0 : i32
      %dma_wait3A_813 = arith.constant 0 : i32
      %dma_wait3A_814 = arith.constant 0 : i32
      %dma_wait3A_815 = tpu.memref_slice %arg7[%dma_wait3A_812, %dma_wait3A_813, %dma_wait3A_814] : memref<8x2x64xi32, #tpu.memory_space<vmem>> -> memref<1x1x64xi32, #tpu.memory_space<vmem>>
      %dma_wait3A_816 = tpu.memref_squeeze %dma_wait3A_815 : memref<1x1x64xi32, #tpu.memory_space<vmem>> -> memref<64xi32, #tpu.memory_space<vmem>>
      %dma_wait3A_817 = arith.constant 0 : i32
      %dma_wait3A_818 = arith.constant 0 : i32
      %dma_wait3A_819 = tpu.memref_slice %arg3[%dma_wait3A_817, %dma_wait3A_818] : memref<20000x128xf32, #tpu.memory_space<hbm>> -> memref<20000x128xf32, #tpu.memory_space<hbm>>
      tpu.wait_indirect_dma semaphore(%arg22 : memref<!tpu.dma_semaphore, #tpu.memory_space<semaphore_mem>>) src(%dma_wait3A_819 : memref<20000x128xf32, #tpu.memory_space<hbm>>) dst(%arg14 : memref<64x128xf32, #tpu.memory_space<vmem>>)
      %dma_start3A_820 = arith.constant 3 : i32
      %dma_start3A_821 = arith.constant 1 : i32
      %dma_start3A_822 = arith.constant 0 : i32
      %dma_start3A_823 = tpu.memref_slice %arg9[%dma_start3A_820, %dma_start3A_821, %dma_start3A_822] : memref<8x2x64xi32, #tpu.memory_space<vmem>> -> memref<1x1x64xi32, #tpu.memory_space<vmem>>
      %dma_start3A_824 = tpu.memref_squeeze %dma_start3A_823 : memref<1x1x64xi32, #tpu.memory_space<vmem>> -> memref<64xi32, #tpu.memory_space<vmem>>
      %dma_start3A_825 = arith.constant 0 : i32
      %dma_start3A_826 = arith.constant 0 : i32
      %dma_start3A_827 = tpu.memref_slice %arg6[%dma_start3A_825, %dma_start3A_826] : memref<10008x128xf32, #tpu.memory_space<vmem_shared>> -> memref<10008x128xf32, #tpu.memory_space<vmem_shared>>
      tpu.enqueue_indirect_dma source(%arg14 : memref<64x128xf32, #tpu.memory_space<vmem>>) target(%dma_start3A_827 : memref<10008x128xf32, #tpu.memory_space<vmem_shared>>) offsets(%dma_start3A_824 : memref<64xi32, #tpu.memory_space<vmem>>) semaphore(%arg26 : memref<!tpu.dma_semaphore, #tpu.memory_space<semaphore_mem>>) {add = true}
      %dma_wait3A_828 = arith.constant 0 : i32
      %dma_wait3A_829 = arith.constant 1 : i32
      %dma_wait3A_830 = arith.constant 0 : i32
      %dma_wait3A_831 = tpu.memref_slice %arg7[%dma_wait3A_828, %dma_wait3A_829, %dma_wait3A_830] : memref<8x2x64xi32, #tpu.memory_space<vmem>> -> memref<1x1x64xi32, #tpu.memory_space<vmem>>
      %dma_wait3A_832 = tpu.memref_squeeze %dma_wait3A_831 : memref<1x1x64xi32, #tpu.memory_space<vmem>> -> memref<64xi32, #tpu.memory_space<vmem>>
      %dma_wait3A_833 = arith.constant 0 : i32
      %dma_wait3A_834 = arith.constant 0 : i32
      %dma_wait3A_835 = tpu.memref_slice %arg6[%dma_wait3A_833, %dma_wait3A_834] : memref<10008x128xf32, #tpu.memory_space<vmem_shared>> -> memref<10008x128xf32, #tpu.memory_space<vmem_shared>>
      tpu.wait_indirect_dma semaphore(%arg26 : memref<!tpu.dma_semaphore, #tpu.memory_space<semaphore_mem>>) src(%arg11 : memref<64x128xf32, #tpu.memory_space<vmem>>) dst(%dma_wait3A_835 : memref<10008x128xf32, #tpu.memory_space<vmem_shared>>)
      %dma_start3A_836 = arith.constant 7 : i32
      %dma_start3A_837 = arith.constant 0 : i32
      %dma_start3A_838 = arith.constant 0 : i32
      %dma_start3A_839 = tpu.memref_slice %arg9[%dma_start3A_836, %dma_start3A_837, %dma_start3A_838] : memref<8x2x64xi32, #tpu.memory_space<vmem>> -> memref<1x1x64xi32, #tpu.memory_space<vmem>>
      %dma_start3A_840 = tpu.memref_squeeze %dma_start3A_839 : memref<1x1x64xi32, #tpu.memory_space<vmem>> -> memref<64xi32, #tpu.memory_space<vmem>>
      %dma_start3A_841 = arith.constant 0 : i32
      %dma_start3A_842 = arith.constant 0 : i32
      %dma_start3A_843 = tpu.memref_slice %arg3[%dma_start3A_841, %dma_start3A_842] : memref<20000x128xf32, #tpu.memory_space<hbm>> -> memref<20000x128xf32, #tpu.memory_space<hbm>>
      tpu.enqueue_indirect_dma source(%dma_start3A_843 : memref<20000x128xf32, #tpu.memory_space<hbm>>) target(%arg14 : memref<64x128xf32, #tpu.memory_space<vmem>>) offsets(%dma_start3A_840 : memref<64xi32, #tpu.memory_space<vmem>>) semaphore(%arg22 : memref<!tpu.dma_semaphore, #tpu.memory_space<semaphore_mem>>)
      %dma_wait3A_844 = arith.constant 0 : i32
      %dma_wait3A_845 = arith.constant 0 : i32
      %dma_wait3A_846 = arith.constant 0 : i32
      %dma_wait3A_847 = tpu.memref_slice %arg7[%dma_wait3A_844, %dma_wait3A_845, %dma_wait3A_846] : memref<8x2x64xi32, #tpu.memory_space<vmem>> -> memref<1x1x64xi32, #tpu.memory_space<vmem>>
      %dma_wait3A_848 = tpu.memref_squeeze %dma_wait3A_847 : memref<1x1x64xi32, #tpu.memory_space<vmem>> -> memref<64xi32, #tpu.memory_space<vmem>>
      %dma_wait3A_849 = arith.constant 0 : i32
      %dma_wait3A_850 = arith.constant 0 : i32
      %dma_wait3A_851 = tpu.memref_slice %arg3[%dma_wait3A_849, %dma_wait3A_850] : memref<20000x128xf32, #tpu.memory_space<hbm>> -> memref<20000x128xf32, #tpu.memory_space<hbm>>
      tpu.wait_indirect_dma semaphore(%arg19 : memref<!tpu.dma_semaphore, #tpu.memory_space<semaphore_mem>>) src(%dma_wait3A_851 : memref<20000x128xf32, #tpu.memory_space<hbm>>) dst(%arg11 : memref<64x128xf32, #tpu.memory_space<vmem>>)
      %dma_start3A_852 = arith.constant 4 : i32
      %dma_start3A_853 = arith.constant 1 : i32
      %dma_start3A_854 = arith.constant 0 : i32
      %dma_start3A_855 = tpu.memref_slice %arg9[%dma_start3A_852, %dma_start3A_853, %dma_start3A_854] : memref<8x2x64xi32, #tpu.memory_space<vmem>> -> memref<1x1x64xi32, #tpu.memory_space<vmem>>
      %dma_start3A_856 = tpu.memref_squeeze %dma_start3A_855 : memref<1x1x64xi32, #tpu.memory_space<vmem>> -> memref<64xi32, #tpu.memory_space<vmem>>
      %dma_start3A_857 = arith.constant 0 : i32
      %dma_start3A_858 = arith.constant 0 : i32
      %dma_start3A_859 = tpu.memref_slice %arg6[%dma_start3A_857, %dma_start3A_858] : memref<10008x128xf32, #tpu.memory_space<vmem_shared>> -> memref<10008x128xf32, #tpu.memory_space<vmem_shared>>
      tpu.enqueue_indirect_dma source(%arg11 : memref<64x128xf32, #tpu.memory_space<vmem>>) target(%dma_start3A_859 : memref<10008x128xf32, #tpu.memory_space<vmem_shared>>) offsets(%dma_start3A_856 : memref<64xi32, #tpu.memory_space<vmem>>) semaphore(%arg23 : memref<!tpu.dma_semaphore, #tpu.memory_space<semaphore_mem>>) {add = true}
      %mul3A_860 = arith.constant 2560 : i32
      %mul3A_861 = arith.muli %arg0, %mul3A_860 : i32
      %mul3A_862 = arith.constant 160 : i32
      %mul3A_863 = arith.muli %arg1, %mul3A_862 : i32
      %add3A_864 = arith.addi %mul3A_861, %mul3A_863 : i32
      %add3A_865 = arith.constant 0 : i32
      %add3A_866 = arith.addi %add3A_864, %add3A_865 : i32
      %dma_wait3A_867 = arith.constant 0 : i32
      %dma_wait3A_868 = arith.constant 0 : i32
      %dma_wait3A_869 = tpu.memref_slice %arg2[%add3A_866, %dma_wait3A_867, %dma_wait3A_868] : memref<5120x2x64xi32, #tpu.memory_space<hbm>> -> memref<8x2x64xi32, #tpu.memory_space<hbm>>
      %dma_wait3A_870 = arith.constant 0 : i32
      %dma_wait3A_871 = arith.constant 0 : i32
      %dma_wait3A_872 = tpu.memref_slice %arg2[%add3A_866, %dma_wait3A_870, %dma_wait3A_871] : memref<5120x2x64xi32, #tpu.memory_space<hbm>> -> memref<8x2x64xi32, #tpu.memory_space<hbm>>
      tpu.wait_dma2 semaphore(%arg18 : memref<!tpu.dma_semaphore, #tpu.memory_space<semaphore_mem>>) src(%dma_wait3A_872 : memref<8x2x64xi32, #tpu.memory_space<hbm>>) dst(%arg10 : memref<8x2x64xi32, #tpu.memory_space<vmem>>)
      %dma_wait3A_873 = arith.constant 0 : i32
      %dma_wait3A_874 = arith.constant 1 : i32
      %dma_wait3A_875 = arith.constant 0 : i32
      %dma_wait3A_876 = tpu.memref_slice %arg7[%dma_wait3A_873, %dma_wait3A_874, %dma_wait3A_875] : memref<8x2x64xi32, #tpu.memory_space<vmem>> -> memref<1x1x64xi32, #tpu.memory_space<vmem>>
      %dma_wait3A_877 = tpu.memref_squeeze %dma_wait3A_876 : memref<1x1x64xi32, #tpu.memory_space<vmem>> -> memref<64xi32, #tpu.memory_space<vmem>>
      %dma_wait3A_878 = arith.constant 0 : i32
      %dma_wait3A_879 = arith.constant 0 : i32
      %dma_wait3A_880 = tpu.memref_slice %arg6[%dma_wait3A_878, %dma_wait3A_879] : memref<10008x128xf32, #tpu.memory_space<vmem_shared>> -> memref<10008x128xf32, #tpu.memory_space<vmem_shared>>
      tpu.wait_indirect_dma semaphore(%arg23 : memref<!tpu.dma_semaphore, #tpu.memory_space<semaphore_mem>>) src(%arg11 : memref<64x128xf32, #tpu.memory_space<vmem>>) dst(%dma_wait3A_880 : memref<10008x128xf32, #tpu.memory_space<vmem_shared>>)
      %dma_start3A_881 = arith.constant 0 : i32
      %dma_start3A_882 = arith.constant 0 : i32
      %dma_start3A_883 = arith.constant 0 : i32
      %dma_start3A_884 = tpu.memref_slice %arg10[%dma_start3A_881, %dma_start3A_882, %dma_start3A_883] : memref<8x2x64xi32, #tpu.memory_space<vmem>> -> memref<1x1x64xi32, #tpu.memory_space<vmem>>
      %dma_start3A_885 = tpu.memref_squeeze %dma_start3A_884 : memref<1x1x64xi32, #tpu.memory_space<vmem>> -> memref<64xi32, #tpu.memory_space<vmem>>
      %dma_start3A_886 = arith.constant 0 : i32
      %dma_start3A_887 = arith.constant 0 : i32
      %dma_start3A_888 = tpu.memref_slice %arg3[%dma_start3A_886, %dma_start3A_887] : memref<20000x128xf32, #tpu.memory_space<hbm>> -> memref<20000x128xf32, #tpu.memory_space<hbm>>
      tpu.enqueue_indirect_dma source(%dma_start3A_888 : memref<20000x128xf32, #tpu.memory_space<hbm>>) target(%arg11 : memref<64x128xf32, #tpu.memory_space<vmem>>) offsets(%dma_start3A_885 : memref<64xi32, #tpu.memory_space<vmem>>) semaphore(%arg19 : memref<!tpu.dma_semaphore, #tpu.memory_space<semaphore_mem>>)
      %dma_wait3A_889 = arith.constant 0 : i32
      %dma_wait3A_890 = arith.constant 0 : i32
      %dma_wait3A_891 = arith.constant 0 : i32
      %dma_wait3A_892 = tpu.memref_slice %arg7[%dma_wait3A_889, %dma_wait3A_890, %dma_wait3A_891] : memref<8x2x64xi32, #tpu.memory_space<vmem>> -> memref<1x1x64xi32, #tpu.memory_space<vmem>>
      %dma_wait3A_893 = tpu.memref_squeeze %dma_wait3A_892 : memref<1x1x64xi32, #tpu.memory_space<vmem>> -> memref<64xi32, #tpu.memory_space<vmem>>
      %dma_wait3A_894 = arith.constant 0 : i32
      %dma_wait3A_895 = arith.constant 0 : i32
      %dma_wait3A_896 = tpu.memref_slice %arg3[%dma_wait3A_894, %dma_wait3A_895] : memref<20000x128xf32, #tpu.memory_space<hbm>> -> memref<20000x128xf32, #tpu.memory_space<hbm>>
      tpu.wait_indirect_dma semaphore(%arg20 : memref<!tpu.dma_semaphore, #tpu.memory_space<semaphore_mem>>) src(%dma_wait3A_896 : memref<20000x128xf32, #tpu.memory_space<hbm>>) dst(%arg12 : memref<64x128xf32, #tpu.memory_space<vmem>>)
      %dma_start3A_897 = arith.constant 5 : i32
      %dma_start3A_898 = arith.constant 1 : i32
      %dma_start3A_899 = arith.constant 0 : i32
      %dma_start3A_900 = tpu.memref_slice %arg9[%dma_start3A_897, %dma_start3A_898, %dma_start3A_899] : memref<8x2x64xi32, #tpu.memory_space<vmem>> -> memref<1x1x64xi32, #tpu.memory_space<vmem>>
      %dma_start3A_901 = tpu.memref_squeeze %dma_start3A_900 : memref<1x1x64xi32, #tpu.memory_space<vmem>> -> memref<64xi32, #tpu.memory_space<vmem>>
      %dma_start3A_902 = arith.constant 0 : i32
      %dma_start3A_903 = arith.constant 0 : i32
      %dma_start3A_904 = tpu.memref_slice %arg6[%dma_start3A_902, %dma_start3A_903] : memref<10008x128xf32, #tpu.memory_space<vmem_shared>> -> memref<10008x128xf32, #tpu.memory_space<vmem_shared>>
      tpu.enqueue_indirect_dma source(%arg12 : memref<64x128xf32, #tpu.memory_space<vmem>>) target(%dma_start3A_904 : memref<10008x128xf32, #tpu.memory_space<vmem_shared>>) offsets(%dma_start3A_901 : memref<64xi32, #tpu.memory_space<vmem>>) semaphore(%arg24 : memref<!tpu.dma_semaphore, #tpu.memory_space<semaphore_mem>>) {add = true}
      %dma_wait3A_905 = arith.constant 0 : i32
      %dma_wait3A_906 = arith.constant 1 : i32
      %dma_wait3A_907 = arith.constant 0 : i32
      %dma_wait3A_908 = tpu.memref_slice %arg7[%dma_wait3A_905, %dma_wait3A_906, %dma_wait3A_907] : memref<8x2x64xi32, #tpu.memory_space<vmem>> -> memref<1x1x64xi32, #tpu.memory_space<vmem>>
      %dma_wait3A_909 = tpu.memref_squeeze %dma_wait3A_908 : memref<1x1x64xi32, #tpu.memory_space<vmem>> -> memref<64xi32, #tpu.memory_space<vmem>>
      %dma_wait3A_910 = arith.constant 0 : i32
      %dma_wait3A_911 = arith.constant 0 : i32
      %dma_wait3A_912 = tpu.memref_slice %arg6[%dma_wait3A_910, %dma_wait3A_911] : memref<10008x128xf32, #tpu.memory_space<vmem_shared>> -> memref<10008x128xf32, #tpu.memory_space<vmem_shared>>
      tpu.wait_indirect_dma semaphore(%arg24 : memref<!tpu.dma_semaphore, #tpu.memory_space<semaphore_mem>>) src(%arg11 : memref<64x128xf32, #tpu.memory_space<vmem>>) dst(%dma_wait3A_912 : memref<10008x128xf32, #tpu.memory_space<vmem_shared>>)
      %dma_start3A_913 = arith.constant 1 : i32
      %dma_start3A_914 = arith.constant 0 : i32
      %dma_start3A_915 = arith.constant 0 : i32
      %dma_start3A_916 = tpu.memref_slice %arg10[%dma_start3A_913, %dma_start3A_914, %dma_start3A_915] : memref<8x2x64xi32, #tpu.memory_space<vmem>> -> memref<1x1x64xi32, #tpu.memory_space<vmem>>
      %dma_start3A_917 = tpu.memref_squeeze %dma_start3A_916 : memref<1x1x64xi32, #tpu.memory_space<vmem>> -> memref<64xi32, #tpu.memory_space<vmem>>
      %dma_start3A_918 = arith.constant 0 : i32
      %dma_start3A_919 = arith.constant 0 : i32
      %dma_start3A_920 = tpu.memref_slice %arg3[%dma_start3A_918, %dma_start3A_919] : memref<20000x128xf32, #tpu.memory_space<hbm>> -> memref<20000x128xf32, #tpu.memory_space<hbm>>
      tpu.enqueue_indirect_dma source(%dma_start3A_920 : memref<20000x128xf32, #tpu.memory_space<hbm>>) target(%arg12 : memref<64x128xf32, #tpu.memory_space<vmem>>) offsets(%dma_start3A_917 : memref<64xi32, #tpu.memory_space<vmem>>) semaphore(%arg20 : memref<!tpu.dma_semaphore, #tpu.memory_space<semaphore_mem>>)
      %dma_wait3A_921 = arith.constant 0 : i32
      %dma_wait3A_922 = arith.constant 0 : i32
      %dma_wait3A_923 = arith.constant 0 : i32
      %dma_wait3A_924 = tpu.memref_slice %arg7[%dma_wait3A_921, %dma_wait3A_922, %dma_wait3A_923] : memref<8x2x64xi32, #tpu.memory_space<vmem>> -> memref<1x1x64xi32, #tpu.memory_space<vmem>>
      %dma_wait3A_925 = tpu.memref_squeeze %dma_wait3A_924 : memref<1x1x64xi32, #tpu.memory_space<vmem>> -> memref<64xi32, #tpu.memory_space<vmem>>
      %dma_wait3A_926 = arith.constant 0 : i32
      %dma_wait3A_927 = arith.constant 0 : i32
      %dma_wait3A_928 = tpu.memref_slice %arg3[%dma_wait3A_926, %dma_wait3A_927] : memref<20000x128xf32, #tpu.memory_space<hbm>> -> memref<20000x128xf32, #tpu.memory_space<hbm>>
      tpu.wait_indirect_dma semaphore(%arg21 : memref<!tpu.dma_semaphore, #tpu.memory_space<semaphore_mem>>) src(%dma_wait3A_928 : memref<20000x128xf32, #tpu.memory_space<hbm>>) dst(%arg13 : memref<64x128xf32, #tpu.memory_space<vmem>>)
      %dma_start3A_929 = arith.constant 6 : i32
      %dma_start3A_930 = arith.constant 1 : i32
      %dma_start3A_931 = arith.constant 0 : i32
      %dma_start3A_932 = tpu.memref_slice %arg9[%dma_start3A_929, %dma_start3A_930, %dma_start3A_931] : memref<8x2x64xi32, #tpu.memory_space<vmem>> -> memref<1x1x64xi32, #tpu.memory_space<vmem>>
      %dma_start3A_933 = tpu.memref_squeeze %dma_start3A_932 : memref<1x1x64xi32, #tpu.memory_space<vmem>> -> memref<64xi32, #tpu.memory_space<vmem>>
      %dma_start3A_934 = arith.constant 0 : i32
      %dma_start3A_935 = arith.constant 0 : i32
      %dma_start3A_936 = tpu.memref_slice %arg6[%dma_start3A_934, %dma_start3A_935] : memref<10008x128xf32, #tpu.memory_space<vmem_shared>> -> memref<10008x128xf32, #tpu.memory_space<vmem_shared>>
      tpu.enqueue_indirect_dma source(%arg13 : memref<64x128xf32, #tpu.memory_space<vmem>>) target(%dma_start3A_936 : memref<10008x128xf32, #tpu.memory_space<vmem_shared>>) offsets(%dma_start3A_933 : memref<64xi32, #tpu.memory_space<vmem>>) semaphore(%arg25 : memref<!tpu.dma_semaphore, #tpu.memory_space<semaphore_mem>>) {add = true}
      %dma_wait3A_937 = arith.constant 0 : i32
      %dma_wait3A_938 = arith.constant 1 : i32
      %dma_wait3A_939 = arith.constant 0 : i32
      %dma_wait3A_940 = tpu.memref_slice %arg7[%dma_wait3A_937, %dma_wait3A_938, %dma_wait3A_939] : memref<8x2x64xi32, #tpu.memory_space<vmem>> -> memref<1x1x64xi32, #tpu.memory_space<vmem>>
      %dma_wait3A_941 = tpu.memref_squeeze %dma_wait3A_940 : memref<1x1x64xi32, #tpu.memory_space<vmem>> -> memref<64xi32, #tpu.memory_space<vmem>>
      %dma_wait3A_942 = arith.constant 0 : i32
      %dma_wait3A_943 = arith.constant 0 : i32
      %dma_wait3A_944 = tpu.memref_slice %arg6[%dma_wait3A_942, %dma_wait3A_943] : memref<10008x128xf32, #tpu.memory_space<vmem_shared>> -> memref<10008x128xf32, #tpu.memory_space<vmem_shared>>
      tpu.wait_indirect_dma semaphore(%arg25 : memref<!tpu.dma_semaphore, #tpu.memory_space<semaphore_mem>>) src(%arg11 : memref<64x128xf32, #tpu.memory_space<vmem>>) dst(%dma_wait3A_944 : memref<10008x128xf32, #tpu.memory_space<vmem_shared>>)
      %dma_start3A_945 = arith.constant 2 : i32
      %dma_start3A_946 = arith.constant 0 : i32
      %dma_start3A_947 = arith.constant 0 : i32
      %dma_start3A_948 = tpu.memref_slice %arg10[%dma_start3A_945, %dma_start3A_946, %dma_start3A_947] : memref<8x2x64xi32, #tpu.memory_space<vmem>> -> memref<1x1x64xi32, #tpu.memory_space<vmem>>
      %dma_start3A_949 = tpu.memref_squeeze %dma_start3A_948 : memref<1x1x64xi32, #tpu.memory_space<vmem>> -> memref<64xi32, #tpu.memory_space<vmem>>
      %dma_start3A_950 = arith.constant 0 : i32
      %dma_start3A_951 = arith.constant 0 : i32
      %dma_start3A_952 = tpu.memref_slice %arg3[%dma_start3A_950, %dma_start3A_951] : memref<20000x128xf32, #tpu.memory_space<hbm>> -> memref<20000x128xf32, #tpu.memory_space<hbm>>
      tpu.enqueue_indirect_dma source(%dma_start3A_952 : memref<20000x128xf32, #tpu.memory_space<hbm>>) target(%arg13 : memref<64x128xf32, #tpu.memory_space<vmem>>) offsets(%dma_start3A_949 : memref<64xi32, #tpu.memory_space<vmem>>) semaphore(%arg21 : memref<!tpu.dma_semaphore, #tpu.memory_space<semaphore_mem>>)
      %dma_wait3A_953 = arith.constant 0 : i32
      %dma_wait3A_954 = arith.constant 0 : i32
      %dma_wait3A_955 = arith.constant 0 : i32
      %dma_wait3A_956 = tpu.memref_slice %arg7[%dma_wait3A_953, %dma_wait3A_954, %dma_wait3A_955] : memref<8x2x64xi32, #tpu.memory_space<vmem>> -> memref<1x1x64xi32, #tpu.memory_space<vmem>>
      %dma_wait3A_957 = tpu.memref_squeeze %dma_wait3A_956 : memref<1x1x64xi32, #tpu.memory_space<vmem>> -> memref<64xi32, #tpu.memory_space<vmem>>
      %dma_wait3A_958 = arith.constant 0 : i32
      %dma_wait3A_959 = arith.constant 0 : i32
      %dma_wait3A_960 = tpu.memref_slice %arg3[%dma_wait3A_958, %dma_wait3A_959] : memref<20000x128xf32, #tpu.memory_space<hbm>> -> memref<20000x128xf32, #tpu.memory_space<hbm>>
      tpu.wait_indirect_dma semaphore(%arg22 : memref<!tpu.dma_semaphore, #tpu.memory_space<semaphore_mem>>) src(%dma_wait3A_960 : memref<20000x128xf32, #tpu.memory_space<hbm>>) dst(%arg14 : memref<64x128xf32, #tpu.memory_space<vmem>>)
      %dma_start3A_961 = arith.constant 7 : i32
      %dma_start3A_962 = arith.constant 1 : i32
      %dma_start3A_963 = arith.constant 0 : i32
      %dma_start3A_964 = tpu.memref_slice %arg9[%dma_start3A_961, %dma_start3A_962, %dma_start3A_963] : memref<8x2x64xi32, #tpu.memory_space<vmem>> -> memref<1x1x64xi32, #tpu.memory_space<vmem>>
      %dma_start3A_965 = tpu.memref_squeeze %dma_start3A_964 : memref<1x1x64xi32, #tpu.memory_space<vmem>> -> memref<64xi32, #tpu.memory_space<vmem>>
      %dma_start3A_966 = arith.constant 0 : i32
      %dma_start3A_967 = arith.constant 0 : i32
      %dma_start3A_968 = tpu.memref_slice %arg6[%dma_start3A_966, %dma_start3A_967] : memref<10008x128xf32, #tpu.memory_space<vmem_shared>> -> memref<10008x128xf32, #tpu.memory_space<vmem_shared>>
      tpu.enqueue_indirect_dma source(%arg14 : memref<64x128xf32, #tpu.memory_space<vmem>>) target(%dma_start3A_968 : memref<10008x128xf32, #tpu.memory_space<vmem_shared>>) offsets(%dma_start3A_965 : memref<64xi32, #tpu.memory_space<vmem>>) semaphore(%arg26 : memref<!tpu.dma_semaphore, #tpu.memory_space<semaphore_mem>>) {add = true}
      %dma_wait3A_969 = arith.constant 0 : i32
      %dma_wait3A_970 = arith.constant 1 : i32
      %dma_wait3A_971 = arith.constant 0 : i32
      %dma_wait3A_972 = tpu.memref_slice %arg7[%dma_wait3A_969, %dma_wait3A_970, %dma_wait3A_971] : memref<8x2x64xi32, #tpu.memory_space<vmem>> -> memref<1x1x64xi32, #tpu.memory_space<vmem>>
      %dma_wait3A_973 = tpu.memref_squeeze %dma_wait3A_972 : memref<1x1x64xi32, #tpu.memory_space<vmem>> -> memref<64xi32, #tpu.memory_space<vmem>>
      %dma_wait3A_974 = arith.constant 0 : i32
      %dma_wait3A_975 = arith.constant 0 : i32
      %dma_wait3A_976 = tpu.memref_slice %arg6[%dma_wait3A_974, %dma_wait3A_975] : memref<10008x128xf32, #tpu.memory_space<vmem_shared>> -> memref<10008x128xf32, #tpu.memory_space<vmem_shared>>
      tpu.wait_indirect_dma semaphore(%arg26 : memref<!tpu.dma_semaphore, #tpu.memory_space<semaphore_mem>>) src(%arg11 : memref<64x128xf32, #tpu.memory_space<vmem>>) dst(%dma_wait3A_976 : memref<10008x128xf32, #tpu.memory_space<vmem_shared>>)
      %dma_start3A_977 = arith.constant 3 : i32
      %dma_start3A_978 = arith.constant 0 : i32
      %dma_start3A_979 = arith.constant 0 : i32
      %dma_start3A_980 = tpu.memref_slice %arg10[%dma_start3A_977, %dma_start3A_978, %dma_start3A_979] : memref<8x2x64xi32, #tpu.memory_space<vmem>> -> memref<1x1x64xi32, #tpu.memory_space<vmem>>
      %dma_start3A_981 = tpu.memref_squeeze %dma_start3A_980 : memref<1x1x64xi32, #tpu.memory_space<vmem>> -> memref<64xi32, #tpu.memory_space<vmem>>
      %dma_start3A_982 = arith.constant 0 : i32
      %dma_start3A_983 = arith.constant 0 : i32
      %dma_start3A_984 = tpu.memref_slice %arg3[%dma_start3A_982, %dma_start3A_983] : memref<20000x128xf32, #tpu.memory_space<hbm>> -> memref<20000x128xf32, #tpu.memory_space<hbm>>
      tpu.enqueue_indirect_dma source(%dma_start3A_984 : memref<20000x128xf32, #tpu.memory_space<hbm>>) target(%arg14 : memref<64x128xf32, #tpu.memory_space<vmem>>) offsets(%dma_start3A_981 : memref<64xi32, #tpu.memory_space<vmem>>) semaphore(%arg22 : memref<!tpu.dma_semaphore, #tpu.memory_space<semaphore_mem>>)
      %mul3A_985 = arith.constant 4 : i32
      %mul3A_986 = arith.muli %scan3A_117, %mul3A_985 : i32
      %add3A_987 = arith.constant 3 : i32
      %add3A_988 = arith.addi %mul3A_986, %add3A_987 : i32
      %lt3A_989 = arith.constant 4 : i32
      %lt3A_990 = arith.cmpi slt, %scan3A_117, %lt3A_989 : i32
      %convert_element_type3A = arith.extui %lt3A_990 : i1 to i32
      %cond3A = arith.constant 0 : i32
      %cond3A_991 = arith.cmpi ne, %convert_element_type3A, %cond3A : i32
      scf.if %cond3A_991 {
        %add3A_1209 = arith.constant 1 : i32
        %add3A_1210 = arith.addi %add3A_988, %add3A_1209 : i32
        %mul3A_1211 = arith.constant 8 : i32
        %mul3A_1212 = arith.muli %add3A_1210, %mul3A_1211 : i32
        %mul3A_1213 = arith.constant 2560 : i32
        %mul3A_1214 = arith.muli %arg0, %mul3A_1213 : i32
        %mul3A_1215 = arith.constant 160 : i32
        %mul3A_1216 = arith.muli %arg1, %mul3A_1215 : i32
        %add3A_1217 = arith.addi %mul3A_1214, %mul3A_1216 : i32
        %add3A_1218 = arith.addi %add3A_1217, %mul3A_1212 : i32
        %dma_start3A_1219 = arith.constant 0 : i32
        %dma_start3A_1220 = arith.constant 0 : i32
        %dma_start3A_1221 = tpu.memref_slice %arg2[%add3A_1218, %dma_start3A_1219, %dma_start3A_1220] : memref<5120x2x64xi32, #tpu.memory_space<hbm>> -> memref<8x2x64xi32, #tpu.memory_space<hbm>>
        %dma_start3A_1222 = arith.constant 0 : i32
        %dma_start3A_1223 = arith.constant 0 : i32
        %dma_start3A_1224 = tpu.memref_slice %arg2[%add3A_1218, %dma_start3A_1222, %dma_start3A_1223] : memref<5120x2x64xi32, #tpu.memory_space<hbm>> -> memref<8x2x64xi32, #tpu.memory_space<hbm>>
        tpu.enqueue_dma source(%dma_start3A_1224 : memref<8x2x64xi32, #tpu.memory_space<hbm>>) target(%arg7 : memref<8x2x64xi32, #tpu.memory_space<vmem>>) target_semaphore(%arg15 : memref<!tpu.dma_semaphore, #tpu.memory_space<semaphore_mem>>)
      } else {
      }
      %dma_wait3A_992 = arith.constant 0 : i32
      %dma_wait3A_993 = arith.constant 0 : i32
      %dma_wait3A_994 = arith.constant 0 : i32
      %dma_wait3A_995 = tpu.memref_slice %arg7[%dma_wait3A_992, %dma_wait3A_993, %dma_wait3A_994] : memref<8x2x64xi32, #tpu.memory_space<vmem>> -> memref<1x1x64xi32, #tpu.memory_space<vmem>>
      %dma_wait3A_996 = tpu.memref_squeeze %dma_wait3A_995 : memref<1x1x64xi32, #tpu.memory_space<vmem>> -> memref<64xi32, #tpu.memory_space<vmem>>
      %dma_wait3A_997 = arith.constant 0 : i32
      %dma_wait3A_998 = arith.constant 0 : i32
      %dma_wait3A_999 = tpu.memref_slice %arg3[%dma_wait3A_997, %dma_wait3A_998] : memref<20000x128xf32, #tpu.memory_space<hbm>> -> memref<20000x128xf32, #tpu.memory_space<hbm>>
      tpu.wait_indirect_dma semaphore(%arg19 : memref<!tpu.dma_semaphore, #tpu.memory_space<semaphore_mem>>) src(%dma_wait3A_999 : memref<20000x128xf32, #tpu.memory_space<hbm>>) dst(%arg11 : memref<64x128xf32, #tpu.memory_space<vmem>>)
      %dma_start3A_1000 = arith.constant 0 : i32
      %dma_start3A_1001 = arith.constant 1 : i32
      %dma_start3A_1002 = arith.constant 0 : i32
      %dma_start3A_1003 = tpu.memref_slice %arg10[%dma_start3A_1000, %dma_start3A_1001, %dma_start3A_1002] : memref<8x2x64xi32, #tpu.memory_space<vmem>> -> memref<1x1x64xi32, #tpu.memory_space<vmem>>
      %dma_start3A_1004 = tpu.memref_squeeze %dma_start3A_1003 : memref<1x1x64xi32, #tpu.memory_space<vmem>> -> memref<64xi32, #tpu.memory_space<vmem>>
      %dma_start3A_1005 = arith.constant 0 : i32
      %dma_start3A_1006 = arith.constant 0 : i32
      %dma_start3A_1007 = tpu.memref_slice %arg6[%dma_start3A_1005, %dma_start3A_1006] : memref<10008x128xf32, #tpu.memory_space<vmem_shared>> -> memref<10008x128xf32, #tpu.memory_space<vmem_shared>>
      tpu.enqueue_indirect_dma source(%arg11 : memref<64x128xf32, #tpu.memory_space<vmem>>) target(%dma_start3A_1007 : memref<10008x128xf32, #tpu.memory_space<vmem_shared>>) offsets(%dma_start3A_1004 : memref<64xi32, #tpu.memory_space<vmem>>) semaphore(%arg23 : memref<!tpu.dma_semaphore, #tpu.memory_space<semaphore_mem>>) {add = true}
      %dma_wait3A_1008 = arith.constant 0 : i32
      %dma_wait3A_1009 = arith.constant 1 : i32
      %dma_wait3A_1010 = arith.constant 0 : i32
      %dma_wait3A_1011 = tpu.memref_slice %arg7[%dma_wait3A_1008, %dma_wait3A_1009, %dma_wait3A_1010] : memref<8x2x64xi32, #tpu.memory_space<vmem>> -> memref<1x1x64xi32, #tpu.memory_space<vmem>>
      %dma_wait3A_1012 = tpu.memref_squeeze %dma_wait3A_1011 : memref<1x1x64xi32, #tpu.memory_space<vmem>> -> memref<64xi32, #tpu.memory_space<vmem>>
      %dma_wait3A_1013 = arith.constant 0 : i32
      %dma_wait3A_1014 = arith.constant 0 : i32
      %dma_wait3A_1015 = tpu.memref_slice %arg6[%dma_wait3A_1013, %dma_wait3A_1014] : memref<10008x128xf32, #tpu.memory_space<vmem_shared>> -> memref<10008x128xf32, #tpu.memory_space<vmem_shared>>
      tpu.wait_indirect_dma semaphore(%arg23 : memref<!tpu.dma_semaphore, #tpu.memory_space<semaphore_mem>>) src(%arg11 : memref<64x128xf32, #tpu.memory_space<vmem>>) dst(%dma_wait3A_1015 : memref<10008x128xf32, #tpu.memory_space<vmem_shared>>)
      %dma_start3A_1016 = arith.constant 4 : i32
      %dma_start3A_1017 = arith.constant 0 : i32
      %dma_start3A_1018 = arith.constant 0 : i32
      %dma_start3A_1019 = tpu.memref_slice %arg10[%dma_start3A_1016, %dma_start3A_1017, %dma_start3A_1018] : memref<8x2x64xi32, #tpu.memory_space<vmem>> -> memref<1x1x64xi32, #tpu.memory_space<vmem>>
      %dma_start3A_1020 = tpu.memref_squeeze %dma_start3A_1019 : memref<1x1x64xi32, #tpu.memory_space<vmem>> -> memref<64xi32, #tpu.memory_space<vmem>>
      %dma_start3A_1021 = arith.constant 0 : i32
      %dma_start3A_1022 = arith.constant 0 : i32
      %dma_start3A_1023 = tpu.memref_slice %arg3[%dma_start3A_1021, %dma_start3A_1022] : memref<20000x128xf32, #tpu.memory_space<hbm>> -> memref<20000x128xf32, #tpu.memory_space<hbm>>
      tpu.enqueue_indirect_dma source(%dma_start3A_1023 : memref<20000x128xf32, #tpu.memory_space<hbm>>) target(%arg11 : memref<64x128xf32, #tpu.memory_space<vmem>>) offsets(%dma_start3A_1020 : memref<64xi32, #tpu.memory_space<vmem>>) semaphore(%arg19 : memref<!tpu.dma_semaphore, #tpu.memory_space<semaphore_mem>>)
      %dma_wait3A_1024 = arith.constant 0 : i32
      %dma_wait3A_1025 = arith.constant 0 : i32
      %dma_wait3A_1026 = arith.constant 0 : i32
      %dma_wait3A_1027 = tpu.memref_slice %arg7[%dma_wait3A_1024, %dma_wait3A_1025, %dma_wait3A_1026] : memref<8x2x64xi32, #tpu.memory_space<vmem>> -> memref<1x1x64xi32, #tpu.memory_space<vmem>>
      %dma_wait3A_1028 = tpu.memref_squeeze %dma_wait3A_1027 : memref<1x1x64xi32, #tpu.memory_space<vmem>> -> memref<64xi32, #tpu.memory_space<vmem>>
      %dma_wait3A_1029 = arith.constant 0 : i32
      %dma_wait3A_1030 = arith.constant 0 : i32
      %dma_wait3A_1031 = tpu.memref_slice %arg3[%dma_wait3A_1029, %dma_wait3A_1030] : memref<20000x128xf32, #tpu.memory_space<hbm>> -> memref<20000x128xf32, #tpu.memory_space<hbm>>
      tpu.wait_indirect_dma semaphore(%arg20 : memref<!tpu.dma_semaphore, #tpu.memory_space<semaphore_mem>>) src(%dma_wait3A_1031 : memref<20000x128xf32, #tpu.memory_space<hbm>>) dst(%arg12 : memref<64x128xf32, #tpu.memory_space<vmem>>)
      %dma_start3A_1032 = arith.constant 1 : i32
      %dma_start3A_1033 = arith.constant 1 : i32
      %dma_start3A_1034 = arith.constant 0 : i32
      %dma_start3A_1035 = tpu.memref_slice %arg10[%dma_start3A_1032, %dma_start3A_1033, %dma_start3A_1034] : memref<8x2x64xi32, #tpu.memory_space<vmem>> -> memref<1x1x64xi32, #tpu.memory_space<vmem>>
      %dma_start3A_1036 = tpu.memref_squeeze %dma_start3A_1035 : memref<1x1x64xi32, #tpu.memory_space<vmem>> -> memref<64xi32, #tpu.memory_space<vmem>>
      %dma_start3A_1037 = arith.constant 0 : i32
      %dma_start3A_1038 = arith.constant 0 : i32
      %dma_start3A_1039 = tpu.memref_slice %arg6[%dma_start3A_1037, %dma_start3A_1038] : memref<10008x128xf32, #tpu.memory_space<vmem_shared>> -> memref<10008x128xf32, #tpu.memory_space<vmem_shared>>
      tpu.enqueue_indirect_dma source(%arg12 : memref<64x128xf32, #tpu.memory_space<vmem>>) target(%dma_start3A_1039 : memref<10008x128xf32, #tpu.memory_space<vmem_shared>>) offsets(%dma_start3A_1036 : memref<64xi32, #tpu.memory_space<vmem>>) semaphore(%arg24 : memref<!tpu.dma_semaphore, #tpu.memory_space<semaphore_mem>>) {add = true}
      %dma_wait3A_1040 = arith.constant 0 : i32
      %dma_wait3A_1041 = arith.constant 1 : i32
      %dma_wait3A_1042 = arith.constant 0 : i32
      %dma_wait3A_1043 = tpu.memref_slice %arg7[%dma_wait3A_1040, %dma_wait3A_1041, %dma_wait3A_1042] : memref<8x2x64xi32, #tpu.memory_space<vmem>> -> memref<1x1x64xi32, #tpu.memory_space<vmem>>
      %dma_wait3A_1044 = tpu.memref_squeeze %dma_wait3A_1043 : memref<1x1x64xi32, #tpu.memory_space<vmem>> -> memref<64xi32, #tpu.memory_space<vmem>>
      %dma_wait3A_1045 = arith.constant 0 : i32
      %dma_wait3A_1046 = arith.constant 0 : i32
      %dma_wait3A_1047 = tpu.memref_slice %arg6[%dma_wait3A_1045, %dma_wait3A_1046] : memref<10008x128xf32, #tpu.memory_space<vmem_shared>> -> memref<10008x128xf32, #tpu.memory_space<vmem_shared>>
      tpu.wait_indirect_dma semaphore(%arg24 : memref<!tpu.dma_semaphore, #tpu.memory_space<semaphore_mem>>) src(%arg11 : memref<64x128xf32, #tpu.memory_space<vmem>>) dst(%dma_wait3A_1047 : memref<10008x128xf32, #tpu.memory_space<vmem_shared>>)
      %dma_start3A_1048 = arith.constant 5 : i32
      %dma_start3A_1049 = arith.constant 0 : i32
      %dma_start3A_1050 = arith.constant 0 : i32
      %dma_start3A_1051 = tpu.memref_slice %arg10[%dma_start3A_1048, %dma_start3A_1049, %dma_start3A_1050] : memref<8x2x64xi32, #tpu.memory_space<vmem>> -> memref<1x1x64xi32, #tpu.memory_space<vmem>>
      %dma_start3A_1052 = tpu.memref_squeeze %dma_start3A_1051 : memref<1x1x64xi32, #tpu.memory_space<vmem>> -> memref<64xi32, #tpu.memory_space<vmem>>
      %dma_start3A_1053 = arith.constant 0 : i32
      %dma_start3A_1054 = arith.constant 0 : i32
      %dma_start3A_1055 = tpu.memref_slice %arg3[%dma_start3A_1053, %dma_start3A_1054] : memref<20000x128xf32, #tpu.memory_space<hbm>> -> memref<20000x128xf32, #tpu.memory_space<hbm>>
      tpu.enqueue_indirect_dma source(%dma_start3A_1055 : memref<20000x128xf32, #tpu.memory_space<hbm>>) target(%arg12 : memref<64x128xf32, #tpu.memory_space<vmem>>) offsets(%dma_start3A_1052 : memref<64xi32, #tpu.memory_space<vmem>>) semaphore(%arg20 : memref<!tpu.dma_semaphore, #tpu.memory_space<semaphore_mem>>)
      %dma_wait3A_1056 = arith.constant 0 : i32
      %dma_wait3A_1057 = arith.constant 0 : i32
      %dma_wait3A_1058 = arith.constant 0 : i32
      %dma_wait3A_1059 = tpu.memref_slice %arg7[%dma_wait3A_1056, %dma_wait3A_1057, %dma_wait3A_1058] : memref<8x2x64xi32, #tpu.memory_space<vmem>> -> memref<1x1x64xi32, #tpu.memory_space<vmem>>
      %dma_wait3A_1060 = tpu.memref_squeeze %dma_wait3A_1059 : memref<1x1x64xi32, #tpu.memory_space<vmem>> -> memref<64xi32, #tpu.memory_space<vmem>>
      %dma_wait3A_1061 = arith.constant 0 : i32
      %dma_wait3A_1062 = arith.constant 0 : i32
      %dma_wait3A_1063 = tpu.memref_slice %arg3[%dma_wait3A_1061, %dma_wait3A_1062] : memref<20000x128xf32, #tpu.memory_space<hbm>> -> memref<20000x128xf32, #tpu.memory_space<hbm>>
      tpu.wait_indirect_dma semaphore(%arg21 : memref<!tpu.dma_semaphore, #tpu.memory_space<semaphore_mem>>) src(%dma_wait3A_1063 : memref<20000x128xf32, #tpu.memory_space<hbm>>) dst(%arg13 : memref<64x128xf32, #tpu.memory_space<vmem>>)
      %dma_start3A_1064 = arith.constant 2 : i32
      %dma_start3A_1065 = arith.constant 1 : i32
      %dma_start3A_1066 = arith.constant 0 : i32
      %dma_start3A_1067 = tpu.memref_slice %arg10[%dma_start3A_1064, %dma_start3A_1065, %dma_start3A_1066] : memref<8x2x64xi32, #tpu.memory_space<vmem>> -> memref<1x1x64xi32, #tpu.memory_space<vmem>>
      %dma_start3A_1068 = tpu.memref_squeeze %dma_start3A_1067 : memref<1x1x64xi32, #tpu.memory_space<vmem>> -> memref<64xi32, #tpu.memory_space<vmem>>
      %dma_start3A_1069 = arith.constant 0 : i32
      %dma_start3A_1070 = arith.constant 0 : i32
      %dma_start3A_1071 = tpu.memref_slice %arg6[%dma_start3A_1069, %dma_start3A_1070] : memref<10008x128xf32, #tpu.memory_space<vmem_shared>> -> memref<10008x128xf32, #tpu.memory_space<vmem_shared>>
      tpu.enqueue_indirect_dma source(%arg13 : memref<64x128xf32, #tpu.memory_space<vmem>>) target(%dma_start3A_1071 : memref<10008x128xf32, #tpu.memory_space<vmem_shared>>) offsets(%dma_start3A_1068 : memref<64xi32, #tpu.memory_space<vmem>>) semaphore(%arg25 : memref<!tpu.dma_semaphore, #tpu.memory_space<semaphore_mem>>) {add = true}
      %dma_wait3A_1072 = arith.constant 0 : i32
      %dma_wait3A_1073 = arith.constant 1 : i32
      %dma_wait3A_1074 = arith.constant 0 : i32
      %dma_wait3A_1075 = tpu.memref_slice %arg7[%dma_wait3A_1072, %dma_wait3A_1073, %dma_wait3A_1074] : memref<8x2x64xi32, #tpu.memory_space<vmem>> -> memref<1x1x64xi32, #tpu.memory_space<vmem>>
      %dma_wait3A_1076 = tpu.memref_squeeze %dma_wait3A_1075 : memref<1x1x64xi32, #tpu.memory_space<vmem>> -> memref<64xi32, #tpu.memory_space<vmem>>
      %dma_wait3A_1077 = arith.constant 0 : i32
      %dma_wait3A_1078 = arith.constant 0 : i32
      %dma_wait3A_1079 = tpu.memref_slice %arg6[%dma_wait3A_1077, %dma_wait3A_1078] : memref<10008x128xf32, #tpu.memory_space<vmem_shared>> -> memref<10008x128xf32, #tpu.memory_space<vmem_shared>>
      tpu.wait_indirect_dma semaphore(%arg25 : memref<!tpu.dma_semaphore, #tpu.memory_space<semaphore_mem>>) src(%arg11 : memref<64x128xf32, #tpu.memory_space<vmem>>) dst(%dma_wait3A_1079 : memref<10008x128xf32, #tpu.memory_space<vmem_shared>>)
      %dma_start3A_1080 = arith.constant 6 : i32
      %dma_start3A_1081 = arith.constant 0 : i32
      %dma_start3A_1082 = arith.constant 0 : i32
      %dma_start3A_1083 = tpu.memref_slice %arg10[%dma_start3A_1080, %dma_start3A_1081, %dma_start3A_1082] : memref<8x2x64xi32, #tpu.memory_space<vmem>> -> memref<1x1x64xi32, #tpu.memory_space<vmem>>
      %dma_start3A_1084 = tpu.memref_squeeze %dma_start3A_1083 : memref<1x1x64xi32, #tpu.memory_space<vmem>> -> memref<64xi32, #tpu.memory_space<vmem>>
      %dma_start3A_1085 = arith.constant 0 : i32
      %dma_start3A_1086 = arith.constant 0 : i32
      %dma_start3A_1087 = tpu.memref_slice %arg3[%dma_start3A_1085, %dma_start3A_1086] : memref<20000x128xf32, #tpu.memory_space<hbm>> -> memref<20000x128xf32, #tpu.memory_space<hbm>>
      tpu.enqueue_indirect_dma source(%dma_start3A_1087 : memref<20000x128xf32, #tpu.memory_space<hbm>>) target(%arg13 : memref<64x128xf32, #tpu.memory_space<vmem>>) offsets(%dma_start3A_1084 : memref<64xi32, #tpu.memory_space<vmem>>) semaphore(%arg21 : memref<!tpu.dma_semaphore, #tpu.memory_space<semaphore_mem>>)
      %dma_wait3A_1088 = arith.constant 0 : i32
      %dma_wait3A_1089 = arith.constant 0 : i32
      %dma_wait3A_1090 = arith.constant 0 : i32
      %dma_wait3A_1091 = tpu.memref_slice %arg7[%dma_wait3A_1088, %dma_wait3A_1089, %dma_wait3A_1090] : memref<8x2x64xi32, #tpu.memory_space<vmem>> -> memref<1x1x64xi32, #tpu.memory_space<vmem>>
      %dma_wait3A_1092 = tpu.memref_squeeze %dma_wait3A_1091 : memref<1x1x64xi32, #tpu.memory_space<vmem>> -> memref<64xi32, #tpu.memory_space<vmem>>
      %dma_wait3A_1093 = arith.constant 0 : i32
      %dma_wait3A_1094 = arith.constant 0 : i32
      %dma_wait3A_1095 = tpu.memref_slice %arg3[%dma_wait3A_1093, %dma_wait3A_1094] : memref<20000x128xf32, #tpu.memory_space<hbm>> -> memref<20000x128xf32, #tpu.memory_space<hbm>>
      tpu.wait_indirect_dma semaphore(%arg22 : memref<!tpu.dma_semaphore, #tpu.memory_space<semaphore_mem>>) src(%dma_wait3A_1095 : memref<20000x128xf32, #tpu.memory_space<hbm>>) dst(%arg14 : memref<64x128xf32, #tpu.memory_space<vmem>>)
      %dma_start3A_1096 = arith.constant 3 : i32
      %dma_start3A_1097 = arith.constant 1 : i32
      %dma_start3A_1098 = arith.constant 0 : i32
      %dma_start3A_1099 = tpu.memref_slice %arg10[%dma_start3A_1096, %dma_start3A_1097, %dma_start3A_1098] : memref<8x2x64xi32, #tpu.memory_space<vmem>> -> memref<1x1x64xi32, #tpu.memory_space<vmem>>
      %dma_start3A_1100 = tpu.memref_squeeze %dma_start3A_1099 : memref<1x1x64xi32, #tpu.memory_space<vmem>> -> memref<64xi32, #tpu.memory_space<vmem>>
      %dma_start3A_1101 = arith.constant 0 : i32
      %dma_start3A_1102 = arith.constant 0 : i32
      %dma_start3A_1103 = tpu.memref_slice %arg6[%dma_start3A_1101, %dma_start3A_1102] : memref<10008x128xf32, #tpu.memory_space<vmem_shared>> -> memref<10008x128xf32, #tpu.memory_space<vmem_shared>>
      tpu.enqueue_indirect_dma source(%arg14 : memref<64x128xf32, #tpu.memory_space<vmem>>) target(%dma_start3A_1103 : memref<10008x128xf32, #tpu.memory_space<vmem_shared>>) offsets(%dma_start3A_1100 : memref<64xi32, #tpu.memory_space<vmem>>) semaphore(%arg26 : memref<!tpu.dma_semaphore, #tpu.memory_space<semaphore_mem>>) {add = true}
      %dma_wait3A_1104 = arith.constant 0 : i32
      %dma_wait3A_1105 = arith.constant 1 : i32
      %dma_wait3A_1106 = arith.constant 0 : i32
      %dma_wait3A_1107 = tpu.memref_slice %arg7[%dma_wait3A_1104, %dma_wait3A_1105, %dma_wait3A_1106] : memref<8x2x64xi32, #tpu.memory_space<vmem>> -> memref<1x1x64xi32, #tpu.memory_space<vmem>>
      %dma_wait3A_1108 = tpu.memref_squeeze %dma_wait3A_1107 : memref<1x1x64xi32, #tpu.memory_space<vmem>> -> memref<64xi32, #tpu.memory_space<vmem>>
      %dma_wait3A_1109 = arith.constant 0 : i32
      %dma_wait3A_1110 = arith.constant 0 : i32
      %dma_wait3A_1111 = tpu.memref_slice %arg6[%dma_wait3A_1109, %dma_wait3A_1110] : memref<10008x128xf32, #tpu.memory_space<vmem_shared>> -> memref<10008x128xf32, #tpu.memory_space<vmem_shared>>
      tpu.wait_indirect_dma semaphore(%arg26 : memref<!tpu.dma_semaphore, #tpu.memory_space<semaphore_mem>>) src(%arg11 : memref<64x128xf32, #tpu.memory_space<vmem>>) dst(%dma_wait3A_1111 : memref<10008x128xf32, #tpu.memory_space<vmem_shared>>)
      %dma_start3A_1112 = arith.constant 7 : i32
      %dma_start3A_1113 = arith.constant 0 : i32
      %dma_start3A_1114 = arith.constant 0 : i32
      %dma_start3A_1115 = tpu.memref_slice %arg10[%dma_start3A_1112, %dma_start3A_1113, %dma_start3A_1114] : memref<8x2x64xi32, #tpu.memory_space<vmem>> -> memref<1x1x64xi32, #tpu.memory_space<vmem>>
      %dma_start3A_1116 = tpu.memref_squeeze %dma_start3A_1115 : memref<1x1x64xi32, #tpu.memory_space<vmem>> -> memref<64xi32, #tpu.memory_space<vmem>>
      %dma_start3A_1117 = arith.constant 0 : i32
      %dma_start3A_1118 = arith.constant 0 : i32
      %dma_start3A_1119 = tpu.memref_slice %arg3[%dma_start3A_1117, %dma_start3A_1118] : memref<20000x128xf32, #tpu.memory_space<hbm>> -> memref<20000x128xf32, #tpu.memory_space<hbm>>
      tpu.enqueue_indirect_dma source(%dma_start3A_1119 : memref<20000x128xf32, #tpu.memory_space<hbm>>) target(%arg14 : memref<64x128xf32, #tpu.memory_space<vmem>>) offsets(%dma_start3A_1116 : memref<64xi32, #tpu.memory_space<vmem>>) semaphore(%arg22 : memref<!tpu.dma_semaphore, #tpu.memory_space<semaphore_mem>>)
      %dma_wait3A_1120 = arith.constant 0 : i32
      %dma_wait3A_1121 = arith.constant 0 : i32
      %dma_wait3A_1122 = arith.constant 0 : i32
      %dma_wait3A_1123 = tpu.memref_slice %arg7[%dma_wait3A_1120, %dma_wait3A_1121, %dma_wait3A_1122] : memref<8x2x64xi32, #tpu.memory_space<vmem>> -> memref<1x1x64xi32, #tpu.memory_space<vmem>>
      %dma_wait3A_1124 = tpu.memref_squeeze %dma_wait3A_1123 : memref<1x1x64xi32, #tpu.memory_space<vmem>> -> memref<64xi32, #tpu.memory_space<vmem>>
      %dma_wait3A_1125 = arith.constant 0 : i32
      %dma_wait3A_1126 = arith.constant 0 : i32
      %dma_wait3A_1127 = tpu.memref_slice %arg3[%dma_wait3A_1125, %dma_wait3A_1126] : memref<20000x128xf32, #tpu.memory_space<hbm>> -> memref<20000x128xf32, #tpu.memory_space<hbm>>
      tpu.wait_indirect_dma semaphore(%arg19 : memref<!tpu.dma_semaphore, #tpu.memory_space<semaphore_mem>>) src(%dma_wait3A_1127 : memref<20000x128xf32, #tpu.memory_space<hbm>>) dst(%arg11 : memref<64x128xf32, #tpu.memory_space<vmem>>)
      %dma_start3A_1128 = arith.constant 4 : i32
      %dma_start3A_1129 = arith.constant 1 : i32
      %dma_start3A_1130 = arith.constant 0 : i32
      %dma_start3A_1131 = tpu.memref_slice %arg10[%dma_start3A_1128, %dma_start3A_1129, %dma_start3A_1130] : memref<8x2x64xi32, #tpu.memory_space<vmem>> -> memref<1x1x64xi32, #tpu.memory_space<vmem>>
      %dma_start3A_1132 = tpu.memref_squeeze %dma_start3A_1131 : memref<1x1x64xi32, #tpu.memory_space<vmem>> -> memref<64xi32, #tpu.memory_space<vmem>>
      %dma_start3A_1133 = arith.constant 0 : i32
      %dma_start3A_1134 = arith.constant 0 : i32
      %dma_start3A_1135 = tpu.memref_slice %arg6[%dma_start3A_1133, %dma_start3A_1134] : memref<10008x128xf32, #tpu.memory_space<vmem_shared>> -> memref<10008x128xf32, #tpu.memory_space<vmem_shared>>
      tpu.enqueue_indirect_dma source(%arg11 : memref<64x128xf32, #tpu.memory_space<vmem>>) target(%dma_start3A_1135 : memref<10008x128xf32, #tpu.memory_space<vmem_shared>>) offsets(%dma_start3A_1132 : memref<64xi32, #tpu.memory_space<vmem>>) semaphore(%arg23 : memref<!tpu.dma_semaphore, #tpu.memory_space<semaphore_mem>>) {add = true}
      %lt3A_1136 = arith.constant 4 : i32
      %lt3A_1137 = arith.cmpi slt, %scan3A_117, %lt3A_1136 : i32
      %convert_element_type3A_1138 = arith.extui %lt3A_1137 : i1 to i32
      %cond3A_1139 = arith.constant 0 : i32
      %cond3A_1140 = arith.cmpi ne, %convert_element_type3A_1138, %cond3A_1139 : i32
      scf.if %cond3A_1140 {
        %mul3A_1209 = arith.constant 2560 : i32
        %mul3A_1210 = arith.muli %arg0, %mul3A_1209 : i32
        %mul3A_1211 = arith.constant 160 : i32
        %mul3A_1212 = arith.muli %arg1, %mul3A_1211 : i32
        %add3A_1213 = arith.addi %mul3A_1210, %mul3A_1212 : i32
        %add3A_1214 = arith.constant 0 : i32
        %add3A_1215 = arith.addi %add3A_1213, %add3A_1214 : i32
        %dma_wait3A_1216 = arith.constant 0 : i32
        %dma_wait3A_1217 = arith.constant 0 : i32
        %dma_wait3A_1218 = tpu.memref_slice %arg2[%add3A_1215, %dma_wait3A_1216, %dma_wait3A_1217] : memref<5120x2x64xi32, #tpu.memory_space<hbm>> -> memref<8x2x64xi32, #tpu.memory_space<hbm>>
        %dma_wait3A_1219 = arith.constant 0 : i32
        %dma_wait3A_1220 = arith.constant 0 : i32
        %dma_wait3A_1221 = tpu.memref_slice %arg2[%add3A_1215, %dma_wait3A_1219, %dma_wait3A_1220] : memref<5120x2x64xi32, #tpu.memory_space<hbm>> -> memref<8x2x64xi32, #tpu.memory_space<hbm>>
        tpu.wait_dma2 semaphore(%arg15 : memref<!tpu.dma_semaphore, #tpu.memory_space<semaphore_mem>>) src(%dma_wait3A_1221 : memref<8x2x64xi32, #tpu.memory_space<hbm>>) dst(%arg7 : memref<8x2x64xi32, #tpu.memory_space<vmem>>)
      } else {
      }
      %lt3A_1141 = arith.constant 4 : i32
      %lt3A_1142 = arith.cmpi slt, %scan3A_117, %lt3A_1141 : i32
      %convert_element_type3A_1143 = arith.extui %lt3A_1142 : i1 to i32
      %cond3A_1144 = arith.constant 0 : i32
      %cond3A_1145 = arith.cmpi ne, %convert_element_type3A_1143, %cond3A_1144 : i32
      scf.if %cond3A_1145 {
        %dma_wait3A_1209 = arith.constant 0 : i32
        %dma_wait3A_1210 = arith.constant 1 : i32
        %dma_wait3A_1211 = arith.constant 0 : i32
        %dma_wait3A_1212 = tpu.memref_slice %arg7[%dma_wait3A_1209, %dma_wait3A_1210, %dma_wait3A_1211] : memref<8x2x64xi32, #tpu.memory_space<vmem>> -> memref<1x1x64xi32, #tpu.memory_space<vmem>>
        %dma_wait3A_1213 = tpu.memref_squeeze %dma_wait3A_1212 : memref<1x1x64xi32, #tpu.memory_space<vmem>> -> memref<64xi32, #tpu.memory_space<vmem>>
        %dma_wait3A_1214 = arith.constant 0 : i32
        %dma_wait3A_1215 = arith.constant 0 : i32
        %dma_wait3A_1216 = tpu.memref_slice %arg6[%dma_wait3A_1214, %dma_wait3A_1215] : memref<10008x128xf32, #tpu.memory_space<vmem_shared>> -> memref<10008x128xf32, #tpu.memory_space<vmem_shared>>
        tpu.wait_indirect_dma semaphore(%arg23 : memref<!tpu.dma_semaphore, #tpu.memory_space<semaphore_mem>>) src(%arg11 : memref<64x128xf32, #tpu.memory_space<vmem>>) dst(%dma_wait3A_1216 : memref<10008x128xf32, #tpu.memory_space<vmem_shared>>)
        %dma_start3A_1217 = arith.constant 0 : i32
        %dma_start3A_1218 = arith.constant 0 : i32
        %dma_start3A_1219 = arith.constant 0 : i32
        %dma_start3A_1220 = tpu.memref_slice %arg7[%dma_start3A_1217, %dma_start3A_1218, %dma_start3A_1219] : memref<8x2x64xi32, #tpu.memory_space<vmem>> -> memref<1x1x64xi32, #tpu.memory_space<vmem>>
        %dma_start3A_1221 = tpu.memref_squeeze %dma_start3A_1220 : memref<1x1x64xi32, #tpu.memory_space<vmem>> -> memref<64xi32, #tpu.memory_space<vmem>>
        %dma_start3A_1222 = arith.constant 0 : i32
        %dma_start3A_1223 = arith.constant 0 : i32
        %dma_start3A_1224 = tpu.memref_slice %arg3[%dma_start3A_1222, %dma_start3A_1223] : memref<20000x128xf32, #tpu.memory_space<hbm>> -> memref<20000x128xf32, #tpu.memory_space<hbm>>
        tpu.enqueue_indirect_dma source(%dma_start3A_1224 : memref<20000x128xf32, #tpu.memory_space<hbm>>) target(%arg11 : memref<64x128xf32, #tpu.memory_space<vmem>>) offsets(%dma_start3A_1221 : memref<64xi32, #tpu.memory_space<vmem>>) semaphore(%arg19 : memref<!tpu.dma_semaphore, #tpu.memory_space<semaphore_mem>>)
      } else {
      }
      %dma_wait3A_1146 = arith.constant 0 : i32
      %dma_wait3A_1147 = arith.constant 0 : i32
      %dma_wait3A_1148 = arith.constant 0 : i32
      %dma_wait3A_1149 = tpu.memref_slice %arg7[%dma_wait3A_1146, %dma_wait3A_1147, %dma_wait3A_1148] : memref<8x2x64xi32, #tpu.memory_space<vmem>> -> memref<1x1x64xi32, #tpu.memory_space<vmem>>
      %dma_wait3A_1150 = tpu.memref_squeeze %dma_wait3A_1149 : memref<1x1x64xi32, #tpu.memory_space<vmem>> -> memref<64xi32, #tpu.memory_space<vmem>>
      %dma_wait3A_1151 = arith.constant 0 : i32
      %dma_wait3A_1152 = arith.constant 0 : i32
      %dma_wait3A_1153 = tpu.memref_slice %arg3[%dma_wait3A_1151, %dma_wait3A_1152] : memref<20000x128xf32, #tpu.memory_space<hbm>> -> memref<20000x128xf32, #tpu.memory_space<hbm>>
      tpu.wait_indirect_dma semaphore(%arg20 : memref<!tpu.dma_semaphore, #tpu.memory_space<semaphore_mem>>) src(%dma_wait3A_1153 : memref<20000x128xf32, #tpu.memory_space<hbm>>) dst(%arg12 : memref<64x128xf32, #tpu.memory_space<vmem>>)
      %dma_start3A_1154 = arith.constant 5 : i32
      %dma_start3A_1155 = arith.constant 1 : i32
      %dma_start3A_1156 = arith.constant 0 : i32
      %dma_start3A_1157 = tpu.memref_slice %arg10[%dma_start3A_1154, %dma_start3A_1155, %dma_start3A_1156] : memref<8x2x64xi32, #tpu.memory_space<vmem>> -> memref<1x1x64xi32, #tpu.memory_space<vmem>>
      %dma_start3A_1158 = tpu.memref_squeeze %dma_start3A_1157 : memref<1x1x64xi32, #tpu.memory_space<vmem>> -> memref<64xi32, #tpu.memory_space<vmem>>
      %dma_start3A_1159 = arith.constant 0 : i32
      %dma_start3A_1160 = arith.constant 0 : i32
      %dma_start3A_1161 = tpu.memref_slice %arg6[%dma_start3A_1159, %dma_start3A_1160] : memref<10008x128xf32, #tpu.memory_space<vmem_shared>> -> memref<10008x128xf32, #tpu.memory_space<vmem_shared>>
      tpu.enqueue_indirect_dma source(%arg12 : memref<64x128xf32, #tpu.memory_space<vmem>>) target(%dma_start3A_1161 : memref<10008x128xf32, #tpu.memory_space<vmem_shared>>) offsets(%dma_start3A_1158 : memref<64xi32, #tpu.memory_space<vmem>>) semaphore(%arg24 : memref<!tpu.dma_semaphore, #tpu.memory_space<semaphore_mem>>) {add = true}
      %lt3A_1162 = arith.constant 4 : i32
      %lt3A_1163 = arith.cmpi slt, %scan3A_117, %lt3A_1162 : i32
      %convert_element_type3A_1164 = arith.extui %lt3A_1163 : i1 to i32
      %cond3A_1165 = arith.constant 0 : i32
      %cond3A_1166 = arith.cmpi ne, %convert_element_type3A_1164, %cond3A_1165 : i32
      scf.if %cond3A_1166 {
        %dma_wait3A_1209 = arith.constant 0 : i32
        %dma_wait3A_1210 = arith.constant 1 : i32
        %dma_wait3A_1211 = arith.constant 0 : i32
        %dma_wait3A_1212 = tpu.memref_slice %arg7[%dma_wait3A_1209, %dma_wait3A_1210, %dma_wait3A_1211] : memref<8x2x64xi32, #tpu.memory_space<vmem>> -> memref<1x1x64xi32, #tpu.memory_space<vmem>>
        %dma_wait3A_1213 = tpu.memref_squeeze %dma_wait3A_1212 : memref<1x1x64xi32, #tpu.memory_space<vmem>> -> memref<64xi32, #tpu.memory_space<vmem>>
        %dma_wait3A_1214 = arith.constant 0 : i32
        %dma_wait3A_1215 = arith.constant 0 : i32
        %dma_wait3A_1216 = tpu.memref_slice %arg6[%dma_wait3A_1214, %dma_wait3A_1215] : memref<10008x128xf32, #tpu.memory_space<vmem_shared>> -> memref<10008x128xf32, #tpu.memory_space<vmem_shared>>
        tpu.wait_indirect_dma semaphore(%arg24 : memref<!tpu.dma_semaphore, #tpu.memory_space<semaphore_mem>>) src(%arg11 : memref<64x128xf32, #tpu.memory_space<vmem>>) dst(%dma_wait3A_1216 : memref<10008x128xf32, #tpu.memory_space<vmem_shared>>)
        %dma_start3A_1217 = arith.constant 1 : i32
        %dma_start3A_1218 = arith.constant 0 : i32
        %dma_start3A_1219 = arith.constant 0 : i32
        %dma_start3A_1220 = tpu.memref_slice %arg7[%dma_start3A_1217, %dma_start3A_1218, %dma_start3A_1219] : memref<8x2x64xi32, #tpu.memory_space<vmem>> -> memref<1x1x64xi32, #tpu.memory_space<vmem>>
        %dma_start3A_1221 = tpu.memref_squeeze %dma_start3A_1220 : memref<1x1x64xi32, #tpu.memory_space<vmem>> -> memref<64xi32, #tpu.memory_space<vmem>>
        %dma_start3A_1222 = arith.constant 0 : i32
        %dma_start3A_1223 = arith.constant 0 : i32
        %dma_start3A_1224 = tpu.memref_slice %arg3[%dma_start3A_1222, %dma_start3A_1223] : memref<20000x128xf32, #tpu.memory_space<hbm>> -> memref<20000x128xf32, #tpu.memory_space<hbm>>
        tpu.enqueue_indirect_dma source(%dma_start3A_1224 : memref<20000x128xf32, #tpu.memory_space<hbm>>) target(%arg12 : memref<64x128xf32, #tpu.memory_space<vmem>>) offsets(%dma_start3A_1221 : memref<64xi32, #tpu.memory_space<vmem>>) semaphore(%arg20 : memref<!tpu.dma_semaphore, #tpu.memory_space<semaphore_mem>>)
      } else {
      }
      %dma_wait3A_1167 = arith.constant 0 : i32
      %dma_wait3A_1168 = arith.constant 0 : i32
      %dma_wait3A_1169 = arith.constant 0 : i32
      %dma_wait3A_1170 = tpu.memref_slice %arg7[%dma_wait3A_1167, %dma_wait3A_1168, %dma_wait3A_1169] : memref<8x2x64xi32, #tpu.memory_space<vmem>> -> memref<1x1x64xi32, #tpu.memory_space<vmem>>
      %dma_wait3A_1171 = tpu.memref_squeeze %dma_wait3A_1170 : memref<1x1x64xi32, #tpu.memory_space<vmem>> -> memref<64xi32, #tpu.memory_space<vmem>>
      %dma_wait3A_1172 = arith.constant 0 : i32
      %dma_wait3A_1173 = arith.constant 0 : i32
      %dma_wait3A_1174 = tpu.memref_slice %arg3[%dma_wait3A_1172, %dma_wait3A_1173] : memref<20000x128xf32, #tpu.memory_space<hbm>> -> memref<20000x128xf32, #tpu.memory_space<hbm>>
      tpu.wait_indirect_dma semaphore(%arg21 : memref<!tpu.dma_semaphore, #tpu.memory_space<semaphore_mem>>) src(%dma_wait3A_1174 : memref<20000x128xf32, #tpu.memory_space<hbm>>) dst(%arg13 : memref<64x128xf32, #tpu.memory_space<vmem>>)
      %dma_start3A_1175 = arith.constant 6 : i32
      %dma_start3A_1176 = arith.constant 1 : i32
      %dma_start3A_1177 = arith.constant 0 : i32
      %dma_start3A_1178 = tpu.memref_slice %arg10[%dma_start3A_1175, %dma_start3A_1176, %dma_start3A_1177] : memref<8x2x64xi32, #tpu.memory_space<vmem>> -> memref<1x1x64xi32, #tpu.memory_space<vmem>>
      %dma_start3A_1179 = tpu.memref_squeeze %dma_start3A_1178 : memref<1x1x64xi32, #tpu.memory_space<vmem>> -> memref<64xi32, #tpu.memory_space<vmem>>
      %dma_start3A_1180 = arith.constant 0 : i32
      %dma_start3A_1181 = arith.constant 0 : i32
      %dma_start3A_1182 = tpu.memref_slice %arg6[%dma_start3A_1180, %dma_start3A_1181] : memref<10008x128xf32, #tpu.memory_space<vmem_shared>> -> memref<10008x128xf32, #tpu.memory_space<vmem_shared>>
      tpu.enqueue_indirect_dma source(%arg13 : memref<64x128xf32, #tpu.memory_space<vmem>>) target(%dma_start3A_1182 : memref<10008x128xf32, #tpu.memory_space<vmem_shared>>) offsets(%dma_start3A_1179 : memref<64xi32, #tpu.memory_space<vmem>>) semaphore(%arg25 : memref<!tpu.dma_semaphore, #tpu.memory_space<semaphore_mem>>) {add = true}
      %lt3A_1183 = arith.constant 4 : i32
      %lt3A_1184 = arith.cmpi slt, %scan3A_117, %lt3A_1183 : i32
      %convert_element_type3A_1185 = arith.extui %lt3A_1184 : i1 to i32
      %cond3A_1186 = arith.constant 0 : i32
      %cond3A_1187 = arith.cmpi ne, %convert_element_type3A_1185, %cond3A_1186 : i32
      scf.if %cond3A_1187 {
        %dma_wait3A_1209 = arith.constant 0 : i32
        %dma_wait3A_1210 = arith.constant 1 : i32
        %dma_wait3A_1211 = arith.constant 0 : i32
        %dma_wait3A_1212 = tpu.memref_slice %arg7[%dma_wait3A_1209, %dma_wait3A_1210, %dma_wait3A_1211] : memref<8x2x64xi32, #tpu.memory_space<vmem>> -> memref<1x1x64xi32, #tpu.memory_space<vmem>>
        %dma_wait3A_1213 = tpu.memref_squeeze %dma_wait3A_1212 : memref<1x1x64xi32, #tpu.memory_space<vmem>> -> memref<64xi32, #tpu.memory_space<vmem>>
        %dma_wait3A_1214 = arith.constant 0 : i32
        %dma_wait3A_1215 = arith.constant 0 : i32
        %dma_wait3A_1216 = tpu.memref_slice %arg6[%dma_wait3A_1214, %dma_wait3A_1215] : memref<10008x128xf32, #tpu.memory_space<vmem_shared>> -> memref<10008x128xf32, #tpu.memory_space<vmem_shared>>
        tpu.wait_indirect_dma semaphore(%arg25 : memref<!tpu.dma_semaphore, #tpu.memory_space<semaphore_mem>>) src(%arg11 : memref<64x128xf32, #tpu.memory_space<vmem>>) dst(%dma_wait3A_1216 : memref<10008x128xf32, #tpu.memory_space<vmem_shared>>)
        %dma_start3A_1217 = arith.constant 2 : i32
        %dma_start3A_1218 = arith.constant 0 : i32
        %dma_start3A_1219 = arith.constant 0 : i32
        %dma_start3A_1220 = tpu.memref_slice %arg7[%dma_start3A_1217, %dma_start3A_1218, %dma_start3A_1219] : memref<8x2x64xi32, #tpu.memory_space<vmem>> -> memref<1x1x64xi32, #tpu.memory_space<vmem>>
        %dma_start3A_1221 = tpu.memref_squeeze %dma_start3A_1220 : memref<1x1x64xi32, #tpu.memory_space<vmem>> -> memref<64xi32, #tpu.memory_space<vmem>>
        %dma_start3A_1222 = arith.constant 0 : i32
        %dma_start3A_1223 = arith.constant 0 : i32
        %dma_start3A_1224 = tpu.memref_slice %arg3[%dma_start3A_1222, %dma_start3A_1223] : memref<20000x128xf32, #tpu.memory_space<hbm>> -> memref<20000x128xf32, #tpu.memory_space<hbm>>
        tpu.enqueue_indirect_dma source(%dma_start3A_1224 : memref<20000x128xf32, #tpu.memory_space<hbm>>) target(%arg13 : memref<64x128xf32, #tpu.memory_space<vmem>>) offsets(%dma_start3A_1221 : memref<64xi32, #tpu.memory_space<vmem>>) semaphore(%arg21 : memref<!tpu.dma_semaphore, #tpu.memory_space<semaphore_mem>>)
      } else {
      }
      %dma_wait3A_1188 = arith.constant 0 : i32
      %dma_wait3A_1189 = arith.constant 0 : i32
      %dma_wait3A_1190 = arith.constant 0 : i32
      %dma_wait3A_1191 = tpu.memref_slice %arg7[%dma_wait3A_1188, %dma_wait3A_1189, %dma_wait3A_1190] : memref<8x2x64xi32, #tpu.memory_space<vmem>> -> memref<1x1x64xi32, #tpu.memory_space<vmem>>
      %dma_wait3A_1192 = tpu.memref_squeeze %dma_wait3A_1191 : memref<1x1x64xi32, #tpu.memory_space<vmem>> -> memref<64xi32, #tpu.memory_space<vmem>>
      %dma_wait3A_1193 = arith.constant 0 : i32
      %dma_wait3A_1194 = arith.constant 0 : i32
      %dma_wait3A_1195 = tpu.memref_slice %arg3[%dma_wait3A_1193, %dma_wait3A_1194] : memref<20000x128xf32, #tpu.memory_space<hbm>> -> memref<20000x128xf32, #tpu.memory_space<hbm>>
      tpu.wait_indirect_dma semaphore(%arg22 : memref<!tpu.dma_semaphore, #tpu.memory_space<semaphore_mem>>) src(%dma_wait3A_1195 : memref<20000x128xf32, #tpu.memory_space<hbm>>) dst(%arg14 : memref<64x128xf32, #tpu.memory_space<vmem>>)
      %dma_start3A_1196 = arith.constant 7 : i32
      %dma_start3A_1197 = arith.constant 1 : i32
      %dma_start3A_1198 = arith.constant 0 : i32
      %dma_start3A_1199 = tpu.memref_slice %arg10[%dma_start3A_1196, %dma_start3A_1197, %dma_start3A_1198] : memref<8x2x64xi32, #tpu.memory_space<vmem>> -> memref<1x1x64xi32, #tpu.memory_space<vmem>>
      %dma_start3A_1200 = tpu.memref_squeeze %dma_start3A_1199 : memref<1x1x64xi32, #tpu.memory_space<vmem>> -> memref<64xi32, #tpu.memory_space<vmem>>
      %dma_start3A_1201 = arith.constant 0 : i32
      %dma_start3A_1202 = arith.constant 0 : i32
      %dma_start3A_1203 = tpu.memref_slice %arg6[%dma_start3A_1201, %dma_start3A_1202] : memref<10008x128xf32, #tpu.memory_space<vmem_shared>> -> memref<10008x128xf32, #tpu.memory_space<vmem_shared>>
      tpu.enqueue_indirect_dma source(%arg14 : memref<64x128xf32, #tpu.memory_space<vmem>>) target(%dma_start3A_1203 : memref<10008x128xf32, #tpu.memory_space<vmem_shared>>) offsets(%dma_start3A_1200 : memref<64xi32, #tpu.memory_space<vmem>>) semaphore(%arg26 : memref<!tpu.dma_semaphore, #tpu.memory_space<semaphore_mem>>) {add = true}
      %lt3A_1204 = arith.constant 4 : i32
      %lt3A_1205 = arith.cmpi slt, %scan3A_117, %lt3A_1204 : i32
      %convert_element_type3A_1206 = arith.extui %lt3A_1205 : i1 to i32
      %cond3A_1207 = arith.constant 0 : i32
      %cond3A_1208 = arith.cmpi ne, %convert_element_type3A_1206, %cond3A_1207 : i32
      scf.if %cond3A_1208 {
        %dma_wait3A_1209 = arith.constant 0 : i32
        %dma_wait3A_1210 = arith.constant 1 : i32
        %dma_wait3A_1211 = arith.constant 0 : i32
        %dma_wait3A_1212 = tpu.memref_slice %arg7[%dma_wait3A_1209, %dma_wait3A_1210, %dma_wait3A_1211] : memref<8x2x64xi32, #tpu.memory_space<vmem>> -> memref<1x1x64xi32, #tpu.memory_space<vmem>>
        %dma_wait3A_1213 = tpu.memref_squeeze %dma_wait3A_1212 : memref<1x1x64xi32, #tpu.memory_space<vmem>> -> memref<64xi32, #tpu.memory_space<vmem>>
        %dma_wait3A_1214 = arith.constant 0 : i32
        %dma_wait3A_1215 = arith.constant 0 : i32
        %dma_wait3A_1216 = tpu.memref_slice %arg6[%dma_wait3A_1214, %dma_wait3A_1215] : memref<10008x128xf32, #tpu.memory_space<vmem_shared>> -> memref<10008x128xf32, #tpu.memory_space<vmem_shared>>
        tpu.wait_indirect_dma semaphore(%arg26 : memref<!tpu.dma_semaphore, #tpu.memory_space<semaphore_mem>>) src(%arg11 : memref<64x128xf32, #tpu.memory_space<vmem>>) dst(%dma_wait3A_1216 : memref<10008x128xf32, #tpu.memory_space<vmem_shared>>)
        %dma_start3A_1217 = arith.constant 3 : i32
        %dma_start3A_1218 = arith.constant 0 : i32
        %dma_start3A_1219 = arith.constant 0 : i32
        %dma_start3A_1220 = tpu.memref_slice %arg7[%dma_start3A_1217, %dma_start3A_1218, %dma_start3A_1219] : memref<8x2x64xi32, #tpu.memory_space<vmem>> -> memref<1x1x64xi32, #tpu.memory_space<vmem>>
        %dma_start3A_1221 = tpu.memref_squeeze %dma_start3A_1220 : memref<1x1x64xi32, #tpu.memory_space<vmem>> -> memref<64xi32, #tpu.memory_space<vmem>>
        %dma_start3A_1222 = arith.constant 0 : i32
        %dma_start3A_1223 = arith.constant 0 : i32
        %dma_start3A_1224 = tpu.memref_slice %arg3[%dma_start3A_1222, %dma_start3A_1223] : memref<20000x128xf32, #tpu.memory_space<hbm>> -> memref<20000x128xf32, #tpu.memory_space<hbm>>
        tpu.enqueue_indirect_dma source(%dma_start3A_1224 : memref<20000x128xf32, #tpu.memory_space<hbm>>) target(%arg14 : memref<64x128xf32, #tpu.memory_space<vmem>>) offsets(%dma_start3A_1221 : memref<64xi32, #tpu.memory_space<vmem>>) semaphore(%arg22 : memref<!tpu.dma_semaphore, #tpu.memory_space<semaphore_mem>>)
      } else {
      }
    }
    %scan3A_73 = arith.constant 5 : i32
    %dma_wait3A_74 = arith.constant 0 : i32
    %dma_wait3A_75 = arith.constant 1 : i32
    %dma_wait3A_76 = arith.constant 0 : i32
    %dma_wait3A_77 = tpu.memref_slice %arg7[%dma_wait3A_74, %dma_wait3A_75, %dma_wait3A_76] : memref<8x2x64xi32, #tpu.memory_space<vmem>> -> memref<1x1x64xi32, #tpu.memory_space<vmem>>
    %dma_wait3A_78 = tpu.memref_squeeze %dma_wait3A_77 : memref<1x1x64xi32, #tpu.memory_space<vmem>> -> memref<64xi32, #tpu.memory_space<vmem>>
    %dma_wait3A_79 = arith.constant 0 : i32
    %dma_wait3A_80 = arith.constant 0 : i32
    %dma_wait3A_81 = tpu.memref_slice %arg6[%dma_wait3A_79, %dma_wait3A_80] : memref<10008x128xf32, #tpu.memory_space<vmem_shared>> -> memref<10008x128xf32, #tpu.memory_space<vmem_shared>>
    tpu.wait_indirect_dma semaphore(%arg23 : memref<!tpu.dma_semaphore, #tpu.memory_space<semaphore_mem>>) src(%arg11 : memref<64x128xf32, #tpu.memory_space<vmem>>) dst(%dma_wait3A_81 : memref<10008x128xf32, #tpu.memory_space<vmem_shared>>)
    %dma_wait3A_82 = arith.constant 0 : i32
    %dma_wait3A_83 = arith.constant 1 : i32
    %dma_wait3A_84 = arith.constant 0 : i32
    %dma_wait3A_85 = tpu.memref_slice %arg7[%dma_wait3A_82, %dma_wait3A_83, %dma_wait3A_84] : memref<8x2x64xi32, #tpu.memory_space<vmem>> -> memref<1x1x64xi32, #tpu.memory_space<vmem>>
    %dma_wait3A_86 = tpu.memref_squeeze %dma_wait3A_85 : memref<1x1x64xi32, #tpu.memory_space<vmem>> -> memref<64xi32, #tpu.memory_space<vmem>>
    %dma_wait3A_87 = arith.constant 0 : i32
    %dma_wait3A_88 = arith.constant 0 : i32
    %dma_wait3A_89 = tpu.memref_slice %arg6[%dma_wait3A_87, %dma_wait3A_88] : memref<10008x128xf32, #tpu.memory_space<vmem_shared>> -> memref<10008x128xf32, #tpu.memory_space<vmem_shared>>
    tpu.wait_indirect_dma semaphore(%arg24 : memref<!tpu.dma_semaphore, #tpu.memory_space<semaphore_mem>>) src(%arg11 : memref<64x128xf32, #tpu.memory_space<vmem>>) dst(%dma_wait3A_89 : memref<10008x128xf32, #tpu.memory_space<vmem_shared>>)
    %dma_wait3A_90 = arith.constant 0 : i32
    %dma_wait3A_91 = arith.constant 1 : i32
    %dma_wait3A_92 = arith.constant 0 : i32
    %dma_wait3A_93 = tpu.memref_slice %arg7[%dma_wait3A_90, %dma_wait3A_91, %dma_wait3A_92] : memref<8x2x64xi32, #tpu.memory_space<vmem>> -> memref<1x1x64xi32, #tpu.memory_space<vmem>>
    %dma_wait3A_94 = tpu.memref_squeeze %dma_wait3A_93 : memref<1x1x64xi32, #tpu.memory_space<vmem>> -> memref<64xi32, #tpu.memory_space<vmem>>
    %dma_wait3A_95 = arith.constant 0 : i32
    %dma_wait3A_96 = arith.constant 0 : i32
    %dma_wait3A_97 = tpu.memref_slice %arg6[%dma_wait3A_95, %dma_wait3A_96] : memref<10008x128xf32, #tpu.memory_space<vmem_shared>> -> memref<10008x128xf32, #tpu.memory_space<vmem_shared>>
    tpu.wait_indirect_dma semaphore(%arg25 : memref<!tpu.dma_semaphore, #tpu.memory_space<semaphore_mem>>) src(%arg11 : memref<64x128xf32, #tpu.memory_space<vmem>>) dst(%dma_wait3A_97 : memref<10008x128xf32, #tpu.memory_space<vmem_shared>>)
    %dma_wait3A_98 = arith.constant 0 : i32
    %dma_wait3A_99 = arith.constant 1 : i32
    %dma_wait3A_100 = arith.constant 0 : i32
    %dma_wait3A_101 = tpu.memref_slice %arg7[%dma_wait3A_98, %dma_wait3A_99, %dma_wait3A_100] : memref<8x2x64xi32, #tpu.memory_space<vmem>> -> memref<1x1x64xi32, #tpu.memory_space<vmem>>
    %dma_wait3A_102 = tpu.memref_squeeze %dma_wait3A_101 : memref<1x1x64xi32, #tpu.memory_space<vmem>> -> memref<64xi32, #tpu.memory_space<vmem>>
    %dma_wait3A_103 = arith.constant 0 : i32
    %dma_wait3A_104 = arith.constant 0 : i32
    %dma_wait3A_105 = tpu.memref_slice %arg6[%dma_wait3A_103, %dma_wait3A_104] : memref<10008x128xf32, #tpu.memory_space<vmem_shared>> -> memref<10008x128xf32, #tpu.memory_space<vmem_shared>>
    tpu.wait_indirect_dma semaphore(%arg26 : memref<!tpu.dma_semaphore, #tpu.memory_space<semaphore_mem>>) src(%arg11 : memref<64x128xf32, #tpu.memory_space<vmem>>) dst(%dma_wait3A_105 : memref<10008x128xf32, #tpu.memory_space<vmem_shared>>)
    %barrier3A_106 = arith.constant 0 : index
    tpu.barrier barrier_id(%barrier3A_106)
    %add3A_107 = arith.addi %add3A, %select_n3A : i32
    %while3A_108 = arith.constant 0 : i32
    %while3A_109 = arith.subi %add3A_107, %add3A : i32
    %while3A_110 = arith.addi %add3A, %while3A_109 : i32
    %while3A_111 = arith.constant 1 : i32
    %while3A_112 = arith.divsi %while3A_109, %while3A_111 : i32
    %while3A_113 = arith.muli %while3A_112, %while3A_111 : i32
    %while3A_114 = arith.addi %add3A, %while3A_113 : i32
    %while3A_115 = arith.constant 1 : i32
    scf.for %while3A_117 = %add3A to %while3A_114 step %while3A_115  : i32 {
      %mul3A_118 = arith.constant 400 : i32
      %mul3A_119 = arith.muli %while3A_117, %mul3A_118 : i32
      %mul3A_120 = arith.constant 400 : i32
      %mul3A_121 = arith.muli %while3A_117, %mul3A_120 : i32
      "tpu.region"() ({
        %run_scoped3A = tpu.sem_alloc : memref<!tpu.dma_semaphore, #tpu.memory_space<semaphore_mem>>
        %dma_start3A_122 = arith.constant 0 : i32
        %dma_start3A_123 = tpu.memref_slice %arg5[%arg0, %mul3A_121, %dma_start3A_122] : memref<2x10000x128xf32, #tpu.memory_space<hbm>> -> memref<1x400x128xf32, #tpu.memory_space<hbm>>
        %dma_start3A_124 = tpu.memref_squeeze %dma_start3A_123 : memref<1x400x128xf32, #tpu.memory_space<hbm>> -> memref<400x128xf32, #tpu.memory_space<hbm>>
        %dma_start3A_125 = arith.constant 0 : i32
        %dma_start3A_126 = tpu.memref_slice %arg6[%mul3A_119, %dma_start3A_125] : memref<10008x128xf32, #tpu.memory_space<vmem_shared>> -> memref<400x128xf32, #tpu.memory_space<vmem_shared>>
        tpu.enqueue_dma source(%dma_start3A_126 : memref<400x128xf32, #tpu.memory_space<vmem_shared>>) target(%dma_start3A_124 : memref<400x128xf32, #tpu.memory_space<hbm>>) target_semaphore(%run_scoped3A : memref<!tpu.dma_semaphore, #tpu.memory_space<semaphore_mem>>)
        %dma_wait3A_127 = arith.constant 0 : i32
        %dma_wait3A_128 = tpu.memref_slice %arg5[%arg0, %mul3A_121, %dma_wait3A_127] : memref<2x10000x128xf32, #tpu.memory_space<hbm>> -> memref<1x400x128xf32, #tpu.memory_space<hbm>>
        %dma_wait3A_129 = tpu.memref_squeeze %dma_wait3A_128 : memref<1x400x128xf32, #tpu.memory_space<hbm>> -> memref<400x128xf32, #tpu.memory_space<hbm>>
        %dma_wait3A_130 = arith.constant 0 : i32
        %dma_wait3A_131 = tpu.memref_slice %arg6[%mul3A_119, %dma_wait3A_130] : memref<10008x128xf32, #tpu.memory_space<vmem_shared>> -> memref<400x128xf32, #tpu.memory_space<vmem_shared>>
        tpu.wait_dma2 semaphore(%run_scoped3A : memref<!tpu.dma_semaphore, #tpu.memory_space<semaphore_mem>>) src(%dma_wait3A_131 : memref<400x128xf32, #tpu.memory_space<vmem_shared>>) dst(%dma_wait3A_129 : memref<400x128xf32, #tpu.memory_space<hbm>>)
        tpu.yield
      }) : () -> ()
    }
    %while3A_116 = arith.constant 1 : i32
    scf.for %while3A_117 = %while3A_114 to %while3A_110 step %while3A_116  : i32 {
      %mul3A_118 = arith.constant 400 : i32
      %mul3A_119 = arith.muli %while3A_117, %mul3A_118 : i32
      %mul3A_120 = arith.constant 400 : i32
      %mul3A_121 = arith.muli %while3A_117, %mul3A_120 : i32
      "tpu.region"() ({
        %run_scoped3A = tpu.sem_alloc : memref<!tpu.dma_semaphore, #tpu.memory_space<semaphore_mem>>
        %dma_start3A_122 = arith.constant 0 : i32
        %dma_start3A_123 = tpu.memref_slice %arg5[%arg0, %mul3A_121, %dma_start3A_122] : memref<2x10000x128xf32, #tpu.memory_space<hbm>> -> memref<1x400x128xf32, #tpu.memory_space<hbm>>
        %dma_start3A_124 = tpu.memref_squeeze %dma_start3A_123 : memref<1x400x128xf32, #tpu.memory_space<hbm>> -> memref<400x128xf32, #tpu.memory_space<hbm>>
        %dma_start3A_125 = arith.constant 0 : i32
        %dma_start3A_126 = tpu.memref_slice %arg6[%mul3A_119, %dma_start3A_125] : memref<10008x128xf32, #tpu.memory_space<vmem_shared>> -> memref<400x128xf32, #tpu.memory_space<vmem_shared>>
        tpu.enqueue_dma source(%dma_start3A_126 : memref<400x128xf32, #tpu.memory_space<vmem_shared>>) target(%dma_start3A_124 : memref<400x128xf32, #tpu.memory_space<hbm>>) target_semaphore(%run_scoped3A : memref<!tpu.dma_semaphore, #tpu.memory_space<semaphore_mem>>)
        %dma_wait3A_127 = arith.constant 0 : i32
        %dma_wait3A_128 = tpu.memref_slice %arg5[%arg0, %mul3A_121, %dma_wait3A_127] : memref<2x10000x128xf32, #tpu.memory_space<hbm>> -> memref<1x400x128xf32, #tpu.memory_space<hbm>>
        %dma_wait3A_129 = tpu.memref_squeeze %dma_wait3A_128 : memref<1x400x128xf32, #tpu.memory_space<hbm>> -> memref<400x128xf32, #tpu.memory_space<hbm>>
        %dma_wait3A_130 = arith.constant 0 : i32
        %dma_wait3A_131 = tpu.memref_slice %arg6[%mul3A_119, %dma_wait3A_130] : memref<10008x128xf32, #tpu.memory_space<vmem_shared>> -> memref<400x128xf32, #tpu.memory_space<vmem_shared>>
        tpu.wait_dma2 semaphore(%run_scoped3A : memref<!tpu.dma_semaphore, #tpu.memory_space<semaphore_mem>>) src(%dma_wait3A_131 : memref<400x128xf32, #tpu.memory_space<vmem_shared>>) dst(%dma_wait3A_129 : memref<400x128xf32, #tpu.memory_space<hbm>>)
        tpu.yield
      }) : () -> ()
    }
    return
  }
}

module attributes {stable_mosaic.version = 14 : i64} {
  func.func @body(%arg0: i32, %arg1: i32, %arg2: memref<1x1000x128xf32, #tpu.memory_space<vmem>>, %arg3: memref<1000x1xf32, #tpu.memory_space<vmem>>, %arg4: memref<1000x128xf32, #tpu.memory_space<vmem>>) attributes {dimension_semantics = [#tpu.dimension_semantics<arbitrary>, #tpu.dimension_semantics<arbitrary>], iteration_bounds = array<i64: 2, 10>, scalar_prefetch = 0 : i64, scratch_operands = 0 : i64, tpu.core_type = #tpu.core_type<tc>, window_params = [{transform_indices = @transform_0, window_bounds = array<i64: 1, 1000, 128>}, {transform_indices = @transform_1, window_bounds = array<i64: 1000, 1>}, {transform_indices = @transform_2, window_bounds = array<i64: 1000, 128>}]} {
    %get3A = arith.constant 0 : index
    %get3A_0 = arith.constant 0 : index
    %get3A_1 = arith.constant 0 : index
    %get3A_2 = vector.load %arg2[%get3A, %get3A_0, %get3A_1] : memref<1x1000x128xf32, #tpu.memory_space<vmem>>, vector<1x1000x128xf32>
    %get3A_3 = vector.shape_cast %get3A_2 : vector<1x1000x128xf32> to vector<1000x128xf32>
    %get3A_4 = arith.constant 0 : index
    %get3A_5 = arith.constant 0 : index
    %get3A_6 = vector.load %arg3[%get3A_4, %get3A_5] : memref<1000x1xf32, #tpu.memory_space<vmem>>, vector<1000x1xf32>
    %mul3A = vector.broadcast %get3A_6 : vector<1000x1xf32> to vector<1000x128xf32>
    %mul3A_7 = arith.mulf %get3A_3, %mul3A : vector<1000x128xf32>
    %swap3A = arith.constant 0 : index
    %swap3A_8 = arith.constant 0 : index
    %swap3A_9 = vector.load %arg4[%swap3A, %swap3A_8] : memref<1000x128xf32, #tpu.memory_space<vmem>>, vector<1000x128xf32>
    tpu.vector_store %arg4[%swap3A, %swap3A_8], %mul3A_7 {strides = array<i32>} : memref<1000x128xf32, #tpu.memory_space<vmem>>, vector<1000x128xf32>,
    return
  }
  func.func @transform_0(%arg0: i32, %arg1: i32) -> (i32, i32, i32) {
    %c0_i32 = arith.constant 0 : i32
    %c0_i32_0 = arith.constant 0 : i32
    return %arg0, %arg1, %c0_i32 : i32, i32, i32
  }
  func.func @transform_1(%arg0: i32, %arg1: i32) -> (i32, i32) {
    %mul3A = arith.constant 10 : i32
    %mul3A_0 = arith.muli %arg0, %mul3A : i32
    %add3A = arith.addi %mul3A_0, %arg1 : i32
    %c0_i32 = arith.constant 0 : i32
    %c0_i32_1 = arith.constant 0 : i32
    return %add3A, %c0_i32 : i32, i32
  }
  func.func @transform_2(%arg0: i32, %arg1: i32) -> (i32, i32) {
    %mul3A = arith.constant 10 : i32
    %mul3A_0 = arith.muli %arg0, %mul3A : i32
    %add3A = arith.addi %mul3A_0, %arg1 : i32
    %c0_i32 = arith.constant 0 : i32
    %c0_i32_1 = arith.constant 0 : i32
    return %add3A, %c0_i32 : i32, i32
  }
}

module attributes {stable_mosaic.version = 14 : i64} {
  func.func @body(%arg0: i32, %arg1: memref<2x1000x128xf32, #tpu.memory_space<vmem>>, %arg2: memref<1000x128xf32, #tpu.memory_space<vmem>>, %arg3: memref<128x128xf32, #tpu.memory_space<vmem>>, %arg4: memref<1000x1xf32, #tpu.memory_space<vmem>>, %arg5: memref<1x2xf32, #tpu.memory_space<smem>>, %arg6: memref<1000x128xf32, #tpu.memory_space<vmem>>) attributes {dimension_semantics = [#tpu.dimension_semantics<arbitrary>], iteration_bounds = array<i64: 10>, scalar_prefetch = 0 : i64, scratch_operands = 0 : i64, tpu.core_type = #tpu.core_type<tc>, window_params = [{transform_indices = @transform_0, window_bounds = array<i64: 2, 1000, 128>}, {transform_indices = @transform_1, window_bounds = array<i64: 1000, 128>}, {pipeline_mode = #tpu.pipeline_mode<synchronous>, transform_indices = @transform_2, window_bounds = array<i64: 128, 128>}, {transform_indices = @transform_3, window_bounds = array<i64: 1000, 1>}, {transform_indices = @transform_4, window_bounds = array<i64: 1, 2>}, {transform_indices = @transform_5, window_bounds = array<i64: 1000, 128>}]} {
    %get3A = arith.constant 0 : index
    %get3A_0 = arith.constant 0 : index
    %get3A_1 = memref.load %arg5[%get3A, %get3A_0] : memref<1x2xf32, #tpu.memory_space<smem>>
    %get3A_2 = arith.constant 0 : index
    %get3A_3 = arith.constant 1 : index
    %get3A_4 = memref.load %arg5[%get3A_2, %get3A_3] : memref<1x2xf32, #tpu.memory_space<smem>>
    %get3A_5 = arith.constant 0 : index
    %get3A_6 = arith.constant 0 : index
    %get3A_7 = arith.constant 0 : index
    %get3A_8 = vector.load %arg1[%get3A_5, %get3A_6, %get3A_7] : memref<2x1000x128xf32, #tpu.memory_space<vmem>>, vector<1x1000x128xf32>
    %get3A_9 = vector.shape_cast %get3A_8 : vector<1x1000x128xf32> to vector<1000x128xf32>
    %get3A_10 = arith.constant 1 : index
    %get3A_11 = arith.constant 0 : index
    %get3A_12 = arith.constant 0 : index
    %get3A_13 = vector.load %arg1[%get3A_10, %get3A_11, %get3A_12] : memref<2x1000x128xf32, #tpu.memory_space<vmem>>, vector<1x1000x128xf32>
    %get3A_14 = vector.shape_cast %get3A_13 : vector<1x1000x128xf32> to vector<1000x128xf32>
    %add3A = arith.addf %get3A_9, %get3A_14 : vector<1000x128xf32>
    %sub3A = arith.constant 1.000000e+00 : f32
    %sub3A_15 = arith.subf %sub3A, %get3A_1 : f32
    %get3A_16 = arith.constant 0 : index
    %get3A_17 = arith.constant 0 : index
    %get3A_18 = vector.load %arg4[%get3A_16, %get3A_17] : memref<1000x1xf32, #tpu.memory_space<vmem>>, vector<1000x1xf32>
    %mul3A = vector.broadcast %get3A_18 : vector<1000x1xf32> to vector<1000x128xf32>
    %mul3A_19 = arith.mulf %add3A, %mul3A : vector<1000x128xf32>
    %mul3A_20 = vector.broadcast %sub3A_15 : f32 to vector<1000x128xf32>
    %mul3A_21 = arith.mulf %mul3A_20, %mul3A_19 : vector<1000x128xf32>
    %get3A_22 = arith.constant 0 : index
    %get3A_23 = arith.constant 0 : index
    %get3A_24 = vector.load %arg2[%get3A_22, %get3A_23] : memref<1000x128xf32, #tpu.memory_space<vmem>>, vector<1000x128xf32>
    %mul3A_25 = vector.broadcast %get3A_1 : f32 to vector<1000x128xf32>
    %mul3A_26 = arith.mulf %mul3A_25, %get3A_24 : vector<1000x128xf32>
    %add3A_27 = arith.addf %mul3A_21, %mul3A_26 : vector<1000x128xf32>
    %get3A_28 = arith.constant 0 : index
    %get3A_29 = arith.constant 0 : index
    %get3A_30 = vector.load %arg3[%get3A_28, %get3A_29] : memref<128x128xf32, #tpu.memory_space<vmem>>, vector<128x128xf32>
    %dot_general3A = arith.constant dense<0.000000e+00> : vector<1000x128xf32>
    %dot_general3A_31 = tpu.matmul %add3A_27, %get3A_30, %dot_general3A {dimension_numbers = #tpu.dot_dimension_numbers<[1], [0], [0], [1], [0, 0, 1, 1], [], []>, transpose_lhs_hint = false} : vector<1000x128xf32>, vector<128x128xf32>, vector<1000x128xf32> -> vector<1000x128xf32>
    %sub3A_32 = arith.constant 1.000000e+00 : f32
    %sub3A_33 = arith.subf %sub3A_32, %get3A_4 : f32
    %mul3A_34 = vector.broadcast %sub3A_33 : f32 to vector<1000x128xf32>
    %mul3A_35 = arith.mulf %mul3A_34, %add3A_27 : vector<1000x128xf32>
    %mul3A_36 = vector.broadcast %get3A_4 : f32 to vector<1000x128xf32>
    %mul3A_37 = arith.mulf %mul3A_36, %dot_general3A_31 : vector<1000x128xf32>
    %add3A_38 = arith.addf %mul3A_35, %mul3A_37 : vector<1000x128xf32>
    %swap3A = arith.constant 0 : index
    %swap3A_39 = arith.constant 0 : index
    %swap3A_40 = vector.load %arg6[%swap3A, %swap3A_39] : memref<1000x128xf32, #tpu.memory_space<vmem>>, vector<1000x128xf32>
    tpu.vector_store %arg6[%swap3A, %swap3A_39], %add3A_38 {strides = array<i32>} : memref<1000x128xf32, #tpu.memory_space<vmem>>, vector<1000x128xf32>,
    return
  }
  func.func @transform_0(%arg0: i32) -> (i32, i32, i32) {
    %c0_i32 = arith.constant 0 : i32
    %c0_i32_0 = arith.constant 0 : i32
    %c0_i32_1 = arith.constant 0 : i32
    return %c0_i32, %arg0, %c0_i32_0 : i32, i32, i32
  }
  func.func @transform_1(%arg0: i32) -> (i32, i32) {
    %c0_i32 = arith.constant 0 : i32
    %c0_i32_0 = arith.constant 0 : i32
    return %arg0, %c0_i32 : i32, i32
  }
  func.func @transform_2(%arg0: i32) -> (i32, i32) {
    %c0_i32 = arith.constant 0 : i32
    %c0_i32_0 = arith.constant 0 : i32
    %c0_i32_1 = arith.constant 0 : i32
    return %c0_i32, %c0_i32_0 : i32, i32
  }
  func.func @transform_3(%arg0: i32) -> (i32, i32) {
    %c0_i32 = arith.constant 0 : i32
    %c0_i32_0 = arith.constant 0 : i32
    return %arg0, %c0_i32 : i32, i32
  }
  func.func @transform_4(%arg0: i32) -> (i32, i32) {
    %c0_i32 = arith.constant 0 : i32
    %c0_i32_0 = arith.constant 0 : i32
    %c0_i32_1 = arith.constant 0 : i32
    return %c0_i32, %c0_i32_0 : i32, i32
  }
  func.func @transform_5(%arg0: i32) -> (i32, i32) {
    %c0_i32 = arith.constant 0 : i32
    %c0_i32_0 = arith.constant 0 : i32
    return %arg0, %c0_i32 : i32, i32
  }
}

</mosaic_0001>

<sc_bundles>
// kernel: kernel.6.cloned.1.call-start
scs
__scs_entry_jumppad:
0x0: {  	(pc) =	sbr.rel $0x88, $3  }
0x1: {  	(tag) =	ssettag $0x0;
	lr =	simm.s32 $0x1  }
0x2: {  	[smem:$0x3F98] =	sst lr;
	_ =	strace $0xD0000000  }
0x3: {  	_ = 	snop  }
0x4: {  	_ = 	snop  }
0x5: {  	_ = 	snop  }
0x6: {  	_ = 	snop  }
0x7: {  	_ = 	snop  }
__scs_overlays_trampoline_lowered:
0x8: {  	[smem:$0x3FA7] =	sst s0  }
0x9: {  	[smem:$0x3FA8] =	sst s1  }
0xa: {  	[smem:$0x3FA9] =	sst s2  }
0xb: {  	[smem:$0x3FAA] =	sst s3  }
0xc: {  	[smem:$0x3FAB] =	sst s4  }
0xd: {  	[smem:$0x3FAC] =	sst s5  }
0xe: {  	[smem:$0x3FAD] =	sst s6  }
0xf: {  	[smem:$0x3FAE] =	sst s7  }
0x10: {  	[smem:$0x3FAF] =	sst s8  }
0x11: {  	[smem:$0x3FB0] =	sst s9;
	s0 =	simm.s32 @!p0 $0x0  }
0x12: {  	s1 =	sld [smem:$0x3F96];
	s0 =	simm.s32 @p0 $0x1  }
0x13: {  	[smem:$0x3FB1] =	sst s0;
	s0 =	simm.s32 @!p1 $0x0  }
0x14: {  	s2 =	sld [smem:$0x3F95];
	s0 =	simm.s32 @p1 $0x1  }
0x15: {  	[smem:$0x3FB2] =	sst s0;
	s0 =	simm.s32 @!p2 $0x0  }
0x16: {  	s3 =	sld [smem:$0x3FDB];
	s0 =	simm.s32 @p2 $0x1  }
0x17: {  	s4 =	simm.s32 $0x1BF5;
	[smem:$0x3FB4] =	sst s0  }
0x18: {  	s0 =	sld [smem:$0x3F97];
	_ =	swait.ge [sflag:s4], $0x0  }
0x19: {  	s7 =	sld [smem:$0x3F98]  }
0x1a: {  	s8 =	sadd.s32 $0xFFFFE003, lr  }
0x1b: {  	s9 =	sadd.s32 $0xFFFFFEF7, lr;
	s5 =	simm.s32 $0xFFFFFFFF;
	p2 =	slt.u32 s8, $0xFFFFF086  }
0x1c: {  	p1 =	slt.u32 s9, $0xF7A;
	s5 =	simm.s32 @!p2 $0x0  }
0x1d: {  	s5 =	simm.s32 @p1 $0x1;
	p0 =	seq.s32 s7, s2  }
0x1e: {  	s7 =	smul.u32 @!p0 $0xF7A, s2;
	p2 =	seq.s32 @!p0 s5, $0x0  }
0x1f: {  	s9 =	smul.u32 $0xF7A, s1;
	s8 =	simm.s32 @!p0 $0x1BF5;
	p2 =	por !p2, p0  }
0x20: {  	[sflag:s8] =	ssyncset.s32 @!p0 $0xFFFFF086;
	s6 =	sadd.s32 @!p0 s3, s7;
	s7 =	simm.s32 @!p0 $0x108  }
0x21: {  	s3 =	sadd.s32 s3, s9;
	s6 =	sadd.s32 @!p0 $0x88, s6;
	s7 =	simm.s32 @p2 $0x1082  }
0x22: {  	[simem:s7], [sflag:s8] =	dma.local @!p0 [hbm:s6], $0xF7A  }
0x23: {  	s9 =	sor.u32 $0xD0000000, s2;
	s6 =	simm.s32 $0x108;
	_ =	swait.ge @!p0 [sflag:s8], $0x0  }
0x24: {  	s3 =	sadd.s32 $0x88, s3;
	s6 =	simm.s32 @!p1 $0x1082;
	[sflag:s4] =	ssyncset.s32 $0xFFFFF086  }
0x25: {  	[simem:s6], [sflag:s4] =	dma.local [hbm:s3], $0xF7A  }
0x26: {  	[smem:$0x3F98] =	sst s1;
	(tag) =	ssettag s2;
	_ =	strace s9  }
0x27: {  	s1 =	sld [smem:$0x3FA8]  }
0x28: {  	s2 =	sld [smem:$0x3FA9]  }
0x29: {  	s4 =	sld [smem:$0x3FAB]  }
0x2a: {  	p0 =	seq.s32 s5, $0x0;
	s5 =	sld [smem:$0x3FAC]  }
0x2b: {  	s6 =	sld [smem:$0x3FAD]  }
0x2c: {  	s7 =	sld [smem:$0x3FAE]  }
0x2d: {  	s3 =	simm.s32 $0x108;
	s8 =	sld [smem:$0x3FAF]  }
0x2e: {  	s3 =	simm.s32 @!p0 $0x1082;
	s9 =	sld [smem:$0x3FB0]  }
0x2f: {  	lr =	sadd.s32 s0, s3;
	s0 =	sld [smem:$0x3FA7]  }
0x30: {  	s3 =	sld [smem:$0x3FAA]  }
0x31: {  	[smem:$0x3FB3] =	sst s10  }
0x32: {  	s10 =	sld [smem:$0x3FB1];
	_ =	sdelay $0x3  }
0x33: {  	p0 =	seq.s32 s10, $0x1;
	s10 =	sld [smem:$0x3FB3];
	_ =	sdelay $0x3  }
0x34: {  	[smem:$0x3FB3] =	sst s10  }
0x35: {  	s10 =	sld [smem:$0x3FB2];
	_ =	sdelay $0x3  }
0x36: {  	p1 =	seq.s32 s10, $0x1;
	s10 =	sld [smem:$0x3FB3];
	_ =	sdelay $0x3  }
0x37: {  	[smem:$0x3FB3] =	sst s10  }
0x38: {  	s10 =	sld [smem:$0x3FB4]  }
0x39: {  	_ = 	snop;
	(pc) =	sbr.ind lr, $3  }
0x3a: {  	_ = 	snop  }
0x3b: {  	_ = 	snop  }
0x3c: {  	p2 =	seq.s32 s10, $0x1;
	s10 =	sld [smem:$0x3FB3]  }
0x3d: {  	_ =	shalt  }
0x3e: {  	_ =	shalt  }
0x3f: {  	_ =	shalt  }
0x40: {  	_ =	shalt  }
0x41: {  	_ =	shalt  }
0x42: {  	_ =	shalt  }
0x43: {  	_ =	shalt  }
0x44: {  	_ =	shalt  }
0x45: {  	_ =	shalt  }
0x46: {  	_ =	shalt  }
0x47: {  	_ =	shalt  }
0x48: {  	_ =	shalt  }
0x49: {  	_ =	shalt  }
0x4a: {  	_ =	shalt  }
0x4b: {  	_ =	shalt  }
0x4c: {  	_ =	shalt  }
0x4d: {  	_ =	shalt  }
0x4e: {  	_ =	shalt  }
0x4f: {  	_ =	shalt  }
0x50: {  	_ =	shalt  }
0x51: {  	_ =	shalt  }
0x52: {  	_ =	shalt  }
0x53: {  	_ =	shalt  }
0x54: {  	_ =	shalt  }
0x55: {  	_ =	shalt  }
0x56: {  	_ =	shalt  }
0x57: {  	_ =	shalt  }
0x58: {  	_ =	shalt  }
0x59: {  	_ =	shalt  }
0x5a: {  	_ =	shalt  }
0x5b: {  	_ =	shalt  }
0x5c: {  	_ =	shalt  }
0x5d: {  	_ =	shalt  }
0x5e: {  	_ =	shalt  }
0x5f: {  	_ =	shalt  }
0x60: {  	_ =	shalt  }
0x61: {  	_ =	shalt  }
0x62: {  	_ =	shalt  }
0x63: {  	_ =	shalt  }
0x64: {  	_ =	shalt  }
0x65: {  	_ =	shalt  }
0x66: {  	_ =	shalt  }
0x67: {  	_ =	shalt  }
0x68: {  	_ =	shalt  }
0x69: {  	_ =	shalt  }
0x6a: {  	_ =	shalt  }
0x6b: {  	_ =	shalt  }
0x6c: {  	_ =	shalt  }
0x6d: {  	_ =	shalt  }
0x6e: {  	_ =	shalt  }
0x6f: {  	_ =	shalt  }
0x70: {  	_ =	shalt  }
0x71: {  	_ =	shalt  }
0x72: {  	_ =	shalt  }
0x73: {  	_ =	shalt  }
0x74: {  	_ =	shalt  }
0x75: {  	_ =	shalt  }
0x76: {  	_ =	shalt  }
0x77: {  	_ =	shalt  }
0x78: {  	_ =	shalt  }
0x79: {  	_ =	shalt  }
0x7a: {  	_ =	shalt  }
0x7b: {  	_ =	shalt  }
0x7c: {  	_ =	shalt  }
0x7d: {  	_ =	shalt  }
0x7e: {  	_ =	shalt  }
0x7f: {  	_ =	shalt  }
0x80: {  	_ =	shalt  }
0x81: {  	_ =	shalt  }
0x82: {  	_ =	shalt  }
0x83: {  	_ =	shalt  }
0x84: {  	_ =	shalt  }
0x85: {  	_ =	shalt  }
0x86: {  	_ =	shalt  }
0x87: {  	_ =	shalt  }
.Lfunc_end0:
.L_simem_size_0:
called_computation_lowered:
.L_overlay_start_0:
0x88: {  	s2 =	sld [smem:$0x3FD9]  }
0x89: {  	s3 =	sld [smem:$0x3FFE];
	_ =	sdelay $0x1  }
0x8a: {  	s1 =	srdreg.scid  }
0x8b: {  	s0 =	sand.u32 $0x1, s1  }
0x8c: {  	s17 =	sshll.u32 s0, $0xA;
	s2 =	sadd.s32 s3, s2  }
0x8d: {  	s2 =	sadd.s32 s2, s17  }
0x8e: {  	[smem:$0x3FBF] =	sst s2  }
0x8f: {  	_ = 	snop  }
0x90: {  	s2 =	sld [smem:$0x3FC9];
	(tm) =	ssettm $0x1  }
0x91: {  	s18 =	sld [smem:$0x3FFB];
	_ =	sdelay $0x3  }
0x92: {  	_ =	strace s18  }
0x93: {  	s3 =	sld [smem:$0x3FFC];
	_ =	sdelay $0x3  }
0x94: {  	_ =	strace s3  }
0x95: {  	s3 =	sld [smem:$0x3FFD];
	_ =	sdelay $0x3  }
0x96: {  	_ =	strace s3  }
0x97: {  	_ =	strace $0x8FFFFFFF  }
0x98: {  	s19 =	sld [smem:$0x3FDB];
	_ =	sdelay $0x1  }
0x99: {  	s4 =	simm.s32 $_scs_section_size  }
0x9a: {  	s5 =	simm.s32 $_size__tile_overlayer_lowered;
	s6 =	simm.s32 $_tile_overlayer_lowered  }
0x9b: {  	s22 =	simm.s32 $0x1BFF;
	s21 =	sshll.u32 s6, $0x1;
	s3 =	sadd.s32 s4, s19  }
0x9c: {  	s7 =	simm.s32 $0x0;
	s20 =	sshll.u32 s5, $0x1;
	s5 =	sadd.s32 s21, s3  }
0x9d: {  	[timem:s7], [sflag:s22] =	dma.local [hbm:s5], s20  }
0x9e: {  	_ =	swait.ge [sflag:s22], s20  }
0x9f: {  	s4 =	ssub.s32 $0x0, s20;
	[sflag:s22] =	ssyncset.done $0x0  }
0xa0: {  	[sflag:s22] =	ssyncadd.s32 s4;
	_ =	sdelay $0x1  }
0xa1: {  	s23 =	simm.s32 $0x1B8B  }
0xa2: {  	_ =	swait.ge [sflag:s23], $0x1  }
0xa3: {  	[sflag:s23] =	ssyncset.done $0x0  }
0xa4: {  	s25 =	simm.s32 $0x1B8E;
	s24 =	sld [smem:$0x3FFE];
	[sflag:s23] =	ssyncadd.s32 $0xFFFFFFFF  }
0xa5: {  	s26 =	simm.s32 $execute0_lowered;
	[smem:$0x3FD2] =	sst s25  }
0xa6: {  	s5 =	sshll.u32 s26, $0x1;
	_ =	strace $0x80000046;
	[dreg:$0x1] =	wrdreg $0xFFFFFFFF  }
0xa7: {  	s28 =	simm.s32 $_size_execute0_lowered;
	s3 =	sadd.s32 s3, s5;
	[dreg:$0x0] =	wrdreg $0x0  }
0xa8: {  	s5 =	sshll.u32 s28, $0x1;
	[dreg:$0x2] =	wrdreg s3  }
0xa9: {  	[dreg:$0x3] =	wrdreg s5  }
0xaa: {  	[dreg:$0x4] =	wrdreg $0xC0  }
0xab: {  	_ =	task [dreg:s7], $0x5FFFF  }
0xac: {  	[dreg:$0x1] =	wrdreg $0xFFFFFFFF  }
0xad: {  	[dreg:$0x0] =	wrdreg $0x60  }
0xae: {  	[dreg:$0x2] =	wrdreg s24  }
0xaf: {  	[dreg:$0x3] =	wrdreg s2  }
0xb0: {  	[dreg:$0x4] =	wrdreg $0x0  }
0xb1: {  	[dreg:$0x5] =	wrdreg $0x9  }
0xb2: {  	_ =	task.clear_ibuf [dreg:s7], $0x6FFFF;
	_ =	strace $0x90000046  }
0xb3: {  	s29 =	simm.s32 $0x9;
	_ =	strace $0x80000048  }
0xb4: {  	_ =	swait.ge [sflag:s29], $0x1  }
0xb5: {  	[sflag:s29] =	ssyncadd.s32 $0xFFFFFFFF  }
0xb6: {  	_ =	strace $0x90000048  }
0xb7: {  	_ =	sfence  }
0xb8: {  	s30 =	sld [smem:$0x0];
	_ =	sdelay $0x2  }
0xb9: {  	s31 =	sshll.u32 s1, $0xD;
	s1 =	sshrl.u32 s1, $0x2  }
0xba: {  	s3 =	sand.u32 $0x4000, s31;
	s1 =	sadd.s32 s1, s30  }
0xbb: {  	s0 =	sor.u32 s3, s0;
	s1 =	sshll.u32 s1, $0x11  }
0xbc: {  	s0 =	sor.u32 s1, s0  }
0xbd: {  	s0 =	sadd.s32 $0x8F2B, s0  }
0xbe: {  	[sflag:s0] =	ssyncadd.remote.s32 $0x1  }
0xbf: {  	_ =	sfence.sel $0xFFFF  }
0xc0: {  	[dreg:$0x0] =	wrdreg $0xFFFFFFFF;
	(pc) =	sbr.abs _section_cstart, $3  }
0xc1: {  	[dreg:$0x1] =	wrdreg $0xFFFFFFFF  }
0xc2: {  	_ =	task.clear_ibuf [dreg:s7], $0x2FFFF;
	_ =	strace $0x9FFFFFFF  }
0xc3: {  	(tm) =	ssettm $0x7FFFFFFF  }
tec
execute0_lowered:
.L_overlay_start_1:
0x0: {  	(tag) =	ssettag $0x1  }
0x1: {  	s0 =	rddreg [dreg:$0x0]  }
0x2: {  	s2 =	rddreg [dreg:$0x1]  }
0x3: {  	s3 =	rddreg [dreg:$0x2];
	s1 =	srdreg.scid  }
0x4: {  	s12 =	stileid.u32;
	s4 =	simm.s32 $0x0;
	s9 =	simm.s32 $0x2  }
0x5: {  	s29 =	simm.s32 $0x1A8C0;
	s30 =	simm.s32 $0x13CC0;
	s31 =	simm.s32 $0x5  }
0x6: {  	s28 =	simm.s32 $0x8;
	s14 =	simm.s32 $0x0;
	s1 =	sand.u32 $0x1, s1  }
0x7: {  	s5 =	smin.u32 s12, $0x9;
	[smem:$0x7FF] =	sst s4;
	s10 =	sadd.s32 $0x1E00, s0  }
0x8: {  	s6 =	sadd.s32 $0x29E00, s0;
	p0 =	slt.u32 s12, $0x9;
	s11 =	smul.u32 $0xA000, s12  }
0x9: {  	s19 =	sshll.u32 s12, $0x6;
	s16 =	sadd.s32 s12, s5;
	s15 =	smul.u32 $0x138800, s1  }
0xa: {  	_ =	strace $0x80000047;
	s17 =	ssub.s32 $0x2, s1;
	s1 =	smul.u32 $0xA0000, s1  }
0xb: {  	s9 =	simm.s32 @!p0 $0x1;
	s12 =	simm.s32 $0xB;
	s7 =	smul.u32 $0xC800, s16  }
0xc: {  	s8 =	sshrl.u32 s17, $0x1;
	s20 =	smul.u32 $0x32000, s16;
	[dreg:$0x4] =	wrdreg s16  }
0xd: {  	s18 =	ssub.s32 s17, s8;
	s8 =	sadd.s32 s9, s16;
	s1 =	sadd.s32 s11, s1  }
0xe: {  	s9 =	sor.u32 $0x1C0D, s19;
	s19 =	simm.s32 $0xA;
	s5 =	sadd.s32 s7, s15  }
0xf: {  	s7 =	simm.s32 $0x2;
	s11 =	sshrl.u32 s1, $0x3;
	s21 =	sor.u32 $0x1000, s1  }
0x10: {  	s22 =	sshrl.u32 s20, $0x2;
	s24 =	sor.u32 $0xC00, s1;
	s25 =	sor.u32 $0x800, s1  }
0x11: {  	s1 =	sor.u32 $0x400, s1;
	s20 =	simm.s32 $0x144C0;
	s5 =	sshrl.u32 s5, $0x3  }
0x12: {  	s11 =	sadd.s32 s10, s11;
	s26 =	sshrl.u32 s25, $0x3;
	s1 =	sshrl.u32 s1, $0x3  }
0x13: {  	s25 =	simm.s32 $0x140C0;
	s0 =	sadd.s32 s5, s0;
	[dreg:$0x5] =	wrdreg s11  }
0x14: {  	s5 =	smax.u32 s18, $0x1;
	s11 =	sshrl.u32 s21, $0x3;
	s1 =	sadd.s32 s1, s10  }
0x15: {  	s18 =	simm.s32 $0xD;
	s21 =	simm.s32 $0x40;
	[dreg:$0x6] =	wrdreg s5  }
0x16: {  	s5 =	sadd.s32 s22, s3;
	s23 =	sadd.s32 s11, s10;
	[dreg:$0xb] =	wrdreg s1  }
0x17: {  	s0 =	sadd.s32 $0x2B800, s0;
	s22 =	simm.s32 $0x148C0;
	[dreg:$0x7] =	wrdreg s5  }
0x18: {  	s1 =	simm.s32 $0x9;
	s11 =	simm.s32 $0x3;
	[dreg:$0x8] =	wrdreg s23  }
0x19: {  	s5 =	sshrl.u32 s24, $0x3;
	[dreg:$0xc] =	wrdreg s0;
	s24 =	simm.s32 $0x168C0  }
0x1a: {  	s23 =	simm.s32 $0xC;
	s0 =	simm.s32 $0x4;
	s5 =	sadd.s32 s5, s10  }
0x1b: {  	[dreg:$0x9] =	wrdreg s5;
	s5 =	sadd.s32 s26, s10;
	s26 =	simm.s32 $0x188C0  }
0x1c: {  	s10 =	simm.s32 $0x6;
	[dreg:$0xa] =	wrdreg s5;
	s5 =	simm.s32 $0x7  }
.LBB2_1:
0x1d: {  	s17 =	sadd.s32 $0x1, s16  }
0x1e: {  	s13 =	rddreg [dreg:$0x7];
	p0 =	slt.u32 s17, s8  }
.Ltmp0:
0x1f: {  	[dreg:$0xd] =	wrdreg s14;
	s16 =	sshrl.u32 s13, $0x3;
	(pc) =	sbr.rel @!p0 .LBB2_3-.Ltmp0, $4  }
0x20: {  	[dreg:$0xe] =	wrdreg s16  }
0x21: {  	[spmem:s16], [sflag:s9] =	dma.local [hbm:s6], $0x1900  }
0x22: {  	_ =	swait.ge [sflag:s18], $0x1900  }
0x23: {  	[sflag:s18] =	ssyncset.done $0x0  }
.LBB2_2:
0x24: {  	s17 =	sadd.s32 $0x1, s17  }
0x25: {  	[sflag:s18] =	ssyncadd.s32 $0xFFFFE700;
	s13 =	sadd.s32 $0xC800, s13;
	p0 =	slt.u32 s17, s8  }
.Ltmp1:
0x26: {  	(pc) =	sbr.rel @p0 .LBB2_2-.Ltmp1, $4  }
0x27: {  	s14 =	sshrl.u32 s13, $0x3  }
0x28: {  	[spmem:s14], [sflag:s9] =	dma.local [hbm:s6], $0x1900  }
0x29: {  	_ =	swait.ge [sflag:s18], $0x1900  }
0x2a: {  	[sflag:s18] =	ssyncset.done $0x0  }
.LBB2_3:
0x2b: {  	[sflag:s18] =	ssyncadd.s32 $0xFFFFE700  }
0x2c: {  	s17 =	simm.s32 $0x0;
	[bflag:$0x0] =	sbarrier.arrive $0xFFFF  }
0x2d: {  	s14 =	simm.s32 $0x138C0;
	s16 =	simm.s32 $0x1;
	s13 =	rddreg [dreg:$0x5]  }
0x2e: {  	[tilespmem:s14], [sflag:$0x1] =	stream.linear.gather [hbm4b:s13+s17], $0x400, $0x38;
	[tilespmem:$0x1C8C0] =	vst v63  }
0x2f: {  	_ =	swait.ge [sflag:s16], $0x400  }
0x30: {  	[sflag:s16] =	ssyncset.done $0x0  }
0x31: {  	[sflag:s16] =	ssyncadd.s32 $0xFFFFFC00  }
0x32: {  	[tilespmem:s22], [sflag:$0x5] =	stream.indirect.gather [hbm4b:s2+s21], $0x80, s14, s21, $0xb8;
	[tilespmem:$0x1C8C0] =	vst v63  }
0x33: {  	s14 =	simm.s32 $0x13940  }
0x34: {  	[tilespmem:s24], [sflag:$0x6] =	stream.indirect.gather [hbm4b:s2+s21], $0x80, s14, s21, $0xb8;
	[tilespmem:$0x1C8C0] =	vst v63  }
0x35: {  	s15 =	simm.s32 $0x139C0  }
0x36: {  	[tilespmem:s26], [sflag:$0x7] =	stream.indirect.gather [hbm4b:s2+s21], $0x80, s15, s21, $0xb8;
	[tilespmem:$0x1C8C0] =	vst v63  }
0x37: {  	s16 =	simm.s32 $0x13A40  }
0x38: {  	[tilespmem:s29], [sflag:$0x8] =	stream.indirect.gather [hbm4b:s2+s21], $0x80, s16, s21, $0xb8;
	[tilespmem:$0x1C8C0] =	vst v63  }
.LBB2_4:
0x39: {  	s13 =	rddreg [dreg:$0xb]  }
0x3a: {  	s13 =	sadd.s32 s17, s13  }
0x3b: {  	[tilespmem:s30], [sflag:$0x2] =	stream.linear.gather [hbm4b:s13+s4], $0x400, $0x38;
	[tilespmem:$0x1C8C0] =	vst v63  }
0x3c: {  	_ =	swait.ge [sflag:s31], $0x2000  }
0x3d: {  	[sflag:s31] =	ssyncset.done $0x0  }
0x3e: {  	s15 =	simm.s32 $0x13900;
	[sflag:s31] =	ssyncadd.s32 $0xFFFFE000  }
0x3f: {  	[spmem:s3] =	stream.indirect.scatter.add.f32 [tilespmem:s22], [sflag:$0x9], $0x80, s15, s21, $0xb8;
	[tilespmem:$0x1C8C0] =	vst v63  }
0x40: {  	_ =	swait.ge [sflag:s1], $0x2000  }
0x41: {  	[sflag:s1] =	ssyncset.done $0x0  }
0x42: {  	s16 =	simm.s32 $0x13AC0;
	[sflag:s1] =	ssyncadd.s32 $0xFFFFE000  }
0x43: {  	[tilespmem:s22], [sflag:$0x5] =	stream.indirect.gather [hbm4b:s2+s21], $0x80, s16, s21, $0xb8;
	[tilespmem:$0x1C8C0] =	vst v63  }
0x44: {  	_ =	swait.ge [sflag:s10], $0x2000  }
0x45: {  	[sflag:s10] =	ssyncset.done $0x0  }
0x46: {  	s14 =	simm.s32 $0x13980;
	[sflag:s10] =	ssyncadd.s32 $0xFFFFE000  }
0x47: {  	[spmem:s3] =	stream.indirect.scatter.add.f32 [tilespmem:s24], [sflag:$0xA], $0x80, s14, s21, $0xb8;
	[tilespmem:$0x1C8C0] =	vst v63  }
0x48: {  	_ =	swait.ge [sflag:s19], $0x2000  }
0x49: {  	[sflag:s19] =	ssyncset.done $0x0  }
0x4a: {  	s15 =	simm.s32 $0x13B40;
	[sflag:s19] =	ssyncadd.s32 $0xFFFFE000  }
0x4b: {  	[tilespmem:s24], [sflag:$0x6] =	stream.indirect.gather [hbm4b:s2+s21], $0x80, s15, s21, $0xb8;
	[tilespmem:$0x1C8C0] =	vst v63  }
0x4c: {  	_ =	swait.ge [sflag:s5], $0x2000  }
0x4d: {  	[sflag:s5] =	ssyncset.done $0x0  }
0x4e: {  	s16 =	simm.s32 $0x13A00;
	[sflag:s5] =	ssyncadd.s32 $0xFFFFE000  }
0x4f: {  	[spmem:s3] =	stream.indirect.scatter.add.f32 [tilespmem:s26], [sflag:$0xB], $0x80, s16, s21, $0xb8;
	[tilespmem:$0x1C8C0] =	vst v63  }
0x50: {  	_ =	swait.ge [sflag:s12], $0x2000  }
0x51: {  	[sflag:s12] =	ssyncset.done $0x0  }
0x52: {  	s14 =	simm.s32 $0x13BC0;
	[sflag:s12] =	ssyncadd.s32 $0xFFFFE000  }
0x53: {  	[tilespmem:s26], [sflag:$0x7] =	stream.indirect.gather [hbm4b:s2+s21], $0x80, s14, s21, $0xb8;
	[tilespmem:$0x1C8C0] =	vst v63  }
0x54: {  	_ =	swait.ge [sflag:s28], $0x2000  }
0x55: {  	[sflag:s28] =	ssyncset.done $0x0  }
0x56: {  	s15 =	simm.s32 $0x13A80;
	[sflag:s28] =	ssyncadd.s32 $0xFFFFE000  }
0x57: {  	[spmem:s3] =	stream.indirect.scatter.add.f32 [tilespmem:s29], [sflag:$0xC], $0x80, s15, s21, $0xb8;
	[tilespmem:$0x1C8C0] =	vst v63  }
0x58: {  	_ =	swait.ge [sflag:s23], $0x2000  }
0x59: {  	[sflag:s23] =	ssyncset.done $0x0  }
0x5a: {  	s16 =	simm.s32 $0x13C40;
	[sflag:s23] =	ssyncadd.s32 $0xFFFFE000  }
0x5b: {  	[tilespmem:s29], [sflag:$0x8] =	stream.indirect.gather [hbm4b:s2+s21], $0x80, s16, s21, $0xb8;
	[tilespmem:$0x1C8C0] =	vst v63  }
0x5c: {  	_ =	swait.ge [sflag:s31], $0x2000  }
0x5d: {  	[sflag:s31] =	ssyncset.done $0x0  }
0x5e: {  	s14 =	simm.s32 $0x13B00;
	[sflag:s31] =	ssyncadd.s32 $0xFFFFE000  }
0x5f: {  	[spmem:s3] =	stream.indirect.scatter.add.f32 [tilespmem:s22], [sflag:$0x9], $0x80, s14, s21, $0xb8;
	[tilespmem:$0x1C8C0] =	vst v63  }
0x60: {  	_ =	swait.ge [sflag:s7], $0x400  }
0x61: {  	[sflag:s7] =	ssyncset.done $0x0  }
0x62: {  	[sflag:s7] =	ssyncadd.s32 $0xFFFFFC00  }
0x63: {  	_ =	swait.ge [sflag:s1], $0x2000  }
0x64: {  	[sflag:s1] =	ssyncset.done $0x0  }
0x65: {  	[sflag:s1] =	ssyncadd.s32 $0xFFFFE000  }
0x66: {  	[tilespmem:s22], [sflag:$0x5] =	stream.indirect.gather [hbm4b:s2+s21], $0x80, s30, s21, $0xb8;
	[tilespmem:$0x1C8C0] =	vst v63  }
0x67: {  	_ =	swait.ge [sflag:s10], $0x2000  }
0x68: {  	[sflag:s10] =	ssyncset.done $0x0  }
0x69: {  	s15 =	simm.s32 $0x13B80;
	[sflag:s10] =	ssyncadd.s32 $0xFFFFE000  }
0x6a: {  	[spmem:s3] =	stream.indirect.scatter.add.f32 [tilespmem:s24], [sflag:$0xA], $0x80, s15, s21, $0xb8;
	[tilespmem:$0x1C8C0] =	vst v63  }
0x6b: {  	_ =	swait.ge [sflag:s19], $0x2000  }
0x6c: {  	[sflag:s19] =	ssyncset.done $0x0  }
0x6d: {  	s16 =	simm.s32 $0x13D40;
	[sflag:s19] =	ssyncadd.s32 $0xFFFFE000  }
0x6e: {  	[tilespmem:s24], [sflag:$0x6] =	stream.indirect.gather [hbm4b:s2+s21], $0x80, s16, s21, $0xb8;
	[tilespmem:$0x1C8C0] =	vst v63  }
0x6f: {  	_ =	swait.ge [sflag:s5], $0x2000  }
0x70: {  	[sflag:s5] =	ssyncset.done $0x0  }
0x71: {  	s14 =	simm.s32 $0x13C00;
	[sflag:s5] =	ssyncadd.s32 $0xFFFFE000  }
0x72: {  	[spmem:s3] =	stream.indirect.scatter.add.f32 [tilespmem:s26], [sflag:$0xB], $0x80, s14, s21, $0xb8;
	[tilespmem:$0x1C8C0] =	vst v63  }
0x73: {  	_ =	swait.ge [sflag:s12], $0x2000  }
0x74: {  	[sflag:s12] =	ssyncset.done $0x0  }
0x75: {  	s15 =	simm.s32 $0x13DC0;
	[sflag:s12] =	ssyncadd.s32 $0xFFFFE000  }
0x76: {  	[tilespmem:s26], [sflag:$0x7] =	stream.indirect.gather [hbm4b:s2+s21], $0x80, s15, s21, $0xb8;
	[tilespmem:$0x1C8C0] =	vst v63  }
0x77: {  	_ =	swait.ge [sflag:s28], $0x2000  }
0x78: {  	[sflag:s28] =	ssyncset.done $0x0  }
0x79: {  	s16 =	simm.s32 $0x13C80;
	[sflag:s28] =	ssyncadd.s32 $0xFFFFE000  }
0x7a: {  	[spmem:s3] =	stream.indirect.scatter.add.f32 [tilespmem:s29], [sflag:$0xC], $0x80, s16, s21, $0xb8;
	[tilespmem:$0x1C8C0] =	vst v63  }
0x7b: {  	_ =	swait.ge [sflag:s23], $0x2000  }
0x7c: {  	[sflag:s23] =	ssyncset.done $0x0  }
0x7d: {  	s14 =	simm.s32 $0x13E40;
	s15 =	rddreg [dreg:$0xa];
	[sflag:s23] =	ssyncadd.s32 $0xFFFFE000  }
0x7e: {  	[tilespmem:s29], [sflag:$0x8] =	stream.indirect.gather [hbm4b:s2+s21], $0x80, s14, s21, $0xb8;
	[tilespmem:$0x1C8C0] =	vst v63  }
0x7f: {  	s13 =	sadd.s32 s17, s15  }
0x80: {  	[tilespmem:s25], [sflag:$0x3] =	stream.linear.gather [hbm4b:s13+s4], $0x400, $0x38;
	[tilespmem:$0x1C8C0] =	vst v63  }
0x81: {  	_ =	swait.ge [sflag:s31], $0x2000  }
0x82: {  	[sflag:s31] =	ssyncset.done $0x0  }
0x83: {  	s16 =	simm.s32 $0x13D00;
	[sflag:s31] =	ssyncadd.s32 $0xFFFFE000  }
0x84: {  	[spmem:s3] =	stream.indirect.scatter.add.f32 [tilespmem:s22], [sflag:$0x9], $0x80, s16, s21, $0xb8;
	[tilespmem:$0x1C8C0] =	vst v63  }
0x85: {  	_ =	swait.ge [sflag:s1], $0x2000  }
0x86: {  	[sflag:s1] =	ssyncset.done $0x0  }
0x87: {  	s14 =	simm.s32 $0x13EC0;
	[sflag:s1] =	ssyncadd.s32 $0xFFFFE000  }
0x88: {  	[tilespmem:s22], [sflag:$0x5] =	stream.indirect.gather [hbm4b:s2+s21], $0x80, s14, s21, $0xb8;
	[tilespmem:$0x1C8C0] =	vst v63  }
0x89: {  	_ =	swait.ge [sflag:s10], $0x2000  }
0x8a: {  	[sflag:s10] =	ssyncset.done $0x0  }
0x8b: {  	s15 =	simm.s32 $0x13D80;
	[sflag:s10] =	ssyncadd.s32 $0xFFFFE000  }
0x8c: {  	[spmem:s3] =	stream.indirect.scatter.add.f32 [tilespmem:s24], [sflag:$0xA], $0x80, s15, s21, $0xb8;
	[tilespmem:$0x1C8C0] =	vst v63  }
0x8d: {  	_ =	swait.ge [sflag:s19], $0x2000  }
0x8e: {  	[sflag:s19] =	ssyncset.done $0x0  }
0x8f: {  	s16 =	simm.s32 $0x13F40;
	[sflag:s19] =	ssyncadd.s32 $0xFFFFE000  }
0x90: {  	[tilespmem:s24], [sflag:$0x6] =	stream.indirect.gather [hbm4b:s2+s21], $0x80, s16, s21, $0xb8;
	[tilespmem:$0x1C8C0] =	vst v63  }
0x91: {  	_ =	swait.ge [sflag:s5], $0x2000  }
0x92: {  	[sflag:s5] =	ssyncset.done $0x0  }
0x93: {  	s14 =	simm.s32 $0x13E00;
	[sflag:s5] =	ssyncadd.s32 $0xFFFFE000  }
0x94: {  	[spmem:s3] =	stream.indirect.scatter.add.f32 [tilespmem:s26], [sflag:$0xB], $0x80, s14, s21, $0xb8;
	[tilespmem:$0x1C8C0] =	vst v63  }
0x95: {  	_ =	swait.ge [sflag:s12], $0x2000  }
0x96: {  	[sflag:s12] =	ssyncset.done $0x0  }
0x97: {  	s15 =	simm.s32 $0x13FC0;
	[sflag:s12] =	ssyncadd.s32 $0xFFFFE000  }
0x98: {  	[tilespmem:s26], [sflag:$0x7] =	stream.indirect.gather [hbm4b:s2+s21], $0x80, s15, s21, $0xb8;
	[tilespmem:$0x1C8C0] =	vst v63  }
0x99: {  	_ =	swait.ge [sflag:s28], $0x2000  }
0x9a: {  	[sflag:s28] =	ssyncset.done $0x0  }
0x9b: {  	s16 =	simm.s32 $0x13E80;
	[sflag:s28] =	ssyncadd.s32 $0xFFFFE000  }
0x9c: {  	[spmem:s3] =	stream.indirect.scatter.add.f32 [tilespmem:s29], [sflag:$0xC], $0x80, s16, s21, $0xb8;
	[tilespmem:$0x1C8C0] =	vst v63  }
0x9d: {  	_ =	swait.ge [sflag:s23], $0x2000  }
0x9e: {  	[sflag:s23] =	ssyncset.done $0x0  }
0x9f: {  	s14 =	simm.s32 $0x14040;
	[sflag:s23] =	ssyncadd.s32 $0xFFFFE000  }
0xa0: {  	[tilespmem:s29], [sflag:$0x8] =	stream.indirect.gather [hbm4b:s2+s21], $0x80, s14, s21, $0xb8;
	[tilespmem:$0x1C8C0] =	vst v63  }
0xa1: {  	_ =	swait.ge [sflag:s31], $0x2000  }
0xa2: {  	[sflag:s31] =	ssyncset.done $0x0  }
0xa3: {  	s15 =	simm.s32 $0x13F00;
	[sflag:s31] =	ssyncadd.s32 $0xFFFFE000  }
0xa4: {  	[spmem:s3] =	stream.indirect.scatter.add.f32 [tilespmem:s22], [sflag:$0x9], $0x80, s15, s21, $0xb8;
	[tilespmem:$0x1C8C0] =	vst v63  }
0xa5: {  	_ =	swait.ge [sflag:s11], $0x400  }
0xa6: {  	[sflag:s11] =	ssyncset.done $0x0  }
0xa7: {  	[sflag:s11] =	ssyncadd.s32 $0xFFFFFC00  }
0xa8: {  	_ =	swait.ge [sflag:s1], $0x2000  }
0xa9: {  	[sflag:s1] =	ssyncset.done $0x0  }
0xaa: {  	[sflag:s1] =	ssyncadd.s32 $0xFFFFE000  }
0xab: {  	[tilespmem:s22], [sflag:$0x5] =	stream.indirect.gather [hbm4b:s2+s21], $0x80, s25, s21, $0xb8;
	[tilespmem:$0x1C8C0] =	vst v63  }
0xac: {  	_ =	swait.ge [sflag:s10], $0x2000  }
0xad: {  	[sflag:s10] =	ssyncset.done $0x0  }
0xae: {  	s16 =	simm.s32 $0x13F80;
	[sflag:s10] =	ssyncadd.s32 $0xFFFFE000  }
0xaf: {  	[spmem:s3] =	stream.indirect.scatter.add.f32 [tilespmem:s24], [sflag:$0xA], $0x80, s16, s21, $0xb8;
	[tilespmem:$0x1C8C0] =	vst v63  }
0xb0: {  	_ =	swait.ge [sflag:s19], $0x2000  }
0xb1: {  	[sflag:s19] =	ssyncset.done $0x0  }
0xb2: {  	s14 =	simm.s32 $0x14140;
	[sflag:s19] =	ssyncadd.s32 $0xFFFFE000  }
0xb3: {  	[tilespmem:s24], [sflag:$0x6] =	stream.indirect.gather [hbm4b:s2+s21], $0x80, s14, s21, $0xb8;
	[tilespmem:$0x1C8C0] =	vst v63  }
0xb4: {  	_ =	swait.ge [sflag:s5], $0x2000  }
0xb5: {  	[sflag:s5] =	ssyncset.done $0x0  }
0xb6: {  	s15 =	simm.s32 $0x14000;
	[sflag:s5] =	ssyncadd.s32 $0xFFFFE000  }
0xb7: {  	[spmem:s3] =	stream.indirect.scatter.add.f32 [tilespmem:s26], [sflag:$0xB], $0x80, s15, s21, $0xb8;
	[tilespmem:$0x1C8C0] =	vst v63  }
0xb8: {  	_ =	swait.ge [sflag:s12], $0x2000  }
0xb9: {  	[sflag:s12] =	ssyncset.done $0x0  }
0xba: {  	s16 =	simm.s32 $0x141C0;
	[sflag:s12] =	ssyncadd.s32 $0xFFFFE000  }
0xbb: {  	[tilespmem:s26], [sflag:$0x7] =	stream.indirect.gather [hbm4b:s2+s21], $0x80, s16, s21, $0xb8;
	[tilespmem:$0x1C8C0] =	vst v63  }
0xbc: {  	_ =	swait.ge [sflag:s28], $0x2000  }
0xbd: {  	[sflag:s28] =	ssyncset.done $0x0  }
0xbe: {  	s14 =	simm.s32 $0x14080;
	[sflag:s28] =	ssyncadd.s32 $0xFFFFE000  }
0xbf: {  	[spmem:s3] =	stream.indirect.scatter.add.f32 [tilespmem:s29], [sflag:$0xC], $0x80, s14, s21, $0xb8;
	[tilespmem:$0x1C8C0] =	vst v63  }
0xc0: {  	_ =	swait.ge [sflag:s23], $0x2000  }
0xc1: {  	[sflag:s23] =	ssyncset.done $0x0  }
0xc2: {  	s15 =	simm.s32 $0x14240;
	s16 =	rddreg [dreg:$0x9];
	[sflag:s23] =	ssyncadd.s32 $0xFFFFE000  }
0xc3: {  	[tilespmem:s29], [sflag:$0x8] =	stream.indirect.gather [hbm4b:s2+s21], $0x80, s15, s21, $0xb8;
	[tilespmem:$0x1C8C0] =	vst v63  }
0xc4: {  	s13 =	sadd.s32 s17, s16  }
0xc5: {  	[tilespmem:s20], [sflag:$0x4] =	stream.linear.gather [hbm4b:s13+s4], $0x400, $0x38;
	[tilespmem:$0x1C8C0] =	vst v63  }
0xc6: {  	_ =	swait.ge [sflag:s31], $0x2000  }
0xc7: {  	[sflag:s31] =	ssyncset.done $0x0  }
0xc8: {  	s14 =	simm.s32 $0x14100;
	[sflag:s31] =	ssyncadd.s32 $0xFFFFE000  }
0xc9: {  	[spmem:s3] =	stream.indirect.scatter.add.f32 [tilespmem:s22], [sflag:$0x9], $0x80, s14, s21, $0xb8;
	[tilespmem:$0x1C8C0] =	vst v63  }
0xca: {  	_ =	swait.ge [sflag:s1], $0x2000  }
0xcb: {  	[sflag:s1] =	ssyncset.done $0x0  }
0xcc: {  	s15 =	simm.s32 $0x142C0;
	[sflag:s1] =	ssyncadd.s32 $0xFFFFE000  }
0xcd: {  	[tilespmem:s22], [sflag:$0x5] =	stream.indirect.gather [hbm4b:s2+s21], $0x80, s15, s21, $0xb8;
	[tilespmem:$0x1C8C0] =	vst v63  }
0xce: {  	_ =	swait.ge [sflag:s10], $0x2000  }
0xcf: {  	[sflag:s10] =	ssyncset.done $0x0  }
0xd0: {  	s16 =	simm.s32 $0x14180;
	[sflag:s10] =	ssyncadd.s32 $0xFFFFE000  }
0xd1: {  	[spmem:s3] =	stream.indirect.scatter.add.f32 [tilespmem:s24], [sflag:$0xA], $0x80, s16, s21, $0xb8;
	[tilespmem:$0x1C8C0] =	vst v63  }
0xd2: {  	_ =	swait.ge [sflag:s19], $0x2000  }
0xd3: {  	[sflag:s19] =	ssyncset.done $0x0  }
0xd4: {  	s14 =	simm.s32 $0x14340;
	[sflag:s19] =	ssyncadd.s32 $0xFFFFE000  }
0xd5: {  	[tilespmem:s24], [sflag:$0x6] =	stream.indirect.gather [hbm4b:s2+s21], $0x80, s14, s21, $0xb8;
	[tilespmem:$0x1C8C0] =	vst v63  }
0xd6: {  	_ =	swait.ge [sflag:s5], $0x2000  }
0xd7: {  	[sflag:s5] =	ssyncset.done $0x0  }
0xd8: {  	s15 =	simm.s32 $0x14200;
	[sflag:s5] =	ssyncadd.s32 $0xFFFFE000  }
0xd9: {  	[spmem:s3] =	stream.indirect.scatter.add.f32 [tilespmem:s26], [sflag:$0xB], $0x80, s15, s21, $0xb8;
	[tilespmem:$0x1C8C0] =	vst v63  }
0xda: {  	_ =	swait.ge [sflag:s12], $0x2000  }
0xdb: {  	[sflag:s12] =	ssyncset.done $0x0  }
0xdc: {  	s16 =	simm.s32 $0x143C0;
	[sflag:s12] =	ssyncadd.s32 $0xFFFFE000  }
0xdd: {  	[tilespmem:s26], [sflag:$0x7] =	stream.indirect.gather [hbm4b:s2+s21], $0x80, s16, s21, $0xb8;
	[tilespmem:$0x1C8C0] =	vst v63  }
0xde: {  	_ =	swait.ge [sflag:s28], $0x2000  }
0xdf: {  	[sflag:s28] =	ssyncset.done $0x0  }
0xe0: {  	s14 =	simm.s32 $0x14280;
	[sflag:s28] =	ssyncadd.s32 $0xFFFFE000  }
0xe1: {  	[spmem:s3] =	stream.indirect.scatter.add.f32 [tilespmem:s29], [sflag:$0xC], $0x80, s14, s21, $0xb8;
	[tilespmem:$0x1C8C0] =	vst v63  }
0xe2: {  	_ =	swait.ge [sflag:s23], $0x2000  }
0xe3: {  	[sflag:s23] =	ssyncset.done $0x0  }
0xe4: {  	s15 =	simm.s32 $0x14440;
	[sflag:s23] =	ssyncadd.s32 $0xFFFFE000  }
0xe5: {  	[tilespmem:s29], [sflag:$0x8] =	stream.indirect.gather [hbm4b:s2+s21], $0x80, s15, s21, $0xb8;
	[tilespmem:$0x1C8C0] =	vst v63  }
0xe6: {  	_ =	swait.ge [sflag:s31], $0x2000  }
0xe7: {  	[sflag:s31] =	ssyncset.done $0x0  }
0xe8: {  	s16 =	simm.s32 $0x14300;
	[sflag:s31] =	ssyncadd.s32 $0xFFFFE000  }
0xe9: {  	[spmem:s3] =	stream.indirect.scatter.add.f32 [tilespmem:s22], [sflag:$0x9], $0x80, s16, s21, $0xb8;
	[tilespmem:$0x1C8C0] =	vst v63  }
0xea: {  	_ =	swait.ge [sflag:s0], $0x400  }
0xeb: {  	[sflag:s0] =	ssyncset.done $0x0  }
0xec: {  	[sflag:s0] =	ssyncadd.s32 $0xFFFFFC00  }
0xed: {  	_ =	swait.ge [sflag:s1], $0x2000  }
0xee: {  	[sflag:s1] =	ssyncset.done $0x0  }
0xef: {  	[sflag:s1] =	ssyncadd.s32 $0xFFFFE000  }
0xf0: {  	[tilespmem:s22], [sflag:$0x5] =	stream.indirect.gather [hbm4b:s2+s21], $0x80, s20, s21, $0xb8;
	[tilespmem:$0x1C8C0] =	vst v63  }
0xf1: {  	_ =	swait.ge [sflag:s10], $0x2000  }
0xf2: {  	[sflag:s10] =	ssyncset.done $0x0  }
0xf3: {  	s14 =	simm.s32 $0x14380;
	[sflag:s10] =	ssyncadd.s32 $0xFFFFE000  }
0xf4: {  	[spmem:s3] =	stream.indirect.scatter.add.f32 [tilespmem:s24], [sflag:$0xA], $0x80, s14, s21, $0xb8;
	[tilespmem:$0x1C8C0] =	vst v63  }
0xf5: {  	_ =	swait.ge [sflag:s19], $0x2000  }
0xf6: {  	[sflag:s19] =	ssyncset.done $0x0  }
0xf7: {  	s15 =	simm.s32 $0x14540;
	[sflag:s19] =	ssyncadd.s32 $0xFFFFE000  }
0xf8: {  	[tilespmem:s24], [sflag:$0x6] =	stream.indirect.gather [hbm4b:s2+s21], $0x80, s15, s21, $0xb8;
	[tilespmem:$0x1C8C0] =	vst v63  }
0xf9: {  	_ =	swait.ge [sflag:s5], $0x2000  }
0xfa: {  	[sflag:s5] =	ssyncset.done $0x0  }
0xfb: {  	s16 =	simm.s32 $0x14400;
	[sflag:s5] =	ssyncadd.s32 $0xFFFFE000  }
0xfc: {  	[spmem:s3] =	stream.indirect.scatter.add.f32 [tilespmem:s26], [sflag:$0xB], $0x80, s16, s21, $0xb8;
	[tilespmem:$0x1C8C0] =	vst v63  }
0xfd: {  	_ =	swait.ge [sflag:s12], $0x2000  }
0xfe: {  	[sflag:s12] =	ssyncset.done $0x0  }
0xff: {  	s14 =	simm.s32 $0x145C0;
	[sflag:s12] =	ssyncadd.s32 $0xFFFFE000  }
0x100: {  	[tilespmem:s26], [sflag:$0x7] =	stream.indirect.gather [hbm4b:s2+s21], $0x80, s14, s21, $0xb8;
	[tilespmem:$0x1C8C0] =	vst v63  }
0x101: {  	_ =	swait.ge [sflag:s28], $0x2000  }
0x102: {  	[sflag:s28] =	ssyncset.done $0x0  }
0x103: {  	s15 =	simm.s32 $0x14480;
	[sflag:s28] =	ssyncadd.s32 $0xFFFFE000  }
0x104: {  	[spmem:s3] =	stream.indirect.scatter.add.f32 [tilespmem:s29], [sflag:$0xC], $0x80, s15, s21, $0xb8;
	[tilespmem:$0x1C8C0] =	vst v63  }
0x105: {  	_ =	swait.ge [sflag:s23], $0x2000  }
0x106: {  	p0 =	seq.s32 s17, $0x1200;
	[sflag:s23] =	ssyncset.done $0x0  }
0x107: {  	s16 =	simm.s32 $0x14640;
	s13 =	rddreg [dreg:$0x8];
	[sflag:s23] =	ssyncadd.s32 $0xFFFFE000  }
0x108: {  	[tilespmem:s29], [sflag:$0x8] =	stream.indirect.gather [hbm4b:s2+s21], $0x80, s16, s21, $0xb8;
	[tilespmem:$0x1C8C0] =	vst v63  }
0x109: {  	s14 =	simm.s32 @!p0 $0x0;
	s15 =	simm.s32 @!p0 $0x138C0;
	s13 =	sadd.s32 @!p0 s17, s13  }
0x10a: {  	[tilespmem:s15], [sflag:$0x1] =	stream.linear.gather @!p0 [hbm4b:s13+s14], $0x400, $0x38;
	[tilespmem:$0x1C8C0] =	vst v63  }
0x10b: {  	_ =	swait.ge [sflag:s31], $0x2000  }
0x10c: {  	[sflag:s31] =	ssyncset.done $0x0  }
0x10d: {  	s14 =	simm.s32 $0x14500;
	[sflag:s31] =	ssyncadd.s32 $0xFFFFE000  }
0x10e: {  	[spmem:s3] =	stream.indirect.scatter.add.f32 [tilespmem:s22], [sflag:$0x9], $0x80, s14, s21, $0xb8;
	[tilespmem:$0x1C8C0] =	vst v63  }
0x10f: {  	_ =	swait.ge [sflag:s1], $0x2000  }
0x110: {  	[sflag:s1] =	ssyncset.done $0x0  }
0x111: {  	s16 =	simm.s32 $0x146C0;
	[sflag:s1] =	ssyncadd.s32 $0xFFFFE000  }
0x112: {  	[tilespmem:s22], [sflag:$0x5] =	stream.indirect.gather [hbm4b:s2+s21], $0x80, s16, s21, $0xb8;
	[tilespmem:$0x1C8C0] =	vst v63  }
0x113: {  	_ =	swait.ge [sflag:s10], $0x2000  }
0x114: {  	[sflag:s10] =	ssyncset.done $0x0  }
0x115: {  	s14 =	simm.s32 $0x14580;
	[sflag:s10] =	ssyncadd.s32 $0xFFFFE000  }
0x116: {  	[spmem:s3] =	stream.indirect.scatter.add.f32 [tilespmem:s24], [sflag:$0xA], $0x80, s14, s21, $0xb8;
	[tilespmem:$0x1C8C0] =	vst v63  }
0x117: {  	_ =	swait.ge [sflag:s19], $0x2000  }
0x118: {  	[sflag:s19] =	ssyncset.done $0x0  }
0x119: {  	s16 =	simm.s32 $0x14740;
	[sflag:s19] =	ssyncadd.s32 $0xFFFFE000  }
0x11a: {  	[tilespmem:s24], [sflag:$0x6] =	stream.indirect.gather [hbm4b:s2+s21], $0x80, s16, s21, $0xb8;
	[tilespmem:$0x1C8C0] =	vst v63  }
0x11b: {  	_ =	swait.ge [sflag:s5], $0x2000  }
0x11c: {  	[sflag:s5] =	ssyncset.done $0x0  }
0x11d: {  	s14 =	simm.s32 $0x14600;
	[sflag:s5] =	ssyncadd.s32 $0xFFFFE000  }
0x11e: {  	[spmem:s3] =	stream.indirect.scatter.add.f32 [tilespmem:s26], [sflag:$0xB], $0x80, s14, s21, $0xb8;
	[tilespmem:$0x1C8C0] =	vst v63  }
0x11f: {  	_ =	swait.ge [sflag:s12], $0x2000  }
0x120: {  	[sflag:s12] =	ssyncset.done $0x0  }
0x121: {  	s16 =	simm.s32 $0x147C0;
	[sflag:s12] =	ssyncadd.s32 $0xFFFFE000  }
0x122: {  	[tilespmem:s26], [sflag:$0x7] =	stream.indirect.gather [hbm4b:s2+s21], $0x80, s16, s21, $0xb8;
	[tilespmem:$0x1C8C0] =	vst v63  }
0x123: {  	_ =	swait.ge [sflag:s28], $0x2000  }
0x124: {  	[sflag:s28] =	ssyncset.done $0x0  }
0x125: {  	s14 =	simm.s32 $0x14680;
	[sflag:s28] =	ssyncadd.s32 $0xFFFFE000  }
0x126: {  	[spmem:s3] =	stream.indirect.scatter.add.f32 [tilespmem:s29], [sflag:$0xC], $0x80, s14, s21, $0xb8;
	[tilespmem:$0x1C8C0] =	vst v63  }
0x127: {  	_ =	swait.ge [sflag:s23], $0x2000  }
0x128: {  	[sflag:s23] =	ssyncset.done $0x0  }
0x129: {  	s16 =	simm.s32 $0x14840;
	[sflag:s23] =	ssyncadd.s32 $0xFFFFE000  }
0x12a: {  	[tilespmem:s29], [sflag:$0x8] =	stream.indirect.gather [hbm4b:s2+s21], $0x80, s16, s21, $0xb8;
	[tilespmem:$0x1C8C0] =	vst v63  }
0x12b: {  	_ =	swait.ge [sflag:s31], $0x2000  }
0x12c: {  	[sflag:s31] =	ssyncset.done $0x0  }
0x12d: {  	s13 =	simm.s32 @p0 $0x6;
	s14 =	simm.s32 $0x14700;
	[sflag:s31] =	ssyncadd.s32 $0xFFFFE000  }
0x12e: {  	[spmem:s3] =	stream.indirect.scatter.add.f32 [tilespmem:s22], [sflag:$0x9], $0x80, s14, s21, $0xb8;
	[tilespmem:$0x1C8C0] =	vst v63  }
0x12f: {  	_ =	swait.ge @p0 [sflag:s13], $0x2000  }
0x130: {  	s16 =	simm.s32 @p0 $0x168C0;
	[sflag:s13] =	ssyncset.done @p0 $0x0  }
0x131: {  	s14 =	simm.s32 @p0 $0x14780;
	[sflag:s13] =	ssyncadd.s32 @p0 $0xFFFFE000;
	s13 =	simm.s32 @p0 $0x40  }
0x132: {  	[spmem:s3] =	stream.indirect.scatter.add.f32 @p0 [tilespmem:s16], [sflag:$0xA], $0x80, s14, s13, $0xb8;
	[tilespmem:$0x1C8C0] =	vst v63  }
0x133: {  	s13 =	simm.s32 @!p0 $0x1  }
0x134: {  	_ =	swait.ge @!p0 [sflag:s13], $0x400  }
0x135: {  	[sflag:s13] =	ssyncset.done @!p0 $0x0  }
0x136: {  	[sflag:s13] =	ssyncadd.s32 @!p0 $0xFFFFFC00;
	s13 =	simm.s32 @!p0 $0x9  }
0x137: {  	_ =	swait.ge @!p0 [sflag:s13], $0x2000  }
0x138: {  	[sflag:s13] =	ssyncset.done @!p0 $0x0  }
0x139: {  	s14 =	simm.s32 @!p0 $0x148C0;
	[sflag:s13] =	ssyncadd.s32 @!p0 $0xFFFFE000;
	s13 =	simm.s32 @!p0 $0x40  }
0x13a: {  	[tilespmem:s14], [sflag:$0x5] =	stream.indirect.gather @!p0 [hbm4b:s2+s13], $0x80, s15, s13, $0xb8;
	[tilespmem:$0x1C8C0] =	vst v63  }
0x13b: {  	s14 =	simm.s32 @!p0 $0x6  }
0x13c: {  	_ =	swait.ge @!p0 [sflag:s14], $0x2000  }
0x13d: {  	[sflag:s14] =	ssyncset.done @!p0 $0x0  }
0x13e: {  	s15 =	simm.s32 @!p0 $0x168C0;
	[sflag:s14] =	ssyncadd.s32 @!p0 $0xFFFFE000;
	s14 =	simm.s32 @!p0 $0x14780  }
0x13f: {  	[spmem:s3] =	stream.indirect.scatter.add.f32 @!p0 [tilespmem:s15], [sflag:$0xA], $0x80, s14, s13, $0xb8;
	[tilespmem:$0x1C8C0] =	vst v63  }
0x140: {  	s14 =	simm.s32 @!p0 $0xA  }
0x141: {  	_ =	swait.ge @!p0 [sflag:s14], $0x2000  }
0x142: {  	[sflag:s14] =	ssyncset.done @!p0 $0x0  }
0x143: {  	[sflag:s14] =	ssyncadd.s32 @!p0 $0xFFFFE000;
	s14 =	simm.s32 @!p0 $0x13940  }
0x144: {  	[tilespmem:s15], [sflag:$0x6] =	stream.indirect.gather @!p0 [hbm4b:s2+s13], $0x80, s14, s13, $0xb8;
	[tilespmem:$0x1C8C0] =	vst v63  }
.Ltmp2:
0x145: {  	_ = 	snop;
	(pc) =	sbr.rel @p0 .LBB2_6-.Ltmp2, $4  }
0x146: {  	_ =	swait.ge [sflag:s5], $0x2000  }
0x147: {  	[sflag:s5] =	ssyncset.done $0x0  }
0x148: {  	s16 =	simm.s32 $0x14800;
	[sflag:s5] =	ssyncadd.s32 $0xFFFFE000  }
0x149: {  	[spmem:s3] =	stream.indirect.scatter.add.f32 [tilespmem:s26], [sflag:$0xB], $0x80, s16, s21, $0xb8;
	[tilespmem:$0x1C8C0] =	vst v63  }
0x14a: {  	_ =	swait.ge [sflag:s12], $0x2000  }
0x14b: {  	[sflag:s12] =	ssyncset.done $0x0  }
0x14c: {  	s13 =	simm.s32 $0x139C0;
	[sflag:s12] =	ssyncadd.s32 $0xFFFFE000  }
0x14d: {  	[tilespmem:s26], [sflag:$0x7] =	stream.indirect.gather [hbm4b:s2+s21], $0x80, s13, s21, $0xb8;
	[tilespmem:$0x1C8C0] =	vst v63  }
0x14e: {  	_ =	swait.ge [sflag:s28], $0x2000  }
0x14f: {  	[sflag:s28] =	ssyncset.done $0x0  }
0x150: {  	s15 =	simm.s32 $0x14880;
	[sflag:s28] =	ssyncadd.s32 $0xFFFFE000  }
0x151: {  	[spmem:s3] =	stream.indirect.scatter.add.f32 [tilespmem:s29], [sflag:$0xC], $0x80, s15, s21, $0xb8;
	[tilespmem:$0x1C8C0] =	vst v63  }
.Ltmp3:
0x152: {  	_ = 	snop;
	(pc) =	sbr.rel .LBB2_4-.Ltmp3, $4  }
0x153: {  	_ =	swait.ge [sflag:s23], $0x2000  }
0x154: {  	[sflag:s23] =	ssyncset.done $0x0  }
0x155: {  	s16 =	simm.s32 $0x13A40;
	s17 =	sadd.s32 $0x200, s17;
	[sflag:s23] =	ssyncadd.s32 $0xFFFFE000  }
0x156: {  	[tilespmem:s29], [sflag:$0x8] =	stream.indirect.gather [hbm4b:s2+s21], $0x80, s16, s21, $0xb8;
	[tilespmem:$0x1C8C0] =	vst v63  }
.LBB2_6:
0x157: {  	_ =	swait.ge [sflag:s28], $0x2000  }
0x158: {  	[sflag:s28] =	ssyncset.done $0x0  }
0x159: {  	s13 =	simm.s32 $0x14880;
	[sflag:s28] =	ssyncadd.s32 $0xFFFFE000  }
0x15a: {  	[spmem:s3] =	stream.indirect.scatter.add.f32 [tilespmem:s29], [sflag:$0xC], $0x80, s13, s21, $0xb8;
	[tilespmem:$0x1C8C0] =	vst v63  }
0x15b: {  	_ =	swait.ge [sflag:s1], $0x2000  }
0x15c: {  	[sflag:s1] =	ssyncset.done $0x0  }
0x15d: {  	[sflag:s1] =	ssyncadd.s32 $0xFFFFE000  }
0x15e: {  	_ =	swait.ge [sflag:s19], $0x2000  }
0x15f: {  	[sflag:s19] =	ssyncset.done $0x0  }
0x160: {  	[sflag:s19] =	ssyncadd.s32 $0xFFFFE000  }
0x161: {  	_ =	swait.ge [sflag:s12], $0x2000  }
0x162: {  	[sflag:s12] =	ssyncset.done $0x0  }
0x163: {  	[sflag:s12] =	ssyncadd.s32 $0xFFFFE000  }
0x164: {  	_ =	swait.ge [sflag:s23], $0x2000  }
0x165: {  	[sflag:s23] =	ssyncset.done $0x0  }
0x166: {  	[sflag:s23] =	ssyncadd.s32 $0xFFFFE000  }
0x167: {  	[bflag:$0x0] =	sbarrier.arrive $0xFFFF  }
0x168: {  	s16 =	rddreg [dreg:$0x4]  }
0x169: {  	s17 =	sadd.s32 $0x1, s16  }
0x16a: {  	p0 =	slt.u32 s17, s8  }
.Ltmp4:
0x16b: {  	s15 =	rddreg [dreg:$0xc];
	(pc) =	sbr.rel @!p0 .LBB2_8-.Ltmp4, $4  }
0x16c: {  	s14 =	rddreg [dreg:$0xe]  }
0x16d: {  	[hbm:s15], [sflag:s9] =	dma.local [spmem:s14], $0x1900  }
0x16e: {  	_ =	swait.ge [sflag:s18], $0x1900  }
0x16f: {  	s13 =	sadd.s32 $0x1900, s15;
	[sflag:s18] =	ssyncset.done $0x0;
	s14 =	rddreg [dreg:$0x7]  }
.LBB2_7:
0x170: {  	s17 =	sadd.s32 $0x1, s17  }
0x171: {  	[sflag:s18] =	ssyncadd.s32 $0xFFFFE700;
	s14 =	sadd.s32 $0xC800, s14;
	p0 =	slt.u32 s17, s8  }
.Ltmp5:
0x172: {  	(pc) =	sbr.rel @p0 .LBB2_7-.Ltmp5, $4  }
0x173: {  	s15 =	sshrl.u32 s14, $0x3  }
0x174: {  	[hbm:s13], [sflag:s9] =	dma.local [spmem:s15], $0x1900  }
0x175: {  	_ =	swait.ge [sflag:s18], $0x1900  }
0x176: {  	s13 =	sadd.s32 $0x1900, s13;
	[sflag:s18] =	ssyncset.done $0x0  }
.LBB2_8:
0x177: {  	s14 =	rddreg [dreg:$0xd]  }
0x178: {  	s13 =	rddreg [dreg:$0x6];
	s14 =	sadd.s32 $0x1, s14  }
0x179: {  	p0 =	sne.s32 s14, s13  }
.Ltmp6:
0x17a: {  	_ = 	snop;
	(pc) =	sbr.rel @p0 .LBB2_1-.Ltmp6, $2  }
0x17b: {  	_ =	sdelay $0x2  }
0x17c: {  	[sflag:s18] =	ssyncadd.s32 $0xFFFFE700  }
0x17d: {  	_ =	sfence.sel $0x180000  }
0x17e: {  	[bflag:$0x0] =	sbarrier.arrive $0xFFFF  }
0x17f: {  	_ =	strace $0x90000047  }
0x180: {  	s0 =	stileid.u32;
	[bflag:$0x2] =	sbarrier.arrive $0xFFFF  }
0x181: {  	p0 =	sne.s32 s0, $0x0;
	s0 =	rddreg [dreg:$0x3]  }
0x182: {  	s0 =	sadd.s32 @!p0 $0x100000, s0  }
0x183: {  	[sflag:s0] =	ssyncadd.tile.s32 @!p0 $0x1;
	_ =	shalt  }
.Lfunc_end2:
_tile_overlayer_lowered:
.L_overlay_start_2:
0x184: {  	(tag) =	ssettag $0x2  }
0x185: {  	s0 =	rddreg [dreg:$0x0];
	s2 =	stileid.u32  }
0x186: {  	s1 =	rddreg [dreg:$0x1];
	p0 =	sne.s32 s2, $0x0  }
0x187: {  	s3 =	rddreg [dreg:$0x2];
	[bflag:$0x3] =	sbarrier.arrive $0xFFFF;
	s2 =	simm.s32 @!p0 $0x1C0D  }
0x188: {  	[timem:s3], [sflag:s2] =	dma.local @!p0 [hbm:s0], s1  }
0x189: {  	s0 =	simm.s32 @!p0 $0xD  }
0x18a: {  	_ =	swait.ge @!p0 [sflag:s0], s1  }
0x18b: {  	s1 =	ssub.s32 @!p0 $0x0, s1;
	[sflag:s0] =	ssyncset.done @!p0 $0x0  }
0x18c: {  	[sflag:s0] =	ssyncadd.s32 @!p0 s1  }
0x18d: {  	[bflag:$0x3] =	sbarrier.arrive $0xFFFF  }
0x18e: {  	_ =	shalt  }

// kernel: kernel.9.cloned.1.call-start
scs
__scs_entry_jumppad:
0x0: {  	(pc) =	sbr.rel $0x88, $3  }
0x1: {  	(tag) =	ssettag $0x0;
	lr =	simm.s32 $0x1  }
0x2: {  	[smem:$0x3F98] =	sst lr;
	_ =	strace $0xD0000000  }
0x3: {  	_ = 	snop  }
0x4: {  	_ = 	snop  }
0x5: {  	_ = 	snop  }
0x6: {  	_ = 	snop  }
0x7: {  	_ = 	snop  }
__scs_overlays_trampoline_lowered:
0x8: {  	[smem:$0x3FA7] =	sst s0  }
0x9: {  	[smem:$0x3FA8] =	sst s1  }
0xa: {  	[smem:$0x3FA9] =	sst s2  }
0xb: {  	[smem:$0x3FAA] =	sst s3  }
0xc: {  	[smem:$0x3FAB] =	sst s4  }
0xd: {  	[smem:$0x3FAC] =	sst s5  }
0xe: {  	[smem:$0x3FAD] =	sst s6  }
0xf: {  	[smem:$0x3FAE] =	sst s7  }
0x10: {  	[smem:$0x3FAF] =	sst s8  }
0x11: {  	[smem:$0x3FB0] =	sst s9;
	s0 =	simm.s32 @!p0 $0x0  }
0x12: {  	s1 =	sld [smem:$0x3F96];
	s0 =	simm.s32 @p0 $0x1  }
0x13: {  	[smem:$0x3FB1] =	sst s0;
	s0 =	simm.s32 @!p1 $0x0  }
0x14: {  	s2 =	sld [smem:$0x3F95];
	s0 =	simm.s32 @p1 $0x1  }
0x15: {  	[smem:$0x3FB2] =	sst s0;
	s0 =	simm.s32 @!p2 $0x0  }
0x16: {  	s3 =	sld [smem:$0x3FDB];
	s0 =	simm.s32 @p2 $0x1  }
0x17: {  	s4 =	simm.s32 $0x1BF5;
	[smem:$0x3FB4] =	sst s0  }
0x18: {  	s0 =	sld [smem:$0x3F97];
	_ =	swait.ge [sflag:s4], $0x0  }
0x19: {  	s7 =	sld [smem:$0x3F98]  }
0x1a: {  	s8 =	sadd.s32 $0xFFFFE003, lr  }
0x1b: {  	s9 =	sadd.s32 $0xFFFFFEF7, lr;
	s5 =	simm.s32 $0xFFFFFFFF;
	p2 =	slt.u32 s8, $0xFFFFF086  }
0x1c: {  	p1 =	slt.u32 s9, $0xF7A;
	s5 =	simm.s32 @!p2 $0x0  }
0x1d: {  	s5 =	simm.s32 @p1 $0x1;
	p0 =	seq.s32 s7, s2  }
0x1e: {  	s7 =	smul.u32 @!p0 $0xF7A, s2;
	p2 =	seq.s32 @!p0 s5, $0x0  }
0x1f: {  	s9 =	smul.u32 $0xF7A, s1;
	s8 =	simm.s32 @!p0 $0x1BF5;
	p2 =	por !p2, p0  }
0x20: {  	[sflag:s8] =	ssyncset.s32 @!p0 $0xFFFFF086;
	s6 =	sadd.s32 @!p0 s3, s7;
	s7 =	simm.s32 @!p0 $0x108  }
0x21: {  	s3 =	sadd.s32 s3, s9;
	s6 =	sadd.s32 @!p0 $0x88, s6;
	s7 =	simm.s32 @p2 $0x1082  }
0x22: {  	[simem:s7], [sflag:s8] =	dma.local @!p0 [hbm:s6], $0xF7A  }
0x23: {  	s9 =	sor.u32 $0xD0000000, s2;
	s6 =	simm.s32 $0x108;
	_ =	swait.ge @!p0 [sflag:s8], $0x0  }
0x24: {  	s3 =	sadd.s32 $0x88, s3;
	s6 =	simm.s32 @!p1 $0x1082;
	[sflag:s4] =	ssyncset.s32 $0xFFFFF086  }
0x25: {  	[simem:s6], [sflag:s4] =	dma.local [hbm:s3], $0xF7A  }
0x26: {  	[smem:$0x3F98] =	sst s1;
	(tag) =	ssettag s2;
	_ =	strace s9  }
0x27: {  	s1 =	sld [smem:$0x3FA8]  }
0x28: {  	s2 =	sld [smem:$0x3FA9]  }
0x29: {  	s4 =	sld [smem:$0x3FAB]  }
0x2a: {  	p0 =	seq.s32 s5, $0x0;
	s5 =	sld [smem:$0x3FAC]  }
0x2b: {  	s6 =	sld [smem:$0x3FAD]  }
0x2c: {  	s7 =	sld [smem:$0x3FAE]  }
0x2d: {  	s3 =	simm.s32 $0x108;
	s8 =	sld [smem:$0x3FAF]  }
0x2e: {  	s3 =	simm.s32 @!p0 $0x1082;
	s9 =	sld [smem:$0x3FB0]  }
0x2f: {  	lr =	sadd.s32 s0, s3;
	s0 =	sld [smem:$0x3FA7]  }
0x30: {  	s3 =	sld [smem:$0x3FAA]  }
0x31: {  	[smem:$0x3FB3] =	sst s10  }
0x32: {  	s10 =	sld [smem:$0x3FB1];
	_ =	sdelay $0x3  }
0x33: {  	p0 =	seq.s32 s10, $0x1;
	s10 =	sld [smem:$0x3FB3];
	_ =	sdelay $0x3  }
0x34: {  	[smem:$0x3FB3] =	sst s10  }
0x35: {  	s10 =	sld [smem:$0x3FB2];
	_ =	sdelay $0x3  }
0x36: {  	p1 =	seq.s32 s10, $0x1;
	s10 =	sld [smem:$0x3FB3];
	_ =	sdelay $0x3  }
0x37: {  	[smem:$0x3FB3] =	sst s10  }
0x38: {  	s10 =	sld [smem:$0x3FB4]  }
0x39: {  	_ = 	snop;
	(pc) =	sbr.ind lr, $3  }
0x3a: {  	_ = 	snop  }
0x3b: {  	_ = 	snop  }
0x3c: {  	p2 =	seq.s32 s10, $0x1;
	s10 =	sld [smem:$0x3FB3]  }
0x3d: {  	_ =	shalt  }
0x3e: {  	_ =	shalt  }
0x3f: {  	_ =	shalt  }
0x40: {  	_ =	shalt  }
0x41: {  	_ =	shalt  }
0x42: {  	_ =	shalt  }
0x43: {  	_ =	shalt  }
0x44: {  	_ =	shalt  }
0x45: {  	_ =	shalt  }
0x46: {  	_ =	shalt  }
0x47: {  	_ =	shalt  }
0x48: {  	_ =	shalt  }
0x49: {  	_ =	shalt  }
0x4a: {  	_ =	shalt  }
0x4b: {  	_ =	shalt  }
0x4c: {  	_ =	shalt  }
0x4d: {  	_ =	shalt  }
0x4e: {  	_ =	shalt  }
0x4f: {  	_ =	shalt  }
0x50: {  	_ =	shalt  }
0x51: {  	_ =	shalt  }
0x52: {  	_ =	shalt  }
0x53: {  	_ =	shalt  }
0x54: {  	_ =	shalt  }
0x55: {  	_ =	shalt  }
0x56: {  	_ =	shalt  }
0x57: {  	_ =	shalt  }
0x58: {  	_ =	shalt  }
0x59: {  	_ =	shalt  }
0x5a: {  	_ =	shalt  }
0x5b: {  	_ =	shalt  }
0x5c: {  	_ =	shalt  }
0x5d: {  	_ =	shalt  }
0x5e: {  	_ =	shalt  }
0x5f: {  	_ =	shalt  }
0x60: {  	_ =	shalt  }
0x61: {  	_ =	shalt  }
0x62: {  	_ =	shalt  }
0x63: {  	_ =	shalt  }
0x64: {  	_ =	shalt  }
0x65: {  	_ =	shalt  }
0x66: {  	_ =	shalt  }
0x67: {  	_ =	shalt  }
0x68: {  	_ =	shalt  }
0x69: {  	_ =	shalt  }
0x6a: {  	_ =	shalt  }
0x6b: {  	_ =	shalt  }
0x6c: {  	_ =	shalt  }
0x6d: {  	_ =	shalt  }
0x6e: {  	_ =	shalt  }
0x6f: {  	_ =	shalt  }
0x70: {  	_ =	shalt  }
0x71: {  	_ =	shalt  }
0x72: {  	_ =	shalt  }
0x73: {  	_ =	shalt  }
0x74: {  	_ =	shalt  }
0x75: {  	_ =	shalt  }
0x76: {  	_ =	shalt  }
0x77: {  	_ =	shalt  }
0x78: {  	_ =	shalt  }
0x79: {  	_ =	shalt  }
0x7a: {  	_ =	shalt  }
0x7b: {  	_ =	shalt  }
0x7c: {  	_ =	shalt  }
0x7d: {  	_ =	shalt  }
0x7e: {  	_ =	shalt  }
0x7f: {  	_ =	shalt  }
0x80: {  	_ =	shalt  }
0x81: {  	_ =	shalt  }
0x82: {  	_ =	shalt  }
0x83: {  	_ =	shalt  }
0x84: {  	_ =	shalt  }
0x85: {  	_ =	shalt  }
0x86: {  	_ =	shalt  }
0x87: {  	_ =	shalt  }
.Lfunc_end0:
.L_simem_size_0:
called_computation.1_lowered:
.L_overlay_start_0:
0x88: {  	s2 =	sld [smem:$0x3FD9]  }
0x89: {  	s3 =	sld [smem:$0x3FFE];
	_ =	sdelay $0x1  }
0x8a: {  	s1 =	srdreg.scid  }
0x8b: {  	s0 =	sand.u32 $0x1, s1  }
0x8c: {  	s17 =	sshll.u32 s0, $0xA;
	s2 =	sadd.s32 s3, s2  }
0x8d: {  	s2 =	sadd.s32 s2, s17  }
0x8e: {  	[smem:$0x3FBF] =	sst s2  }
0x8f: {  	_ = 	snop  }
0x90: {  	s2 =	sld [smem:$0x3FD0];
	(tm) =	ssettm $0x1  }
0x91: {  	s18 =	sld [smem:$0x3FFB];
	_ =	sdelay $0x3  }
0x92: {  	_ =	strace s18  }
0x93: {  	s3 =	sld [smem:$0x3FFC];
	_ =	sdelay $0x3  }
0x94: {  	_ =	strace s3  }
0x95: {  	s3 =	sld [smem:$0x3FFD];
	_ =	sdelay $0x3  }
0x96: {  	_ =	strace s3  }
0x97: {  	_ =	strace $0x8FFFFFFF  }
0x98: {  	s19 =	sld [smem:$0x3FDB];
	_ =	sdelay $0x1  }
0x99: {  	s4 =	simm.s32 $_scs_section_size  }
0x9a: {  	s5 =	simm.s32 $_size__tile_overlayer_lowered;
	s6 =	simm.s32 $_tile_overlayer_lowered  }
0x9b: {  	s22 =	simm.s32 $0x1BFF;
	s21 =	sshll.u32 s6, $0x1;
	s3 =	sadd.s32 s4, s19  }
0x9c: {  	s7 =	simm.s32 $0x0;
	s20 =	sshll.u32 s5, $0x1;
	s5 =	sadd.s32 s21, s3  }
0x9d: {  	[timem:s7], [sflag:s22] =	dma.local [hbm:s5], s20  }
0x9e: {  	_ =	swait.ge [sflag:s22], s20  }
0x9f: {  	s4 =	ssub.s32 $0x0, s20;
	[sflag:s22] =	ssyncset.done $0x0  }
0xa0: {  	[sflag:s22] =	ssyncadd.s32 s4;
	_ =	sdelay $0x1  }
0xa1: {  	s23 =	simm.s32 $0x1B8B  }
0xa2: {  	_ =	swait.ge [sflag:s23], $0x1  }
0xa3: {  	[sflag:s23] =	ssyncset.done $0x0  }
0xa4: {  	s25 =	simm.s32 $0x1B8E;
	s24 =	sld [smem:$0x3FFE];
	[sflag:s23] =	ssyncadd.s32 $0xFFFFFFFF  }
0xa5: {  	s26 =	simm.s32 $execute0_lowered;
	[smem:$0x3FD2] =	sst s25  }
0xa6: {  	s5 =	sshll.u32 s26, $0x1;
	_ =	strace $0x80000049;
	[dreg:$0x1] =	wrdreg $0xFFFFFFFF  }
0xa7: {  	s28 =	simm.s32 $_size_execute0_lowered;
	s3 =	sadd.s32 s3, s5;
	[dreg:$0x0] =	wrdreg $0x0  }
0xa8: {  	s5 =	sshll.u32 s28, $0x1;
	[dreg:$0x2] =	wrdreg s3  }
0xa9: {  	[dreg:$0x3] =	wrdreg s5  }
0xaa: {  	[dreg:$0x4] =	wrdreg $0xC0  }
0xab: {  	_ =	task [dreg:s7], $0x5FFFF  }
0xac: {  	[dreg:$0x1] =	wrdreg $0xFFFFFFFF  }
0xad: {  	[dreg:$0x0] =	wrdreg $0x60  }
0xae: {  	[dreg:$0x2] =	wrdreg s2  }
0xaf: {  	[dreg:$0x3] =	wrdreg s24  }
0xb0: {  	[dreg:$0x4] =	wrdreg $0x0  }
0xb1: {  	[dreg:$0x5] =	wrdreg $0x9  }
0xb2: {  	_ =	task.clear_ibuf [dreg:s7], $0x6FFFF;
	_ =	strace $0x90000049  }
0xb3: {  	s29 =	simm.s32 $0x9;
	_ =	strace $0x8000004B  }
0xb4: {  	_ =	swait.ge [sflag:s29], $0x1  }
0xb5: {  	[sflag:s29] =	ssyncadd.s32 $0xFFFFFFFF  }
0xb6: {  	_ =	strace $0x9000004B  }
0xb7: {  	_ =	sfence  }
0xb8: {  	s30 =	sld [smem:$0x0];
	_ =	sdelay $0x2  }
0xb9: {  	s31 =	sshll.u32 s1, $0xD;
	s1 =	sshrl.u32 s1, $0x2  }
0xba: {  	s3 =	sand.u32 $0x4000, s31;
	s1 =	sadd.s32 s1, s30  }
0xbb: {  	s0 =	sor.u32 s3, s0;
	s1 =	sshll.u32 s1, $0x11  }
0xbc: {  	s0 =	sor.u32 s1, s0  }
0xbd: {  	s0 =	sadd.s32 $0x8F2B, s0  }
0xbe: {  	[sflag:s0] =	ssyncadd.remote.s32 $0x1  }
0xbf: {  	_ =	sfence.sel $0xFFFF  }
0xc0: {  	[dreg:$0x0] =	wrdreg $0xFFFFFFFF;
	(pc) =	sbr.abs _section_cstart, $3  }
0xc1: {  	[dreg:$0x1] =	wrdreg $0xFFFFFFFF  }
0xc2: {  	_ =	task.clear_ibuf [dreg:s7], $0x2FFFF;
	_ =	strace $0x9FFFFFFF  }
0xc3: {  	(tm) =	ssettm $0x7FFFFFFF  }
tec
execute0_lowered:
.L_overlay_start_1:
0x0: {  	(tag) =	ssettag $0x1  }
0x1: {  	s0 =	rddreg [dreg:$0x0]  }
0x2: {  	s1 =	srdreg.scid;
	s3 =	rddreg [dreg:$0x1]  }
0x3: {  	s14 =	stileid.u32;
	s2 =	rddreg [dreg:$0x2];
	s10 =	simm.s32 $0x2  }
0x4: {  	s15 =	simm.s32 $0xD;
	s18 =	simm.s32 $0x40;
	s19 =	simm.s32 $0x148C0  }
0x5: {  	s28 =	simm.s32 $0x5;
	s30 =	simm.s32 $0x9;
	s16 =	simm.s32 $0x7  }
0x6: {  	s17 =	simm.s32 $0xB;
	s31 =	simm.s32 $0x4;
	s11 =	smul.u32 $0xA0, s14  }
0x7: {  	s1 =	sand.u32 $0x1, s1;
	s4 =	smin.u32 s14, $0x9;
	s24 =	smul.u32 $0xA00, s14  }
0x8: {  	s5 =	sadd.s32 $0x2B800, s3;
	p0 =	slt.u32 s14, $0x9;
	s6 =	smul.u32 $0x138800, s1  }
0x9: {  	s22 =	sshll.u32 s14, $0x6;
	s26 =	sadd.s32 s14, s4;
	s9 =	smul.u32 $0xA00, s1  }
0xa: {  	s4 =	simm.s32 $0x0;
	s8 =	ssub.s32 $0x2, s1;
	s1 =	smul.u32 $0xA000, s1  }
0xb: {  	s10 =	simm.s32 @!p0 $0x1;
	s14 =	simm.s32 $0x8;
	s7 =	smul.u32 $0xC800, s26  }
0xc: {  	[smem:$0x7FF] =	sst s4;
	s20 =	sshrl.u32 s8, $0x1;
	s21 =	smul.u32 $0x32000, s26  }
0xd: {  	_ =	strace $0x8000004A;
	s12 =	ssub.s32 s8, s20;
	s8 =	sadd.s32 s10, s26  }
0xe: {  	s9 =	sadd.s32 s11, s9;
	s20 =	simm.s32 $0xA;
	s11 =	simm.s32 $0x0  }
0xf: {  	[dreg:$0x4] =	wrdreg s26;
	s7 =	sadd.s32 s7, s6;
	s6 =	sadd.s32 $0x29E00, s3  }
0x10: {  	s13 =	sshll.u32 s9, $0x4;
	s9 =	sor.u32 $0x1C0D, s22;
	s12 =	smax.u32 s12, $0x1  }
0x11: {  	s10 =	sshrl.u32 s21, $0x2;
	s21 =	simm.s32 $0x168C0;
	s22 =	simm.s32 $0xC  }
0x12: {  	s7 =	sshrl.u32 s7, $0x3;
	s23 =	sadd.s32 s0, s13;
	[dreg:$0x6] =	wrdreg s12  }
0x13: {  	s0 =	sadd.s32 s1, s0;
	s25 =	sadd.s32 s10, s2;
	s1 =	simm.s32 $0x6  }
0x14: {  	s10 =	simm.s32 $0x144C0;
	s3 =	sadd.s32 s7, s3;
	[dreg:$0x5] =	wrdreg s23  }
0x15: {  	s7 =	simm.s32 $0x2;
	[dreg:$0x7] =	wrdreg s25;
	s13 =	sadd.s32 s24, s0  }
0x16: {  	s23 =	simm.s32 $0x188C0;
	s25 =	simm.s32 $0x1A8C0;
	s29 =	sadd.s32 $0x79A00, s3  }
0x17: {  	s24 =	simm.s32 $0x140C0;
	s0 =	simm.s32 $0x3;
	[dreg:$0x8] =	wrdreg s29  }
.LBB2_1:
0x18: {  	s3 =	sadd.s32 $0x1, s26  }
0x19: {  	s12 =	rddreg [dreg:$0x7];
	p0 =	slt.u32 s3, s8  }
.Ltmp0:
0x1a: {  	[dreg:$0x9] =	wrdreg s11;
	s29 =	sshrl.u32 s12, $0x3;
	(pc) =	sbr.rel @!p0 .LBB2_3-.Ltmp0, $4  }
0x1b: {  	[dreg:$0xa] =	wrdreg s29  }
0x1c: {  	[spmem:s29], [sflag:s9] =	dma.local [hbm:s6], $0x1900  }
0x1d: {  	_ =	swait.ge [sflag:s15], $0x1900  }
0x1e: {  	[sflag:s15] =	ssyncset.done $0x0  }
.LBB2_2:
0x1f: {  	s3 =	sadd.s32 $0x1, s3  }
0x20: {  	[sflag:s15] =	ssyncadd.s32 $0xFFFFE700;
	s12 =	sadd.s32 $0xC800, s12;
	p0 =	slt.u32 s3, s8  }
.Ltmp1:
0x21: {  	(pc) =	sbr.rel @p0 .LBB2_2-.Ltmp1, $4  }
0x22: {  	s29 =	sshrl.u32 s12, $0x3  }
0x23: {  	[spmem:s29], [sflag:s9] =	dma.local [hbm:s6], $0x1900  }
0x24: {  	_ =	swait.ge [sflag:s15], $0x1900  }
0x25: {  	[sflag:s15] =	ssyncset.done $0x0  }
.LBB2_3:
0x26: {  	[sflag:s15] =	ssyncadd.s32 $0xFFFFE700  }
0x27: {  	s3 =	simm.s32 $0x0;
	[bflag:$0x0] =	sbarrier.arrive $0xFFFF  }
0x28: {  	s12 =	simm.s32 $0x138C0;
	s29 =	simm.s32 $0x1;
	s11 =	rddreg [dreg:$0x5]  }
0x29: {  	[tilespmem:s12], [sflag:$0x1] =	stream.linear.gather [hbm4b:s11+s3], $0x400, $0x38;
	[tilespmem:$0x1C8C0] =	vst v63  }
0x2a: {  	_ =	swait.ge [sflag:s29], $0x400  }
0x2b: {  	[sflag:s29] =	ssyncset.done $0x0  }
0x2c: {  	[sflag:s29] =	ssyncadd.s32 $0xFFFFFC00  }
0x2d: {  	[tilespmem:s19], [sflag:$0x5] =	stream.indirect.gather [hbm4b:s5+s18], $0x80, s12, s18, $0xb8;
	[tilespmem:$0x1C8C0] =	vst v63  }
0x2e: {  	s12 =	simm.s32 $0x13940  }
0x2f: {  	[tilespmem:s21], [sflag:$0x6] =	stream.indirect.gather [hbm4b:s5+s18], $0x80, s12, s18, $0xb8;
	[tilespmem:$0x1C8C0] =	vst v63  }
0x30: {  	s26 =	simm.s32 $0x139C0  }
0x31: {  	[tilespmem:s23], [sflag:$0x7] =	stream.indirect.gather [hbm4b:s5+s18], $0x80, s26, s18, $0xb8;
	[tilespmem:$0x1C8C0] =	vst v63  }
0x32: {  	s29 =	simm.s32 $0x13A40  }
0x33: {  	[tilespmem:s25], [sflag:$0x8] =	stream.indirect.gather [hbm4b:s5+s18], $0x80, s29, s18, $0xb8;
	[tilespmem:$0x1C8C0] =	vst v63  }
.LBB2_4:
0x34: {  	s12 =	sadd.s32 s3, s13  }
0x35: {  	s11 =	simm.s32 $0x13CC0;
	s29 =	sadd.s32 $0x80, s12  }
0x36: {  	[tilespmem:s11], [sflag:$0x2] =	stream.linear.gather [hbm4b:s29+s4], $0x400, $0x38;
	[tilespmem:$0x1C8C0] =	vst v63  }
0x37: {  	_ =	swait.ge [sflag:s28], $0x2000  }
0x38: {  	[sflag:s28] =	ssyncset.done $0x0  }
0x39: {  	s26 =	simm.s32 $0x13900;
	[sflag:s28] =	ssyncadd.s32 $0xFFFFE000  }
0x3a: {  	[spmem:s2] =	stream.indirect.scatter.add.f32 [tilespmem:s19], [sflag:$0x9], $0x80, s26, s18, $0xb8;
	[tilespmem:$0x1C8C0] =	vst v63  }
0x3b: {  	_ =	swait.ge [sflag:s30], $0x2000  }
0x3c: {  	[sflag:s30] =	ssyncset.done $0x0  }
0x3d: {  	s29 =	simm.s32 $0x13AC0;
	[sflag:s30] =	ssyncadd.s32 $0xFFFFE000  }
0x3e: {  	[tilespmem:s19], [sflag:$0x5] =	stream.indirect.gather [hbm4b:s5+s18], $0x80, s29, s18, $0xb8;
	[tilespmem:$0x1C8C0] =	vst v63  }
0x3f: {  	_ =	swait.ge [sflag:s1], $0x2000  }
0x40: {  	[sflag:s1] =	ssyncset.done $0x0  }
0x41: {  	s29 =	simm.s32 $0x13980;
	[sflag:s1] =	ssyncadd.s32 $0xFFFFE000  }
0x42: {  	[spmem:s2] =	stream.indirect.scatter.add.f32 [tilespmem:s21], [sflag:$0xA], $0x80, s29, s18, $0xb8;
	[tilespmem:$0x1C8C0] =	vst v63  }
0x43: {  	_ =	swait.ge [sflag:s20], $0x2000  }
0x44: {  	[sflag:s20] =	ssyncset.done $0x0  }
0x45: {  	s29 =	simm.s32 $0x13B40;
	[sflag:s20] =	ssyncadd.s32 $0xFFFFE000  }
0x46: {  	[tilespmem:s21], [sflag:$0x6] =	stream.indirect.gather [hbm4b:s5+s18], $0x80, s29, s18, $0xb8;
	[tilespmem:$0x1C8C0] =	vst v63  }
0x47: {  	_ =	swait.ge [sflag:s16], $0x2000  }
0x48: {  	[sflag:s16] =	ssyncset.done $0x0  }
0x49: {  	s29 =	simm.s32 $0x13A00;
	[sflag:s16] =	ssyncadd.s32 $0xFFFFE000  }
0x4a: {  	[spmem:s2] =	stream.indirect.scatter.add.f32 [tilespmem:s23], [sflag:$0xB], $0x80, s29, s18, $0xb8;
	[tilespmem:$0x1C8C0] =	vst v63  }
0x4b: {  	_ =	swait.ge [sflag:s17], $0x2000  }
0x4c: {  	[sflag:s17] =	ssyncset.done $0x0  }
0x4d: {  	s29 =	simm.s32 $0x13BC0;
	[sflag:s17] =	ssyncadd.s32 $0xFFFFE000  }
0x4e: {  	[tilespmem:s23], [sflag:$0x7] =	stream.indirect.gather [hbm4b:s5+s18], $0x80, s29, s18, $0xb8;
	[tilespmem:$0x1C8C0] =	vst v63  }
0x4f: {  	_ =	swait.ge [sflag:s14], $0x2000  }
0x50: {  	[sflag:s14] =	ssyncset.done $0x0  }
0x51: {  	s29 =	simm.s32 $0x13A80;
	[sflag:s14] =	ssyncadd.s32 $0xFFFFE000  }
0x52: {  	[spmem:s2] =	stream.indirect.scatter.add.f32 [tilespmem:s25], [sflag:$0xC], $0x80, s29, s18, $0xb8;
	[tilespmem:$0x1C8C0] =	vst v63  }
0x53: {  	_ =	swait.ge [sflag:s22], $0x2000  }
0x54: {  	[sflag:s22] =	ssyncset.done $0x0  }
0x55: {  	s29 =	simm.s32 $0x13C40;
	[sflag:s22] =	ssyncadd.s32 $0xFFFFE000  }
0x56: {  	[tilespmem:s25], [sflag:$0x8] =	stream.indirect.gather [hbm4b:s5+s18], $0x80, s29, s18, $0xb8;
	[tilespmem:$0x1C8C0] =	vst v63  }
0x57: {  	_ =	swait.ge [sflag:s28], $0x2000  }
0x58: {  	[sflag:s28] =	ssyncset.done $0x0  }
0x59: {  	s29 =	simm.s32 $0x13B00;
	[sflag:s28] =	ssyncadd.s32 $0xFFFFE000  }
0x5a: {  	[spmem:s2] =	stream.indirect.scatter.add.f32 [tilespmem:s19], [sflag:$0x9], $0x80, s29, s18, $0xb8;
	[tilespmem:$0x1C8C0] =	vst v63  }
0x5b: {  	_ =	swait.ge [sflag:s7], $0x400  }
0x5c: {  	[sflag:s7] =	ssyncset.done $0x0  }
0x5d: {  	[sflag:s7] =	ssyncadd.s32 $0xFFFFFC00  }
0x5e: {  	_ =	swait.ge [sflag:s30], $0x2000  }
0x5f: {  	[sflag:s30] =	ssyncset.done $0x0  }
0x60: {  	[sflag:s30] =	ssyncadd.s32 $0xFFFFE000  }
0x61: {  	[tilespmem:s19], [sflag:$0x5] =	stream.indirect.gather [hbm4b:s5+s18], $0x80, s11, s18, $0xb8;
	[tilespmem:$0x1C8C0] =	vst v63  }
0x62: {  	_ =	swait.ge [sflag:s1], $0x2000  }
0x63: {  	[sflag:s1] =	ssyncset.done $0x0  }
0x64: {  	s26 =	simm.s32 $0x13B80;
	[sflag:s1] =	ssyncadd.s32 $0xFFFFE000  }
0x65: {  	[spmem:s2] =	stream.indirect.scatter.add.f32 [tilespmem:s21], [sflag:$0xA], $0x80, s26, s18, $0xb8;
	[tilespmem:$0x1C8C0] =	vst v63  }
0x66: {  	_ =	swait.ge [sflag:s20], $0x2000  }
0x67: {  	[sflag:s20] =	ssyncset.done $0x0  }
0x68: {  	s29 =	simm.s32 $0x13D40;
	[sflag:s20] =	ssyncadd.s32 $0xFFFFE000  }
0x69: {  	[tilespmem:s21], [sflag:$0x6] =	stream.indirect.gather [hbm4b:s5+s18], $0x80, s29, s18, $0xb8;
	[tilespmem:$0x1C8C0] =	vst v63  }
0x6a: {  	_ =	swait.ge [sflag:s16], $0x2000  }
0x6b: {  	[sflag:s16] =	ssyncset.done $0x0  }
0x6c: {  	s26 =	simm.s32 $0x13C00;
	[sflag:s16] =	ssyncadd.s32 $0xFFFFE000  }
0x6d: {  	[spmem:s2] =	stream.indirect.scatter.add.f32 [tilespmem:s23], [sflag:$0xB], $0x80, s26, s18, $0xb8;
	[tilespmem:$0x1C8C0] =	vst v63  }
0x6e: {  	_ =	swait.ge [sflag:s17], $0x2000  }
0x6f: {  	[sflag:s17] =	ssyncset.done $0x0  }
0x70: {  	s29 =	simm.s32 $0x13DC0;
	[sflag:s17] =	ssyncadd.s32 $0xFFFFE000  }
0x71: {  	[tilespmem:s23], [sflag:$0x7] =	stream.indirect.gather [hbm4b:s5+s18], $0x80, s29, s18, $0xb8;
	[tilespmem:$0x1C8C0] =	vst v63  }
0x72: {  	_ =	swait.ge [sflag:s14], $0x2000  }
0x73: {  	[sflag:s14] =	ssyncset.done $0x0  }
0x74: {  	s26 =	simm.s32 $0x13C80;
	[sflag:s14] =	ssyncadd.s32 $0xFFFFE000  }
0x75: {  	[spmem:s2] =	stream.indirect.scatter.add.f32 [tilespmem:s25], [sflag:$0xC], $0x80, s26, s18, $0xb8;
	[tilespmem:$0x1C8C0] =	vst v63  }
0x76: {  	_ =	swait.ge [sflag:s22], $0x2000  }
0x77: {  	[sflag:s22] =	ssyncset.done $0x0  }
0x78: {  	s29 =	simm.s32 $0x13E40;
	[sflag:s22] =	ssyncadd.s32 $0xFFFFE000  }
0x79: {  	[tilespmem:s25], [sflag:$0x8] =	stream.indirect.gather [hbm4b:s5+s18], $0x80, s29, s18, $0xb8;
	[tilespmem:$0x1C8C0] =	vst v63  }
0x7a: {  	s26 =	sadd.s32 $0x100, s12  }
0x7b: {  	[tilespmem:s24], [sflag:$0x3] =	stream.linear.gather [hbm4b:s26+s4], $0x400, $0x38;
	[tilespmem:$0x1C8C0] =	vst v63  }
0x7c: {  	_ =	swait.ge [sflag:s28], $0x2000  }
0x7d: {  	[sflag:s28] =	ssyncset.done $0x0  }
0x7e: {  	s29 =	simm.s32 $0x13D00;
	[sflag:s28] =	ssyncadd.s32 $0xFFFFE000  }
0x7f: {  	[spmem:s2] =	stream.indirect.scatter.add.f32 [tilespmem:s19], [sflag:$0x9], $0x80, s29, s18, $0xb8;
	[tilespmem:$0x1C8C0] =	vst v63  }
0x80: {  	_ =	swait.ge [sflag:s30], $0x2000  }
0x81: {  	[sflag:s30] =	ssyncset.done $0x0  }
0x82: {  	s26 =	simm.s32 $0x13EC0;
	[sflag:s30] =	ssyncadd.s32 $0xFFFFE000  }
0x83: {  	[tilespmem:s19], [sflag:$0x5] =	stream.indirect.gather [hbm4b:s5+s18], $0x80, s26, s18, $0xb8;
	[tilespmem:$0x1C8C0] =	vst v63  }
0x84: {  	_ =	swait.ge [sflag:s1], $0x2000  }
0x85: {  	[sflag:s1] =	ssyncset.done $0x0  }
0x86: {  	s29 =	simm.s32 $0x13D80;
	[sflag:s1] =	ssyncadd.s32 $0xFFFFE000  }
0x87: {  	[spmem:s2] =	stream.indirect.scatter.add.f32 [tilespmem:s21], [sflag:$0xA], $0x80, s29, s18, $0xb8;
	[tilespmem:$0x1C8C0] =	vst v63  }
0x88: {  	_ =	swait.ge [sflag:s20], $0x2000  }
0x89: {  	[sflag:s20] =	ssyncset.done $0x0  }
0x8a: {  	s26 =	simm.s32 $0x13F40;
	[sflag:s20] =	ssyncadd.s32 $0xFFFFE000  }
0x8b: {  	[tilespmem:s21], [sflag:$0x6] =	stream.indirect.gather [hbm4b:s5+s18], $0x80, s26, s18, $0xb8;
	[tilespmem:$0x1C8C0] =	vst v63  }
0x8c: {  	_ =	swait.ge [sflag:s16], $0x2000  }
0x8d: {  	[sflag:s16] =	ssyncset.done $0x0  }
0x8e: {  	s29 =	simm.s32 $0x13E00;
	[sflag:s16] =	ssyncadd.s32 $0xFFFFE000  }
0x8f: {  	[spmem:s2] =	stream.indirect.scatter.add.f32 [tilespmem:s23], [sflag:$0xB], $0x80, s29, s18, $0xb8;
	[tilespmem:$0x1C8C0] =	vst v63  }
0x90: {  	_ =	swait.ge [sflag:s17], $0x2000  }
0x91: {  	[sflag:s17] =	ssyncset.done $0x0  }
0x92: {  	s26 =	simm.s32 $0x13FC0;
	[sflag:s17] =	ssyncadd.s32 $0xFFFFE000  }
0x93: {  	[tilespmem:s23], [sflag:$0x7] =	stream.indirect.gather [hbm4b:s5+s18], $0x80, s26, s18, $0xb8;
	[tilespmem:$0x1C8C0] =	vst v63  }
0x94: {  	_ =	swait.ge [sflag:s14], $0x2000  }
0x95: {  	[sflag:s14] =	ssyncset.done $0x0  }
0x96: {  	s29 =	simm.s32 $0x13E80;
	[sflag:s14] =	ssyncadd.s32 $0xFFFFE000  }
0x97: {  	[spmem:s2] =	stream.indirect.scatter.add.f32 [tilespmem:s25], [sflag:$0xC], $0x80, s29, s18, $0xb8;
	[tilespmem:$0x1C8C0] =	vst v63  }
0x98: {  	_ =	swait.ge [sflag:s22], $0x2000  }
0x99: {  	[sflag:s22] =	ssyncset.done $0x0  }
0x9a: {  	s26 =	simm.s32 $0x14040;
	[sflag:s22] =	ssyncadd.s32 $0xFFFFE000  }
0x9b: {  	[tilespmem:s25], [sflag:$0x8] =	stream.indirect.gather [hbm4b:s5+s18], $0x80, s26, s18, $0xb8;
	[tilespmem:$0x1C8C0] =	vst v63  }
0x9c: {  	_ =	swait.ge [sflag:s28], $0x2000  }
0x9d: {  	[sflag:s28] =	ssyncset.done $0x0  }
0x9e: {  	s29 =	simm.s32 $0x13F00;
	[sflag:s28] =	ssyncadd.s32 $0xFFFFE000  }
0x9f: {  	[spmem:s2] =	stream.indirect.scatter.add.f32 [tilespmem:s19], [sflag:$0x9], $0x80, s29, s18, $0xb8;
	[tilespmem:$0x1C8C0] =	vst v63  }
0xa0: {  	_ =	swait.ge [sflag:s0], $0x400  }
0xa1: {  	[sflag:s0] =	ssyncset.done $0x0  }
0xa2: {  	[sflag:s0] =	ssyncadd.s32 $0xFFFFFC00  }
0xa3: {  	_ =	swait.ge [sflag:s30], $0x2000  }
0xa4: {  	[sflag:s30] =	ssyncset.done $0x0  }
0xa5: {  	[sflag:s30] =	ssyncadd.s32 $0xFFFFE000  }
0xa6: {  	[tilespmem:s19], [sflag:$0x5] =	stream.indirect.gather [hbm4b:s5+s18], $0x80, s24, s18, $0xb8;
	[tilespmem:$0x1C8C0] =	vst v63  }
0xa7: {  	_ =	swait.ge [sflag:s1], $0x2000  }
0xa8: {  	[sflag:s1] =	ssyncset.done $0x0  }
0xa9: {  	s26 =	simm.s32 $0x13F80;
	[sflag:s1] =	ssyncadd.s32 $0xFFFFE000  }
0xaa: {  	[spmem:s2] =	stream.indirect.scatter.add.f32 [tilespmem:s21], [sflag:$0xA], $0x80, s26, s18, $0xb8;
	[tilespmem:$0x1C8C0] =	vst v63  }
0xab: {  	_ =	swait.ge [sflag:s20], $0x2000  }
0xac: {  	[sflag:s20] =	ssyncset.done $0x0  }
0xad: {  	s29 =	simm.s32 $0x14140;
	[sflag:s20] =	ssyncadd.s32 $0xFFFFE000  }
0xae: {  	[tilespmem:s21], [sflag:$0x6] =	stream.indirect.gather [hbm4b:s5+s18], $0x80, s29, s18, $0xb8;
	[tilespmem:$0x1C8C0] =	vst v63  }
0xaf: {  	_ =	swait.ge [sflag:s16], $0x2000  }
0xb0: {  	[sflag:s16] =	ssyncset.done $0x0  }
0xb1: {  	s26 =	simm.s32 $0x14000;
	[sflag:s16] =	ssyncadd.s32 $0xFFFFE000  }
0xb2: {  	[spmem:s2] =	stream.indirect.scatter.add.f32 [tilespmem:s23], [sflag:$0xB], $0x80, s26, s18, $0xb8;
	[tilespmem:$0x1C8C0] =	vst v63  }
0xb3: {  	_ =	swait.ge [sflag:s17], $0x2000  }
0xb4: {  	[sflag:s17] =	ssyncset.done $0x0  }
0xb5: {  	s29 =	simm.s32 $0x141C0;
	[sflag:s17] =	ssyncadd.s32 $0xFFFFE000  }
0xb6: {  	[tilespmem:s23], [sflag:$0x7] =	stream.indirect.gather [hbm4b:s5+s18], $0x80, s29, s18, $0xb8;
	[tilespmem:$0x1C8C0] =	vst v63  }
0xb7: {  	_ =	swait.ge [sflag:s14], $0x2000  }
0xb8: {  	[sflag:s14] =	ssyncset.done $0x0  }
0xb9: {  	s26 =	simm.s32 $0x14080;
	[sflag:s14] =	ssyncadd.s32 $0xFFFFE000  }
0xba: {  	[spmem:s2] =	stream.indirect.scatter.add.f32 [tilespmem:s25], [sflag:$0xC], $0x80, s26, s18, $0xb8;
	[tilespmem:$0x1C8C0] =	vst v63  }
0xbb: {  	_ =	swait.ge [sflag:s22], $0x2000  }
0xbc: {  	[sflag:s22] =	ssyncset.done $0x0  }
0xbd: {  	s29 =	simm.s32 $0x14240;
	[sflag:s22] =	ssyncadd.s32 $0xFFFFE000  }
0xbe: {  	[tilespmem:s25], [sflag:$0x8] =	stream.indirect.gather [hbm4b:s5+s18], $0x80, s29, s18, $0xb8;
	[tilespmem:$0x1C8C0] =	vst v63  }
0xbf: {  	s12 =	sadd.s32 $0x180, s12  }
0xc0: {  	[tilespmem:s10], [sflag:$0x4] =	stream.linear.gather [hbm4b:s12+s4], $0x400, $0x38;
	[tilespmem:$0x1C8C0] =	vst v63  }
0xc1: {  	_ =	swait.ge [sflag:s28], $0x2000  }
0xc2: {  	[sflag:s28] =	ssyncset.done $0x0  }
0xc3: {  	s26 =	simm.s32 $0x14100;
	[sflag:s28] =	ssyncadd.s32 $0xFFFFE000  }
0xc4: {  	[spmem:s2] =	stream.indirect.scatter.add.f32 [tilespmem:s19], [sflag:$0x9], $0x80, s26, s18, $0xb8;
	[tilespmem:$0x1C8C0] =	vst v63  }
0xc5: {  	_ =	swait.ge [sflag:s30], $0x2000  }
0xc6: {  	[sflag:s30] =	ssyncset.done $0x0  }
0xc7: {  	s29 =	simm.s32 $0x142C0;
	[sflag:s30] =	ssyncadd.s32 $0xFFFFE000  }
0xc8: {  	[tilespmem:s19], [sflag:$0x5] =	stream.indirect.gather [hbm4b:s5+s18], $0x80, s29, s18, $0xb8;
	[tilespmem:$0x1C8C0] =	vst v63  }
0xc9: {  	_ =	swait.ge [sflag:s1], $0x2000  }
0xca: {  	[sflag:s1] =	ssyncset.done $0x0  }
0xcb: {  	s12 =	simm.s32 $0x14180;
	[sflag:s1] =	ssyncadd.s32 $0xFFFFE000  }
0xcc: {  	[spmem:s2] =	stream.indirect.scatter.add.f32 [tilespmem:s21], [sflag:$0xA], $0x80, s12, s18, $0xb8;
	[tilespmem:$0x1C8C0] =	vst v63  }
0xcd: {  	_ =	swait.ge [sflag:s20], $0x2000  }
0xce: {  	[sflag:s20] =	ssyncset.done $0x0  }
0xcf: {  	s26 =	simm.s32 $0x14340;
	[sflag:s20] =	ssyncadd.s32 $0xFFFFE000  }
0xd0: {  	[tilespmem:s21], [sflag:$0x6] =	stream.indirect.gather [hbm4b:s5+s18], $0x80, s26, s18, $0xb8;
	[tilespmem:$0x1C8C0] =	vst v63  }
0xd1: {  	_ =	swait.ge [sflag:s16], $0x2000  }
0xd2: {  	[sflag:s16] =	ssyncset.done $0x0  }
0xd3: {  	s29 =	simm.s32 $0x14200;
	[sflag:s16] =	ssyncadd.s32 $0xFFFFE000  }
0xd4: {  	[spmem:s2] =	stream.indirect.scatter.add.f32 [tilespmem:s23], [sflag:$0xB], $0x80, s29, s18, $0xb8;
	[tilespmem:$0x1C8C0] =	vst v63  }
0xd5: {  	_ =	swait.ge [sflag:s17], $0x2000  }
0xd6: {  	[sflag:s17] =	ssyncset.done $0x0  }
0xd7: {  	s12 =	simm.s32 $0x143C0;
	[sflag:s17] =	ssyncadd.s32 $0xFFFFE000  }
0xd8: {  	[tilespmem:s23], [sflag:$0x7] =	stream.indirect.gather [hbm4b:s5+s18], $0x80, s12, s18, $0xb8;
	[tilespmem:$0x1C8C0] =	vst v63  }
0xd9: {  	_ =	swait.ge [sflag:s14], $0x2000  }
0xda: {  	[sflag:s14] =	ssyncset.done $0x0  }
0xdb: {  	s26 =	simm.s32 $0x14280;
	[sflag:s14] =	ssyncadd.s32 $0xFFFFE000  }
0xdc: {  	[spmem:s2] =	stream.indirect.scatter.add.f32 [tilespmem:s25], [sflag:$0xC], $0x80, s26, s18, $0xb8;
	[tilespmem:$0x1C8C0] =	vst v63  }
0xdd: {  	_ =	swait.ge [sflag:s22], $0x2000  }
0xde: {  	[sflag:s22] =	ssyncset.done $0x0  }
0xdf: {  	s29 =	simm.s32 $0x14440;
	[sflag:s22] =	ssyncadd.s32 $0xFFFFE000  }
0xe0: {  	[tilespmem:s25], [sflag:$0x8] =	stream.indirect.gather [hbm4b:s5+s18], $0x80, s29, s18, $0xb8;
	[tilespmem:$0x1C8C0] =	vst v63  }
0xe1: {  	_ =	swait.ge [sflag:s28], $0x2000  }
0xe2: {  	[sflag:s28] =	ssyncset.done $0x0  }
0xe3: {  	s12 =	simm.s32 $0x14300;
	[sflag:s28] =	ssyncadd.s32 $0xFFFFE000  }
0xe4: {  	[spmem:s2] =	stream.indirect.scatter.add.f32 [tilespmem:s19], [sflag:$0x9], $0x80, s12, s18, $0xb8;
	[tilespmem:$0x1C8C0] =	vst v63  }
0xe5: {  	_ =	swait.ge [sflag:s31], $0x400  }
0xe6: {  	[sflag:s31] =	ssyncset.done $0x0  }
0xe7: {  	[sflag:s31] =	ssyncadd.s32 $0xFFFFFC00  }
0xe8: {  	_ =	swait.ge [sflag:s30], $0x2000  }
0xe9: {  	[sflag:s30] =	ssyncset.done $0x0  }
0xea: {  	[sflag:s30] =	ssyncadd.s32 $0xFFFFE000  }
0xeb: {  	[tilespmem:s19], [sflag:$0x5] =	stream.indirect.gather [hbm4b:s5+s18], $0x80, s10, s18, $0xb8;
	[tilespmem:$0x1C8C0] =	vst v63  }
0xec: {  	_ =	swait.ge [sflag:s1], $0x2000  }
0xed: {  	[sflag:s1] =	ssyncset.done $0x0  }
0xee: {  	s26 =	simm.s32 $0x14380;
	[sflag:s1] =	ssyncadd.s32 $0xFFFFE000  }
0xef: {  	[spmem:s2] =	stream.indirect.scatter.add.f32 [tilespmem:s21], [sflag:$0xA], $0x80, s26, s18, $0xb8;
	[tilespmem:$0x1C8C0] =	vst v63  }
0xf0: {  	_ =	swait.ge [sflag:s20], $0x2000  }
0xf1: {  	[sflag:s20] =	ssyncset.done $0x0  }
0xf2: {  	s29 =	simm.s32 $0x14540;
	[sflag:s20] =	ssyncadd.s32 $0xFFFFE000  }
0xf3: {  	[tilespmem:s21], [sflag:$0x6] =	stream.indirect.gather [hbm4b:s5+s18], $0x80, s29, s18, $0xb8;
	[tilespmem:$0x1C8C0] =	vst v63  }
0xf4: {  	_ =	swait.ge [sflag:s16], $0x2000  }
0xf5: {  	[sflag:s16] =	ssyncset.done $0x0  }
0xf6: {  	s12 =	simm.s32 $0x14400;
	[sflag:s16] =	ssyncadd.s32 $0xFFFFE000  }
0xf7: {  	[spmem:s2] =	stream.indirect.scatter.add.f32 [tilespmem:s23], [sflag:$0xB], $0x80, s12, s18, $0xb8;
	[tilespmem:$0x1C8C0] =	vst v63  }
0xf8: {  	_ =	swait.ge [sflag:s17], $0x2000  }
0xf9: {  	[sflag:s17] =	ssyncset.done $0x0  }
0xfa: {  	s26 =	simm.s32 $0x145C0;
	[sflag:s17] =	ssyncadd.s32 $0xFFFFE000  }
0xfb: {  	[tilespmem:s23], [sflag:$0x7] =	stream.indirect.gather [hbm4b:s5+s18], $0x80, s26, s18, $0xb8;
	[tilespmem:$0x1C8C0] =	vst v63  }
0xfc: {  	_ =	swait.ge [sflag:s14], $0x2000  }
0xfd: {  	[sflag:s14] =	ssyncset.done $0x0  }
0xfe: {  	s29 =	simm.s32 $0x14480;
	[sflag:s14] =	ssyncadd.s32 $0xFFFFE000  }
0xff: {  	[spmem:s2] =	stream.indirect.scatter.add.f32 [tilespmem:s25], [sflag:$0xC], $0x80, s29, s18, $0xb8;
	[tilespmem:$0x1C8C0] =	vst v63  }
0x100: {  	_ =	swait.ge [sflag:s22], $0x2000  }
0x101: {  	[sflag:s22] =	ssyncset.done $0x0  }
0x102: {  	p0 =	seq.s32 s3, $0x800;
	s12 =	simm.s32 $0x14640;
	[sflag:s22] =	ssyncadd.s32 $0xFFFFE000  }
0x103: {  	[tilespmem:s25], [sflag:$0x8] =	stream.indirect.gather [hbm4b:s5+s18], $0x80, s12, s18, $0xb8;
	[tilespmem:$0x1C8C0] =	vst v63  }
0x104: {  	s12 =	sadd.s32 @!p0 s3, s13  }
0x105: {  	s11 =	simm.s32 @!p0 $0x138C0;
	s29 =	simm.s32 @!p0 $0x0;
	s12 =	sadd.s32 @!p0 $0x200, s12  }
0x106: {  	[tilespmem:s11], [sflag:$0x1] =	stream.linear.gather @!p0 [hbm4b:s12+s29], $0x400, $0x38;
	[tilespmem:$0x1C8C0] =	vst v63  }
0x107: {  	_ =	swait.ge [sflag:s28], $0x2000  }
0x108: {  	[sflag:s28] =	ssyncset.done $0x0  }
0x109: {  	s26 =	simm.s32 $0x14500;
	[sflag:s28] =	ssyncadd.s32 $0xFFFFE000  }
0x10a: {  	[spmem:s2] =	stream.indirect.scatter.add.f32 [tilespmem:s19], [sflag:$0x9], $0x80, s26, s18, $0xb8;
	[tilespmem:$0x1C8C0] =	vst v63  }
0x10b: {  	_ =	swait.ge [sflag:s30], $0x2000  }
0x10c: {  	[sflag:s30] =	ssyncset.done $0x0  }
0x10d: {  	s29 =	simm.s32 $0x146C0;
	[sflag:s30] =	ssyncadd.s32 $0xFFFFE000  }
0x10e: {  	[tilespmem:s19], [sflag:$0x5] =	stream.indirect.gather [hbm4b:s5+s18], $0x80, s29, s18, $0xb8;
	[tilespmem:$0x1C8C0] =	vst v63  }
0x10f: {  	_ =	swait.ge [sflag:s1], $0x2000  }
0x110: {  	[sflag:s1] =	ssyncset.done $0x0  }
0x111: {  	s26 =	simm.s32 $0x14580;
	[sflag:s1] =	ssyncadd.s32 $0xFFFFE000  }
0x112: {  	[spmem:s2] =	stream.indirect.scatter.add.f32 [tilespmem:s21], [sflag:$0xA], $0x80, s26, s18, $0xb8;
	[tilespmem:$0x1C8C0] =	vst v63  }
0x113: {  	_ =	swait.ge [sflag:s20], $0x2000  }
0x114: {  	[sflag:s20] =	ssyncset.done $0x0  }
0x115: {  	s29 =	simm.s32 $0x14740;
	[sflag:s20] =	ssyncadd.s32 $0xFFFFE000  }
0x116: {  	[tilespmem:s21], [sflag:$0x6] =	stream.indirect.gather [hbm4b:s5+s18], $0x80, s29, s18, $0xb8;
	[tilespmem:$0x1C8C0] =	vst v63  }
0x117: {  	_ =	swait.ge [sflag:s16], $0x2000  }
0x118: {  	[sflag:s16] =	ssyncset.done $0x0  }
0x119: {  	s26 =	simm.s32 $0x14600;
	[sflag:s16] =	ssyncadd.s32 $0xFFFFE000  }
0x11a: {  	[spmem:s2] =	stream.indirect.scatter.add.f32 [tilespmem:s23], [sflag:$0xB], $0x80, s26, s18, $0xb8;
	[tilespmem:$0x1C8C0] =	vst v63  }
0x11b: {  	_ =	swait.ge [sflag:s17], $0x2000  }
0x11c: {  	[sflag:s17] =	ssyncset.done $0x0  }
0x11d: {  	s29 =	simm.s32 $0x147C0;
	[sflag:s17] =	ssyncadd.s32 $0xFFFFE000  }
0x11e: {  	[tilespmem:s23], [sflag:$0x7] =	stream.indirect.gather [hbm4b:s5+s18], $0x80, s29, s18, $0xb8;
	[tilespmem:$0x1C8C0] =	vst v63  }
0x11f: {  	_ =	swait.ge [sflag:s14], $0x2000  }
0x120: {  	[sflag:s14] =	ssyncset.done $0x0  }
0x121: {  	s26 =	simm.s32 $0x14680;
	[sflag:s14] =	ssyncadd.s32 $0xFFFFE000  }
0x122: {  	[spmem:s2] =	stream.indirect.scatter.add.f32 [tilespmem:s25], [sflag:$0xC], $0x80, s26, s18, $0xb8;
	[tilespmem:$0x1C8C0] =	vst v63  }
0x123: {  	_ =	swait.ge [sflag:s22], $0x2000  }
0x124: {  	[sflag:s22] =	ssyncset.done $0x0  }
0x125: {  	s29 =	simm.s32 $0x14840;
	[sflag:s22] =	ssyncadd.s32 $0xFFFFE000  }
0x126: {  	[tilespmem:s25], [sflag:$0x8] =	stream.indirect.gather [hbm4b:s5+s18], $0x80, s29, s18, $0xb8;
	[tilespmem:$0x1C8C0] =	vst v63  }
0x127: {  	_ =	swait.ge [sflag:s28], $0x2000  }
0x128: {  	[sflag:s28] =	ssyncset.done $0x0  }
0x129: {  	s12 =	simm.s32 @p0 $0x6;
	s26 =	simm.s32 $0x14700;
	[sflag:s28] =	ssyncadd.s32 $0xFFFFE000  }
0x12a: {  	[spmem:s2] =	stream.indirect.scatter.add.f32 [tilespmem:s19], [sflag:$0x9], $0x80, s26, s18, $0xb8;
	[tilespmem:$0x1C8C0] =	vst v63  }
0x12b: {  	_ =	swait.ge @p0 [sflag:s12], $0x2000  }
0x12c: {  	s29 =	simm.s32 @p0 $0x14780;
	[sflag:s12] =	ssyncset.done @p0 $0x0  }
0x12d: {  	s26 =	simm.s32 @p0 $0x168C0;
	[sflag:s12] =	ssyncadd.s32 @p0 $0xFFFFE000;
	s12 =	simm.s32 @p0 $0x40  }
0x12e: {  	[spmem:s2] =	stream.indirect.scatter.add.f32 @p0 [tilespmem:s26], [sflag:$0xA], $0x80, s29, s12, $0xb8;
	[tilespmem:$0x1C8C0] =	vst v63  }
0x12f: {  	s12 =	simm.s32 @!p0 $0x1  }
0x130: {  	_ =	swait.ge @!p0 [sflag:s12], $0x400  }
0x131: {  	[sflag:s12] =	ssyncset.done @!p0 $0x0  }
0x132: {  	[sflag:s12] =	ssyncadd.s32 @!p0 $0xFFFFFC00;
	s12 =	simm.s32 @!p0 $0x9  }
0x133: {  	_ =	swait.ge @!p0 [sflag:s12], $0x2000  }
0x134: {  	[sflag:s12] =	ssyncset.done @!p0 $0x0  }
0x135: {  	s26 =	simm.s32 @!p0 $0x148C0;
	[sflag:s12] =	ssyncadd.s32 @!p0 $0xFFFFE000;
	s12 =	simm.s32 @!p0 $0x40  }
0x136: {  	[tilespmem:s26], [sflag:$0x5] =	stream.indirect.gather @!p0 [hbm4b:s5+s12], $0x80, s11, s12, $0xb8;
	[tilespmem:$0x1C8C0] =	vst v63  }
0x137: {  	s11 =	simm.s32 @!p0 $0x6  }
0x138: {  	_ =	swait.ge @!p0 [sflag:s11], $0x2000  }
0x139: {  	[sflag:s11] =	ssyncset.done @!p0 $0x0  }
0x13a: {  	s26 =	simm.s32 @!p0 $0x168C0;
	[sflag:s11] =	ssyncadd.s32 @!p0 $0xFFFFE000;
	s11 =	simm.s32 @!p0 $0x14780  }
0x13b: {  	[spmem:s2] =	stream.indirect.scatter.add.f32 @!p0 [tilespmem:s26], [sflag:$0xA], $0x80, s11, s12, $0xb8;
	[tilespmem:$0x1C8C0] =	vst v63  }
0x13c: {  	s11 =	simm.s32 @!p0 $0xA  }
0x13d: {  	_ =	swait.ge @!p0 [sflag:s11], $0x2000  }
0x13e: {  	[sflag:s11] =	ssyncset.done @!p0 $0x0  }
0x13f: {  	[sflag:s11] =	ssyncadd.s32 @!p0 $0xFFFFE000;
	s11 =	simm.s32 @!p0 $0x13940  }
0x140: {  	[tilespmem:s26], [sflag:$0x6] =	stream.indirect.gather @!p0 [hbm4b:s5+s12], $0x80, s11, s12, $0xb8;
	[tilespmem:$0x1C8C0] =	vst v63  }
.Ltmp2:
0x141: {  	_ = 	snop;
	(pc) =	sbr.rel @p0 .LBB2_6-.Ltmp2, $4  }
0x142: {  	_ =	swait.ge [sflag:s16], $0x2000  }
0x143: {  	[sflag:s16] =	ssyncset.done $0x0  }
0x144: {  	s29 =	simm.s32 $0x14800;
	[sflag:s16] =	ssyncadd.s32 $0xFFFFE000  }
0x145: {  	[spmem:s2] =	stream.indirect.scatter.add.f32 [tilespmem:s23], [sflag:$0xB], $0x80, s29, s18, $0xb8;
	[tilespmem:$0x1C8C0] =	vst v63  }
0x146: {  	_ =	swait.ge [sflag:s17], $0x2000  }
0x147: {  	[sflag:s17] =	ssyncset.done $0x0  }
0x148: {  	s11 =	simm.s32 $0x139C0;
	[sflag:s17] =	ssyncadd.s32 $0xFFFFE000  }
0x149: {  	[tilespmem:s23], [sflag:$0x7] =	stream.indirect.gather [hbm4b:s5+s18], $0x80, s11, s18, $0xb8;
	[tilespmem:$0x1C8C0] =	vst v63  }
0x14a: {  	_ =	swait.ge [sflag:s14], $0x2000  }
0x14b: {  	[sflag:s14] =	ssyncset.done $0x0  }
0x14c: {  	s26 =	simm.s32 $0x14880;
	[sflag:s14] =	ssyncadd.s32 $0xFFFFE000  }
0x14d: {  	[spmem:s2] =	stream.indirect.scatter.add.f32 [tilespmem:s25], [sflag:$0xC], $0x80, s26, s18, $0xb8;
	[tilespmem:$0x1C8C0] =	vst v63  }
.Ltmp3:
0x14e: {  	_ = 	snop;
	(pc) =	sbr.rel .LBB2_4-.Ltmp3, $4  }
0x14f: {  	_ =	swait.ge [sflag:s22], $0x2000  }
0x150: {  	[sflag:s22] =	ssyncset.done $0x0  }
0x151: {  	s29 =	simm.s32 $0x13A40;
	s3 =	sadd.s32 $0x200, s3;
	[sflag:s22] =	ssyncadd.s32 $0xFFFFE000  }
0x152: {  	[tilespmem:s25], [sflag:$0x8] =	stream.indirect.gather [hbm4b:s5+s18], $0x80, s29, s18, $0xb8;
	[tilespmem:$0x1C8C0] =	vst v63  }
.LBB2_6:
0x153: {  	_ =	swait.ge [sflag:s14], $0x2000  }
0x154: {  	[sflag:s14] =	ssyncset.done $0x0  }
0x155: {  	s3 =	simm.s32 $0x14880;
	[sflag:s14] =	ssyncadd.s32 $0xFFFFE000  }
0x156: {  	[spmem:s2] =	stream.indirect.scatter.add.f32 [tilespmem:s25], [sflag:$0xC], $0x80, s3, s18, $0xb8;
	[tilespmem:$0x1C8C0] =	vst v63  }
0x157: {  	_ =	swait.ge [sflag:s30], $0x2000  }
0x158: {  	[sflag:s30] =	ssyncset.done $0x0  }
0x159: {  	[sflag:s30] =	ssyncadd.s32 $0xFFFFE000  }
0x15a: {  	_ =	swait.ge [sflag:s20], $0x2000  }
0x15b: {  	[sflag:s20] =	ssyncset.done $0x0  }
0x15c: {  	[sflag:s20] =	ssyncadd.s32 $0xFFFFE000  }
0x15d: {  	_ =	swait.ge [sflag:s17], $0x2000  }
0x15e: {  	[sflag:s17] =	ssyncset.done $0x0  }
0x15f: {  	[sflag:s17] =	ssyncadd.s32 $0xFFFFE000  }
0x160: {  	_ =	swait.ge [sflag:s22], $0x2000  }
0x161: {  	[sflag:s22] =	ssyncset.done $0x0  }
0x162: {  	[sflag:s22] =	ssyncadd.s32 $0xFFFFE000  }
0x163: {  	[bflag:$0x0] =	sbarrier.arrive $0xFFFF  }
0x164: {  	s26 =	rddreg [dreg:$0x4]  }
0x165: {  	s3 =	sadd.s32 $0x1, s26  }
0x166: {  	p0 =	slt.u32 s3, s8  }
.Ltmp4:
0x167: {  	s11 =	rddreg [dreg:$0x8];
	(pc) =	sbr.rel @!p0 .LBB2_8-.Ltmp4, $4  }
0x168: {  	s12 =	rddreg [dreg:$0xa]  }
0x169: {  	[hbm:s11], [sflag:s9] =	dma.local [spmem:s12], $0x1900  }
0x16a: {  	_ =	swait.ge [sflag:s15], $0x1900  }
0x16b: {  	s12 =	sadd.s32 $0x1900, s11;
	[sflag:s15] =	ssyncset.done $0x0;
	s29 =	rddreg [dreg:$0x7]  }
.LBB2_7:
0x16c: {  	s3 =	sadd.s32 $0x1, s3  }
0x16d: {  	[sflag:s15] =	ssyncadd.s32 $0xFFFFE700;
	s29 =	sadd.s32 $0xC800, s29;
	p0 =	slt.u32 s3, s8  }
.Ltmp5:
0x16e: {  	(pc) =	sbr.rel @p0 .LBB2_7-.Ltmp5, $4  }
0x16f: {  	s11 =	sshrl.u32 s29, $0x3  }
0x170: {  	[hbm:s12], [sflag:s9] =	dma.local [spmem:s11], $0x1900  }
0x171: {  	_ =	swait.ge [sflag:s15], $0x1900  }
0x172: {  	s12 =	sadd.s32 $0x1900, s12;
	[sflag:s15] =	ssyncset.done $0x0  }
.LBB2_8:
0x173: {  	s11 =	rddreg [dreg:$0x9]  }
0x174: {  	s3 =	rddreg [dreg:$0x6];
	s11 =	sadd.s32 $0x1, s11  }
0x175: {  	p0 =	sne.s32 s11, s3  }
.Ltmp6:
0x176: {  	_ = 	snop;
	(pc) =	sbr.rel @p0 .LBB2_1-.Ltmp6, $2  }
0x177: {  	_ =	sdelay $0x2  }
0x178: {  	[sflag:s15] =	ssyncadd.s32 $0xFFFFE700  }
0x179: {  	_ =	sfence.sel $0x180000  }
0x17a: {  	[bflag:$0x0] =	sbarrier.arrive $0xFFFF  }
0x17b: {  	_ =	strace $0x9000004A  }
0x17c: {  	s0 =	stileid.u32;
	[bflag:$0x2] =	sbarrier.arrive $0xFFFF  }
0x17d: {  	p0 =	sne.s32 s0, $0x0;
	s0 =	rddreg [dreg:$0x3]  }
0x17e: {  	s0 =	sadd.s32 @!p0 $0x100000, s0  }
0x17f: {  	[sflag:s0] =	ssyncadd.tile.s32 @!p0 $0x1;
	_ =	shalt  }
.Lfunc_end2:
_tile_overlayer_lowered:
.L_overlay_start_2:
0x180: {  	(tag) =	ssettag $0x2  }
0x181: {  	s0 =	rddreg [dreg:$0x0];
	s2 =	stileid.u32  }
0x182: {  	s1 =	rddreg [dreg:$0x1];
	p0 =	sne.s32 s2, $0x0  }
0x183: {  	s3 =	rddreg [dreg:$0x2];
	[bflag:$0x3] =	sbarrier.arrive $0xFFFF;
	s2 =	simm.s32 @!p0 $0x1C0D  }
0x184: {  	[timem:s3], [sflag:s2] =	dma.local @!p0 [hbm:s0], s1  }
0x185: {  	s0 =	simm.s32 @!p0 $0xD  }
0x186: {  	_ =	swait.ge @!p0 [sflag:s0], s1  }
0x187: {  	s1 =	ssub.s32 @!p0 $0x0, s1;
	[sflag:s0] =	ssyncset.done @!p0 $0x0  }
0x188: {  	[sflag:s0] =	ssyncadd.s32 @!p0 s1  }
0x189: {  	[bflag:$0x3] =	sbarrier.arrive $0xFFFF  }
0x18a: {  	_ =	shalt  }

</sc_bundles>
